<compile_context>
chip_gen: v7x
topology: tpu7x:2x2x1
jax: 0.10.2.dev20260603
libtpu: 0.0.44.dev20260713+nightly
codegen_flags: <defaults>
</compile_context>

<pallas_src>
import functools

import jax
import jax.numpy as jnp
from jax import lax
from jax.experimental import pallas as pl
from jax.experimental.pallas import tpu as pltpu
from jax.experimental.pallas import tpu_sc as plsc

N = 10000
E = 160000
D = 256
HALF = 128
NSUB = 16
CH = 80
EPT = E // NSUB
NCHUNK = EPT // CH
NPAD = 10240
RPT = NPAD // NSUB
NWB = RPT // CH


def _sc_mesh():
    return plsc.VectorSubcoreMesh(core_axis_name="c", subcore_axis_name="s")


def _sc_deg(dst):

    @functools.partial(
        pl.kernel,
        out_type=jax.ShapeDtypeStruct((NPAD, HALF), jnp.float32),
        mesh=_sc_mesh(),
        scratch_types=[
            pltpu.VMEM((CH,), jnp.int32),
            pltpu.VMEM((CH, HALF), jnp.float32),
            pltpu.VMEM_SHARED((NPAD, HALF), jnp.float32),
        ],
    )
    def k(dst_hbm, out_hbm, didx_v, ones_v, acc_sh):
        c = lax.axis_index("c")
        s = lax.axis_index("s")
        t0 = s * EPT

        def zero(i, _):
            for jj in range(HALF // 16):
                ones_v[i, pl.ds(16 * jj, 16)] = jnp.zeros((16,), jnp.float32)
            return 0

        lax.fori_loop(0, CH, zero, 0)
        for t in range(NWB):
            pltpu.sync_copy(ones_v, acc_sh.at[pl.ds(s * RPT + t * CH, CH)])

        def fill(i, _):
            for jj in range(HALF // 16):
                ones_v[i, pl.ds(16 * jj, 16)] = jnp.ones((16,), jnp.float32)
            return 0

        lax.fori_loop(0, CH, fill, 0)
        plsc.subcore_barrier()

        @pl.when(c == 0)
        def _():
            def chunk(j, _):
                pltpu.sync_copy(dst_hbm.at[pl.ds(t0 + j * CH, CH)], didx_v)
                pltpu.sync_copy(ones_v, acc_sh.at[didx_v], add=True)
                return 0

            lax.fori_loop(0, NCHUNK, chunk, 0)

        plsc.subcore_barrier()

        @pl.when(c == 0)
        def _():
            for t in range(NWB):
                r0 = s * RPT + t * CH
                pltpu.sync_copy(acc_sh.at[pl.ds(r0, CH)], ones_v)
                pltpu.sync_copy(ones_v, out_hbm.at[pl.ds(r0, CH)])

    return k(dst)


def _sc_agg(h_flat, src, dst):

    @functools.partial(
        pl.kernel,
        out_type=jax.ShapeDtypeStruct((2 * NPAD, HALF), jnp.float32),
        mesh=_sc_mesh(),
        scratch_types=[
            pltpu.VMEM((CH,), jnp.int32),
            pltpu.VMEM((CH,), jnp.int32),
            pltpu.VMEM((CH, HALF), jnp.float32),
            pltpu.VMEM_SHARED((NPAD, HALF), jnp.float32),
            pltpu.SemaphoreType.DMA,
        ],
    )
    def k(h_hbm, src_hbm, dst_hbm, out_hbm, gidx_v, didx_v, rows_v,
          acc_sh, sem):
        c = lax.axis_index("c")
        s = lax.axis_index("s")
        t0 = s * EPT
        off = c * N
        oout = c * NPAD

        def zero(i, _):
            for jj in range(HALF // 16):
                rows_v[i, pl.ds(16 * jj, 16)] = jnp.zeros((16,), jnp.float32)
            return 0

        lax.fori_loop(0, CH, zero, 0)
        for t in range(NWB):
            pltpu.sync_copy(rows_v, acc_sh.at[pl.ds(s * RPT + t * CH, CH)])
        plsc.subcore_barrier()

        def chunk(j, _):
            e0 = t0 + j * CH
            pltpu.sync_copy(src_hbm.at[pl.ds(e0, CH)], gidx_v)
            pltpu.sync_copy(dst_hbm.at[pl.ds(e0, CH)], didx_v)

            def xform(kk, _):
                sl = pl.ds(16 * kk, 16)
                gidx_v[sl] = gidx_v[sl] + jnp.broadcast_to(off, (16,))
                return 0

            lax.fori_loop(0, CH // 16, xform, 0)
            pltpu.async_copy(h_hbm.at[gidx_v], rows_v, sem).wait()
            pltpu.sync_copy(rows_v, acc_sh.at[didx_v], add=True)
            return 0

        lax.fori_loop(0, NCHUNK, chunk, 0)
        plsc.subcore_barrier()

        for t in range(NWB):
            r0 = s * RPT + t * CH
            pltpu.sync_copy(acc_sh.at[pl.ds(r0, CH)], rows_v)
            pltpu.sync_copy(rows_v, out_hbm.at[pl.ds(oout + r0, CH)])

    return k(h_flat, src, dst)


BM = 1000


def _tc_layer_body(a_ref, h_ref, deg_ref, wl_ref, bl_ref, wr_ref, o_ref):
    r = 1.0 / jnp.maximum(deg_ref[:, 0:1], 1.0)
    acc = jnp.dot(a_ref[0] * r, wl_ref[0:HALF, :],
                  preferred_element_type=jnp.float32)
    acc += jnp.dot(a_ref[1] * r, wl_ref[HALF:D, :],
                   preferred_element_type=jnp.float32)
    acc += jnp.dot(h_ref[0], wr_ref[0:HALF, :],
                   preferred_element_type=jnp.float32)
    acc += jnp.dot(h_ref[1], wr_ref[HALF:D, :],
                   preferred_element_type=jnp.float32)
    acc += bl_ref[0, :][None, :]
    acc = jnp.maximum(acc, 0.0)
    o_ref[0] = acc[:, 0:HALF]
    o_ref[1] = acc[:, HALF:D]


def _tc_layer(aggs, h, deg, Wl, bl, Wr):
    return pl.pallas_call(
        _tc_layer_body,
        grid=(N // BM,),
        in_specs=[
            pl.BlockSpec((2, BM, HALF), lambda i: (0, i, 0)),
            pl.BlockSpec((2, BM, HALF), lambda i: (0, i, 0)),
            pl.BlockSpec((BM, HALF), lambda i: (i, 0)),
            pl.BlockSpec((D, D), lambda i: (0, 0)),
            pl.BlockSpec((1, D), lambda i: (0, 0)),
            pl.BlockSpec((D, D), lambda i: (0, 0)),
        ],
        out_specs=pl.BlockSpec((2, BM, HALF), lambda i: (0, i, 0)),
        out_shape=jax.ShapeDtypeStruct((2, N, HALF), jnp.float32),
    )(aggs, h, deg, Wl, bl, Wr)


def _tc_final_body(h_ref, w_ref, b_ref, o_ref):
    acc = jnp.dot(h_ref[0], w_ref[0:HALF, :],
                  preferred_element_type=jnp.float32)
    acc += jnp.dot(h_ref[1], w_ref[HALF:D, :],
                   preferred_element_type=jnp.float32)
    o_ref[...] = acc + b_ref[0, :][None, :]


def _tc_final(h, Wlin, blin):
    return pl.pallas_call(
        _tc_final_body,
        grid=(N // BM,),
        in_specs=[
            pl.BlockSpec((2, BM, HALF), lambda i: (0, i, 0)),
            pl.BlockSpec((D, D), lambda i: (0, 0)),
            pl.BlockSpec((1, D), lambda i: (0, 0)),
        ],
        out_specs=pl.BlockSpec((BM, D), lambda i: (i, 0)),
        out_shape=jax.ShapeDtypeStruct((N, D), jnp.float32),
    )(h, Wlin, blin)


def kernel(x, edge_index, Wl0, bl0, Wr0, Wl1, bl1, Wr1, Wl2, bl2, Wr2,
           Wlin, blin):
    src = edge_index[0]
    dst = edge_index[1]
    h = x.reshape(N, 2, HALF).transpose(1, 0, 2)
    deg = _sc_deg(dst)
    for (Wl, bl, Wr) in ((Wl0, bl0, Wr0), (Wl1, bl1, Wr1), (Wl2, bl2, Wr2)):
        aggs = _sc_agg(h.reshape(2 * N, HALF), src, dst).reshape(2, NPAD, HALF)
        h = _tc_layer(aggs, h, deg, Wl, bl.reshape(1, D), Wr)
    return _tc_final(h, Wlin, blin.reshape(1, D))

# --- scband reference (transcript-rebuilt; emitter-appended) ---
"""Pipeline reference for scband-graph-sage-model-29901562315008 (READ-ONLY COPY).

The authoritative reference and input builder live on the scoring server;
editing this copy changes nothing except your own understanding.
"""

import jax, jax.numpy as jnp
import numpy as np

N = 10000
E = 160000
D_IN = 256
D_H = 256
D_OUT = 256


def setup_inputs(seed: int = 0):
    key = jax.random.key(seed)
    ks = jax.random.split(key, 12)
    inp = {}
    inp["x"] = jax.random.normal(ks[0], (N, D_IN), dtype=jnp.float32)
    inp["edge_index"] = jax.random.randint(ks[1], (2, E), 0, N, dtype=jnp.int32)
    dims = [(D_IN, D_H), (D_H, D_H), (D_H, D_H)]
    k = 2
    for i, (din, dout) in enumerate(dims):
        s = 1.0 / np.sqrt(din)
        inp[f"Wl{i}"] = jax.random.uniform(ks[k], (din, dout), dtype=jnp.float32, minval=-s, maxval=s); k += 1
        inp[f"bl{i}"] = jnp.zeros((dout,), dtype=jnp.float32)
        inp[f"Wr{i}"] = jax.random.uniform(ks[k], (din, dout), dtype=jnp.float32, minval=-s, maxval=s); k += 1
    s = 1.0 / np.sqrt(D_H)
    inp["Wlin"] = jax.random.uniform(ks[k], (D_H, D_OUT), dtype=jnp.float32, minval=-s, maxval=s); k += 1
    inp["blin"] = jnp.zeros((D_OUT,), dtype=jnp.float32)
    return inp


def reference(x, edge_index, Wl0, bl0, Wr0, Wl1, bl1, Wr1, Wl2, bl2, Wr2, Wlin, blin):
    # GraphSAGE with PyG-default SAGEConv: out = lin_l(mean_j x_j) + lin_r(x_i)
    src = edge_index[0]
    dst = edge_index[1]
    ones = jnp.ones((E, 1), dtype=x.dtype)
    deg = jax.ops.segment_sum(ones, dst, num_segments=N)
    deg = jnp.clip(deg, 1.0, None)

    def sage(h, Wl, bl, Wr):
        msgs = jnp.take(h, src, axis=0)
        agg = jax.ops.segment_sum(msgs, dst, num_segments=N) / deg
        return agg @ Wl + bl + h @ Wr

    h = jax.nn.relu(sage(x, Wl0, bl0, Wr0))
    h = jax.nn.relu(sage(h, Wl1, bl1, Wr1))
    h = jax.nn.relu(sage(h, Wl2, bl2, Wr2))
    return h @ Wlin + blin

if __name__ == "__main__":
    import jax
    _d = setup_inputs()
    print(jax.jit(kernel)(*tuple(_d.values())))

</pallas_src>

<mosaic_0001>
#map = affine_map<(d0, d1) -> (0)>
#map1 = affine_map<(d0, d1) -> (0, 0)>
module attributes {stable_mosaic.version = 14 : i64} {
  func.func @k(%arg0: i32, %arg1: i32, %arg2: memref<160000xi32, #tpu.memory_space<hbm>>, %arg3: memref<10240x128xf32, #tpu.memory_space<hbm>>, %arg4: memref<80xi32, #tpu.memory_space<vmem>>, %arg5: memref<80x128xf32, #tpu.memory_space<vmem>>, %arg6: memref<10240x128xf32, #tpu.memory_space<vmem_shared>>) attributes {dimension_semantics = [#tpu.dimension_semantics<core_parallel>, #tpu.dimension_semantics<subcore_parallel>], iteration_bounds = array<i64: 2, 16>, scalar_prefetch = 0 : i64, scratch_operands = 3 : i64, tpu.core_type = #tpu.core_type<sc_vector_subcore>, window_params = [{transform_indices = #map}, {transform_indices = #map1}]} {
    %mul3A = arith.constant 10000 : i32
    %mul3A_0 = arith.muli %arg1, %mul3A : i32
    %scan3A = arith.constant 0 : i32
    %scan3A_1 = arith.constant 0 : i32
    %scan3A_2 = arith.constant 80 : i32
    %scan3A_3 = arith.addi %scan3A_1, %scan3A_2 : i32
    %scan3A_4 = arith.constant 1 : i32
    %scan3A_5 = scf.for %scan3A_53 = %scan3A_1 to %scan3A_3 step %scan3A_4 iter_args(%scan3A_54 = %scan3A) -> (i32)  : i32 {
      %broadcast_in_dim3A = arith.constant 0.000000e+00 : f32
      %broadcast_in_dim3A_55 = vector.broadcast %broadcast_in_dim3A : f32 to vector<16xf32>
      %swap3A = arith.index_cast %scan3A_53 : i32 to index
      %swap3A_56 = arith.constant 0 : index
      %swap3A_57 = tpu.vector_load %arg5[%swap3A, %swap3A_56] {strides = array<i32>} : memref<80x128xf32, #tpu.memory_space<vmem>>, vector<1x16xf32>,
      %swap3A_58 = vector.shape_cast %swap3A_57 : vector<1x16xf32> to vector<16xf32>
      %swap3A_59 = vector.shape_cast %broadcast_in_dim3A_55 : vector<16xf32> to vector<1x16xf32>
      tpu.vector_store %arg5[%swap3A, %swap3A_56], %swap3A_59 {strides = array<i32>} : memref<80x128xf32, #tpu.memory_space<vmem>>, vector<1x16xf32>,
      %broadcast_in_dim3A_60 = arith.constant 0.000000e+00 : f32
      %broadcast_in_dim3A_61 = vector.broadcast %broadcast_in_dim3A_60 : f32 to vector<16xf32>
      %swap3A_62 = arith.index_cast %scan3A_53 : i32 to index
      %swap3A_63 = arith.constant 16 : index
      %swap3A_64 = tpu.vector_load %arg5[%swap3A_62, %swap3A_63] {strides = array<i32>} : memref<80x128xf32, #tpu.memory_space<vmem>>, vector<1x16xf32>,
      %swap3A_65 = vector.shape_cast %swap3A_64 : vector<1x16xf32> to vector<16xf32>
      %swap3A_66 = vector.shape_cast %broadcast_in_dim3A_61 : vector<16xf32> to vector<1x16xf32>
      tpu.vector_store %arg5[%swap3A_62, %swap3A_63], %swap3A_66 {strides = array<i32>} : memref<80x128xf32, #tpu.memory_space<vmem>>, vector<1x16xf32>,
      %broadcast_in_dim3A_67 = arith.constant 0.000000e+00 : f32
      %broadcast_in_dim3A_68 = vector.broadcast %broadcast_in_dim3A_67 : f32 to vector<16xf32>
      %swap3A_69 = arith.index_cast %scan3A_53 : i32 to index
      %swap3A_70 = arith.constant 32 : index
      %swap3A_71 = tpu.vector_load %arg5[%swap3A_69, %swap3A_70] {strides = array<i32>} : memref<80x128xf32, #tpu.memory_space<vmem>>, vector<1x16xf32>,
      %swap3A_72 = vector.shape_cast %swap3A_71 : vector<1x16xf32> to vector<16xf32>
      %swap3A_73 = vector.shape_cast %broadcast_in_dim3A_68 : vector<16xf32> to vector<1x16xf32>
      tpu.vector_store %arg5[%swap3A_69, %swap3A_70], %swap3A_73 {strides = array<i32>} : memref<80x128xf32, #tpu.memory_space<vmem>>, vector<1x16xf32>,
      %broadcast_in_dim3A_74 = arith.constant 0.000000e+00 : f32
      %broadcast_in_dim3A_75 = vector.broadcast %broadcast_in_dim3A_74 : f32 to vector<16xf32>
      %swap3A_76 = arith.index_cast %scan3A_53 : i32 to index
      %swap3A_77 = arith.constant 48 : index
      %swap3A_78 = tpu.vector_load %arg5[%swap3A_76, %swap3A_77] {strides = array<i32>} : memref<80x128xf32, #tpu.memory_space<vmem>>, vector<1x16xf32>,
      %swap3A_79 = vector.shape_cast %swap3A_78 : vector<1x16xf32> to vector<16xf32>
      %swap3A_80 = vector.shape_cast %broadcast_in_dim3A_75 : vector<16xf32> to vector<1x16xf32>
      tpu.vector_store %arg5[%swap3A_76, %swap3A_77], %swap3A_80 {strides = array<i32>} : memref<80x128xf32, #tpu.memory_space<vmem>>, vector<1x16xf32>,
      %broadcast_in_dim3A_81 = arith.constant 0.000000e+00 : f32
      %broadcast_in_dim3A_82 = vector.broadcast %broadcast_in_dim3A_81 : f32 to vector<16xf32>
      %swap3A_83 = arith.index_cast %scan3A_53 : i32 to index
      %swap3A_84 = arith.constant 64 : index
      %swap3A_85 = tpu.vector_load %arg5[%swap3A_83, %swap3A_84] {strides = array<i32>} : memref<80x128xf32, #tpu.memory_space<vmem>>, vector<1x16xf32>,
      %swap3A_86 = vector.shape_cast %swap3A_85 : vector<1x16xf32> to vector<16xf32>
      %swap3A_87 = vector.shape_cast %broadcast_in_dim3A_82 : vector<16xf32> to vector<1x16xf32>
      tpu.vector_store %arg5[%swap3A_83, %swap3A_84], %swap3A_87 {strides = array<i32>} : memref<80x128xf32, #tpu.memory_space<vmem>>, vector<1x16xf32>,
      %broadcast_in_dim3A_88 = arith.constant 0.000000e+00 : f32
      %broadcast_in_dim3A_89 = vector.broadcast %broadcast_in_dim3A_88 : f32 to vector<16xf32>
      %swap3A_90 = arith.index_cast %scan3A_53 : i32 to index
      %swap3A_91 = arith.constant 80 : index
      %swap3A_92 = tpu.vector_load %arg5[%swap3A_90, %swap3A_91] {strides = array<i32>} : memref<80x128xf32, #tpu.memory_space<vmem>>, vector<1x16xf32>,
      %swap3A_93 = vector.shape_cast %swap3A_92 : vector<1x16xf32> to vector<16xf32>
      %swap3A_94 = vector.shape_cast %broadcast_in_dim3A_89 : vector<16xf32> to vector<1x16xf32>
      tpu.vector_store %arg5[%swap3A_90, %swap3A_91], %swap3A_94 {strides = array<i32>} : memref<80x128xf32, #tpu.memory_space<vmem>>, vector<1x16xf32>,
      %broadcast_in_dim3A_95 = arith.constant 0.000000e+00 : f32
      %broadcast_in_dim3A_96 = vector.broadcast %broadcast_in_dim3A_95 : f32 to vector<16xf32>
      %swap3A_97 = arith.index_cast %scan3A_53 : i32 to index
      %swap3A_98 = arith.constant 96 : index
      %swap3A_99 = tpu.vector_load %arg5[%swap3A_97, %swap3A_98] {strides = array<i32>} : memref<80x128xf32, #tpu.memory_space<vmem>>, vector<1x16xf32>,
      %swap3A_100 = vector.shape_cast %swap3A_99 : vector<1x16xf32> to vector<16xf32>
      %swap3A_101 = vector.shape_cast %broadcast_in_dim3A_96 : vector<16xf32> to vector<1x16xf32>
      tpu.vector_store %arg5[%swap3A_97, %swap3A_98], %swap3A_101 {strides = array<i32>} : memref<80x128xf32, #tpu.memory_space<vmem>>, vector<1x16xf32>,
      %broadcast_in_dim3A_102 = arith.constant 0.000000e+00 : f32
      %broadcast_in_dim3A_103 = vector.broadcast %broadcast_in_dim3A_102 : f32 to vector<16xf32>
      %swap3A_104 = arith.index_cast %scan3A_53 : i32 to index
      %swap3A_105 = arith.constant 112 : index
      %swap3A_106 = tpu.vector_load %arg5[%swap3A_104, %swap3A_105] {strides = array<i32>} : memref<80x128xf32, #tpu.memory_space<vmem>>, vector<1x16xf32>,
      %swap3A_107 = vector.shape_cast %swap3A_106 : vector<1x16xf32> to vector<16xf32>
      %swap3A_108 = vector.shape_cast %broadcast_in_dim3A_103 : vector<16xf32> to vector<1x16xf32>
      tpu.vector_store %arg5[%swap3A_104, %swap3A_105], %swap3A_108 {strides = array<i32>} : memref<80x128xf32, #tpu.memory_space<vmem>>, vector<1x16xf32>,
      %scan3A_109 = arith.constant 0 : i32
      scf.yield %scan3A_109 : i32
    }
    %scan3A_6 = arith.constant 80 : i32
    %mul3A_7 = arith.constant 640 : i32
    %mul3A_8 = arith.muli %arg1, %mul3A_7 : i32
    %add3A = arith.constant 0 : i32
    %add3A_9 = arith.addi %mul3A_8, %add3A : i32
    "tpu.region"() ({
      %run_scoped3A = tpu.sem_alloc : memref<!tpu.dma_semaphore, #tpu.memory_space<semaphore_mem>>
      %dma_start3A = arith.constant 0 : i32
      %dma_start3A_53 = tpu.memref_slice %arg6[%add3A_9, %dma_start3A] : memref<10240x128xf32, #tpu.memory_space<vmem_shared>> -> memref<80x128xf32, #tpu.memory_space<vmem_shared>>
      %dma_start3A_54 = arith.constant 0 : i32
      %dma_start3A_55 = tpu.memref_slice %arg6[%add3A_9, %dma_start3A_54] : memref<10240x128xf32, #tpu.memory_space<vmem_shared>> -> memref<80x128xf32, #tpu.memory_space<vmem_shared>>
      tpu.enqueue_dma source(%arg5 : memref<80x128xf32, #tpu.memory_space<vmem>>) target(%dma_start3A_55 : memref<80x128xf32, #tpu.memory_space<vmem_shared>>) target_semaphore(%run_scoped3A : memref<!tpu.dma_semaphore, #tpu.memory_space<semaphore_mem>>)
      %dma_wait3A = arith.constant 0 : i32
      %dma_wait3A_56 = tpu.memref_slice %arg6[%add3A_9, %dma_wait3A] : memref<10240x128xf32, #tpu.memory_space<vmem_shared>> -> memref<80x128xf32, #tpu.memory_space<vmem_shared>>
      %dma_wait3A_57 = arith.constant 0 : i32
      %dma_wait3A_58 = tpu.memref_slice %arg6[%add3A_9, %dma_wait3A_57] : memref<10240x128xf32, #tpu.memory_space<vmem_shared>> -> memref<80x128xf32, #tpu.memory_space<vmem_shared>>
      tpu.wait_dma2 semaphore(%run_scoped3A : memref<!tpu.dma_semaphore, #tpu.memory_space<semaphore_mem>>) src(%arg5 : memref<80x128xf32, #tpu.memory_space<vmem>>) dst(%dma_wait3A_58 : memref<80x128xf32, #tpu.memory_space<vmem_shared>>)
      tpu.yield
    }) : () -> ()
    %mul3A_10 = arith.constant 640 : i32
    %mul3A_11 = arith.muli %arg1, %mul3A_10 : i32
    %add3A_12 = arith.constant 80 : i32
    %add3A_13 = arith.addi %mul3A_11, %add3A_12 : i32
    "tpu.region"() ({
      %run_scoped3A = tpu.sem_alloc : memref<!tpu.dma_semaphore, #tpu.memory_space<semaphore_mem>>
      %dma_start3A = arith.constant 0 : i32
      %dma_start3A_53 = tpu.memref_slice %arg6[%add3A_13, %dma_start3A] : memref<10240x128xf32, #tpu.memory_space<vmem_shared>> -> memref<80x128xf32, #tpu.memory_space<vmem_shared>>
      %dma_start3A_54 = arith.constant 0 : i32
      %dma_start3A_55 = tpu.memref_slice %arg6[%add3A_13, %dma_start3A_54] : memref<10240x128xf32, #tpu.memory_space<vmem_shared>> -> memref<80x128xf32, #tpu.memory_space<vmem_shared>>
      tpu.enqueue_dma source(%arg5 : memref<80x128xf32, #tpu.memory_space<vmem>>) target(%dma_start3A_55 : memref<80x128xf32, #tpu.memory_space<vmem_shared>>) target_semaphore(%run_scoped3A : memref<!tpu.dma_semaphore, #tpu.memory_space<semaphore_mem>>)
      %dma_wait3A = arith.constant 0 : i32
      %dma_wait3A_56 = tpu.memref_slice %arg6[%add3A_13, %dma_wait3A] : memref<10240x128xf32, #tpu.memory_space<vmem_shared>> -> memref<80x128xf32, #tpu.memory_space<vmem_shared>>
      %dma_wait3A_57 = arith.constant 0 : i32
      %dma_wait3A_58 = tpu.memref_slice %arg6[%add3A_13, %dma_wait3A_57] : memref<10240x128xf32, #tpu.memory_space<vmem_shared>> -> memref<80x128xf32, #tpu.memory_space<vmem_shared>>
      tpu.wait_dma2 semaphore(%run_scoped3A : memref<!tpu.dma_semaphore, #tpu.memory_space<semaphore_mem>>) src(%arg5 : memref<80x128xf32, #tpu.memory_space<vmem>>) dst(%dma_wait3A_58 : memref<80x128xf32, #tpu.memory_space<vmem_shared>>)
      tpu.yield
    }) : () -> ()
    %mul3A_14 = arith.constant 640 : i32
    %mul3A_15 = arith.muli %arg1, %mul3A_14 : i32
    %add3A_16 = arith.constant 160 : i32
    %add3A_17 = arith.addi %mul3A_15, %add3A_16 : i32
    "tpu.region"() ({
      %run_scoped3A = tpu.sem_alloc : memref<!tpu.dma_semaphore, #tpu.memory_space<semaphore_mem>>
      %dma_start3A = arith.constant 0 : i32
      %dma_start3A_53 = tpu.memref_slice %arg6[%add3A_17, %dma_start3A] : memref<10240x128xf32, #tpu.memory_space<vmem_shared>> -> memref<80x128xf32, #tpu.memory_space<vmem_shared>>
      %dma_start3A_54 = arith.constant 0 : i32
      %dma_start3A_55 = tpu.memref_slice %arg6[%add3A_17, %dma_start3A_54] : memref<10240x128xf32, #tpu.memory_space<vmem_shared>> -> memref<80x128xf32, #tpu.memory_space<vmem_shared>>
      tpu.enqueue_dma source(%arg5 : memref<80x128xf32, #tpu.memory_space<vmem>>) target(%dma_start3A_55 : memref<80x128xf32, #tpu.memory_space<vmem_shared>>) target_semaphore(%run_scoped3A : memref<!tpu.dma_semaphore, #tpu.memory_space<semaphore_mem>>)
      %dma_wait3A = arith.constant 0 : i32
      %dma_wait3A_56 = tpu.memref_slice %arg6[%add3A_17, %dma_wait3A] : memref<10240x128xf32, #tpu.memory_space<vmem_shared>> -> memref<80x128xf32, #tpu.memory_space<vmem_shared>>
      %dma_wait3A_57 = arith.constant 0 : i32
      %dma_wait3A_58 = tpu.memref_slice %arg6[%add3A_17, %dma_wait3A_57] : memref<10240x128xf32, #tpu.memory_space<vmem_shared>> -> memref<80x128xf32, #tpu.memory_space<vmem_shared>>
      tpu.wait_dma2 semaphore(%run_scoped3A : memref<!tpu.dma_semaphore, #tpu.memory_space<semaphore_mem>>) src(%arg5 : memref<80x128xf32, #tpu.memory_space<vmem>>) dst(%dma_wait3A_58 : memref<80x128xf32, #tpu.memory_space<vmem_shared>>)
      tpu.yield
    }) : () -> ()
    %mul3A_18 = arith.constant 640 : i32
    %mul3A_19 = arith.muli %arg1, %mul3A_18 : i32
    %add3A_20 = arith.constant 240 : i32
    %add3A_21 = arith.addi %mul3A_19, %add3A_20 : i32
    "tpu.region"() ({
      %run_scoped3A = tpu.sem_alloc : memref<!tpu.dma_semaphore, #tpu.memory_space<semaphore_mem>>
      %dma_start3A = arith.constant 0 : i32
      %dma_start3A_53 = tpu.memref_slice %arg6[%add3A_21, %dma_start3A] : memref<10240x128xf32, #tpu.memory_space<vmem_shared>> -> memref<80x128xf32, #tpu.memory_space<vmem_shared>>
      %dma_start3A_54 = arith.constant 0 : i32
      %dma_start3A_55 = tpu.memref_slice %arg6[%add3A_21, %dma_start3A_54] : memref<10240x128xf32, #tpu.memory_space<vmem_shared>> -> memref<80x128xf32, #tpu.memory_space<vmem_shared>>
      tpu.enqueue_dma source(%arg5 : memref<80x128xf32, #tpu.memory_space<vmem>>) target(%dma_start3A_55 : memref<80x128xf32, #tpu.memory_space<vmem_shared>>) target_semaphore(%run_scoped3A : memref<!tpu.dma_semaphore, #tpu.memory_space<semaphore_mem>>)
      %dma_wait3A = arith.constant 0 : i32
      %dma_wait3A_56 = tpu.memref_slice %arg6[%add3A_21, %dma_wait3A] : memref<10240x128xf32, #tpu.memory_space<vmem_shared>> -> memref<80x128xf32, #tpu.memory_space<vmem_shared>>
      %dma_wait3A_57 = arith.constant 0 : i32
      %dma_wait3A_58 = tpu.memref_slice %arg6[%add3A_21, %dma_wait3A_57] : memref<10240x128xf32, #tpu.memory_space<vmem_shared>> -> memref<80x128xf32, #tpu.memory_space<vmem_shared>>
      tpu.wait_dma2 semaphore(%run_scoped3A : memref<!tpu.dma_semaphore, #tpu.memory_space<semaphore_mem>>) src(%arg5 : memref<80x128xf32, #tpu.memory_space<vmem>>) dst(%dma_wait3A_58 : memref<80x128xf32, #tpu.memory_space<vmem_shared>>)
      tpu.yield
    }) : () -> ()
    %mul3A_22 = arith.constant 640 : i32
    %mul3A_23 = arith.muli %arg1, %mul3A_22 : i32
    %add3A_24 = arith.constant 320 : i32
    %add3A_25 = arith.addi %mul3A_23, %add3A_24 : i32
    "tpu.region"() ({
      %run_scoped3A = tpu.sem_alloc : memref<!tpu.dma_semaphore, #tpu.memory_space<semaphore_mem>>
      %dma_start3A = arith.constant 0 : i32
      %dma_start3A_53 = tpu.memref_slice %arg6[%add3A_25, %dma_start3A] : memref<10240x128xf32, #tpu.memory_space<vmem_shared>> -> memref<80x128xf32, #tpu.memory_space<vmem_shared>>
      %dma_start3A_54 = arith.constant 0 : i32
      %dma_start3A_55 = tpu.memref_slice %arg6[%add3A_25, %dma_start3A_54] : memref<10240x128xf32, #tpu.memory_space<vmem_shared>> -> memref<80x128xf32, #tpu.memory_space<vmem_shared>>
      tpu.enqueue_dma source(%arg5 : memref<80x128xf32, #tpu.memory_space<vmem>>) target(%dma_start3A_55 : memref<80x128xf32, #tpu.memory_space<vmem_shared>>) target_semaphore(%run_scoped3A : memref<!tpu.dma_semaphore, #tpu.memory_space<semaphore_mem>>)
      %dma_wait3A = arith.constant 0 : i32
      %dma_wait3A_56 = tpu.memref_slice %arg6[%add3A_25, %dma_wait3A] : memref<10240x128xf32, #tpu.memory_space<vmem_shared>> -> memref<80x128xf32, #tpu.memory_space<vmem_shared>>
      %dma_wait3A_57 = arith.constant 0 : i32
      %dma_wait3A_58 = tpu.memref_slice %arg6[%add3A_25, %dma_wait3A_57] : memref<10240x128xf32, #tpu.memory_space<vmem_shared>> -> memref<80x128xf32, #tpu.memory_space<vmem_shared>>
      tpu.wait_dma2 semaphore(%run_scoped3A : memref<!tpu.dma_semaphore, #tpu.memory_space<semaphore_mem>>) src(%arg5 : memref<80x128xf32, #tpu.memory_space<vmem>>) dst(%dma_wait3A_58 : memref<80x128xf32, #tpu.memory_space<vmem_shared>>)
      tpu.yield
    }) : () -> ()
    %mul3A_26 = arith.constant 640 : i32
    %mul3A_27 = arith.muli %arg1, %mul3A_26 : i32
    %add3A_28 = arith.constant 400 : i32
    %add3A_29 = arith.addi %mul3A_27, %add3A_28 : i32
    "tpu.region"() ({
      %run_scoped3A = tpu.sem_alloc : memref<!tpu.dma_semaphore, #tpu.memory_space<semaphore_mem>>
      %dma_start3A = arith.constant 0 : i32
      %dma_start3A_53 = tpu.memref_slice %arg6[%add3A_29, %dma_start3A] : memref<10240x128xf32, #tpu.memory_space<vmem_shared>> -> memref<80x128xf32, #tpu.memory_space<vmem_shared>>
      %dma_start3A_54 = arith.constant 0 : i32
      %dma_start3A_55 = tpu.memref_slice %arg6[%add3A_29, %dma_start3A_54] : memref<10240x128xf32, #tpu.memory_space<vmem_shared>> -> memref<80x128xf32, #tpu.memory_space<vmem_shared>>
      tpu.enqueue_dma source(%arg5 : memref<80x128xf32, #tpu.memory_space<vmem>>) target(%dma_start3A_55 : memref<80x128xf32, #tpu.memory_space<vmem_shared>>) target_semaphore(%run_scoped3A : memref<!tpu.dma_semaphore, #tpu.memory_space<semaphore_mem>>)
      %dma_wait3A = arith.constant 0 : i32
      %dma_wait3A_56 = tpu.memref_slice %arg6[%add3A_29, %dma_wait3A] : memref<10240x128xf32, #tpu.memory_space<vmem_shared>> -> memref<80x128xf32, #tpu.memory_space<vmem_shared>>
      %dma_wait3A_57 = arith.constant 0 : i32
      %dma_wait3A_58 = tpu.memref_slice %arg6[%add3A_29, %dma_wait3A_57] : memref<10240x128xf32, #tpu.memory_space<vmem_shared>> -> memref<80x128xf32, #tpu.memory_space<vmem_shared>>
      tpu.wait_dma2 semaphore(%run_scoped3A : memref<!tpu.dma_semaphore, #tpu.memory_space<semaphore_mem>>) src(%arg5 : memref<80x128xf32, #tpu.memory_space<vmem>>) dst(%dma_wait3A_58 : memref<80x128xf32, #tpu.memory_space<vmem_shared>>)
      tpu.yield
    }) : () -> ()
    %mul3A_30 = arith.constant 640 : i32
    %mul3A_31 = arith.muli %arg1, %mul3A_30 : i32
    %add3A_32 = arith.constant 480 : i32
    %add3A_33 = arith.addi %mul3A_31, %add3A_32 : i32
    "tpu.region"() ({
      %run_scoped3A = tpu.sem_alloc : memref<!tpu.dma_semaphore, #tpu.memory_space<semaphore_mem>>
      %dma_start3A = arith.constant 0 : i32
      %dma_start3A_53 = tpu.memref_slice %arg6[%add3A_33, %dma_start3A] : memref<10240x128xf32, #tpu.memory_space<vmem_shared>> -> memref<80x128xf32, #tpu.memory_space<vmem_shared>>
      %dma_start3A_54 = arith.constant 0 : i32
      %dma_start3A_55 = tpu.memref_slice %arg6[%add3A_33, %dma_start3A_54] : memref<10240x128xf32, #tpu.memory_space<vmem_shared>> -> memref<80x128xf32, #tpu.memory_space<vmem_shared>>
      tpu.enqueue_dma source(%arg5 : memref<80x128xf32, #tpu.memory_space<vmem>>) target(%dma_start3A_55 : memref<80x128xf32, #tpu.memory_space<vmem_shared>>) target_semaphore(%run_scoped3A : memref<!tpu.dma_semaphore, #tpu.memory_space<semaphore_mem>>)
      %dma_wait3A = arith.constant 0 : i32
      %dma_wait3A_56 = tpu.memref_slice %arg6[%add3A_33, %dma_wait3A] : memref<10240x128xf32, #tpu.memory_space<vmem_shared>> -> memref<80x128xf32, #tpu.memory_space<vmem_shared>>
      %dma_wait3A_57 = arith.constant 0 : i32
      %dma_wait3A_58 = tpu.memref_slice %arg6[%add3A_33, %dma_wait3A_57] : memref<10240x128xf32, #tpu.memory_space<vmem_shared>> -> memref<80x128xf32, #tpu.memory_space<vmem_shared>>
      tpu.wait_dma2 semaphore(%run_scoped3A : memref<!tpu.dma_semaphore, #tpu.memory_space<semaphore_mem>>) src(%arg5 : memref<80x128xf32, #tpu.memory_space<vmem>>) dst(%dma_wait3A_58 : memref<80x128xf32, #tpu.memory_space<vmem_shared>>)
      tpu.yield
    }) : () -> ()
    %mul3A_34 = arith.constant 640 : i32
    %mul3A_35 = arith.muli %arg1, %mul3A_34 : i32
    %add3A_36 = arith.constant 560 : i32
    %add3A_37 = arith.addi %mul3A_35, %add3A_36 : i32
    "tpu.region"() ({
      %run_scoped3A = tpu.sem_alloc : memref<!tpu.dma_semaphore, #tpu.memory_space<semaphore_mem>>
      %dma_start3A = arith.constant 0 : i32
      %dma_start3A_53 = tpu.memref_slice %arg6[%add3A_37, %dma_start3A] : memref<10240x128xf32, #tpu.memory_space<vmem_shared>> -> memref<80x128xf32, #tpu.memory_space<vmem_shared>>
      %dma_start3A_54 = arith.constant 0 : i32
      %dma_start3A_55 = tpu.memref_slice %arg6[%add3A_37, %dma_start3A_54] : memref<10240x128xf32, #tpu.memory_space<vmem_shared>> -> memref<80x128xf32, #tpu.memory_space<vmem_shared>>
      tpu.enqueue_dma source(%arg5 : memref<80x128xf32, #tpu.memory_space<vmem>>) target(%dma_start3A_55 : memref<80x128xf32, #tpu.memory_space<vmem_shared>>) target_semaphore(%run_scoped3A : memref<!tpu.dma_semaphore, #tpu.memory_space<semaphore_mem>>)
      %dma_wait3A = arith.constant 0 : i32
      %dma_wait3A_56 = tpu.memref_slice %arg6[%add3A_37, %dma_wait3A] : memref<10240x128xf32, #tpu.memory_space<vmem_shared>> -> memref<80x128xf32, #tpu.memory_space<vmem_shared>>
      %dma_wait3A_57 = arith.constant 0 : i32
      %dma_wait3A_58 = tpu.memref_slice %arg6[%add3A_37, %dma_wait3A_57] : memref<10240x128xf32, #tpu.memory_space<vmem_shared>> -> memref<80x128xf32, #tpu.memory_space<vmem_shared>>
      tpu.wait_dma2 semaphore(%run_scoped3A : memref<!tpu.dma_semaphore, #tpu.memory_space<semaphore_mem>>) src(%arg5 : memref<80x128xf32, #tpu.memory_space<vmem>>) dst(%dma_wait3A_58 : memref<80x128xf32, #tpu.memory_space<vmem_shared>>)
      tpu.yield
    }) : () -> ()
    %scan3A_38 = arith.constant 0 : i32
    %scan3A_39 = arith.constant 0 : i32
    %scan3A_40 = arith.constant 80 : i32
    %scan3A_41 = arith.addi %scan3A_39, %scan3A_40 : i32
    %scan3A_42 = arith.constant 1 : i32
    %scan3A_43 = scf.for %scan3A_53 = %scan3A_39 to %scan3A_41 step %scan3A_42 iter_args(%scan3A_54 = %scan3A_38) -> (i32)  : i32 {
      %broadcast_in_dim3A = arith.constant 1.000000e+00 : f32
      %broadcast_in_dim3A_55 = vector.broadcast %broadcast_in_dim3A : f32 to vector<16xf32>
      %swap3A = arith.index_cast %scan3A_53 : i32 to index
      %swap3A_56 = arith.constant 0 : index
      %swap3A_57 = tpu.vector_load %arg5[%swap3A, %swap3A_56] {strides = array<i32>} : memref<80x128xf32, #tpu.memory_space<vmem>>, vector<1x16xf32>,
      %swap3A_58 = vector.shape_cast %swap3A_57 : vector<1x16xf32> to vector<16xf32>
      %swap3A_59 = vector.shape_cast %broadcast_in_dim3A_55 : vector<16xf32> to vector<1x16xf32>
      tpu.vector_store %arg5[%swap3A, %swap3A_56], %swap3A_59 {strides = array<i32>} : memref<80x128xf32, #tpu.memory_space<vmem>>, vector<1x16xf32>,
      %broadcast_in_dim3A_60 = arith.constant 1.000000e+00 : f32
      %broadcast_in_dim3A_61 = vector.broadcast %broadcast_in_dim3A_60 : f32 to vector<16xf32>
      %swap3A_62 = arith.index_cast %scan3A_53 : i32 to index
      %swap3A_63 = arith.constant 16 : index
      %swap3A_64 = tpu.vector_load %arg5[%swap3A_62, %swap3A_63] {strides = array<i32>} : memref<80x128xf32, #tpu.memory_space<vmem>>, vector<1x16xf32>,
      %swap3A_65 = vector.shape_cast %swap3A_64 : vector<1x16xf32> to vector<16xf32>
      %swap3A_66 = vector.shape_cast %broadcast_in_dim3A_61 : vector<16xf32> to vector<1x16xf32>
      tpu.vector_store %arg5[%swap3A_62, %swap3A_63], %swap3A_66 {strides = array<i32>} : memref<80x128xf32, #tpu.memory_space<vmem>>, vector<1x16xf32>,
      %broadcast_in_dim3A_67 = arith.constant 1.000000e+00 : f32
      %broadcast_in_dim3A_68 = vector.broadcast %broadcast_in_dim3A_67 : f32 to vector<16xf32>
      %swap3A_69 = arith.index_cast %scan3A_53 : i32 to index
      %swap3A_70 = arith.constant 32 : index
      %swap3A_71 = tpu.vector_load %arg5[%swap3A_69, %swap3A_70] {strides = array<i32>} : memref<80x128xf32, #tpu.memory_space<vmem>>, vector<1x16xf32>,
      %swap3A_72 = vector.shape_cast %swap3A_71 : vector<1x16xf32> to vector<16xf32>
      %swap3A_73 = vector.shape_cast %broadcast_in_dim3A_68 : vector<16xf32> to vector<1x16xf32>
      tpu.vector_store %arg5[%swap3A_69, %swap3A_70], %swap3A_73 {strides = array<i32>} : memref<80x128xf32, #tpu.memory_space<vmem>>, vector<1x16xf32>,
      %broadcast_in_dim3A_74 = arith.constant 1.000000e+00 : f32
      %broadcast_in_dim3A_75 = vector.broadcast %broadcast_in_dim3A_74 : f32 to vector<16xf32>
      %swap3A_76 = arith.index_cast %scan3A_53 : i32 to index
      %swap3A_77 = arith.constant 48 : index
      %swap3A_78 = tpu.vector_load %arg5[%swap3A_76, %swap3A_77] {strides = array<i32>} : memref<80x128xf32, #tpu.memory_space<vmem>>, vector<1x16xf32>,
      %swap3A_79 = vector.shape_cast %swap3A_78 : vector<1x16xf32> to vector<16xf32>
      %swap3A_80 = vector.shape_cast %broadcast_in_dim3A_75 : vector<16xf32> to vector<1x16xf32>
      tpu.vector_store %arg5[%swap3A_76, %swap3A_77], %swap3A_80 {strides = array<i32>} : memref<80x128xf32, #tpu.memory_space<vmem>>, vector<1x16xf32>,
      %broadcast_in_dim3A_81 = arith.constant 1.000000e+00 : f32
      %broadcast_in_dim3A_82 = vector.broadcast %broadcast_in_dim3A_81 : f32 to vector<16xf32>
      %swap3A_83 = arith.index_cast %scan3A_53 : i32 to index
      %swap3A_84 = arith.constant 64 : index
      %swap3A_85 = tpu.vector_load %arg5[%swap3A_83, %swap3A_84] {strides = array<i32>} : memref<80x128xf32, #tpu.memory_space<vmem>>, vector<1x16xf32>,
      %swap3A_86 = vector.shape_cast %swap3A_85 : vector<1x16xf32> to vector<16xf32>
      %swap3A_87 = vector.shape_cast %broadcast_in_dim3A_82 : vector<16xf32> to vector<1x16xf32>
      tpu.vector_store %arg5[%swap3A_83, %swap3A_84], %swap3A_87 {strides = array<i32>} : memref<80x128xf32, #tpu.memory_space<vmem>>, vector<1x16xf32>,
      %broadcast_in_dim3A_88 = arith.constant 1.000000e+00 : f32
      %broadcast_in_dim3A_89 = vector.broadcast %broadcast_in_dim3A_88 : f32 to vector<16xf32>
      %swap3A_90 = arith.index_cast %scan3A_53 : i32 to index
      %swap3A_91 = arith.constant 80 : index
      %swap3A_92 = tpu.vector_load %arg5[%swap3A_90, %swap3A_91] {strides = array<i32>} : memref<80x128xf32, #tpu.memory_space<vmem>>, vector<1x16xf32>,
      %swap3A_93 = vector.shape_cast %swap3A_92 : vector<1x16xf32> to vector<16xf32>
      %swap3A_94 = vector.shape_cast %broadcast_in_dim3A_89 : vector<16xf32> to vector<1x16xf32>
      tpu.vector_store %arg5[%swap3A_90, %swap3A_91], %swap3A_94 {strides = array<i32>} : memref<80x128xf32, #tpu.memory_space<vmem>>, vector<1x16xf32>,
      %broadcast_in_dim3A_95 = arith.constant 1.000000e+00 : f32
      %broadcast_in_dim3A_96 = vector.broadcast %broadcast_in_dim3A_95 : f32 to vector<16xf32>
      %swap3A_97 = arith.index_cast %scan3A_53 : i32 to index
      %swap3A_98 = arith.constant 96 : index
      %swap3A_99 = tpu.vector_load %arg5[%swap3A_97, %swap3A_98] {strides = array<i32>} : memref<80x128xf32, #tpu.memory_space<vmem>>, vector<1x16xf32>,
      %swap3A_100 = vector.shape_cast %swap3A_99 : vector<1x16xf32> to vector<16xf32>
      %swap3A_101 = vector.shape_cast %broadcast_in_dim3A_96 : vector<16xf32> to vector<1x16xf32>
      tpu.vector_store %arg5[%swap3A_97, %swap3A_98], %swap3A_101 {strides = array<i32>} : memref<80x128xf32, #tpu.memory_space<vmem>>, vector<1x16xf32>,
      %broadcast_in_dim3A_102 = arith.constant 1.000000e+00 : f32
      %broadcast_in_dim3A_103 = vector.broadcast %broadcast_in_dim3A_102 : f32 to vector<16xf32>
      %swap3A_104 = arith.index_cast %scan3A_53 : i32 to index
      %swap3A_105 = arith.constant 112 : index
      %swap3A_106 = tpu.vector_load %arg5[%swap3A_104, %swap3A_105] {strides = array<i32>} : memref<80x128xf32, #tpu.memory_space<vmem>>, vector<1x16xf32>,
      %swap3A_107 = vector.shape_cast %swap3A_106 : vector<1x16xf32> to vector<16xf32>
      %swap3A_108 = vector.shape_cast %broadcast_in_dim3A_103 : vector<16xf32> to vector<1x16xf32>
      tpu.vector_store %arg5[%swap3A_104, %swap3A_105], %swap3A_108 {strides = array<i32>} : memref<80x128xf32, #tpu.memory_space<vmem>>, vector<1x16xf32>,
      %scan3A_109 = arith.constant 0 : i32
      scf.yield %scan3A_109 : i32
    }
    %scan3A_44 = arith.constant 80 : i32
    %barrier3A = arith.constant 0 : index
    tpu.barrier barrier_id(%barrier3A)
    %eq3A = arith.constant 0 : i32
    %eq3A_45 = arith.cmpi eq, %arg0, %eq3A : i32
    %convert_element_type3A = arith.extui %eq3A_45 : i1 to i32
    %cond3A = arith.constant 0 : i32
    %cond3A_46 = arith.cmpi ne, %convert_element_type3A, %cond3A : i32
    scf.if %cond3A_46 {
      %scan3A_53 = arith.constant 0 : i32
      %scan3A_54 = arith.constant 0 : i32
      %scan3A_55 = arith.constant 125 : i32
      %scan3A_56 = arith.addi %scan3A_54, %scan3A_55 : i32
      %scan3A_57 = arith.constant 1 : i32
      %scan3A_58 = scf.for %scan3A_60 = %scan3A_54 to %scan3A_56 step %scan3A_57 iter_args(%scan3A_61 = %scan3A_53) -> (i32)  : i32 {
        %mul3A_62 = arith.constant 80 : i32
        %mul3A_63 = arith.muli %scan3A_60, %mul3A_62 : i32
        %add3A_64 = arith.addi %mul3A_0, %mul3A_63 : i32
        "tpu.region"() ({
          %run_scoped3A = tpu.sem_alloc : memref<!tpu.dma_semaphore, #tpu.memory_space<semaphore_mem>>
          %dma_start3A = tpu.memref_slice %arg2[%add3A_64] : memref<160000xi32, #tpu.memory_space<hbm>> -> memref<80xi32, #tpu.memory_space<hbm>>
          %dma_start3A_66 = tpu.memref_slice %arg2[%add3A_64] : memref<160000xi32, #tpu.memory_space<hbm>> -> memref<80xi32, #tpu.memory_space<hbm>>
          tpu.enqueue_dma source(%dma_start3A_66 : memref<80xi32, #tpu.memory_space<hbm>>) target(%arg4 : memref<80xi32, #tpu.memory_space<vmem>>) target_semaphore(%run_scoped3A : memref<!tpu.dma_semaphore, #tpu.memory_space<semaphore_mem>>)
          %dma_wait3A = tpu.memref_slice %arg2[%add3A_64] : memref<160000xi32, #tpu.memory_space<hbm>> -> memref<80xi32, #tpu.memory_space<hbm>>
          %dma_wait3A_67 = tpu.memref_slice %arg2[%add3A_64] : memref<160000xi32, #tpu.memory_space<hbm>> -> memref<80xi32, #tpu.memory_space<hbm>>
          tpu.wait_dma2 semaphore(%run_scoped3A : memref<!tpu.dma_semaphore, #tpu.memory_space<semaphore_mem>>) src(%dma_wait3A_67 : memref<80xi32, #tpu.memory_space<hbm>>) dst(%arg4 : memref<80xi32, #tpu.memory_space<vmem>>)
          tpu.yield
        }) : () -> ()
        "tpu.region"() ({
          %run_scoped3A = tpu.sem_alloc : memref<!tpu.dma_semaphore, #tpu.memory_space<semaphore_mem>>
          %dma_start3A = arith.constant 0 : i32
          %dma_start3A_66 = arith.constant 0 : i32
          %dma_start3A_67 = tpu.memref_slice %arg6[%dma_start3A, %dma_start3A_66] : memref<10240x128xf32, #tpu.memory_space<vmem_shared>> -> memref<10240x128xf32, #tpu.memory_space<vmem_shared>>
          tpu.enqueue_indirect_dma source(%arg5 : memref<80x128xf32, #tpu.memory_space<vmem>>) target(%dma_start3A_67 : memref<10240x128xf32, #tpu.memory_space<vmem_shared>>) offsets(%arg4 : memref<80xi32, #tpu.memory_space<vmem>>) semaphore(%run_scoped3A : memref<!tpu.dma_semaphore, #tpu.memory_space<semaphore_mem>>) {add = true}
          %dma_wait3A = arith.constant 0 : i32
          %dma_wait3A_68 = arith.constant 0 : i32
          %dma_wait3A_69 = tpu.memref_slice %arg6[%dma_wait3A, %dma_wait3A_68] : memref<10240x128xf32, #tpu.memory_space<vmem_shared>> -> memref<10240x128xf32, #tpu.memory_space<vmem_shared>>
          tpu.wait_indirect_dma semaphore(%run_scoped3A : memref<!tpu.dma_semaphore, #tpu.memory_space<semaphore_mem>>) src(%arg5 : memref<80x128xf32, #tpu.memory_space<vmem>>) dst(%dma_wait3A_69 : memref<10240x128xf32, #tpu.memory_space<vmem_shared>>)
          tpu.yield
        }) : () -> ()
        %scan3A_65 = arith.constant 0 : i32
        scf.yield %scan3A_65 : i32
      }
      %scan3A_59 = arith.constant 125 : i32
    } else {
    }
    %barrier3A_47 = arith.constant 0 : index
    tpu.barrier barrier_id(%barrier3A_47)
    %eq3A_48 = arith.constant 0 : i32
    %eq3A_49 = arith.cmpi eq, %arg0, %eq3A_48 : i32
    %convert_element_type3A_50 = arith.extui %eq3A_49 : i1 to i32
    %cond3A_51 = arith.constant 0 : i32
    %cond3A_52 = arith.cmpi ne, %convert_element_type3A_50, %cond3A_51 : i32
    scf.if %cond3A_52 {
      %mul3A_53 = arith.constant 640 : i32
      %mul3A_54 = arith.muli %arg1, %mul3A_53 : i32
      %add3A_55 = arith.constant 0 : i32
      %add3A_56 = arith.addi %mul3A_54, %add3A_55 : i32
      "tpu.region"() ({
        %run_scoped3A = tpu.sem_alloc : memref<!tpu.dma_semaphore, #tpu.memory_space<semaphore_mem>>
        %dma_start3A = arith.constant 0 : i32
        %dma_start3A_85 = tpu.memref_slice %arg6[%add3A_56, %dma_start3A] : memref<10240x128xf32, #tpu.memory_space<vmem_shared>> -> memref<80x128xf32, #tpu.memory_space<vmem_shared>>
        %dma_start3A_86 = arith.constant 0 : i32
        %dma_start3A_87 = tpu.memref_slice %arg6[%add3A_56, %dma_start3A_86] : memref<10240x128xf32, #tpu.memory_space<vmem_shared>> -> memref<80x128xf32, #tpu.memory_space<vmem_shared>>
        tpu.enqueue_dma source(%dma_start3A_87 : memref<80x128xf32, #tpu.memory_space<vmem_shared>>) target(%arg5 : memref<80x128xf32, #tpu.memory_space<vmem>>) target_semaphore(%run_scoped3A : memref<!tpu.dma_semaphore, #tpu.memory_space<semaphore_mem>>)
        %dma_wait3A = arith.constant 0 : i32
        %dma_wait3A_88 = tpu.memref_slice %arg6[%add3A_56, %dma_wait3A] : memref<10240x128xf32, #tpu.memory_space<vmem_shared>> -> memref<80x128xf32, #tpu.memory_space<vmem_shared>>
        %dma_wait3A_89 = arith.constant 0 : i32
        %dma_wait3A_90 = tpu.memref_slice %arg6[%add3A_56, %dma_wait3A_89] : memref<10240x128xf32, #tpu.memory_space<vmem_shared>> -> memref<80x128xf32, #tpu.memory_space<vmem_shared>>
        tpu.wait_dma2 semaphore(%run_scoped3A : memref<!tpu.dma_semaphore, #tpu.memory_space<semaphore_mem>>) src(%dma_wait3A_90 : memref<80x128xf32, #tpu.memory_space<vmem_shared>>) dst(%arg5 : memref<80x128xf32, #tpu.memory_space<vmem>>)
        tpu.yield
      }) : () -> ()
      "tpu.region"() ({
        %run_scoped3A = tpu.sem_alloc : memref<!tpu.dma_semaphore, #tpu.memory_space<semaphore_mem>>
        %dma_start3A = arith.constant 0 : i32
        %dma_start3A_85 = tpu.memref_slice %arg3[%add3A_56, %dma_start3A] : memref<10240x128xf32, #tpu.memory_space<hbm>> -> memref<80x128xf32, #tpu.memory_space<hbm>>
        %dma_start3A_86 = arith.constant 0 : i32
        %dma_start3A_87 = tpu.memref_slice %arg3[%add3A_56, %dma_start3A_86] : memref<10240x128xf32, #tpu.memory_space<hbm>> -> memref<80x128xf32, #tpu.memory_space<hbm>>
        tpu.enqueue_dma source(%arg5 : memref<80x128xf32, #tpu.memory_space<vmem>>) target(%dma_start3A_87 : memref<80x128xf32, #tpu.memory_space<hbm>>) target_semaphore(%run_scoped3A : memref<!tpu.dma_semaphore, #tpu.memory_space<semaphore_mem>>)
        %dma_wait3A = arith.constant 0 : i32
        %dma_wait3A_88 = tpu.memref_slice %arg3[%add3A_56, %dma_wait3A] : memref<10240x128xf32, #tpu.memory_space<hbm>> -> memref<80x128xf32, #tpu.memory_space<hbm>>
        %dma_wait3A_89 = arith.constant 0 : i32
        %dma_wait3A_90 = tpu.memref_slice %arg3[%add3A_56, %dma_wait3A_89] : memref<10240x128xf32, #tpu.memory_space<hbm>> -> memref<80x128xf32, #tpu.memory_space<hbm>>
        tpu.wait_dma2 semaphore(%run_scoped3A : memref<!tpu.dma_semaphore, #tpu.memory_space<semaphore_mem>>) src(%arg5 : memref<80x128xf32, #tpu.memory_space<vmem>>) dst(%dma_wait3A_90 : memref<80x128xf32, #tpu.memory_space<hbm>>)
        tpu.yield
      }) : () -> ()
      %mul3A_57 = arith.constant 640 : i32
      %mul3A_58 = arith.muli %arg1, %mul3A_57 : i32
      %add3A_59 = arith.constant 80 : i32
      %add3A_60 = arith.addi %mul3A_58, %add3A_59 : i32
      "tpu.region"() ({
        %run_scoped3A = tpu.sem_alloc : memref<!tpu.dma_semaphore, #tpu.memory_space<semaphore_mem>>
        %dma_start3A = arith.constant 0 : i32
        %dma_start3A_85 = tpu.memref_slice %arg6[%add3A_60, %dma_start3A] : memref<10240x128xf32, #tpu.memory_space<vmem_shared>> -> memref<80x128xf32, #tpu.memory_space<vmem_shared>>
        %dma_start3A_86 = arith.constant 0 : i32
        %dma_start3A_87 = tpu.memref_slice %arg6[%add3A_60, %dma_start3A_86] : memref<10240x128xf32, #tpu.memory_space<vmem_shared>> -> memref<80x128xf32, #tpu.memory_space<vmem_shared>>
        tpu.enqueue_dma source(%dma_start3A_87 : memref<80x128xf32, #tpu.memory_space<vmem_shared>>) target(%arg5 : memref<80x128xf32, #tpu.memory_space<vmem>>) target_semaphore(%run_scoped3A : memref<!tpu.dma_semaphore, #tpu.memory_space<semaphore_mem>>)
        %dma_wait3A = arith.constant 0 : i32
        %dma_wait3A_88 = tpu.memref_slice %arg6[%add3A_60, %dma_wait3A] : memref<10240x128xf32, #tpu.memory_space<vmem_shared>> -> memref<80x128xf32, #tpu.memory_space<vmem_shared>>
        %dma_wait3A_89 = arith.constant 0 : i32
        %dma_wait3A_90 = tpu.memref_slice %arg6[%add3A_60, %dma_wait3A_89] : memref<10240x128xf32, #tpu.memory_space<vmem_shared>> -> memref<80x128xf32, #tpu.memory_space<vmem_shared>>
        tpu.wait_dma2 semaphore(%run_scoped3A : memref<!tpu.dma_semaphore, #tpu.memory_space<semaphore_mem>>) src(%dma_wait3A_90 : memref<80x128xf32, #tpu.memory_space<vmem_shared>>) dst(%arg5 : memref<80x128xf32, #tpu.memory_space<vmem>>)
        tpu.yield
      }) : () -> ()
      "tpu.region"() ({
        %run_scoped3A = tpu.sem_alloc : memref<!tpu.dma_semaphore, #tpu.memory_space<semaphore_mem>>
        %dma_start3A = arith.constant 0 : i32
        %dma_start3A_85 = tpu.memref_slice %arg3[%add3A_60, %dma_start3A] : memref<10240x128xf32, #tpu.memory_space<hbm>> -> memref<80x128xf32, #tpu.memory_space<hbm>>
        %dma_start3A_86 = arith.constant 0 : i32
        %dma_start3A_87 = tpu.memref_slice %arg3[%add3A_60, %dma_start3A_86] : memref<10240x128xf32, #tpu.memory_space<hbm>> -> memref<80x128xf32, #tpu.memory_space<hbm>>
        tpu.enqueue_dma source(%arg5 : memref<80x128xf32, #tpu.memory_space<vmem>>) target(%dma_start3A_87 : memref<80x128xf32, #tpu.memory_space<hbm>>) target_semaphore(%run_scoped3A : memref<!tpu.dma_semaphore, #tpu.memory_space<semaphore_mem>>)
        %dma_wait3A = arith.constant 0 : i32
        %dma_wait3A_88 = tpu.memref_slice %arg3[%add3A_60, %dma_wait3A] : memref<10240x128xf32, #tpu.memory_space<hbm>> -> memref<80x128xf32, #tpu.memory_space<hbm>>
        %dma_wait3A_89 = arith.constant 0 : i32
        %dma_wait3A_90 = tpu.memref_slice %arg3[%add3A_60, %dma_wait3A_89] : memref<10240x128xf32, #tpu.memory_space<hbm>> -> memref<80x128xf32, #tpu.memory_space<hbm>>
        tpu.wait_dma2 semaphore(%run_scoped3A : memref<!tpu.dma_semaphore, #tpu.memory_space<semaphore_mem>>) src(%arg5 : memref<80x128xf32, #tpu.memory_space<vmem>>) dst(%dma_wait3A_90 : memref<80x128xf32, #tpu.memory_space<hbm>>)
        tpu.yield
      }) : () -> ()
      %mul3A_61 = arith.constant 640 : i32
      %mul3A_62 = arith.muli %arg1, %mul3A_61 : i32
      %add3A_63 = arith.constant 160 : i32
      %add3A_64 = arith.addi %mul3A_62, %add3A_63 : i32
      "tpu.region"() ({
        %run_scoped3A = tpu.sem_alloc : memref<!tpu.dma_semaphore, #tpu.memory_space<semaphore_mem>>
        %dma_start3A = arith.constant 0 : i32
        %dma_start3A_85 = tpu.memref_slice %arg6[%add3A_64, %dma_start3A] : memref<10240x128xf32, #tpu.memory_space<vmem_shared>> -> memref<80x128xf32, #tpu.memory_space<vmem_shared>>
        %dma_start3A_86 = arith.constant 0 : i32
        %dma_start3A_87 = tpu.memref_slice %arg6[%add3A_64, %dma_start3A_86] : memref<10240x128xf32, #tpu.memory_space<vmem_shared>> -> memref<80x128xf32, #tpu.memory_space<vmem_shared>>
        tpu.enqueue_dma source(%dma_start3A_87 : memref<80x128xf32, #tpu.memory_space<vmem_shared>>) target(%arg5 : memref<80x128xf32, #tpu.memory_space<vmem>>) target_semaphore(%run_scoped3A : memref<!tpu.dma_semaphore, #tpu.memory_space<semaphore_mem>>)
        %dma_wait3A = arith.constant 0 : i32
        %dma_wait3A_88 = tpu.memref_slice %arg6[%add3A_64, %dma_wait3A] : memref<10240x128xf32, #tpu.memory_space<vmem_shared>> -> memref<80x128xf32, #tpu.memory_space<vmem_shared>>
        %dma_wait3A_89 = arith.constant 0 : i32
        %dma_wait3A_90 = tpu.memref_slice %arg6[%add3A_64, %dma_wait3A_89] : memref<10240x128xf32, #tpu.memory_space<vmem_shared>> -> memref<80x128xf32, #tpu.memory_space<vmem_shared>>
        tpu.wait_dma2 semaphore(%run_scoped3A : memref<!tpu.dma_semaphore, #tpu.memory_space<semaphore_mem>>) src(%dma_wait3A_90 : memref<80x128xf32, #tpu.memory_space<vmem_shared>>) dst(%arg5 : memref<80x128xf32, #tpu.memory_space<vmem>>)
        tpu.yield
      }) : () -> ()
      "tpu.region"() ({
        %run_scoped3A = tpu.sem_alloc : memref<!tpu.dma_semaphore, #tpu.memory_space<semaphore_mem>>
        %dma_start3A = arith.constant 0 : i32
        %dma_start3A_85 = tpu.memref_slice %arg3[%add3A_64, %dma_start3A] : memref<10240x128xf32, #tpu.memory_space<hbm>> -> memref<80x128xf32, #tpu.memory_space<hbm>>
        %dma_start3A_86 = arith.constant 0 : i32
        %dma_start3A_87 = tpu.memref_slice %arg3[%add3A_64, %dma_start3A_86] : memref<10240x128xf32, #tpu.memory_space<hbm>> -> memref<80x128xf32, #tpu.memory_space<hbm>>
        tpu.enqueue_dma source(%arg5 : memref<80x128xf32, #tpu.memory_space<vmem>>) target(%dma_start3A_87 : memref<80x128xf32, #tpu.memory_space<hbm>>) target_semaphore(%run_scoped3A : memref<!tpu.dma_semaphore, #tpu.memory_space<semaphore_mem>>)
        %dma_wait3A = arith.constant 0 : i32
        %dma_wait3A_88 = tpu.memref_slice %arg3[%add3A_64, %dma_wait3A] : memref<10240x128xf32, #tpu.memory_space<hbm>> -> memref<80x128xf32, #tpu.memory_space<hbm>>
        %dma_wait3A_89 = arith.constant 0 : i32
        %dma_wait3A_90 = tpu.memref_slice %arg3[%add3A_64, %dma_wait3A_89] : memref<10240x128xf32, #tpu.memory_space<hbm>> -> memref<80x128xf32, #tpu.memory_space<hbm>>
        tpu.wait_dma2 semaphore(%run_scoped3A : memref<!tpu.dma_semaphore, #tpu.memory_space<semaphore_mem>>) src(%arg5 : memref<80x128xf32, #tpu.memory_space<vmem>>) dst(%dma_wait3A_90 : memref<80x128xf32, #tpu.memory_space<hbm>>)
        tpu.yield
      }) : () -> ()
      %mul3A_65 = arith.constant 640 : i32
      %mul3A_66 = arith.muli %arg1, %mul3A_65 : i32
      %add3A_67 = arith.constant 240 : i32
      %add3A_68 = arith.addi %mul3A_66, %add3A_67 : i32
      "tpu.region"() ({
        %run_scoped3A = tpu.sem_alloc : memref<!tpu.dma_semaphore, #tpu.memory_space<semaphore_mem>>
        %dma_start3A = arith.constant 0 : i32
        %dma_start3A_85 = tpu.memref_slice %arg6[%add3A_68, %dma_start3A] : memref<10240x128xf32, #tpu.memory_space<vmem_shared>> -> memref<80x128xf32, #tpu.memory_space<vmem_shared>>
        %dma_start3A_86 = arith.constant 0 : i32
        %dma_start3A_87 = tpu.memref_slice %arg6[%add3A_68, %dma_start3A_86] : memref<10240x128xf32, #tpu.memory_space<vmem_shared>> -> memref<80x128xf32, #tpu.memory_space<vmem_shared>>
        tpu.enqueue_dma source(%dma_start3A_87 : memref<80x128xf32, #tpu.memory_space<vmem_shared>>) target(%arg5 : memref<80x128xf32, #tpu.memory_space<vmem>>) target_semaphore(%run_scoped3A : memref<!tpu.dma_semaphore, #tpu.memory_space<semaphore_mem>>)
        %dma_wait3A = arith.constant 0 : i32
        %dma_wait3A_88 = tpu.memref_slice %arg6[%add3A_68, %dma_wait3A] : memref<10240x128xf32, #tpu.memory_space<vmem_shared>> -> memref<80x128xf32, #tpu.memory_space<vmem_shared>>
        %dma_wait3A_89 = arith.constant 0 : i32
        %dma_wait3A_90 = tpu.memref_slice %arg6[%add3A_68, %dma_wait3A_89] : memref<10240x128xf32, #tpu.memory_space<vmem_shared>> -> memref<80x128xf32, #tpu.memory_space<vmem_shared>>
        tpu.wait_dma2 semaphore(%run_scoped3A : memref<!tpu.dma_semaphore, #tpu.memory_space<semaphore_mem>>) src(%dma_wait3A_90 : memref<80x128xf32, #tpu.memory_space<vmem_shared>>) dst(%arg5 : memref<80x128xf32, #tpu.memory_space<vmem>>)
        tpu.yield
      }) : () -> ()
      "tpu.region"() ({
        %run_scoped3A = tpu.sem_alloc : memref<!tpu.dma_semaphore, #tpu.memory_space<semaphore_mem>>
        %dma_start3A = arith.constant 0 : i32
        %dma_start3A_85 = tpu.memref_slice %arg3[%add3A_68, %dma_start3A] : memref<10240x128xf32, #tpu.memory_space<hbm>> -> memref<80x128xf32, #tpu.memory_space<hbm>>
        %dma_start3A_86 = arith.constant 0 : i32
        %dma_start3A_87 = tpu.memref_slice %arg3[%add3A_68, %dma_start3A_86] : memref<10240x128xf32, #tpu.memory_space<hbm>> -> memref<80x128xf32, #tpu.memory_space<hbm>>
        tpu.enqueue_dma source(%arg5 : memref<80x128xf32, #tpu.memory_space<vmem>>) target(%dma_start3A_87 : memref<80x128xf32, #tpu.memory_space<hbm>>) target_semaphore(%run_scoped3A : memref<!tpu.dma_semaphore, #tpu.memory_space<semaphore_mem>>)
        %dma_wait3A = arith.constant 0 : i32
        %dma_wait3A_88 = tpu.memref_slice %arg3[%add3A_68, %dma_wait3A] : memref<10240x128xf32, #tpu.memory_space<hbm>> -> memref<80x128xf32, #tpu.memory_space<hbm>>
        %dma_wait3A_89 = arith.constant 0 : i32
        %dma_wait3A_90 = tpu.memref_slice %arg3[%add3A_68, %dma_wait3A_89] : memref<10240x128xf32, #tpu.memory_space<hbm>> -> memref<80x128xf32, #tpu.memory_space<hbm>>
        tpu.wait_dma2 semaphore(%run_scoped3A : memref<!tpu.dma_semaphore, #tpu.memory_space<semaphore_mem>>) src(%arg5 : memref<80x128xf32, #tpu.memory_space<vmem>>) dst(%dma_wait3A_90 : memref<80x128xf32, #tpu.memory_space<hbm>>)
        tpu.yield
      }) : () -> ()
      %mul3A_69 = arith.constant 640 : i32
      %mul3A_70 = arith.muli %arg1, %mul3A_69 : i32
      %add3A_71 = arith.constant 320 : i32
      %add3A_72 = arith.addi %mul3A_70, %add3A_71 : i32
      "tpu.region"() ({
        %run_scoped3A = tpu.sem_alloc : memref<!tpu.dma_semaphore, #tpu.memory_space<semaphore_mem>>
        %dma_start3A = arith.constant 0 : i32
        %dma_start3A_85 = tpu.memref_slice %arg6[%add3A_72, %dma_start3A] : memref<10240x128xf32, #tpu.memory_space<vmem_shared>> -> memref<80x128xf32, #tpu.memory_space<vmem_shared>>
        %dma_start3A_86 = arith.constant 0 : i32
        %dma_start3A_87 = tpu.memref_slice %arg6[%add3A_72, %dma_start3A_86] : memref<10240x128xf32, #tpu.memory_space<vmem_shared>> -> memref<80x128xf32, #tpu.memory_space<vmem_shared>>
        tpu.enqueue_dma source(%dma_start3A_87 : memref<80x128xf32, #tpu.memory_space<vmem_shared>>) target(%arg5 : memref<80x128xf32, #tpu.memory_space<vmem>>) target_semaphore(%run_scoped3A : memref<!tpu.dma_semaphore, #tpu.memory_space<semaphore_mem>>)
        %dma_wait3A = arith.constant 0 : i32
        %dma_wait3A_88 = tpu.memref_slice %arg6[%add3A_72, %dma_wait3A] : memref<10240x128xf32, #tpu.memory_space<vmem_shared>> -> memref<80x128xf32, #tpu.memory_space<vmem_shared>>
        %dma_wait3A_89 = arith.constant 0 : i32
        %dma_wait3A_90 = tpu.memref_slice %arg6[%add3A_72, %dma_wait3A_89] : memref<10240x128xf32, #tpu.memory_space<vmem_shared>> -> memref<80x128xf32, #tpu.memory_space<vmem_shared>>
        tpu.wait_dma2 semaphore(%run_scoped3A : memref<!tpu.dma_semaphore, #tpu.memory_space<semaphore_mem>>) src(%dma_wait3A_90 : memref<80x128xf32, #tpu.memory_space<vmem_shared>>) dst(%arg5 : memref<80x128xf32, #tpu.memory_space<vmem>>)
        tpu.yield
      }) : () -> ()
      "tpu.region"() ({
        %run_scoped3A = tpu.sem_alloc : memref<!tpu.dma_semaphore, #tpu.memory_space<semaphore_mem>>
        %dma_start3A = arith.constant 0 : i32
        %dma_start3A_85 = tpu.memref_slice %arg3[%add3A_72, %dma_start3A] : memref<10240x128xf32, #tpu.memory_space<hbm>> -> memref<80x128xf32, #tpu.memory_space<hbm>>
        %dma_start3A_86 = arith.constant 0 : i32
        %dma_start3A_87 = tpu.memref_slice %arg3[%add3A_72, %dma_start3A_86] : memref<10240x128xf32, #tpu.memory_space<hbm>> -> memref<80x128xf32, #tpu.memory_space<hbm>>
        tpu.enqueue_dma source(%arg5 : memref<80x128xf32, #tpu.memory_space<vmem>>) target(%dma_start3A_87 : memref<80x128xf32, #tpu.memory_space<hbm>>) target_semaphore(%run_scoped3A : memref<!tpu.dma_semaphore, #tpu.memory_space<semaphore_mem>>)
        %dma_wait3A = arith.constant 0 : i32
        %dma_wait3A_88 = tpu.memref_slice %arg3[%add3A_72, %dma_wait3A] : memref<10240x128xf32, #tpu.memory_space<hbm>> -> memref<80x128xf32, #tpu.memory_space<hbm>>
        %dma_wait3A_89 = arith.constant 0 : i32
        %dma_wait3A_90 = tpu.memref_slice %arg3[%add3A_72, %dma_wait3A_89] : memref<10240x128xf32, #tpu.memory_space<hbm>> -> memref<80x128xf32, #tpu.memory_space<hbm>>
        tpu.wait_dma2 semaphore(%run_scoped3A : memref<!tpu.dma_semaphore, #tpu.memory_space<semaphore_mem>>) src(%arg5 : memref<80x128xf32, #tpu.memory_space<vmem>>) dst(%dma_wait3A_90 : memref<80x128xf32, #tpu.memory_space<hbm>>)
        tpu.yield
      }) : () -> ()
      %mul3A_73 = arith.constant 640 : i32
      %mul3A_74 = arith.muli %arg1, %mul3A_73 : i32
      %add3A_75 = arith.constant 400 : i32
      %add3A_76 = arith.addi %mul3A_74, %add3A_75 : i32
      "tpu.region"() ({
        %run_scoped3A = tpu.sem_alloc : memref<!tpu.dma_semaphore, #tpu.memory_space<semaphore_mem>>
        %dma_start3A = arith.constant 0 : i32
        %dma_start3A_85 = tpu.memref_slice %arg6[%add3A_76, %dma_start3A] : memref<10240x128xf32, #tpu.memory_space<vmem_shared>> -> memref<80x128xf32, #tpu.memory_space<vmem_shared>>
        %dma_start3A_86 = arith.constant 0 : i32
        %dma_start3A_87 = tpu.memref_slice %arg6[%add3A_76, %dma_start3A_86] : memref<10240x128xf32, #tpu.memory_space<vmem_shared>> -> memref<80x128xf32, #tpu.memory_space<vmem_shared>>
        tpu.enqueue_dma source(%dma_start3A_87 : memref<80x128xf32, #tpu.memory_space<vmem_shared>>) target(%arg5 : memref<80x128xf32, #tpu.memory_space<vmem>>) target_semaphore(%run_scoped3A : memref<!tpu.dma_semaphore, #tpu.memory_space<semaphore_mem>>)
        %dma_wait3A = arith.constant 0 : i32
        %dma_wait3A_88 = tpu.memref_slice %arg6[%add3A_76, %dma_wait3A] : memref<10240x128xf32, #tpu.memory_space<vmem_shared>> -> memref<80x128xf32, #tpu.memory_space<vmem_shared>>
        %dma_wait3A_89 = arith.constant 0 : i32
        %dma_wait3A_90 = tpu.memref_slice %arg6[%add3A_76, %dma_wait3A_89] : memref<10240x128xf32, #tpu.memory_space<vmem_shared>> -> memref<80x128xf32, #tpu.memory_space<vmem_shared>>
        tpu.wait_dma2 semaphore(%run_scoped3A : memref<!tpu.dma_semaphore, #tpu.memory_space<semaphore_mem>>) src(%dma_wait3A_90 : memref<80x128xf32, #tpu.memory_space<vmem_shared>>) dst(%arg5 : memref<80x128xf32, #tpu.memory_space<vmem>>)
        tpu.yield
      }) : () -> ()
      "tpu.region"() ({
        %run_scoped3A = tpu.sem_alloc : memref<!tpu.dma_semaphore, #tpu.memory_space<semaphore_mem>>
        %dma_start3A = arith.constant 0 : i32
        %dma_start3A_85 = tpu.memref_slice %arg3[%add3A_76, %dma_start3A] : memref<10240x128xf32, #tpu.memory_space<hbm>> -> memref<80x128xf32, #tpu.memory_space<hbm>>
        %dma_start3A_86 = arith.constant 0 : i32
        %dma_start3A_87 = tpu.memref_slice %arg3[%add3A_76, %dma_start3A_86] : memref<10240x128xf32, #tpu.memory_space<hbm>> -> memref<80x128xf32, #tpu.memory_space<hbm>>
        tpu.enqueue_dma source(%arg5 : memref<80x128xf32, #tpu.memory_space<vmem>>) target(%dma_start3A_87 : memref<80x128xf32, #tpu.memory_space<hbm>>) target_semaphore(%run_scoped3A : memref<!tpu.dma_semaphore, #tpu.memory_space<semaphore_mem>>)
        %dma_wait3A = arith.constant 0 : i32
        %dma_wait3A_88 = tpu.memref_slice %arg3[%add3A_76, %dma_wait3A] : memref<10240x128xf32, #tpu.memory_space<hbm>> -> memref<80x128xf32, #tpu.memory_space<hbm>>
        %dma_wait3A_89 = arith.constant 0 : i32
        %dma_wait3A_90 = tpu.memref_slice %arg3[%add3A_76, %dma_wait3A_89] : memref<10240x128xf32, #tpu.memory_space<hbm>> -> memref<80x128xf32, #tpu.memory_space<hbm>>
        tpu.wait_dma2 semaphore(%run_scoped3A : memref<!tpu.dma_semaphore, #tpu.memory_space<semaphore_mem>>) src(%arg5 : memref<80x128xf32, #tpu.memory_space<vmem>>) dst(%dma_wait3A_90 : memref<80x128xf32, #tpu.memory_space<hbm>>)
        tpu.yield
      }) : () -> ()
      %mul3A_77 = arith.constant 640 : i32
      %mul3A_78 = arith.muli %arg1, %mul3A_77 : i32
      %add3A_79 = arith.constant 480 : i32
      %add3A_80 = arith.addi %mul3A_78, %add3A_79 : i32
      "tpu.region"() ({
        %run_scoped3A = tpu.sem_alloc : memref<!tpu.dma_semaphore, #tpu.memory_space<semaphore_mem>>
        %dma_start3A = arith.constant 0 : i32
        %dma_start3A_85 = tpu.memref_slice %arg6[%add3A_80, %dma_start3A] : memref<10240x128xf32, #tpu.memory_space<vmem_shared>> -> memref<80x128xf32, #tpu.memory_space<vmem_shared>>
        %dma_start3A_86 = arith.constant 0 : i32
        %dma_start3A_87 = tpu.memref_slice %arg6[%add3A_80, %dma_start3A_86] : memref<10240x128xf32, #tpu.memory_space<vmem_shared>> -> memref<80x128xf32, #tpu.memory_space<vmem_shared>>
        tpu.enqueue_dma source(%dma_start3A_87 : memref<80x128xf32, #tpu.memory_space<vmem_shared>>) target(%arg5 : memref<80x128xf32, #tpu.memory_space<vmem>>) target_semaphore(%run_scoped3A : memref<!tpu.dma_semaphore, #tpu.memory_space<semaphore_mem>>)
        %dma_wait3A = arith.constant 0 : i32
        %dma_wait3A_88 = tpu.memref_slice %arg6[%add3A_80, %dma_wait3A] : memref<10240x128xf32, #tpu.memory_space<vmem_shared>> -> memref<80x128xf32, #tpu.memory_space<vmem_shared>>
        %dma_wait3A_89 = arith.constant 0 : i32
        %dma_wait3A_90 = tpu.memref_slice %arg6[%add3A_80, %dma_wait3A_89] : memref<10240x128xf32, #tpu.memory_space<vmem_shared>> -> memref<80x128xf32, #tpu.memory_space<vmem_shared>>
        tpu.wait_dma2 semaphore(%run_scoped3A : memref<!tpu.dma_semaphore, #tpu.memory_space<semaphore_mem>>) src(%dma_wait3A_90 : memref<80x128xf32, #tpu.memory_space<vmem_shared>>) dst(%arg5 : memref<80x128xf32, #tpu.memory_space<vmem>>)
        tpu.yield
      }) : () -> ()
      "tpu.region"() ({
        %run_scoped3A = tpu.sem_alloc : memref<!tpu.dma_semaphore, #tpu.memory_space<semaphore_mem>>
        %dma_start3A = arith.constant 0 : i32
        %dma_start3A_85 = tpu.memref_slice %arg3[%add3A_80, %dma_start3A] : memref<10240x128xf32, #tpu.memory_space<hbm>> -> memref<80x128xf32, #tpu.memory_space<hbm>>
        %dma_start3A_86 = arith.constant 0 : i32
        %dma_start3A_87 = tpu.memref_slice %arg3[%add3A_80, %dma_start3A_86] : memref<10240x128xf32, #tpu.memory_space<hbm>> -> memref<80x128xf32, #tpu.memory_space<hbm>>
        tpu.enqueue_dma source(%arg5 : memref<80x128xf32, #tpu.memory_space<vmem>>) target(%dma_start3A_87 : memref<80x128xf32, #tpu.memory_space<hbm>>) target_semaphore(%run_scoped3A : memref<!tpu.dma_semaphore, #tpu.memory_space<semaphore_mem>>)
        %dma_wait3A = arith.constant 0 : i32
        %dma_wait3A_88 = tpu.memref_slice %arg3[%add3A_80, %dma_wait3A] : memref<10240x128xf32, #tpu.memory_space<hbm>> -> memref<80x128xf32, #tpu.memory_space<hbm>>
        %dma_wait3A_89 = arith.constant 0 : i32
        %dma_wait3A_90 = tpu.memref_slice %arg3[%add3A_80, %dma_wait3A_89] : memref<10240x128xf32, #tpu.memory_space<hbm>> -> memref<80x128xf32, #tpu.memory_space<hbm>>
        tpu.wait_dma2 semaphore(%run_scoped3A : memref<!tpu.dma_semaphore, #tpu.memory_space<semaphore_mem>>) src(%arg5 : memref<80x128xf32, #tpu.memory_space<vmem>>) dst(%dma_wait3A_90 : memref<80x128xf32, #tpu.memory_space<hbm>>)
        tpu.yield
      }) : () -> ()
      %mul3A_81 = arith.constant 640 : i32
      %mul3A_82 = arith.muli %arg1, %mul3A_81 : i32
      %add3A_83 = arith.constant 560 : i32
      %add3A_84 = arith.addi %mul3A_82, %add3A_83 : i32
      "tpu.region"() ({
        %run_scoped3A = tpu.sem_alloc : memref<!tpu.dma_semaphore, #tpu.memory_space<semaphore_mem>>
        %dma_start3A = arith.constant 0 : i32
        %dma_start3A_85 = tpu.memref_slice %arg6[%add3A_84, %dma_start3A] : memref<10240x128xf32, #tpu.memory_space<vmem_shared>> -> memref<80x128xf32, #tpu.memory_space<vmem_shared>>
        %dma_start3A_86 = arith.constant 0 : i32
        %dma_start3A_87 = tpu.memref_slice %arg6[%add3A_84, %dma_start3A_86] : memref<10240x128xf32, #tpu.memory_space<vmem_shared>> -> memref<80x128xf32, #tpu.memory_space<vmem_shared>>
        tpu.enqueue_dma source(%dma_start3A_87 : memref<80x128xf32, #tpu.memory_space<vmem_shared>>) target(%arg5 : memref<80x128xf32, #tpu.memory_space<vmem>>) target_semaphore(%run_scoped3A : memref<!tpu.dma_semaphore, #tpu.memory_space<semaphore_mem>>)
        %dma_wait3A = arith.constant 0 : i32
        %dma_wait3A_88 = tpu.memref_slice %arg6[%add3A_84, %dma_wait3A] : memref<10240x128xf32, #tpu.memory_space<vmem_shared>> -> memref<80x128xf32, #tpu.memory_space<vmem_shared>>
        %dma_wait3A_89 = arith.constant 0 : i32
        %dma_wait3A_90 = tpu.memref_slice %arg6[%add3A_84, %dma_wait3A_89] : memref<10240x128xf32, #tpu.memory_space<vmem_shared>> -> memref<80x128xf32, #tpu.memory_space<vmem_shared>>
        tpu.wait_dma2 semaphore(%run_scoped3A : memref<!tpu.dma_semaphore, #tpu.memory_space<semaphore_mem>>) src(%dma_wait3A_90 : memref<80x128xf32, #tpu.memory_space<vmem_shared>>) dst(%arg5 : memref<80x128xf32, #tpu.memory_space<vmem>>)
        tpu.yield
      }) : () -> ()
      "tpu.region"() ({
        %run_scoped3A = tpu.sem_alloc : memref<!tpu.dma_semaphore, #tpu.memory_space<semaphore_mem>>
        %dma_start3A = arith.constant 0 : i32
        %dma_start3A_85 = tpu.memref_slice %arg3[%add3A_84, %dma_start3A] : memref<10240x128xf32, #tpu.memory_space<hbm>> -> memref<80x128xf32, #tpu.memory_space<hbm>>
        %dma_start3A_86 = arith.constant 0 : i32
        %dma_start3A_87 = tpu.memref_slice %arg3[%add3A_84, %dma_start3A_86] : memref<10240x128xf32, #tpu.memory_space<hbm>> -> memref<80x128xf32, #tpu.memory_space<hbm>>
        tpu.enqueue_dma source(%arg5 : memref<80x128xf32, #tpu.memory_space<vmem>>) target(%dma_start3A_87 : memref<80x128xf32, #tpu.memory_space<hbm>>) target_semaphore(%run_scoped3A : memref<!tpu.dma_semaphore, #tpu.memory_space<semaphore_mem>>)
        %dma_wait3A = arith.constant 0 : i32
        %dma_wait3A_88 = tpu.memref_slice %arg3[%add3A_84, %dma_wait3A] : memref<10240x128xf32, #tpu.memory_space<hbm>> -> memref<80x128xf32, #tpu.memory_space<hbm>>
        %dma_wait3A_89 = arith.constant 0 : i32
        %dma_wait3A_90 = tpu.memref_slice %arg3[%add3A_84, %dma_wait3A_89] : memref<10240x128xf32, #tpu.memory_space<hbm>> -> memref<80x128xf32, #tpu.memory_space<hbm>>
        tpu.wait_dma2 semaphore(%run_scoped3A : memref<!tpu.dma_semaphore, #tpu.memory_space<semaphore_mem>>) src(%arg5 : memref<80x128xf32, #tpu.memory_space<vmem>>) dst(%dma_wait3A_90 : memref<80x128xf32, #tpu.memory_space<hbm>>)
        tpu.yield
      }) : () -> ()
    } else {
    }
    return
  }
}

#map = affine_map<(d0, d1) -> (0, 0)>
#map1 = affine_map<(d0, d1) -> (0)>
module attributes {stable_mosaic.version = 14 : i64} {
  func.func @k(%arg0: i32, %arg1: i32, %arg2: memref<20000x128xf32, #tpu.memory_space<hbm>>, %arg3: memref<160000xi32, #tpu.memory_space<hbm>>, %arg4: memref<160000xi32, #tpu.memory_space<hbm>>, %arg5: memref<20480x128xf32, #tpu.memory_space<hbm>>, %arg6: memref<80xi32, #tpu.memory_space<vmem>>, %arg7: memref<80xi32, #tpu.memory_space<vmem>>, %arg8: memref<80x128xf32, #tpu.memory_space<vmem>>, %arg9: memref<10240x128xf32, #tpu.memory_space<vmem_shared>>, %arg10: memref<!tpu.dma_semaphore, #tpu.memory_space<semaphore_mem>>) attributes {dimension_semantics = [#tpu.dimension_semantics<core_parallel>, #tpu.dimension_semantics<subcore_parallel>], iteration_bounds = array<i64: 2, 16>, scalar_prefetch = 0 : i64, scratch_operands = 5 : i64, tpu.core_type = #tpu.core_type<sc_vector_subcore>, window_params = [{transform_indices = #map}, {transform_indices = #map1}, {transform_indices = #map1}, {transform_indices = #map}]} {
    %mul3A = arith.constant 10000 : i32
    %mul3A_0 = arith.muli %arg1, %mul3A : i32
    %mul3A_1 = arith.constant 10000 : i32
    %mul3A_2 = arith.muli %arg0, %mul3A_1 : i32
    %mul3A_3 = arith.constant 10240 : i32
    %mul3A_4 = arith.muli %arg0, %mul3A_3 : i32
    %scan3A = arith.constant 0 : i32
    %scan3A_5 = arith.constant 0 : i32
    %scan3A_6 = arith.constant 80 : i32
    %scan3A_7 = arith.addi %scan3A_5, %scan3A_6 : i32
    %scan3A_8 = arith.constant 1 : i32
    %scan3A_9 = scf.for %scan3A_90 = %scan3A_5 to %scan3A_7 step %scan3A_8 iter_args(%scan3A_91 = %scan3A) -> (i32)  : i32 {
      %broadcast_in_dim3A = arith.constant 0.000000e+00 : f32
      %broadcast_in_dim3A_92 = vector.broadcast %broadcast_in_dim3A : f32 to vector<16xf32>
      %swap3A = arith.index_cast %scan3A_90 : i32 to index
      %swap3A_93 = arith.constant 0 : index
      %swap3A_94 = tpu.vector_load %arg8[%swap3A, %swap3A_93] {strides = array<i32>} : memref<80x128xf32, #tpu.memory_space<vmem>>, vector<1x16xf32>,
      %swap3A_95 = vector.shape_cast %swap3A_94 : vector<1x16xf32> to vector<16xf32>
      %swap3A_96 = vector.shape_cast %broadcast_in_dim3A_92 : vector<16xf32> to vector<1x16xf32>
      tpu.vector_store %arg8[%swap3A, %swap3A_93], %swap3A_96 {strides = array<i32>} : memref<80x128xf32, #tpu.memory_space<vmem>>, vector<1x16xf32>,
      %broadcast_in_dim3A_97 = arith.constant 0.000000e+00 : f32
      %broadcast_in_dim3A_98 = vector.broadcast %broadcast_in_dim3A_97 : f32 to vector<16xf32>
      %swap3A_99 = arith.index_cast %scan3A_90 : i32 to index
      %swap3A_100 = arith.constant 16 : index
      %swap3A_101 = tpu.vector_load %arg8[%swap3A_99, %swap3A_100] {strides = array<i32>} : memref<80x128xf32, #tpu.memory_space<vmem>>, vector<1x16xf32>,
      %swap3A_102 = vector.shape_cast %swap3A_101 : vector<1x16xf32> to vector<16xf32>
      %swap3A_103 = vector.shape_cast %broadcast_in_dim3A_98 : vector<16xf32> to vector<1x16xf32>
      tpu.vector_store %arg8[%swap3A_99, %swap3A_100], %swap3A_103 {strides = array<i32>} : memref<80x128xf32, #tpu.memory_space<vmem>>, vector<1x16xf32>,
      %broadcast_in_dim3A_104 = arith.constant 0.000000e+00 : f32
      %broadcast_in_dim3A_105 = vector.broadcast %broadcast_in_dim3A_104 : f32 to vector<16xf32>
      %swap3A_106 = arith.index_cast %scan3A_90 : i32 to index
      %swap3A_107 = arith.constant 32 : index
      %swap3A_108 = tpu.vector_load %arg8[%swap3A_106, %swap3A_107] {strides = array<i32>} : memref<80x128xf32, #tpu.memory_space<vmem>>, vector<1x16xf32>,
      %swap3A_109 = vector.shape_cast %swap3A_108 : vector<1x16xf32> to vector<16xf32>
      %swap3A_110 = vector.shape_cast %broadcast_in_dim3A_105 : vector<16xf32> to vector<1x16xf32>
      tpu.vector_store %arg8[%swap3A_106, %swap3A_107], %swap3A_110 {strides = array<i32>} : memref<80x128xf32, #tpu.memory_space<vmem>>, vector<1x16xf32>,
      %broadcast_in_dim3A_111 = arith.constant 0.000000e+00 : f32
      %broadcast_in_dim3A_112 = vector.broadcast %broadcast_in_dim3A_111 : f32 to vector<16xf32>
      %swap3A_113 = arith.index_cast %scan3A_90 : i32 to index
      %swap3A_114 = arith.constant 48 : index
      %swap3A_115 = tpu.vector_load %arg8[%swap3A_113, %swap3A_114] {strides = array<i32>} : memref<80x128xf32, #tpu.memory_space<vmem>>, vector<1x16xf32>,
      %swap3A_116 = vector.shape_cast %swap3A_115 : vector<1x16xf32> to vector<16xf32>
      %swap3A_117 = vector.shape_cast %broadcast_in_dim3A_112 : vector<16xf32> to vector<1x16xf32>
      tpu.vector_store %arg8[%swap3A_113, %swap3A_114], %swap3A_117 {strides = array<i32>} : memref<80x128xf32, #tpu.memory_space<vmem>>, vector<1x16xf32>,
      %broadcast_in_dim3A_118 = arith.constant 0.000000e+00 : f32
      %broadcast_in_dim3A_119 = vector.broadcast %broadcast_in_dim3A_118 : f32 to vector<16xf32>
      %swap3A_120 = arith.index_cast %scan3A_90 : i32 to index
      %swap3A_121 = arith.constant 64 : index
      %swap3A_122 = tpu.vector_load %arg8[%swap3A_120, %swap3A_121] {strides = array<i32>} : memref<80x128xf32, #tpu.memory_space<vmem>>, vector<1x16xf32>,
      %swap3A_123 = vector.shape_cast %swap3A_122 : vector<1x16xf32> to vector<16xf32>
      %swap3A_124 = vector.shape_cast %broadcast_in_dim3A_119 : vector<16xf32> to vector<1x16xf32>
      tpu.vector_store %arg8[%swap3A_120, %swap3A_121], %swap3A_124 {strides = array<i32>} : memref<80x128xf32, #tpu.memory_space<vmem>>, vector<1x16xf32>,
      %broadcast_in_dim3A_125 = arith.constant 0.000000e+00 : f32
      %broadcast_in_dim3A_126 = vector.broadcast %broadcast_in_dim3A_125 : f32 to vector<16xf32>
      %swap3A_127 = arith.index_cast %scan3A_90 : i32 to index
      %swap3A_128 = arith.constant 80 : index
      %swap3A_129 = tpu.vector_load %arg8[%swap3A_127, %swap3A_128] {strides = array<i32>} : memref<80x128xf32, #tpu.memory_space<vmem>>, vector<1x16xf32>,
      %swap3A_130 = vector.shape_cast %swap3A_129 : vector<1x16xf32> to vector<16xf32>
      %swap3A_131 = vector.shape_cast %broadcast_in_dim3A_126 : vector<16xf32> to vector<1x16xf32>
      tpu.vector_store %arg8[%swap3A_127, %swap3A_128], %swap3A_131 {strides = array<i32>} : memref<80x128xf32, #tpu.memory_space<vmem>>, vector<1x16xf32>,
      %broadcast_in_dim3A_132 = arith.constant 0.000000e+00 : f32
      %broadcast_in_dim3A_133 = vector.broadcast %broadcast_in_dim3A_132 : f32 to vector<16xf32>
      %swap3A_134 = arith.index_cast %scan3A_90 : i32 to index
      %swap3A_135 = arith.constant 96 : index
      %swap3A_136 = tpu.vector_load %arg8[%swap3A_134, %swap3A_135] {strides = array<i32>} : memref<80x128xf32, #tpu.memory_space<vmem>>, vector<1x16xf32>,
      %swap3A_137 = vector.shape_cast %swap3A_136 : vector<1x16xf32> to vector<16xf32>
      %swap3A_138 = vector.shape_cast %broadcast_in_dim3A_133 : vector<16xf32> to vector<1x16xf32>
      tpu.vector_store %arg8[%swap3A_134, %swap3A_135], %swap3A_138 {strides = array<i32>} : memref<80x128xf32, #tpu.memory_space<vmem>>, vector<1x16xf32>,
      %broadcast_in_dim3A_139 = arith.constant 0.000000e+00 : f32
      %broadcast_in_dim3A_140 = vector.broadcast %broadcast_in_dim3A_139 : f32 to vector<16xf32>
      %swap3A_141 = arith.index_cast %scan3A_90 : i32 to index
      %swap3A_142 = arith.constant 112 : index
      %swap3A_143 = tpu.vector_load %arg8[%swap3A_141, %swap3A_142] {strides = array<i32>} : memref<80x128xf32, #tpu.memory_space<vmem>>, vector<1x16xf32>,
      %swap3A_144 = vector.shape_cast %swap3A_143 : vector<1x16xf32> to vector<16xf32>
      %swap3A_145 = vector.shape_cast %broadcast_in_dim3A_140 : vector<16xf32> to vector<1x16xf32>
      tpu.vector_store %arg8[%swap3A_141, %swap3A_142], %swap3A_145 {strides = array<i32>} : memref<80x128xf32, #tpu.memory_space<vmem>>, vector<1x16xf32>,
      %scan3A_146 = arith.constant 0 : i32
      scf.yield %scan3A_146 : i32
    }
    %scan3A_10 = arith.constant 80 : i32
    %mul3A_11 = arith.constant 640 : i32
    %mul3A_12 = arith.muli %arg1, %mul3A_11 : i32
    %add3A = arith.constant 0 : i32
    %add3A_13 = arith.addi %mul3A_12, %add3A : i32
    "tpu.region"() ({
      %run_scoped3A = tpu.sem_alloc : memref<!tpu.dma_semaphore, #tpu.memory_space<semaphore_mem>>
      %dma_start3A = arith.constant 0 : i32
      %dma_start3A_90 = tpu.memref_slice %arg9[%add3A_13, %dma_start3A] : memref<10240x128xf32, #tpu.memory_space<vmem_shared>> -> memref<80x128xf32, #tpu.memory_space<vmem_shared>>
      %dma_start3A_91 = arith.constant 0 : i32
      %dma_start3A_92 = tpu.memref_slice %arg9[%add3A_13, %dma_start3A_91] : memref<10240x128xf32, #tpu.memory_space<vmem_shared>> -> memref<80x128xf32, #tpu.memory_space<vmem_shared>>
      tpu.enqueue_dma source(%arg8 : memref<80x128xf32, #tpu.memory_space<vmem>>) target(%dma_start3A_92 : memref<80x128xf32, #tpu.memory_space<vmem_shared>>) target_semaphore(%run_scoped3A : memref<!tpu.dma_semaphore, #tpu.memory_space<semaphore_mem>>)
      %dma_wait3A = arith.constant 0 : i32
      %dma_wait3A_93 = tpu.memref_slice %arg9[%add3A_13, %dma_wait3A] : memref<10240x128xf32, #tpu.memory_space<vmem_shared>> -> memref<80x128xf32, #tpu.memory_space<vmem_shared>>
      %dma_wait3A_94 = arith.constant 0 : i32
      %dma_wait3A_95 = tpu.memref_slice %arg9[%add3A_13, %dma_wait3A_94] : memref<10240x128xf32, #tpu.memory_space<vmem_shared>> -> memref<80x128xf32, #tpu.memory_space<vmem_shared>>
      tpu.wait_dma2 semaphore(%run_scoped3A : memref<!tpu.dma_semaphore, #tpu.memory_space<semaphore_mem>>) src(%arg8 : memref<80x128xf32, #tpu.memory_space<vmem>>) dst(%dma_wait3A_95 : memref<80x128xf32, #tpu.memory_space<vmem_shared>>)
      tpu.yield
    }) : () -> ()
    %mul3A_14 = arith.constant 640 : i32
    %mul3A_15 = arith.muli %arg1, %mul3A_14 : i32
    %add3A_16 = arith.constant 80 : i32
    %add3A_17 = arith.addi %mul3A_15, %add3A_16 : i32
    "tpu.region"() ({
      %run_scoped3A = tpu.sem_alloc : memref<!tpu.dma_semaphore, #tpu.memory_space<semaphore_mem>>
      %dma_start3A = arith.constant 0 : i32
      %dma_start3A_90 = tpu.memref_slice %arg9[%add3A_17, %dma_start3A] : memref<10240x128xf32, #tpu.memory_space<vmem_shared>> -> memref<80x128xf32, #tpu.memory_space<vmem_shared>>
      %dma_start3A_91 = arith.constant 0 : i32
      %dma_start3A_92 = tpu.memref_slice %arg9[%add3A_17, %dma_start3A_91] : memref<10240x128xf32, #tpu.memory_space<vmem_shared>> -> memref<80x128xf32, #tpu.memory_space<vmem_shared>>
      tpu.enqueue_dma source(%arg8 : memref<80x128xf32, #tpu.memory_space<vmem>>) target(%dma_start3A_92 : memref<80x128xf32, #tpu.memory_space<vmem_shared>>) target_semaphore(%run_scoped3A : memref<!tpu.dma_semaphore, #tpu.memory_space<semaphore_mem>>)
      %dma_wait3A = arith.constant 0 : i32
      %dma_wait3A_93 = tpu.memref_slice %arg9[%add3A_17, %dma_wait3A] : memref<10240x128xf32, #tpu.memory_space<vmem_shared>> -> memref<80x128xf32, #tpu.memory_space<vmem_shared>>
      %dma_wait3A_94 = arith.constant 0 : i32
      %dma_wait3A_95 = tpu.memref_slice %arg9[%add3A_17, %dma_wait3A_94] : memref<10240x128xf32, #tpu.memory_space<vmem_shared>> -> memref<80x128xf32, #tpu.memory_space<vmem_shared>>
      tpu.wait_dma2 semaphore(%run_scoped3A : memref<!tpu.dma_semaphore, #tpu.memory_space<semaphore_mem>>) src(%arg8 : memref<80x128xf32, #tpu.memory_space<vmem>>) dst(%dma_wait3A_95 : memref<80x128xf32, #tpu.memory_space<vmem_shared>>)
      tpu.yield
    }) : () -> ()
    %mul3A_18 = arith.constant 640 : i32
    %mul3A_19 = arith.muli %arg1, %mul3A_18 : i32
    %add3A_20 = arith.constant 160 : i32
    %add3A_21 = arith.addi %mul3A_19, %add3A_20 : i32
    "tpu.region"() ({
      %run_scoped3A = tpu.sem_alloc : memref<!tpu.dma_semaphore, #tpu.memory_space<semaphore_mem>>
      %dma_start3A = arith.constant 0 : i32
      %dma_start3A_90 = tpu.memref_slice %arg9[%add3A_21, %dma_start3A] : memref<10240x128xf32, #tpu.memory_space<vmem_shared>> -> memref<80x128xf32, #tpu.memory_space<vmem_shared>>
      %dma_start3A_91 = arith.constant 0 : i32
      %dma_start3A_92 = tpu.memref_slice %arg9[%add3A_21, %dma_start3A_91] : memref<10240x128xf32, #tpu.memory_space<vmem_shared>> -> memref<80x128xf32, #tpu.memory_space<vmem_shared>>
      tpu.enqueue_dma source(%arg8 : memref<80x128xf32, #tpu.memory_space<vmem>>) target(%dma_start3A_92 : memref<80x128xf32, #tpu.memory_space<vmem_shared>>) target_semaphore(%run_scoped3A : memref<!tpu.dma_semaphore, #tpu.memory_space<semaphore_mem>>)
      %dma_wait3A = arith.constant 0 : i32
      %dma_wait3A_93 = tpu.memref_slice %arg9[%add3A_21, %dma_wait3A] : memref<10240x128xf32, #tpu.memory_space<vmem_shared>> -> memref<80x128xf32, #tpu.memory_space<vmem_shared>>
      %dma_wait3A_94 = arith.constant 0 : i32
      %dma_wait3A_95 = tpu.memref_slice %arg9[%add3A_21, %dma_wait3A_94] : memref<10240x128xf32, #tpu.memory_space<vmem_shared>> -> memref<80x128xf32, #tpu.memory_space<vmem_shared>>
      tpu.wait_dma2 semaphore(%run_scoped3A : memref<!tpu.dma_semaphore, #tpu.memory_space<semaphore_mem>>) src(%arg8 : memref<80x128xf32, #tpu.memory_space<vmem>>) dst(%dma_wait3A_95 : memref<80x128xf32, #tpu.memory_space<vmem_shared>>)
      tpu.yield
    }) : () -> ()
    %mul3A_22 = arith.constant 640 : i32
    %mul3A_23 = arith.muli %arg1, %mul3A_22 : i32
    %add3A_24 = arith.constant 240 : i32
    %add3A_25 = arith.addi %mul3A_23, %add3A_24 : i32
    "tpu.region"() ({
      %run_scoped3A = tpu.sem_alloc : memref<!tpu.dma_semaphore, #tpu.memory_space<semaphore_mem>>
      %dma_start3A = arith.constant 0 : i32
      %dma_start3A_90 = tpu.memref_slice %arg9[%add3A_25, %dma_start3A] : memref<10240x128xf32, #tpu.memory_space<vmem_shared>> -> memref<80x128xf32, #tpu.memory_space<vmem_shared>>
      %dma_start3A_91 = arith.constant 0 : i32
      %dma_start3A_92 = tpu.memref_slice %arg9[%add3A_25, %dma_start3A_91] : memref<10240x128xf32, #tpu.memory_space<vmem_shared>> -> memref<80x128xf32, #tpu.memory_space<vmem_shared>>
      tpu.enqueue_dma source(%arg8 : memref<80x128xf32, #tpu.memory_space<vmem>>) target(%dma_start3A_92 : memref<80x128xf32, #tpu.memory_space<vmem_shared>>) target_semaphore(%run_scoped3A : memref<!tpu.dma_semaphore, #tpu.memory_space<semaphore_mem>>)
      %dma_wait3A = arith.constant 0 : i32
      %dma_wait3A_93 = tpu.memref_slice %arg9[%add3A_25, %dma_wait3A] : memref<10240x128xf32, #tpu.memory_space<vmem_shared>> -> memref<80x128xf32, #tpu.memory_space<vmem_shared>>
      %dma_wait3A_94 = arith.constant 0 : i32
      %dma_wait3A_95 = tpu.memref_slice %arg9[%add3A_25, %dma_wait3A_94] : memref<10240x128xf32, #tpu.memory_space<vmem_shared>> -> memref<80x128xf32, #tpu.memory_space<vmem_shared>>
      tpu.wait_dma2 semaphore(%run_scoped3A : memref<!tpu.dma_semaphore, #tpu.memory_space<semaphore_mem>>) src(%arg8 : memref<80x128xf32, #tpu.memory_space<vmem>>) dst(%dma_wait3A_95 : memref<80x128xf32, #tpu.memory_space<vmem_shared>>)
      tpu.yield
    }) : () -> ()
    %mul3A_26 = arith.constant 640 : i32
    %mul3A_27 = arith.muli %arg1, %mul3A_26 : i32
    %add3A_28 = arith.constant 320 : i32
    %add3A_29 = arith.addi %mul3A_27, %add3A_28 : i32
    "tpu.region"() ({
      %run_scoped3A = tpu.sem_alloc : memref<!tpu.dma_semaphore, #tpu.memory_space<semaphore_mem>>
      %dma_start3A = arith.constant 0 : i32
      %dma_start3A_90 = tpu.memref_slice %arg9[%add3A_29, %dma_start3A] : memref<10240x128xf32, #tpu.memory_space<vmem_shared>> -> memref<80x128xf32, #tpu.memory_space<vmem_shared>>
      %dma_start3A_91 = arith.constant 0 : i32
      %dma_start3A_92 = tpu.memref_slice %arg9[%add3A_29, %dma_start3A_91] : memref<10240x128xf32, #tpu.memory_space<vmem_shared>> -> memref<80x128xf32, #tpu.memory_space<vmem_shared>>
      tpu.enqueue_dma source(%arg8 : memref<80x128xf32, #tpu.memory_space<vmem>>) target(%dma_start3A_92 : memref<80x128xf32, #tpu.memory_space<vmem_shared>>) target_semaphore(%run_scoped3A : memref<!tpu.dma_semaphore, #tpu.memory_space<semaphore_mem>>)
      %dma_wait3A = arith.constant 0 : i32
      %dma_wait3A_93 = tpu.memref_slice %arg9[%add3A_29, %dma_wait3A] : memref<10240x128xf32, #tpu.memory_space<vmem_shared>> -> memref<80x128xf32, #tpu.memory_space<vmem_shared>>
      %dma_wait3A_94 = arith.constant 0 : i32
      %dma_wait3A_95 = tpu.memref_slice %arg9[%add3A_29, %dma_wait3A_94] : memref<10240x128xf32, #tpu.memory_space<vmem_shared>> -> memref<80x128xf32, #tpu.memory_space<vmem_shared>>
      tpu.wait_dma2 semaphore(%run_scoped3A : memref<!tpu.dma_semaphore, #tpu.memory_space<semaphore_mem>>) src(%arg8 : memref<80x128xf32, #tpu.memory_space<vmem>>) dst(%dma_wait3A_95 : memref<80x128xf32, #tpu.memory_space<vmem_shared>>)
      tpu.yield
    }) : () -> ()
    %mul3A_30 = arith.constant 640 : i32
    %mul3A_31 = arith.muli %arg1, %mul3A_30 : i32
    %add3A_32 = arith.constant 400 : i32
    %add3A_33 = arith.addi %mul3A_31, %add3A_32 : i32
    "tpu.region"() ({
      %run_scoped3A = tpu.sem_alloc : memref<!tpu.dma_semaphore, #tpu.memory_space<semaphore_mem>>
      %dma_start3A = arith.constant 0 : i32
      %dma_start3A_90 = tpu.memref_slice %arg9[%add3A_33, %dma_start3A] : memref<10240x128xf32, #tpu.memory_space<vmem_shared>> -> memref<80x128xf32, #tpu.memory_space<vmem_shared>>
      %dma_start3A_91 = arith.constant 0 : i32
      %dma_start3A_92 = tpu.memref_slice %arg9[%add3A_33, %dma_start3A_91] : memref<10240x128xf32, #tpu.memory_space<vmem_shared>> -> memref<80x128xf32, #tpu.memory_space<vmem_shared>>
      tpu.enqueue_dma source(%arg8 : memref<80x128xf32, #tpu.memory_space<vmem>>) target(%dma_start3A_92 : memref<80x128xf32, #tpu.memory_space<vmem_shared>>) target_semaphore(%run_scoped3A : memref<!tpu.dma_semaphore, #tpu.memory_space<semaphore_mem>>)
      %dma_wait3A = arith.constant 0 : i32
      %dma_wait3A_93 = tpu.memref_slice %arg9[%add3A_33, %dma_wait3A] : memref<10240x128xf32, #tpu.memory_space<vmem_shared>> -> memref<80x128xf32, #tpu.memory_space<vmem_shared>>
      %dma_wait3A_94 = arith.constant 0 : i32
      %dma_wait3A_95 = tpu.memref_slice %arg9[%add3A_33, %dma_wait3A_94] : memref<10240x128xf32, #tpu.memory_space<vmem_shared>> -> memref<80x128xf32, #tpu.memory_space<vmem_shared>>
      tpu.wait_dma2 semaphore(%run_scoped3A : memref<!tpu.dma_semaphore, #tpu.memory_space<semaphore_mem>>) src(%arg8 : memref<80x128xf32, #tpu.memory_space<vmem>>) dst(%dma_wait3A_95 : memref<80x128xf32, #tpu.memory_space<vmem_shared>>)
      tpu.yield
    }) : () -> ()
    %mul3A_34 = arith.constant 640 : i32
    %mul3A_35 = arith.muli %arg1, %mul3A_34 : i32
    %add3A_36 = arith.constant 480 : i32
    %add3A_37 = arith.addi %mul3A_35, %add3A_36 : i32
    "tpu.region"() ({
      %run_scoped3A = tpu.sem_alloc : memref<!tpu.dma_semaphore, #tpu.memory_space<semaphore_mem>>
      %dma_start3A = arith.constant 0 : i32
      %dma_start3A_90 = tpu.memref_slice %arg9[%add3A_37, %dma_start3A] : memref<10240x128xf32, #tpu.memory_space<vmem_shared>> -> memref<80x128xf32, #tpu.memory_space<vmem_shared>>
      %dma_start3A_91 = arith.constant 0 : i32
      %dma_start3A_92 = tpu.memref_slice %arg9[%add3A_37, %dma_start3A_91] : memref<10240x128xf32, #tpu.memory_space<vmem_shared>> -> memref<80x128xf32, #tpu.memory_space<vmem_shared>>
      tpu.enqueue_dma source(%arg8 : memref<80x128xf32, #tpu.memory_space<vmem>>) target(%dma_start3A_92 : memref<80x128xf32, #tpu.memory_space<vmem_shared>>) target_semaphore(%run_scoped3A : memref<!tpu.dma_semaphore, #tpu.memory_space<semaphore_mem>>)
      %dma_wait3A = arith.constant 0 : i32
      %dma_wait3A_93 = tpu.memref_slice %arg9[%add3A_37, %dma_wait3A] : memref<10240x128xf32, #tpu.memory_space<vmem_shared>> -> memref<80x128xf32, #tpu.memory_space<vmem_shared>>
      %dma_wait3A_94 = arith.constant 0 : i32
      %dma_wait3A_95 = tpu.memref_slice %arg9[%add3A_37, %dma_wait3A_94] : memref<10240x128xf32, #tpu.memory_space<vmem_shared>> -> memref<80x128xf32, #tpu.memory_space<vmem_shared>>
      tpu.wait_dma2 semaphore(%run_scoped3A : memref<!tpu.dma_semaphore, #tpu.memory_space<semaphore_mem>>) src(%arg8 : memref<80x128xf32, #tpu.memory_space<vmem>>) dst(%dma_wait3A_95 : memref<80x128xf32, #tpu.memory_space<vmem_shared>>)
      tpu.yield
    }) : () -> ()
    %mul3A_38 = arith.constant 640 : i32
    %mul3A_39 = arith.muli %arg1, %mul3A_38 : i32
    %add3A_40 = arith.constant 560 : i32
    %add3A_41 = arith.addi %mul3A_39, %add3A_40 : i32
    "tpu.region"() ({
      %run_scoped3A = tpu.sem_alloc : memref<!tpu.dma_semaphore, #tpu.memory_space<semaphore_mem>>
      %dma_start3A = arith.constant 0 : i32
      %dma_start3A_90 = tpu.memref_slice %arg9[%add3A_41, %dma_start3A] : memref<10240x128xf32, #tpu.memory_space<vmem_shared>> -> memref<80x128xf32, #tpu.memory_space<vmem_shared>>
      %dma_start3A_91 = arith.constant 0 : i32
      %dma_start3A_92 = tpu.memref_slice %arg9[%add3A_41, %dma_start3A_91] : memref<10240x128xf32, #tpu.memory_space<vmem_shared>> -> memref<80x128xf32, #tpu.memory_space<vmem_shared>>
      tpu.enqueue_dma source(%arg8 : memref<80x128xf32, #tpu.memory_space<vmem>>) target(%dma_start3A_92 : memref<80x128xf32, #tpu.memory_space<vmem_shared>>) target_semaphore(%run_scoped3A : memref<!tpu.dma_semaphore, #tpu.memory_space<semaphore_mem>>)
      %dma_wait3A = arith.constant 0 : i32
      %dma_wait3A_93 = tpu.memref_slice %arg9[%add3A_41, %dma_wait3A] : memref<10240x128xf32, #tpu.memory_space<vmem_shared>> -> memref<80x128xf32, #tpu.memory_space<vmem_shared>>
      %dma_wait3A_94 = arith.constant 0 : i32
      %dma_wait3A_95 = tpu.memref_slice %arg9[%add3A_41, %dma_wait3A_94] : memref<10240x128xf32, #tpu.memory_space<vmem_shared>> -> memref<80x128xf32, #tpu.memory_space<vmem_shared>>
      tpu.wait_dma2 semaphore(%run_scoped3A : memref<!tpu.dma_semaphore, #tpu.memory_space<semaphore_mem>>) src(%arg8 : memref<80x128xf32, #tpu.memory_space<vmem>>) dst(%dma_wait3A_95 : memref<80x128xf32, #tpu.memory_space<vmem_shared>>)
      tpu.yield
    }) : () -> ()
    %barrier3A = arith.constant 0 : index
    tpu.barrier barrier_id(%barrier3A)
    %scan3A_42 = arith.constant 0 : i32
    %scan3A_43 = arith.constant 0 : i32
    %scan3A_44 = arith.constant 125 : i32
    %scan3A_45 = arith.addi %scan3A_43, %scan3A_44 : i32
    %scan3A_46 = arith.constant 1 : i32
    %scan3A_47 = scf.for %scan3A_90 = %scan3A_43 to %scan3A_45 step %scan3A_46 iter_args(%scan3A_91 = %scan3A_42) -> (i32)  : i32 {
      %mul3A_92 = arith.constant 80 : i32
      %mul3A_93 = arith.muli %scan3A_90, %mul3A_92 : i32
      %add3A_94 = arith.addi %mul3A_0, %mul3A_93 : i32
      "tpu.region"() ({
        %run_scoped3A = tpu.sem_alloc : memref<!tpu.dma_semaphore, #tpu.memory_space<semaphore_mem>>
        %dma_start3A_107 = tpu.memref_slice %arg3[%add3A_94] : memref<160000xi32, #tpu.memory_space<hbm>> -> memref<80xi32, #tpu.memory_space<hbm>>
        %dma_start3A_108 = tpu.memref_slice %arg3[%add3A_94] : memref<160000xi32, #tpu.memory_space<hbm>> -> memref<80xi32, #tpu.memory_space<hbm>>
        tpu.enqueue_dma source(%dma_start3A_108 : memref<80xi32, #tpu.memory_space<hbm>>) target(%arg6 : memref<80xi32, #tpu.memory_space<vmem>>) target_semaphore(%run_scoped3A : memref<!tpu.dma_semaphore, #tpu.memory_space<semaphore_mem>>)
        %dma_wait3A_109 = tpu.memref_slice %arg3[%add3A_94] : memref<160000xi32, #tpu.memory_space<hbm>> -> memref<80xi32, #tpu.memory_space<hbm>>
        %dma_wait3A_110 = tpu.memref_slice %arg3[%add3A_94] : memref<160000xi32, #tpu.memory_space<hbm>> -> memref<80xi32, #tpu.memory_space<hbm>>
        tpu.wait_dma2 semaphore(%run_scoped3A : memref<!tpu.dma_semaphore, #tpu.memory_space<semaphore_mem>>) src(%dma_wait3A_110 : memref<80xi32, #tpu.memory_space<hbm>>) dst(%arg6 : memref<80xi32, #tpu.memory_space<vmem>>)
        tpu.yield
      }) : () -> ()
      "tpu.region"() ({
        %run_scoped3A = tpu.sem_alloc : memref<!tpu.dma_semaphore, #tpu.memory_space<semaphore_mem>>
        %dma_start3A_107 = tpu.memref_slice %arg4[%add3A_94] : memref<160000xi32, #tpu.memory_space<hbm>> -> memref<80xi32, #tpu.memory_space<hbm>>
        %dma_start3A_108 = tpu.memref_slice %arg4[%add3A_94] : memref<160000xi32, #tpu.memory_space<hbm>> -> memref<80xi32, #tpu.memory_space<hbm>>
        tpu.enqueue_dma source(%dma_start3A_108 : memref<80xi32, #tpu.memory_space<hbm>>) target(%arg7 : memref<80xi32, #tpu.memory_space<vmem>>) target_semaphore(%run_scoped3A : memref<!tpu.dma_semaphore, #tpu.memory_space<semaphore_mem>>)
        %dma_wait3A_109 = tpu.memref_slice %arg4[%add3A_94] : memref<160000xi32, #tpu.memory_space<hbm>> -> memref<80xi32, #tpu.memory_space<hbm>>
        %dma_wait3A_110 = tpu.memref_slice %arg4[%add3A_94] : memref<160000xi32, #tpu.memory_space<hbm>> -> memref<80xi32, #tpu.memory_space<hbm>>
        tpu.wait_dma2 semaphore(%run_scoped3A : memref<!tpu.dma_semaphore, #tpu.memory_space<semaphore_mem>>) src(%dma_wait3A_110 : memref<80xi32, #tpu.memory_space<hbm>>) dst(%arg7 : memref<80xi32, #tpu.memory_space<vmem>>)
        tpu.yield
      }) : () -> ()
      %scan3A_95 = arith.constant 0 : i32
      %scan3A_96 = arith.constant 0 : i32
      %scan3A_97 = arith.constant 5 : i32
      %scan3A_98 = arith.addi %scan3A_96, %scan3A_97 : i32
      %scan3A_99 = arith.constant 1 : i32
      %scan3A_100 = scf.for %scan3A_107 = %scan3A_96 to %scan3A_98 step %scan3A_99 iter_args(%scan3A_108 = %scan3A_95) -> (i32)  : i32 {
        %mul3A_109 = arith.constant 16 : i32
        %mul3A_110 = arith.muli %mul3A_109, %scan3A_107 : i32
        %get3A = arith.index_cast %mul3A_110 : i32 to index
        %get3A_111 = tpu.vector_load %arg6[%get3A] {strides = array<i32>} : memref<80xi32, #tpu.memory_space<vmem>>, vector<16xi32>,
        %get3A_112 = vector.shape_cast %get3A_111 : vector<16xi32> to vector<16xi32>
        %broadcast_in_dim3A = vector.broadcast %mul3A_2 : i32 to vector<16xi32>
        %add3A_113 = arith.addi %get3A_112, %broadcast_in_dim3A : vector<16xi32>
        %swap3A = arith.index_cast %mul3A_110 : i32 to index
        %swap3A_114 = tpu.vector_load %arg6[%swap3A] {strides = array<i32>} : memref<80xi32, #tpu.memory_space<vmem>>, vector<16xi32>,
        %swap3A_115 = vector.shape_cast %swap3A_114 : vector<16xi32> to vector<16xi32>
        %swap3A_116 = vector.shape_cast %add3A_113 : vector<16xi32> to vector<16xi32>
        tpu.vector_store %arg6[%swap3A], %swap3A_116 {strides = array<i32>} : memref<80xi32, #tpu.memory_space<vmem>>, vector<16xi32>,
        %scan3A_117 = arith.constant 0 : i32
        scf.yield %scan3A_117 : i32
      }
      %scan3A_101 = arith.constant 5 : i32
      %dma_start3A = arith.constant 0 : i32
      %dma_start3A_102 = arith.constant 0 : i32
      %dma_start3A_103 = tpu.memref_slice %arg2[%dma_start3A, %dma_start3A_102] : memref<20000x128xf32, #tpu.memory_space<hbm>> -> memref<20000x128xf32, #tpu.memory_space<hbm>>
      tpu.enqueue_indirect_dma source(%dma_start3A_103 : memref<20000x128xf32, #tpu.memory_space<hbm>>) target(%arg8 : memref<80x128xf32, #tpu.memory_space<vmem>>) offsets(%arg6 : memref<80xi32, #tpu.memory_space<vmem>>) semaphore(%arg10 : memref<!tpu.dma_semaphore, #tpu.memory_space<semaphore_mem>>)
      %dma_wait3A = arith.constant 0 : i32
      %dma_wait3A_104 = arith.constant 0 : i32
      %dma_wait3A_105 = tpu.memref_slice %arg2[%dma_wait3A, %dma_wait3A_104] : memref<20000x128xf32, #tpu.memory_space<hbm>> -> memref<20000x128xf32, #tpu.memory_space<hbm>>
      tpu.wait_indirect_dma semaphore(%arg10 : memref<!tpu.dma_semaphore, #tpu.memory_space<semaphore_mem>>) src(%dma_wait3A_105 : memref<20000x128xf32, #tpu.memory_space<hbm>>) dst(%arg8 : memref<80x128xf32, #tpu.memory_space<vmem>>)
      "tpu.region"() ({
        %run_scoped3A = tpu.sem_alloc : memref<!tpu.dma_semaphore, #tpu.memory_space<semaphore_mem>>
        %dma_start3A_107 = arith.constant 0 : i32
        %dma_start3A_108 = arith.constant 0 : i32
        %dma_start3A_109 = tpu.memref_slice %arg9[%dma_start3A_107, %dma_start3A_108] : memref<10240x128xf32, #tpu.memory_space<vmem_shared>> -> memref<10240x128xf32, #tpu.memory_space<vmem_shared>>
        tpu.enqueue_indirect_dma source(%arg8 : memref<80x128xf32, #tpu.memory_space<vmem>>) target(%dma_start3A_109 : memref<10240x128xf32, #tpu.memory_space<vmem_shared>>) offsets(%arg7 : memref<80xi32, #tpu.memory_space<vmem>>) semaphore(%run_scoped3A : memref<!tpu.dma_semaphore, #tpu.memory_space<semaphore_mem>>) {add = true}
        %dma_wait3A_110 = arith.constant 0 : i32
        %dma_wait3A_111 = arith.constant 0 : i32
        %dma_wait3A_112 = tpu.memref_slice %arg9[%dma_wait3A_110, %dma_wait3A_111] : memref<10240x128xf32, #tpu.memory_space<vmem_shared>> -> memref<10240x128xf32, #tpu.memory_space<vmem_shared>>
        tpu.wait_indirect_dma semaphore(%run_scoped3A : memref<!tpu.dma_semaphore, #tpu.memory_space<semaphore_mem>>) src(%arg8 : memref<80x128xf32, #tpu.memory_space<vmem>>) dst(%dma_wait3A_112 : memref<10240x128xf32, #tpu.memory_space<vmem_shared>>)
        tpu.yield
      }) : () -> ()
      %scan3A_106 = arith.constant 0 : i32
      scf.yield %scan3A_106 : i32
    }
    %scan3A_48 = arith.constant 125 : i32
    %barrier3A_49 = arith.constant 0 : index
    tpu.barrier barrier_id(%barrier3A_49)
    %mul3A_50 = arith.constant 640 : i32
    %mul3A_51 = arith.muli %arg1, %mul3A_50 : i32
    %add3A_52 = arith.constant 0 : i32
    %add3A_53 = arith.addi %mul3A_51, %add3A_52 : i32
    "tpu.region"() ({
      %run_scoped3A = tpu.sem_alloc : memref<!tpu.dma_semaphore, #tpu.memory_space<semaphore_mem>>
      %dma_start3A = arith.constant 0 : i32
      %dma_start3A_90 = tpu.memref_slice %arg9[%add3A_53, %dma_start3A] : memref<10240x128xf32, #tpu.memory_space<vmem_shared>> -> memref<80x128xf32, #tpu.memory_space<vmem_shared>>
      %dma_start3A_91 = arith.constant 0 : i32
      %dma_start3A_92 = tpu.memref_slice %arg9[%add3A_53, %dma_start3A_91] : memref<10240x128xf32, #tpu.memory_space<vmem_shared>> -> memref<80x128xf32, #tpu.memory_space<vmem_shared>>
      tpu.enqueue_dma source(%dma_start3A_92 : memref<80x128xf32, #tpu.memory_space<vmem_shared>>) target(%arg8 : memref<80x128xf32, #tpu.memory_space<vmem>>) target_semaphore(%run_scoped3A : memref<!tpu.dma_semaphore, #tpu.memory_space<semaphore_mem>>)
      %dma_wait3A = arith.constant 0 : i32
      %dma_wait3A_93 = tpu.memref_slice %arg9[%add3A_53, %dma_wait3A] : memref<10240x128xf32, #tpu.memory_space<vmem_shared>> -> memref<80x128xf32, #tpu.memory_space<vmem_shared>>
      %dma_wait3A_94 = arith.constant 0 : i32
      %dma_wait3A_95 = tpu.memref_slice %arg9[%add3A_53, %dma_wait3A_94] : memref<10240x128xf32, #tpu.memory_space<vmem_shared>> -> memref<80x128xf32, #tpu.memory_space<vmem_shared>>
      tpu.wait_dma2 semaphore(%run_scoped3A : memref<!tpu.dma_semaphore, #tpu.memory_space<semaphore_mem>>) src(%dma_wait3A_95 : memref<80x128xf32, #tpu.memory_space<vmem_shared>>) dst(%arg8 : memref<80x128xf32, #tpu.memory_space<vmem>>)
      tpu.yield
    }) : () -> ()
    %add3A_54 = arith.addi %mul3A_4, %add3A_53 : i32
    "tpu.region"() ({
      %run_scoped3A = tpu.sem_alloc : memref<!tpu.dma_semaphore, #tpu.memory_space<semaphore_mem>>
      %dma_start3A = arith.constant 0 : i32
      %dma_start3A_90 = tpu.memref_slice %arg5[%add3A_54, %dma_start3A] : memref<20480x128xf32, #tpu.memory_space<hbm>> -> memref<80x128xf32, #tpu.memory_space<hbm>>
      %dma_start3A_91 = arith.constant 0 : i32
      %dma_start3A_92 = tpu.memref_slice %arg5[%add3A_54, %dma_start3A_91] : memref<20480x128xf32, #tpu.memory_space<hbm>> -> memref<80x128xf32, #tpu.memory_space<hbm>>
      tpu.enqueue_dma source(%arg8 : memref<80x128xf32, #tpu.memory_space<vmem>>) target(%dma_start3A_92 : memref<80x128xf32, #tpu.memory_space<hbm>>) target_semaphore(%run_scoped3A : memref<!tpu.dma_semaphore, #tpu.memory_space<semaphore_mem>>)
      %dma_wait3A = arith.constant 0 : i32
      %dma_wait3A_93 = tpu.memref_slice %arg5[%add3A_54, %dma_wait3A] : memref<20480x128xf32, #tpu.memory_space<hbm>> -> memref<80x128xf32, #tpu.memory_space<hbm>>
      %dma_wait3A_94 = arith.constant 0 : i32
      %dma_wait3A_95 = tpu.memref_slice %arg5[%add3A_54, %dma_wait3A_94] : memref<20480x128xf32, #tpu.memory_space<hbm>> -> memref<80x128xf32, #tpu.memory_space<hbm>>
      tpu.wait_dma2 semaphore(%run_scoped3A : memref<!tpu.dma_semaphore, #tpu.memory_space<semaphore_mem>>) src(%arg8 : memref<80x128xf32, #tpu.memory_space<vmem>>) dst(%dma_wait3A_95 : memref<80x128xf32, #tpu.memory_space<hbm>>)
      tpu.yield
    }) : () -> ()
    %mul3A_55 = arith.constant 640 : i32
    %mul3A_56 = arith.muli %arg1, %mul3A_55 : i32
    %add3A_57 = arith.constant 80 : i32
    %add3A_58 = arith.addi %mul3A_56, %add3A_57 : i32
    "tpu.region"() ({
      %run_scoped3A = tpu.sem_alloc : memref<!tpu.dma_semaphore, #tpu.memory_space<semaphore_mem>>
      %dma_start3A = arith.constant 0 : i32
      %dma_start3A_90 = tpu.memref_slice %arg9[%add3A_58, %dma_start3A] : memref<10240x128xf32, #tpu.memory_space<vmem_shared>> -> memref<80x128xf32, #tpu.memory_space<vmem_shared>>
      %dma_start3A_91 = arith.constant 0 : i32
      %dma_start3A_92 = tpu.memref_slice %arg9[%add3A_58, %dma_start3A_91] : memref<10240x128xf32, #tpu.memory_space<vmem_shared>> -> memref<80x128xf32, #tpu.memory_space<vmem_shared>>
      tpu.enqueue_dma source(%dma_start3A_92 : memref<80x128xf32, #tpu.memory_space<vmem_shared>>) target(%arg8 : memref<80x128xf32, #tpu.memory_space<vmem>>) target_semaphore(%run_scoped3A : memref<!tpu.dma_semaphore, #tpu.memory_space<semaphore_mem>>)
      %dma_wait3A = arith.constant 0 : i32
      %dma_wait3A_93 = tpu.memref_slice %arg9[%add3A_58, %dma_wait3A] : memref<10240x128xf32, #tpu.memory_space<vmem_shared>> -> memref<80x128xf32, #tpu.memory_space<vmem_shared>>
      %dma_wait3A_94 = arith.constant 0 : i32
      %dma_wait3A_95 = tpu.memref_slice %arg9[%add3A_58, %dma_wait3A_94] : memref<10240x128xf32, #tpu.memory_space<vmem_shared>> -> memref<80x128xf32, #tpu.memory_space<vmem_shared>>
      tpu.wait_dma2 semaphore(%run_scoped3A : memref<!tpu.dma_semaphore, #tpu.memory_space<semaphore_mem>>) src(%dma_wait3A_95 : memref<80x128xf32, #tpu.memory_space<vmem_shared>>) dst(%arg8 : memref<80x128xf32, #tpu.memory_space<vmem>>)
      tpu.yield
    }) : () -> ()
    %add3A_59 = arith.addi %mul3A_4, %add3A_58 : i32
    "tpu.region"() ({
      %run_scoped3A = tpu.sem_alloc : memref<!tpu.dma_semaphore, #tpu.memory_space<semaphore_mem>>
      %dma_start3A = arith.constant 0 : i32
      %dma_start3A_90 = tpu.memref_slice %arg5[%add3A_59, %dma_start3A] : memref<20480x128xf32, #tpu.memory_space<hbm>> -> memref<80x128xf32, #tpu.memory_space<hbm>>
      %dma_start3A_91 = arith.constant 0 : i32
      %dma_start3A_92 = tpu.memref_slice %arg5[%add3A_59, %dma_start3A_91] : memref<20480x128xf32, #tpu.memory_space<hbm>> -> memref<80x128xf32, #tpu.memory_space<hbm>>
      tpu.enqueue_dma source(%arg8 : memref<80x128xf32, #tpu.memory_space<vmem>>) target(%dma_start3A_92 : memref<80x128xf32, #tpu.memory_space<hbm>>) target_semaphore(%run_scoped3A : memref<!tpu.dma_semaphore, #tpu.memory_space<semaphore_mem>>)
      %dma_wait3A = arith.constant 0 : i32
      %dma_wait3A_93 = tpu.memref_slice %arg5[%add3A_59, %dma_wait3A] : memref<20480x128xf32, #tpu.memory_space<hbm>> -> memref<80x128xf32, #tpu.memory_space<hbm>>
      %dma_wait3A_94 = arith.constant 0 : i32
      %dma_wait3A_95 = tpu.memref_slice %arg5[%add3A_59, %dma_wait3A_94] : memref<20480x128xf32, #tpu.memory_space<hbm>> -> memref<80x128xf32, #tpu.memory_space<hbm>>
      tpu.wait_dma2 semaphore(%run_scoped3A : memref<!tpu.dma_semaphore, #tpu.memory_space<semaphore_mem>>) src(%arg8 : memref<80x128xf32, #tpu.memory_space<vmem>>) dst(%dma_wait3A_95 : memref<80x128xf32, #tpu.memory_space<hbm>>)
      tpu.yield
    }) : () -> ()
    %mul3A_60 = arith.constant 640 : i32
    %mul3A_61 = arith.muli %arg1, %mul3A_60 : i32
    %add3A_62 = arith.constant 160 : i32
    %add3A_63 = arith.addi %mul3A_61, %add3A_62 : i32
    "tpu.region"() ({
      %run_scoped3A = tpu.sem_alloc : memref<!tpu.dma_semaphore, #tpu.memory_space<semaphore_mem>>
      %dma_start3A = arith.constant 0 : i32
      %dma_start3A_90 = tpu.memref_slice %arg9[%add3A_63, %dma_start3A] : memref<10240x128xf32, #tpu.memory_space<vmem_shared>> -> memref<80x128xf32, #tpu.memory_space<vmem_shared>>
      %dma_start3A_91 = arith.constant 0 : i32
      %dma_start3A_92 = tpu.memref_slice %arg9[%add3A_63, %dma_start3A_91] : memref<10240x128xf32, #tpu.memory_space<vmem_shared>> -> memref<80x128xf32, #tpu.memory_space<vmem_shared>>
      tpu.enqueue_dma source(%dma_start3A_92 : memref<80x128xf32, #tpu.memory_space<vmem_shared>>) target(%arg8 : memref<80x128xf32, #tpu.memory_space<vmem>>) target_semaphore(%run_scoped3A : memref<!tpu.dma_semaphore, #tpu.memory_space<semaphore_mem>>)
      %dma_wait3A = arith.constant 0 : i32
      %dma_wait3A_93 = tpu.memref_slice %arg9[%add3A_63, %dma_wait3A] : memref<10240x128xf32, #tpu.memory_space<vmem_shared>> -> memref<80x128xf32, #tpu.memory_space<vmem_shared>>
      %dma_wait3A_94 = arith.constant 0 : i32
      %dma_wait3A_95 = tpu.memref_slice %arg9[%add3A_63, %dma_wait3A_94] : memref<10240x128xf32, #tpu.memory_space<vmem_shared>> -> memref<80x128xf32, #tpu.memory_space<vmem_shared>>
      tpu.wait_dma2 semaphore(%run_scoped3A : memref<!tpu.dma_semaphore, #tpu.memory_space<semaphore_mem>>) src(%dma_wait3A_95 : memref<80x128xf32, #tpu.memory_space<vmem_shared>>) dst(%arg8 : memref<80x128xf32, #tpu.memory_space<vmem>>)
      tpu.yield
    }) : () -> ()
    %add3A_64 = arith.addi %mul3A_4, %add3A_63 : i32
    "tpu.region"() ({
      %run_scoped3A = tpu.sem_alloc : memref<!tpu.dma_semaphore, #tpu.memory_space<semaphore_mem>>
      %dma_start3A = arith.constant 0 : i32
      %dma_start3A_90 = tpu.memref_slice %arg5[%add3A_64, %dma_start3A] : memref<20480x128xf32, #tpu.memory_space<hbm>> -> memref<80x128xf32, #tpu.memory_space<hbm>>
      %dma_start3A_91 = arith.constant 0 : i32
      %dma_start3A_92 = tpu.memref_slice %arg5[%add3A_64, %dma_start3A_91] : memref<20480x128xf32, #tpu.memory_space<hbm>> -> memref<80x128xf32, #tpu.memory_space<hbm>>
      tpu.enqueue_dma source(%arg8 : memref<80x128xf32, #tpu.memory_space<vmem>>) target(%dma_start3A_92 : memref<80x128xf32, #tpu.memory_space<hbm>>) target_semaphore(%run_scoped3A : memref<!tpu.dma_semaphore, #tpu.memory_space<semaphore_mem>>)
      %dma_wait3A = arith.constant 0 : i32
      %dma_wait3A_93 = tpu.memref_slice %arg5[%add3A_64, %dma_wait3A] : memref<20480x128xf32, #tpu.memory_space<hbm>> -> memref<80x128xf32, #tpu.memory_space<hbm>>
      %dma_wait3A_94 = arith.constant 0 : i32
      %dma_wait3A_95 = tpu.memref_slice %arg5[%add3A_64, %dma_wait3A_94] : memref<20480x128xf32, #tpu.memory_space<hbm>> -> memref<80x128xf32, #tpu.memory_space<hbm>>
      tpu.wait_dma2 semaphore(%run_scoped3A : memref<!tpu.dma_semaphore, #tpu.memory_space<semaphore_mem>>) src(%arg8 : memref<80x128xf32, #tpu.memory_space<vmem>>) dst(%dma_wait3A_95 : memref<80x128xf32, #tpu.memory_space<hbm>>)
      tpu.yield
    }) : () -> ()
    %mul3A_65 = arith.constant 640 : i32
    %mul3A_66 = arith.muli %arg1, %mul3A_65 : i32
    %add3A_67 = arith.constant 240 : i32
    %add3A_68 = arith.addi %mul3A_66, %add3A_67 : i32
    "tpu.region"() ({
      %run_scoped3A = tpu.sem_alloc : memref<!tpu.dma_semaphore, #tpu.memory_space<semaphore_mem>>
      %dma_start3A = arith.constant 0 : i32
      %dma_start3A_90 = tpu.memref_slice %arg9[%add3A_68, %dma_start3A] : memref<10240x128xf32, #tpu.memory_space<vmem_shared>> -> memref<80x128xf32, #tpu.memory_space<vmem_shared>>
      %dma_start3A_91 = arith.constant 0 : i32
      %dma_start3A_92 = tpu.memref_slice %arg9[%add3A_68, %dma_start3A_91] : memref<10240x128xf32, #tpu.memory_space<vmem_shared>> -> memref<80x128xf32, #tpu.memory_space<vmem_shared>>
      tpu.enqueue_dma source(%dma_start3A_92 : memref<80x128xf32, #tpu.memory_space<vmem_shared>>) target(%arg8 : memref<80x128xf32, #tpu.memory_space<vmem>>) target_semaphore(%run_scoped3A : memref<!tpu.dma_semaphore, #tpu.memory_space<semaphore_mem>>)
      %dma_wait3A = arith.constant 0 : i32
      %dma_wait3A_93 = tpu.memref_slice %arg9[%add3A_68, %dma_wait3A] : memref<10240x128xf32, #tpu.memory_space<vmem_shared>> -> memref<80x128xf32, #tpu.memory_space<vmem_shared>>
      %dma_wait3A_94 = arith.constant 0 : i32
      %dma_wait3A_95 = tpu.memref_slice %arg9[%add3A_68, %dma_wait3A_94] : memref<10240x128xf32, #tpu.memory_space<vmem_shared>> -> memref<80x128xf32, #tpu.memory_space<vmem_shared>>
      tpu.wait_dma2 semaphore(%run_scoped3A : memref<!tpu.dma_semaphore, #tpu.memory_space<semaphore_mem>>) src(%dma_wait3A_95 : memref<80x128xf32, #tpu.memory_space<vmem_shared>>) dst(%arg8 : memref<80x128xf32, #tpu.memory_space<vmem>>)
      tpu.yield
    }) : () -> ()
    %add3A_69 = arith.addi %mul3A_4, %add3A_68 : i32
    "tpu.region"() ({
      %run_scoped3A = tpu.sem_alloc : memref<!tpu.dma_semaphore, #tpu.memory_space<semaphore_mem>>
      %dma_start3A = arith.constant 0 : i32
      %dma_start3A_90 = tpu.memref_slice %arg5[%add3A_69, %dma_start3A] : memref<20480x128xf32, #tpu.memory_space<hbm>> -> memref<80x128xf32, #tpu.memory_space<hbm>>
      %dma_start3A_91 = arith.constant 0 : i32
      %dma_start3A_92 = tpu.memref_slice %arg5[%add3A_69, %dma_start3A_91] : memref<20480x128xf32, #tpu.memory_space<hbm>> -> memref<80x128xf32, #tpu.memory_space<hbm>>
      tpu.enqueue_dma source(%arg8 : memref<80x128xf32, #tpu.memory_space<vmem>>) target(%dma_start3A_92 : memref<80x128xf32, #tpu.memory_space<hbm>>) target_semaphore(%run_scoped3A : memref<!tpu.dma_semaphore, #tpu.memory_space<semaphore_mem>>)
      %dma_wait3A = arith.constant 0 : i32
      %dma_wait3A_93 = tpu.memref_slice %arg5[%add3A_69, %dma_wait3A] : memref<20480x128xf32, #tpu.memory_space<hbm>> -> memref<80x128xf32, #tpu.memory_space<hbm>>
      %dma_wait3A_94 = arith.constant 0 : i32
      %dma_wait3A_95 = tpu.memref_slice %arg5[%add3A_69, %dma_wait3A_94] : memref<20480x128xf32, #tpu.memory_space<hbm>> -> memref<80x128xf32, #tpu.memory_space<hbm>>
      tpu.wait_dma2 semaphore(%run_scoped3A : memref<!tpu.dma_semaphore, #tpu.memory_space<semaphore_mem>>) src(%arg8 : memref<80x128xf32, #tpu.memory_space<vmem>>) dst(%dma_wait3A_95 : memref<80x128xf32, #tpu.memory_space<hbm>>)
      tpu.yield
    }) : () -> ()
    %mul3A_70 = arith.constant 640 : i32
    %mul3A_71 = arith.muli %arg1, %mul3A_70 : i32
    %add3A_72 = arith.constant 320 : i32
    %add3A_73 = arith.addi %mul3A_71, %add3A_72 : i32
    "tpu.region"() ({
      %run_scoped3A = tpu.sem_alloc : memref<!tpu.dma_semaphore, #tpu.memory_space<semaphore_mem>>
      %dma_start3A = arith.constant 0 : i32
      %dma_start3A_90 = tpu.memref_slice %arg9[%add3A_73, %dma_start3A] : memref<10240x128xf32, #tpu.memory_space<vmem_shared>> -> memref<80x128xf32, #tpu.memory_space<vmem_shared>>
      %dma_start3A_91 = arith.constant 0 : i32
      %dma_start3A_92 = tpu.memref_slice %arg9[%add3A_73, %dma_start3A_91] : memref<10240x128xf32, #tpu.memory_space<vmem_shared>> -> memref<80x128xf32, #tpu.memory_space<vmem_shared>>
      tpu.enqueue_dma source(%dma_start3A_92 : memref<80x128xf32, #tpu.memory_space<vmem_shared>>) target(%arg8 : memref<80x128xf32, #tpu.memory_space<vmem>>) target_semaphore(%run_scoped3A : memref<!tpu.dma_semaphore, #tpu.memory_space<semaphore_mem>>)
      %dma_wait3A = arith.constant 0 : i32
      %dma_wait3A_93 = tpu.memref_slice %arg9[%add3A_73, %dma_wait3A] : memref<10240x128xf32, #tpu.memory_space<vmem_shared>> -> memref<80x128xf32, #tpu.memory_space<vmem_shared>>
      %dma_wait3A_94 = arith.constant 0 : i32
      %dma_wait3A_95 = tpu.memref_slice %arg9[%add3A_73, %dma_wait3A_94] : memref<10240x128xf32, #tpu.memory_space<vmem_shared>> -> memref<80x128xf32, #tpu.memory_space<vmem_shared>>
      tpu.wait_dma2 semaphore(%run_scoped3A : memref<!tpu.dma_semaphore, #tpu.memory_space<semaphore_mem>>) src(%dma_wait3A_95 : memref<80x128xf32, #tpu.memory_space<vmem_shared>>) dst(%arg8 : memref<80x128xf32, #tpu.memory_space<vmem>>)
      tpu.yield
    }) : () -> ()
    %add3A_74 = arith.addi %mul3A_4, %add3A_73 : i32
    "tpu.region"() ({
      %run_scoped3A = tpu.sem_alloc : memref<!tpu.dma_semaphore, #tpu.memory_space<semaphore_mem>>
      %dma_start3A = arith.constant 0 : i32
      %dma_start3A_90 = tpu.memref_slice %arg5[%add3A_74, %dma_start3A] : memref<20480x128xf32, #tpu.memory_space<hbm>> -> memref<80x128xf32, #tpu.memory_space<hbm>>
      %dma_start3A_91 = arith.constant 0 : i32
      %dma_start3A_92 = tpu.memref_slice %arg5[%add3A_74, %dma_start3A_91] : memref<20480x128xf32, #tpu.memory_space<hbm>> -> memref<80x128xf32, #tpu.memory_space<hbm>>
      tpu.enqueue_dma source(%arg8 : memref<80x128xf32, #tpu.memory_space<vmem>>) target(%dma_start3A_92 : memref<80x128xf32, #tpu.memory_space<hbm>>) target_semaphore(%run_scoped3A : memref<!tpu.dma_semaphore, #tpu.memory_space<semaphore_mem>>)
      %dma_wait3A = arith.constant 0 : i32
      %dma_wait3A_93 = tpu.memref_slice %arg5[%add3A_74, %dma_wait3A] : memref<20480x128xf32, #tpu.memory_space<hbm>> -> memref<80x128xf32, #tpu.memory_space<hbm>>
      %dma_wait3A_94 = arith.constant 0 : i32
      %dma_wait3A_95 = tpu.memref_slice %arg5[%add3A_74, %dma_wait3A_94] : memref<20480x128xf32, #tpu.memory_space<hbm>> -> memref<80x128xf32, #tpu.memory_space<hbm>>
      tpu.wait_dma2 semaphore(%run_scoped3A : memref<!tpu.dma_semaphore, #tpu.memory_space<semaphore_mem>>) src(%arg8 : memref<80x128xf32, #tpu.memory_space<vmem>>) dst(%dma_wait3A_95 : memref<80x128xf32, #tpu.memory_space<hbm>>)
      tpu.yield
    }) : () -> ()
    %mul3A_75 = arith.constant 640 : i32
    %mul3A_76 = arith.muli %arg1, %mul3A_75 : i32
    %add3A_77 = arith.constant 400 : i32
    %add3A_78 = arith.addi %mul3A_76, %add3A_77 : i32
    "tpu.region"() ({
      %run_scoped3A = tpu.sem_alloc : memref<!tpu.dma_semaphore, #tpu.memory_space<semaphore_mem>>
      %dma_start3A = arith.constant 0 : i32
      %dma_start3A_90 = tpu.memref_slice %arg9[%add3A_78, %dma_start3A] : memref<10240x128xf32, #tpu.memory_space<vmem_shared>> -> memref<80x128xf32, #tpu.memory_space<vmem_shared>>
      %dma_start3A_91 = arith.constant 0 : i32
      %dma_start3A_92 = tpu.memref_slice %arg9[%add3A_78, %dma_start3A_91] : memref<10240x128xf32, #tpu.memory_space<vmem_shared>> -> memref<80x128xf32, #tpu.memory_space<vmem_shared>>
      tpu.enqueue_dma source(%dma_start3A_92 : memref<80x128xf32, #tpu.memory_space<vmem_shared>>) target(%arg8 : memref<80x128xf32, #tpu.memory_space<vmem>>) target_semaphore(%run_scoped3A : memref<!tpu.dma_semaphore, #tpu.memory_space<semaphore_mem>>)
      %dma_wait3A = arith.constant 0 : i32
      %dma_wait3A_93 = tpu.memref_slice %arg9[%add3A_78, %dma_wait3A] : memref<10240x128xf32, #tpu.memory_space<vmem_shared>> -> memref<80x128xf32, #tpu.memory_space<vmem_shared>>
      %dma_wait3A_94 = arith.constant 0 : i32
      %dma_wait3A_95 = tpu.memref_slice %arg9[%add3A_78, %dma_wait3A_94] : memref<10240x128xf32, #tpu.memory_space<vmem_shared>> -> memref<80x128xf32, #tpu.memory_space<vmem_shared>>
      tpu.wait_dma2 semaphore(%run_scoped3A : memref<!tpu.dma_semaphore, #tpu.memory_space<semaphore_mem>>) src(%dma_wait3A_95 : memref<80x128xf32, #tpu.memory_space<vmem_shared>>) dst(%arg8 : memref<80x128xf32, #tpu.memory_space<vmem>>)
      tpu.yield
    }) : () -> ()
    %add3A_79 = arith.addi %mul3A_4, %add3A_78 : i32
    "tpu.region"() ({
      %run_scoped3A = tpu.sem_alloc : memref<!tpu.dma_semaphore, #tpu.memory_space<semaphore_mem>>
      %dma_start3A = arith.constant 0 : i32
      %dma_start3A_90 = tpu.memref_slice %arg5[%add3A_79, %dma_start3A] : memref<20480x128xf32, #tpu.memory_space<hbm>> -> memref<80x128xf32, #tpu.memory_space<hbm>>
      %dma_start3A_91 = arith.constant 0 : i32
      %dma_start3A_92 = tpu.memref_slice %arg5[%add3A_79, %dma_start3A_91] : memref<20480x128xf32, #tpu.memory_space<hbm>> -> memref<80x128xf32, #tpu.memory_space<hbm>>
      tpu.enqueue_dma source(%arg8 : memref<80x128xf32, #tpu.memory_space<vmem>>) target(%dma_start3A_92 : memref<80x128xf32, #tpu.memory_space<hbm>>) target_semaphore(%run_scoped3A : memref<!tpu.dma_semaphore, #tpu.memory_space<semaphore_mem>>)
      %dma_wait3A = arith.constant 0 : i32
      %dma_wait3A_93 = tpu.memref_slice %arg5[%add3A_79, %dma_wait3A] : memref<20480x128xf32, #tpu.memory_space<hbm>> -> memref<80x128xf32, #tpu.memory_space<hbm>>
      %dma_wait3A_94 = arith.constant 0 : i32
      %dma_wait3A_95 = tpu.memref_slice %arg5[%add3A_79, %dma_wait3A_94] : memref<20480x128xf32, #tpu.memory_space<hbm>> -> memref<80x128xf32, #tpu.memory_space<hbm>>
      tpu.wait_dma2 semaphore(%run_scoped3A : memref<!tpu.dma_semaphore, #tpu.memory_space<semaphore_mem>>) src(%arg8 : memref<80x128xf32, #tpu.memory_space<vmem>>) dst(%dma_wait3A_95 : memref<80x128xf32, #tpu.memory_space<hbm>>)
      tpu.yield
    }) : () -> ()
    %mul3A_80 = arith.constant 640 : i32
    %mul3A_81 = arith.muli %arg1, %mul3A_80 : i32
    %add3A_82 = arith.constant 480 : i32
    %add3A_83 = arith.addi %mul3A_81, %add3A_82 : i32
    "tpu.region"() ({
      %run_scoped3A = tpu.sem_alloc : memref<!tpu.dma_semaphore, #tpu.memory_space<semaphore_mem>>
      %dma_start3A = arith.constant 0 : i32
      %dma_start3A_90 = tpu.memref_slice %arg9[%add3A_83, %dma_start3A] : memref<10240x128xf32, #tpu.memory_space<vmem_shared>> -> memref<80x128xf32, #tpu.memory_space<vmem_shared>>
      %dma_start3A_91 = arith.constant 0 : i32
      %dma_start3A_92 = tpu.memref_slice %arg9[%add3A_83, %dma_start3A_91] : memref<10240x128xf32, #tpu.memory_space<vmem_shared>> -> memref<80x128xf32, #tpu.memory_space<vmem_shared>>
      tpu.enqueue_dma source(%dma_start3A_92 : memref<80x128xf32, #tpu.memory_space<vmem_shared>>) target(%arg8 : memref<80x128xf32, #tpu.memory_space<vmem>>) target_semaphore(%run_scoped3A : memref<!tpu.dma_semaphore, #tpu.memory_space<semaphore_mem>>)
      %dma_wait3A = arith.constant 0 : i32
      %dma_wait3A_93 = tpu.memref_slice %arg9[%add3A_83, %dma_wait3A] : memref<10240x128xf32, #tpu.memory_space<vmem_shared>> -> memref<80x128xf32, #tpu.memory_space<vmem_shared>>
      %dma_wait3A_94 = arith.constant 0 : i32
      %dma_wait3A_95 = tpu.memref_slice %arg9[%add3A_83, %dma_wait3A_94] : memref<10240x128xf32, #tpu.memory_space<vmem_shared>> -> memref<80x128xf32, #tpu.memory_space<vmem_shared>>
      tpu.wait_dma2 semaphore(%run_scoped3A : memref<!tpu.dma_semaphore, #tpu.memory_space<semaphore_mem>>) src(%dma_wait3A_95 : memref<80x128xf32, #tpu.memory_space<vmem_shared>>) dst(%arg8 : memref<80x128xf32, #tpu.memory_space<vmem>>)
      tpu.yield
    }) : () -> ()
    %add3A_84 = arith.addi %mul3A_4, %add3A_83 : i32
    "tpu.region"() ({
      %run_scoped3A = tpu.sem_alloc : memref<!tpu.dma_semaphore, #tpu.memory_space<semaphore_mem>>
      %dma_start3A = arith.constant 0 : i32
      %dma_start3A_90 = tpu.memref_slice %arg5[%add3A_84, %dma_start3A] : memref<20480x128xf32, #tpu.memory_space<hbm>> -> memref<80x128xf32, #tpu.memory_space<hbm>>
      %dma_start3A_91 = arith.constant 0 : i32
      %dma_start3A_92 = tpu.memref_slice %arg5[%add3A_84, %dma_start3A_91] : memref<20480x128xf32, #tpu.memory_space<hbm>> -> memref<80x128xf32, #tpu.memory_space<hbm>>
      tpu.enqueue_dma source(%arg8 : memref<80x128xf32, #tpu.memory_space<vmem>>) target(%dma_start3A_92 : memref<80x128xf32, #tpu.memory_space<hbm>>) target_semaphore(%run_scoped3A : memref<!tpu.dma_semaphore, #tpu.memory_space<semaphore_mem>>)
      %dma_wait3A = arith.constant 0 : i32
      %dma_wait3A_93 = tpu.memref_slice %arg5[%add3A_84, %dma_wait3A] : memref<20480x128xf32, #tpu.memory_space<hbm>> -> memref<80x128xf32, #tpu.memory_space<hbm>>
      %dma_wait3A_94 = arith.constant 0 : i32
      %dma_wait3A_95 = tpu.memref_slice %arg5[%add3A_84, %dma_wait3A_94] : memref<20480x128xf32, #tpu.memory_space<hbm>> -> memref<80x128xf32, #tpu.memory_space<hbm>>
      tpu.wait_dma2 semaphore(%run_scoped3A : memref<!tpu.dma_semaphore, #tpu.memory_space<semaphore_mem>>) src(%arg8 : memref<80x128xf32, #tpu.memory_space<vmem>>) dst(%dma_wait3A_95 : memref<80x128xf32, #tpu.memory_space<hbm>>)
      tpu.yield
    }) : () -> ()
    %mul3A_85 = arith.constant 640 : i32
    %mul3A_86 = arith.muli %arg1, %mul3A_85 : i32
    %add3A_87 = arith.constant 560 : i32
    %add3A_88 = arith.addi %mul3A_86, %add3A_87 : i32
    "tpu.region"() ({
      %run_scoped3A = tpu.sem_alloc : memref<!tpu.dma_semaphore, #tpu.memory_space<semaphore_mem>>
      %dma_start3A = arith.constant 0 : i32
      %dma_start3A_90 = tpu.memref_slice %arg9[%add3A_88, %dma_start3A] : memref<10240x128xf32, #tpu.memory_space<vmem_shared>> -> memref<80x128xf32, #tpu.memory_space<vmem_shared>>
      %dma_start3A_91 = arith.constant 0 : i32
      %dma_start3A_92 = tpu.memref_slice %arg9[%add3A_88, %dma_start3A_91] : memref<10240x128xf32, #tpu.memory_space<vmem_shared>> -> memref<80x128xf32, #tpu.memory_space<vmem_shared>>
      tpu.enqueue_dma source(%dma_start3A_92 : memref<80x128xf32, #tpu.memory_space<vmem_shared>>) target(%arg8 : memref<80x128xf32, #tpu.memory_space<vmem>>) target_semaphore(%run_scoped3A : memref<!tpu.dma_semaphore, #tpu.memory_space<semaphore_mem>>)
      %dma_wait3A = arith.constant 0 : i32
      %dma_wait3A_93 = tpu.memref_slice %arg9[%add3A_88, %dma_wait3A] : memref<10240x128xf32, #tpu.memory_space<vmem_shared>> -> memref<80x128xf32, #tpu.memory_space<vmem_shared>>
      %dma_wait3A_94 = arith.constant 0 : i32
      %dma_wait3A_95 = tpu.memref_slice %arg9[%add3A_88, %dma_wait3A_94] : memref<10240x128xf32, #tpu.memory_space<vmem_shared>> -> memref<80x128xf32, #tpu.memory_space<vmem_shared>>
      tpu.wait_dma2 semaphore(%run_scoped3A : memref<!tpu.dma_semaphore, #tpu.memory_space<semaphore_mem>>) src(%dma_wait3A_95 : memref<80x128xf32, #tpu.memory_space<vmem_shared>>) dst(%arg8 : memref<80x128xf32, #tpu.memory_space<vmem>>)
      tpu.yield
    }) : () -> ()
    %add3A_89 = arith.addi %mul3A_4, %add3A_88 : i32
    "tpu.region"() ({
      %run_scoped3A = tpu.sem_alloc : memref<!tpu.dma_semaphore, #tpu.memory_space<semaphore_mem>>
      %dma_start3A = arith.constant 0 : i32
      %dma_start3A_90 = tpu.memref_slice %arg5[%add3A_89, %dma_start3A] : memref<20480x128xf32, #tpu.memory_space<hbm>> -> memref<80x128xf32, #tpu.memory_space<hbm>>
      %dma_start3A_91 = arith.constant 0 : i32
      %dma_start3A_92 = tpu.memref_slice %arg5[%add3A_89, %dma_start3A_91] : memref<20480x128xf32, #tpu.memory_space<hbm>> -> memref<80x128xf32, #tpu.memory_space<hbm>>
      tpu.enqueue_dma source(%arg8 : memref<80x128xf32, #tpu.memory_space<vmem>>) target(%dma_start3A_92 : memref<80x128xf32, #tpu.memory_space<hbm>>) target_semaphore(%run_scoped3A : memref<!tpu.dma_semaphore, #tpu.memory_space<semaphore_mem>>)
      %dma_wait3A = arith.constant 0 : i32
      %dma_wait3A_93 = tpu.memref_slice %arg5[%add3A_89, %dma_wait3A] : memref<20480x128xf32, #tpu.memory_space<hbm>> -> memref<80x128xf32, #tpu.memory_space<hbm>>
      %dma_wait3A_94 = arith.constant 0 : i32
      %dma_wait3A_95 = tpu.memref_slice %arg5[%add3A_89, %dma_wait3A_94] : memref<20480x128xf32, #tpu.memory_space<hbm>> -> memref<80x128xf32, #tpu.memory_space<hbm>>
      tpu.wait_dma2 semaphore(%run_scoped3A : memref<!tpu.dma_semaphore, #tpu.memory_space<semaphore_mem>>) src(%arg8 : memref<80x128xf32, #tpu.memory_space<vmem>>) dst(%dma_wait3A_95 : memref<80x128xf32, #tpu.memory_space<hbm>>)
      tpu.yield
    }) : () -> ()
    return
  }
}

#map = affine_map<(d0, d1) -> (0, 0)>
#map1 = affine_map<(d0, d1) -> (0)>
module attributes {stable_mosaic.version = 14 : i64} {
  func.func @k(%arg0: i32, %arg1: i32, %arg2: memref<20000x128xf32, #tpu.memory_space<hbm>>, %arg3: memref<160000xi32, #tpu.memory_space<hbm>>, %arg4: memref<160000xi32, #tpu.memory_space<hbm>>, %arg5: memref<20480x128xf32, #tpu.memory_space<hbm>>, %arg6: memref<80xi32, #tpu.memory_space<vmem>>, %arg7: memref<80xi32, #tpu.memory_space<vmem>>, %arg8: memref<80x128xf32, #tpu.memory_space<vmem>>, %arg9: memref<10240x128xf32, #tpu.memory_space<vmem_shared>>, %arg10: memref<!tpu.dma_semaphore, #tpu.memory_space<semaphore_mem>>) attributes {dimension_semantics = [#tpu.dimension_semantics<core_parallel>, #tpu.dimension_semantics<subcore_parallel>], iteration_bounds = array<i64: 2, 16>, scalar_prefetch = 0 : i64, scratch_operands = 5 : i64, tpu.core_type = #tpu.core_type<sc_vector_subcore>, window_params = [{transform_indices = #map}, {transform_indices = #map1}, {transform_indices = #map1}, {transform_indices = #map}]} {
    %mul3A = arith.constant 10000 : i32
    %mul3A_0 = arith.muli %arg1, %mul3A : i32
    %mul3A_1 = arith.constant 10000 : i32
    %mul3A_2 = arith.muli %arg0, %mul3A_1 : i32
    %mul3A_3 = arith.constant 10240 : i32
    %mul3A_4 = arith.muli %arg0, %mul3A_3 : i32
    %scan3A = arith.constant 0 : i32
    %scan3A_5 = arith.constant 0 : i32
    %scan3A_6 = arith.constant 80 : i32
    %scan3A_7 = arith.addi %scan3A_5, %scan3A_6 : i32
    %scan3A_8 = arith.constant 1 : i32
    %scan3A_9 = scf.for %scan3A_90 = %scan3A_5 to %scan3A_7 step %scan3A_8 iter_args(%scan3A_91 = %scan3A) -> (i32)  : i32 {
      %broadcast_in_dim3A = arith.constant 0.000000e+00 : f32
      %broadcast_in_dim3A_92 = vector.broadcast %broadcast_in_dim3A : f32 to vector<16xf32>
      %swap3A = arith.index_cast %scan3A_90 : i32 to index
      %swap3A_93 = arith.constant 0 : index
      %swap3A_94 = tpu.vector_load %arg8[%swap3A, %swap3A_93] {strides = array<i32>} : memref<80x128xf32, #tpu.memory_space<vmem>>, vector<1x16xf32>,
      %swap3A_95 = vector.shape_cast %swap3A_94 : vector<1x16xf32> to vector<16xf32>
      %swap3A_96 = vector.shape_cast %broadcast_in_dim3A_92 : vector<16xf32> to vector<1x16xf32>
      tpu.vector_store %arg8[%swap3A, %swap3A_93], %swap3A_96 {strides = array<i32>} : memref<80x128xf32, #tpu.memory_space<vmem>>, vector<1x16xf32>,
      %broadcast_in_dim3A_97 = arith.constant 0.000000e+00 : f32
      %broadcast_in_dim3A_98 = vector.broadcast %broadcast_in_dim3A_97 : f32 to vector<16xf32>
      %swap3A_99 = arith.index_cast %scan3A_90 : i32 to index
      %swap3A_100 = arith.constant 16 : index
      %swap3A_101 = tpu.vector_load %arg8[%swap3A_99, %swap3A_100] {strides = array<i32>} : memref<80x128xf32, #tpu.memory_space<vmem>>, vector<1x16xf32>,
      %swap3A_102 = vector.shape_cast %swap3A_101 : vector<1x16xf32> to vector<16xf32>
      %swap3A_103 = vector.shape_cast %broadcast_in_dim3A_98 : vector<16xf32> to vector<1x16xf32>
      tpu.vector_store %arg8[%swap3A_99, %swap3A_100], %swap3A_103 {strides = array<i32>} : memref<80x128xf32, #tpu.memory_space<vmem>>, vector<1x16xf32>,
      %broadcast_in_dim3A_104 = arith.constant 0.000000e+00 : f32
      %broadcast_in_dim3A_105 = vector.broadcast %broadcast_in_dim3A_104 : f32 to vector<16xf32>
      %swap3A_106 = arith.index_cast %scan3A_90 : i32 to index
      %swap3A_107 = arith.constant 32 : index
      %swap3A_108 = tpu.vector_load %arg8[%swap3A_106, %swap3A_107] {strides = array<i32>} : memref<80x128xf32, #tpu.memory_space<vmem>>, vector<1x16xf32>,
      %swap3A_109 = vector.shape_cast %swap3A_108 : vector<1x16xf32> to vector<16xf32>
      %swap3A_110 = vector.shape_cast %broadcast_in_dim3A_105 : vector<16xf32> to vector<1x16xf32>
      tpu.vector_store %arg8[%swap3A_106, %swap3A_107], %swap3A_110 {strides = array<i32>} : memref<80x128xf32, #tpu.memory_space<vmem>>, vector<1x16xf32>,
      %broadcast_in_dim3A_111 = arith.constant 0.000000e+00 : f32
      %broadcast_in_dim3A_112 = vector.broadcast %broadcast_in_dim3A_111 : f32 to vector<16xf32>
      %swap3A_113 = arith.index_cast %scan3A_90 : i32 to index
      %swap3A_114 = arith.constant 48 : index
      %swap3A_115 = tpu.vector_load %arg8[%swap3A_113, %swap3A_114] {strides = array<i32>} : memref<80x128xf32, #tpu.memory_space<vmem>>, vector<1x16xf32>,
      %swap3A_116 = vector.shape_cast %swap3A_115 : vector<1x16xf32> to vector<16xf32>
      %swap3A_117 = vector.shape_cast %broadcast_in_dim3A_112 : vector<16xf32> to vector<1x16xf32>
      tpu.vector_store %arg8[%swap3A_113, %swap3A_114], %swap3A_117 {strides = array<i32>} : memref<80x128xf32, #tpu.memory_space<vmem>>, vector<1x16xf32>,
      %broadcast_in_dim3A_118 = arith.constant 0.000000e+00 : f32
      %broadcast_in_dim3A_119 = vector.broadcast %broadcast_in_dim3A_118 : f32 to vector<16xf32>
      %swap3A_120 = arith.index_cast %scan3A_90 : i32 to index
      %swap3A_121 = arith.constant 64 : index
      %swap3A_122 = tpu.vector_load %arg8[%swap3A_120, %swap3A_121] {strides = array<i32>} : memref<80x128xf32, #tpu.memory_space<vmem>>, vector<1x16xf32>,
      %swap3A_123 = vector.shape_cast %swap3A_122 : vector<1x16xf32> to vector<16xf32>
      %swap3A_124 = vector.shape_cast %broadcast_in_dim3A_119 : vector<16xf32> to vector<1x16xf32>
      tpu.vector_store %arg8[%swap3A_120, %swap3A_121], %swap3A_124 {strides = array<i32>} : memref<80x128xf32, #tpu.memory_space<vmem>>, vector<1x16xf32>,
      %broadcast_in_dim3A_125 = arith.constant 0.000000e+00 : f32
      %broadcast_in_dim3A_126 = vector.broadcast %broadcast_in_dim3A_125 : f32 to vector<16xf32>
      %swap3A_127 = arith.index_cast %scan3A_90 : i32 to index
      %swap3A_128 = arith.constant 80 : index
      %swap3A_129 = tpu.vector_load %arg8[%swap3A_127, %swap3A_128] {strides = array<i32>} : memref<80x128xf32, #tpu.memory_space<vmem>>, vector<1x16xf32>,
      %swap3A_130 = vector.shape_cast %swap3A_129 : vector<1x16xf32> to vector<16xf32>
      %swap3A_131 = vector.shape_cast %broadcast_in_dim3A_126 : vector<16xf32> to vector<1x16xf32>
      tpu.vector_store %arg8[%swap3A_127, %swap3A_128], %swap3A_131 {strides = array<i32>} : memref<80x128xf32, #tpu.memory_space<vmem>>, vector<1x16xf32>,
      %broadcast_in_dim3A_132 = arith.constant 0.000000e+00 : f32
      %broadcast_in_dim3A_133 = vector.broadcast %broadcast_in_dim3A_132 : f32 to vector<16xf32>
      %swap3A_134 = arith.index_cast %scan3A_90 : i32 to index
      %swap3A_135 = arith.constant 96 : index
      %swap3A_136 = tpu.vector_load %arg8[%swap3A_134, %swap3A_135] {strides = array<i32>} : memref<80x128xf32, #tpu.memory_space<vmem>>, vector<1x16xf32>,
      %swap3A_137 = vector.shape_cast %swap3A_136 : vector<1x16xf32> to vector<16xf32>
      %swap3A_138 = vector.shape_cast %broadcast_in_dim3A_133 : vector<16xf32> to vector<1x16xf32>
      tpu.vector_store %arg8[%swap3A_134, %swap3A_135], %swap3A_138 {strides = array<i32>} : memref<80x128xf32, #tpu.memory_space<vmem>>, vector<1x16xf32>,
      %broadcast_in_dim3A_139 = arith.constant 0.000000e+00 : f32
      %broadcast_in_dim3A_140 = vector.broadcast %broadcast_in_dim3A_139 : f32 to vector<16xf32>
      %swap3A_141 = arith.index_cast %scan3A_90 : i32 to index
      %swap3A_142 = arith.constant 112 : index
      %swap3A_143 = tpu.vector_load %arg8[%swap3A_141, %swap3A_142] {strides = array<i32>} : memref<80x128xf32, #tpu.memory_space<vmem>>, vector<1x16xf32>,
      %swap3A_144 = vector.shape_cast %swap3A_143 : vector<1x16xf32> to vector<16xf32>
      %swap3A_145 = vector.shape_cast %broadcast_in_dim3A_140 : vector<16xf32> to vector<1x16xf32>
      tpu.vector_store %arg8[%swap3A_141, %swap3A_142], %swap3A_145 {strides = array<i32>} : memref<80x128xf32, #tpu.memory_space<vmem>>, vector<1x16xf32>,
      %scan3A_146 = arith.constant 0 : i32
      scf.yield %scan3A_146 : i32
    }
    %scan3A_10 = arith.constant 80 : i32
    %mul3A_11 = arith.constant 640 : i32
    %mul3A_12 = arith.muli %arg1, %mul3A_11 : i32
    %add3A = arith.constant 0 : i32
    %add3A_13 = arith.addi %mul3A_12, %add3A : i32
    "tpu.region"() ({
      %run_scoped3A = tpu.sem_alloc : memref<!tpu.dma_semaphore, #tpu.memory_space<semaphore_mem>>
      %dma_start3A = arith.constant 0 : i32
      %dma_start3A_90 = tpu.memref_slice %arg9[%add3A_13, %dma_start3A] : memref<10240x128xf32, #tpu.memory_space<vmem_shared>> -> memref<80x128xf32, #tpu.memory_space<vmem_shared>>
      %dma_start3A_91 = arith.constant 0 : i32
      %dma_start3A_92 = tpu.memref_slice %arg9[%add3A_13, %dma_start3A_91] : memref<10240x128xf32, #tpu.memory_space<vmem_shared>> -> memref<80x128xf32, #tpu.memory_space<vmem_shared>>
      tpu.enqueue_dma source(%arg8 : memref<80x128xf32, #tpu.memory_space<vmem>>) target(%dma_start3A_92 : memref<80x128xf32, #tpu.memory_space<vmem_shared>>) target_semaphore(%run_scoped3A : memref<!tpu.dma_semaphore, #tpu.memory_space<semaphore_mem>>)
      %dma_wait3A = arith.constant 0 : i32
      %dma_wait3A_93 = tpu.memref_slice %arg9[%add3A_13, %dma_wait3A] : memref<10240x128xf32, #tpu.memory_space<vmem_shared>> -> memref<80x128xf32, #tpu.memory_space<vmem_shared>>
      %dma_wait3A_94 = arith.constant 0 : i32
      %dma_wait3A_95 = tpu.memref_slice %arg9[%add3A_13, %dma_wait3A_94] : memref<10240x128xf32, #tpu.memory_space<vmem_shared>> -> memref<80x128xf32, #tpu.memory_space<vmem_shared>>
      tpu.wait_dma2 semaphore(%run_scoped3A : memref<!tpu.dma_semaphore, #tpu.memory_space<semaphore_mem>>) src(%arg8 : memref<80x128xf32, #tpu.memory_space<vmem>>) dst(%dma_wait3A_95 : memref<80x128xf32, #tpu.memory_space<vmem_shared>>)
      tpu.yield
    }) : () -> ()
    %mul3A_14 = arith.constant 640 : i32
    %mul3A_15 = arith.muli %arg1, %mul3A_14 : i32
    %add3A_16 = arith.constant 80 : i32
    %add3A_17 = arith.addi %mul3A_15, %add3A_16 : i32
    "tpu.region"() ({
      %run_scoped3A = tpu.sem_alloc : memref<!tpu.dma_semaphore, #tpu.memory_space<semaphore_mem>>
      %dma_start3A = arith.constant 0 : i32
      %dma_start3A_90 = tpu.memref_slice %arg9[%add3A_17, %dma_start3A] : memref<10240x128xf32, #tpu.memory_space<vmem_shared>> -> memref<80x128xf32, #tpu.memory_space<vmem_shared>>
      %dma_start3A_91 = arith.constant 0 : i32
      %dma_start3A_92 = tpu.memref_slice %arg9[%add3A_17, %dma_start3A_91] : memref<10240x128xf32, #tpu.memory_space<vmem_shared>> -> memref<80x128xf32, #tpu.memory_space<vmem_shared>>
      tpu.enqueue_dma source(%arg8 : memref<80x128xf32, #tpu.memory_space<vmem>>) target(%dma_start3A_92 : memref<80x128xf32, #tpu.memory_space<vmem_shared>>) target_semaphore(%run_scoped3A : memref<!tpu.dma_semaphore, #tpu.memory_space<semaphore_mem>>)
      %dma_wait3A = arith.constant 0 : i32
      %dma_wait3A_93 = tpu.memref_slice %arg9[%add3A_17, %dma_wait3A] : memref<10240x128xf32, #tpu.memory_space<vmem_shared>> -> memref<80x128xf32, #tpu.memory_space<vmem_shared>>
      %dma_wait3A_94 = arith.constant 0 : i32
      %dma_wait3A_95 = tpu.memref_slice %arg9[%add3A_17, %dma_wait3A_94] : memref<10240x128xf32, #tpu.memory_space<vmem_shared>> -> memref<80x128xf32, #tpu.memory_space<vmem_shared>>
      tpu.wait_dma2 semaphore(%run_scoped3A : memref<!tpu.dma_semaphore, #tpu.memory_space<semaphore_mem>>) src(%arg8 : memref<80x128xf32, #tpu.memory_space<vmem>>) dst(%dma_wait3A_95 : memref<80x128xf32, #tpu.memory_space<vmem_shared>>)
      tpu.yield
    }) : () -> ()
    %mul3A_18 = arith.constant 640 : i32
    %mul3A_19 = arith.muli %arg1, %mul3A_18 : i32
    %add3A_20 = arith.constant 160 : i32
    %add3A_21 = arith.addi %mul3A_19, %add3A_20 : i32
    "tpu.region"() ({
      %run_scoped3A = tpu.sem_alloc : memref<!tpu.dma_semaphore, #tpu.memory_space<semaphore_mem>>
      %dma_start3A = arith.constant 0 : i32
      %dma_start3A_90 = tpu.memref_slice %arg9[%add3A_21, %dma_start3A] : memref<10240x128xf32, #tpu.memory_space<vmem_shared>> -> memref<80x128xf32, #tpu.memory_space<vmem_shared>>
      %dma_start3A_91 = arith.constant 0 : i32
      %dma_start3A_92 = tpu.memref_slice %arg9[%add3A_21, %dma_start3A_91] : memref<10240x128xf32, #tpu.memory_space<vmem_shared>> -> memref<80x128xf32, #tpu.memory_space<vmem_shared>>
      tpu.enqueue_dma source(%arg8 : memref<80x128xf32, #tpu.memory_space<vmem>>) target(%dma_start3A_92 : memref<80x128xf32, #tpu.memory_space<vmem_shared>>) target_semaphore(%run_scoped3A : memref<!tpu.dma_semaphore, #tpu.memory_space<semaphore_mem>>)
      %dma_wait3A = arith.constant 0 : i32
      %dma_wait3A_93 = tpu.memref_slice %arg9[%add3A_21, %dma_wait3A] : memref<10240x128xf32, #tpu.memory_space<vmem_shared>> -> memref<80x128xf32, #tpu.memory_space<vmem_shared>>
      %dma_wait3A_94 = arith.constant 0 : i32
      %dma_wait3A_95 = tpu.memref_slice %arg9[%add3A_21, %dma_wait3A_94] : memref<10240x128xf32, #tpu.memory_space<vmem_shared>> -> memref<80x128xf32, #tpu.memory_space<vmem_shared>>
      tpu.wait_dma2 semaphore(%run_scoped3A : memref<!tpu.dma_semaphore, #tpu.memory_space<semaphore_mem>>) src(%arg8 : memref<80x128xf32, #tpu.memory_space<vmem>>) dst(%dma_wait3A_95 : memref<80x128xf32, #tpu.memory_space<vmem_shared>>)
      tpu.yield
    }) : () -> ()
    %mul3A_22 = arith.constant 640 : i32
    %mul3A_23 = arith.muli %arg1, %mul3A_22 : i32
    %add3A_24 = arith.constant 240 : i32
    %add3A_25 = arith.addi %mul3A_23, %add3A_24 : i32
    "tpu.region"() ({
      %run_scoped3A = tpu.sem_alloc : memref<!tpu.dma_semaphore, #tpu.memory_space<semaphore_mem>>
      %dma_start3A = arith.constant 0 : i32
      %dma_start3A_90 = tpu.memref_slice %arg9[%add3A_25, %dma_start3A] : memref<10240x128xf32, #tpu.memory_space<vmem_shared>> -> memref<80x128xf32, #tpu.memory_space<vmem_shared>>
      %dma_start3A_91 = arith.constant 0 : i32
      %dma_start3A_92 = tpu.memref_slice %arg9[%add3A_25, %dma_start3A_91] : memref<10240x128xf32, #tpu.memory_space<vmem_shared>> -> memref<80x128xf32, #tpu.memory_space<vmem_shared>>
      tpu.enqueue_dma source(%arg8 : memref<80x128xf32, #tpu.memory_space<vmem>>) target(%dma_start3A_92 : memref<80x128xf32, #tpu.memory_space<vmem_shared>>) target_semaphore(%run_scoped3A : memref<!tpu.dma_semaphore, #tpu.memory_space<semaphore_mem>>)
      %dma_wait3A = arith.constant 0 : i32
      %dma_wait3A_93 = tpu.memref_slice %arg9[%add3A_25, %dma_wait3A] : memref<10240x128xf32, #tpu.memory_space<vmem_shared>> -> memref<80x128xf32, #tpu.memory_space<vmem_shared>>
      %dma_wait3A_94 = arith.constant 0 : i32
      %dma_wait3A_95 = tpu.memref_slice %arg9[%add3A_25, %dma_wait3A_94] : memref<10240x128xf32, #tpu.memory_space<vmem_shared>> -> memref<80x128xf32, #tpu.memory_space<vmem_shared>>
      tpu.wait_dma2 semaphore(%run_scoped3A : memref<!tpu.dma_semaphore, #tpu.memory_space<semaphore_mem>>) src(%arg8 : memref<80x128xf32, #tpu.memory_space<vmem>>) dst(%dma_wait3A_95 : memref<80x128xf32, #tpu.memory_space<vmem_shared>>)
      tpu.yield
    }) : () -> ()
    %mul3A_26 = arith.constant 640 : i32
    %mul3A_27 = arith.muli %arg1, %mul3A_26 : i32
    %add3A_28 = arith.constant 320 : i32
    %add3A_29 = arith.addi %mul3A_27, %add3A_28 : i32
    "tpu.region"() ({
      %run_scoped3A = tpu.sem_alloc : memref<!tpu.dma_semaphore, #tpu.memory_space<semaphore_mem>>
      %dma_start3A = arith.constant 0 : i32
      %dma_start3A_90 = tpu.memref_slice %arg9[%add3A_29, %dma_start3A] : memref<10240x128xf32, #tpu.memory_space<vmem_shared>> -> memref<80x128xf32, #tpu.memory_space<vmem_shared>>
      %dma_start3A_91 = arith.constant 0 : i32
      %dma_start3A_92 = tpu.memref_slice %arg9[%add3A_29, %dma_start3A_91] : memref<10240x128xf32, #tpu.memory_space<vmem_shared>> -> memref<80x128xf32, #tpu.memory_space<vmem_shared>>
      tpu.enqueue_dma source(%arg8 : memref<80x128xf32, #tpu.memory_space<vmem>>) target(%dma_start3A_92 : memref<80x128xf32, #tpu.memory_space<vmem_shared>>) target_semaphore(%run_scoped3A : memref<!tpu.dma_semaphore, #tpu.memory_space<semaphore_mem>>)
      %dma_wait3A = arith.constant 0 : i32
      %dma_wait3A_93 = tpu.memref_slice %arg9[%add3A_29, %dma_wait3A] : memref<10240x128xf32, #tpu.memory_space<vmem_shared>> -> memref<80x128xf32, #tpu.memory_space<vmem_shared>>
      %dma_wait3A_94 = arith.constant 0 : i32
      %dma_wait3A_95 = tpu.memref_slice %arg9[%add3A_29, %dma_wait3A_94] : memref<10240x128xf32, #tpu.memory_space<vmem_shared>> -> memref<80x128xf32, #tpu.memory_space<vmem_shared>>
      tpu.wait_dma2 semaphore(%run_scoped3A : memref<!tpu.dma_semaphore, #tpu.memory_space<semaphore_mem>>) src(%arg8 : memref<80x128xf32, #tpu.memory_space<vmem>>) dst(%dma_wait3A_95 : memref<80x128xf32, #tpu.memory_space<vmem_shared>>)
      tpu.yield
    }) : () -> ()
    %mul3A_30 = arith.constant 640 : i32
    %mul3A_31 = arith.muli %arg1, %mul3A_30 : i32
    %add3A_32 = arith.constant 400 : i32
    %add3A_33 = arith.addi %mul3A_31, %add3A_32 : i32
    "tpu.region"() ({
      %run_scoped3A = tpu.sem_alloc : memref<!tpu.dma_semaphore, #tpu.memory_space<semaphore_mem>>
      %dma_start3A = arith.constant 0 : i32
      %dma_start3A_90 = tpu.memref_slice %arg9[%add3A_33, %dma_start3A] : memref<10240x128xf32, #tpu.memory_space<vmem_shared>> -> memref<80x128xf32, #tpu.memory_space<vmem_shared>>
      %dma_start3A_91 = arith.constant 0 : i32
      %dma_start3A_92 = tpu.memref_slice %arg9[%add3A_33, %dma_start3A_91] : memref<10240x128xf32, #tpu.memory_space<vmem_shared>> -> memref<80x128xf32, #tpu.memory_space<vmem_shared>>
      tpu.enqueue_dma source(%arg8 : memref<80x128xf32, #tpu.memory_space<vmem>>) target(%dma_start3A_92 : memref<80x128xf32, #tpu.memory_space<vmem_shared>>) target_semaphore(%run_scoped3A : memref<!tpu.dma_semaphore, #tpu.memory_space<semaphore_mem>>)
      %dma_wait3A = arith.constant 0 : i32
      %dma_wait3A_93 = tpu.memref_slice %arg9[%add3A_33, %dma_wait3A] : memref<10240x128xf32, #tpu.memory_space<vmem_shared>> -> memref<80x128xf32, #tpu.memory_space<vmem_shared>>
      %dma_wait3A_94 = arith.constant 0 : i32
      %dma_wait3A_95 = tpu.memref_slice %arg9[%add3A_33, %dma_wait3A_94] : memref<10240x128xf32, #tpu.memory_space<vmem_shared>> -> memref<80x128xf32, #tpu.memory_space<vmem_shared>>
      tpu.wait_dma2 semaphore(%run_scoped3A : memref<!tpu.dma_semaphore, #tpu.memory_space<semaphore_mem>>) src(%arg8 : memref<80x128xf32, #tpu.memory_space<vmem>>) dst(%dma_wait3A_95 : memref<80x128xf32, #tpu.memory_space<vmem_shared>>)
      tpu.yield
    }) : () -> ()
    %mul3A_34 = arith.constant 640 : i32
    %mul3A_35 = arith.muli %arg1, %mul3A_34 : i32
    %add3A_36 = arith.constant 480 : i32
    %add3A_37 = arith.addi %mul3A_35, %add3A_36 : i32
    "tpu.region"() ({
      %run_scoped3A = tpu.sem_alloc : memref<!tpu.dma_semaphore, #tpu.memory_space<semaphore_mem>>
      %dma_start3A = arith.constant 0 : i32
      %dma_start3A_90 = tpu.memref_slice %arg9[%add3A_37, %dma_start3A] : memref<10240x128xf32, #tpu.memory_space<vmem_shared>> -> memref<80x128xf32, #tpu.memory_space<vmem_shared>>
      %dma_start3A_91 = arith.constant 0 : i32
      %dma_start3A_92 = tpu.memref_slice %arg9[%add3A_37, %dma_start3A_91] : memref<10240x128xf32, #tpu.memory_space<vmem_shared>> -> memref<80x128xf32, #tpu.memory_space<vmem_shared>>
      tpu.enqueue_dma source(%arg8 : memref<80x128xf32, #tpu.memory_space<vmem>>) target(%dma_start3A_92 : memref<80x128xf32, #tpu.memory_space<vmem_shared>>) target_semaphore(%run_scoped3A : memref<!tpu.dma_semaphore, #tpu.memory_space<semaphore_mem>>)
      %dma_wait3A = arith.constant 0 : i32
      %dma_wait3A_93 = tpu.memref_slice %arg9[%add3A_37, %dma_wait3A] : memref<10240x128xf32, #tpu.memory_space<vmem_shared>> -> memref<80x128xf32, #tpu.memory_space<vmem_shared>>
      %dma_wait3A_94 = arith.constant 0 : i32
      %dma_wait3A_95 = tpu.memref_slice %arg9[%add3A_37, %dma_wait3A_94] : memref<10240x128xf32, #tpu.memory_space<vmem_shared>> -> memref<80x128xf32, #tpu.memory_space<vmem_shared>>
      tpu.wait_dma2 semaphore(%run_scoped3A : memref<!tpu.dma_semaphore, #tpu.memory_space<semaphore_mem>>) src(%arg8 : memref<80x128xf32, #tpu.memory_space<vmem>>) dst(%dma_wait3A_95 : memref<80x128xf32, #tpu.memory_space<vmem_shared>>)
      tpu.yield
    }) : () -> ()
    %mul3A_38 = arith.constant 640 : i32
    %mul3A_39 = arith.muli %arg1, %mul3A_38 : i32
    %add3A_40 = arith.constant 560 : i32
    %add3A_41 = arith.addi %mul3A_39, %add3A_40 : i32
    "tpu.region"() ({
      %run_scoped3A = tpu.sem_alloc : memref<!tpu.dma_semaphore, #tpu.memory_space<semaphore_mem>>
      %dma_start3A = arith.constant 0 : i32
      %dma_start3A_90 = tpu.memref_slice %arg9[%add3A_41, %dma_start3A] : memref<10240x128xf32, #tpu.memory_space<vmem_shared>> -> memref<80x128xf32, #tpu.memory_space<vmem_shared>>
      %dma_start3A_91 = arith.constant 0 : i32
      %dma_start3A_92 = tpu.memref_slice %arg9[%add3A_41, %dma_start3A_91] : memref<10240x128xf32, #tpu.memory_space<vmem_shared>> -> memref<80x128xf32, #tpu.memory_space<vmem_shared>>
      tpu.enqueue_dma source(%arg8 : memref<80x128xf32, #tpu.memory_space<vmem>>) target(%dma_start3A_92 : memref<80x128xf32, #tpu.memory_space<vmem_shared>>) target_semaphore(%run_scoped3A : memref<!tpu.dma_semaphore, #tpu.memory_space<semaphore_mem>>)
      %dma_wait3A = arith.constant 0 : i32
      %dma_wait3A_93 = tpu.memref_slice %arg9[%add3A_41, %dma_wait3A] : memref<10240x128xf32, #tpu.memory_space<vmem_shared>> -> memref<80x128xf32, #tpu.memory_space<vmem_shared>>
      %dma_wait3A_94 = arith.constant 0 : i32
      %dma_wait3A_95 = tpu.memref_slice %arg9[%add3A_41, %dma_wait3A_94] : memref<10240x128xf32, #tpu.memory_space<vmem_shared>> -> memref<80x128xf32, #tpu.memory_space<vmem_shared>>
      tpu.wait_dma2 semaphore(%run_scoped3A : memref<!tpu.dma_semaphore, #tpu.memory_space<semaphore_mem>>) src(%arg8 : memref<80x128xf32, #tpu.memory_space<vmem>>) dst(%dma_wait3A_95 : memref<80x128xf32, #tpu.memory_space<vmem_shared>>)
      tpu.yield
    }) : () -> ()
    %barrier3A = arith.constant 0 : index
    tpu.barrier barrier_id(%barrier3A)
    %scan3A_42 = arith.constant 0 : i32
    %scan3A_43 = arith.constant 0 : i32
    %scan3A_44 = arith.constant 125 : i32
    %scan3A_45 = arith.addi %scan3A_43, %scan3A_44 : i32
    %scan3A_46 = arith.constant 1 : i32
    %scan3A_47 = scf.for %scan3A_90 = %scan3A_43 to %scan3A_45 step %scan3A_46 iter_args(%scan3A_91 = %scan3A_42) -> (i32)  : i32 {
      %mul3A_92 = arith.constant 80 : i32
      %mul3A_93 = arith.muli %scan3A_90, %mul3A_92 : i32
      %add3A_94 = arith.addi %mul3A_0, %mul3A_93 : i32
      "tpu.region"() ({
        %run_scoped3A = tpu.sem_alloc : memref<!tpu.dma_semaphore, #tpu.memory_space<semaphore_mem>>
        %dma_start3A_107 = tpu.memref_slice %arg3[%add3A_94] : memref<160000xi32, #tpu.memory_space<hbm>> -> memref<80xi32, #tpu.memory_space<hbm>>
        %dma_start3A_108 = tpu.memref_slice %arg3[%add3A_94] : memref<160000xi32, #tpu.memory_space<hbm>> -> memref<80xi32, #tpu.memory_space<hbm>>
        tpu.enqueue_dma source(%dma_start3A_108 : memref<80xi32, #tpu.memory_space<hbm>>) target(%arg6 : memref<80xi32, #tpu.memory_space<vmem>>) target_semaphore(%run_scoped3A : memref<!tpu.dma_semaphore, #tpu.memory_space<semaphore_mem>>)
        %dma_wait3A_109 = tpu.memref_slice %arg3[%add3A_94] : memref<160000xi32, #tpu.memory_space<hbm>> -> memref<80xi32, #tpu.memory_space<hbm>>
        %dma_wait3A_110 = tpu.memref_slice %arg3[%add3A_94] : memref<160000xi32, #tpu.memory_space<hbm>> -> memref<80xi32, #tpu.memory_space<hbm>>
        tpu.wait_dma2 semaphore(%run_scoped3A : memref<!tpu.dma_semaphore, #tpu.memory_space<semaphore_mem>>) src(%dma_wait3A_110 : memref<80xi32, #tpu.memory_space<hbm>>) dst(%arg6 : memref<80xi32, #tpu.memory_space<vmem>>)
        tpu.yield
      }) : () -> ()
      "tpu.region"() ({
        %run_scoped3A = tpu.sem_alloc : memref<!tpu.dma_semaphore, #tpu.memory_space<semaphore_mem>>
        %dma_start3A_107 = tpu.memref_slice %arg4[%add3A_94] : memref<160000xi32, #tpu.memory_space<hbm>> -> memref<80xi32, #tpu.memory_space<hbm>>
        %dma_start3A_108 = tpu.memref_slice %arg4[%add3A_94] : memref<160000xi32, #tpu.memory_space<hbm>> -> memref<80xi32, #tpu.memory_space<hbm>>
        tpu.enqueue_dma source(%dma_start3A_108 : memref<80xi32, #tpu.memory_space<hbm>>) target(%arg7 : memref<80xi32, #tpu.memory_space<vmem>>) target_semaphore(%run_scoped3A : memref<!tpu.dma_semaphore, #tpu.memory_space<semaphore_mem>>)
        %dma_wait3A_109 = tpu.memref_slice %arg4[%add3A_94] : memref<160000xi32, #tpu.memory_space<hbm>> -> memref<80xi32, #tpu.memory_space<hbm>>
        %dma_wait3A_110 = tpu.memref_slice %arg4[%add3A_94] : memref<160000xi32, #tpu.memory_space<hbm>> -> memref<80xi32, #tpu.memory_space<hbm>>
        tpu.wait_dma2 semaphore(%run_scoped3A : memref<!tpu.dma_semaphore, #tpu.memory_space<semaphore_mem>>) src(%dma_wait3A_110 : memref<80xi32, #tpu.memory_space<hbm>>) dst(%arg7 : memref<80xi32, #tpu.memory_space<vmem>>)
        tpu.yield
      }) : () -> ()
      %scan3A_95 = arith.constant 0 : i32
      %scan3A_96 = arith.constant 0 : i32
      %scan3A_97 = arith.constant 5 : i32
      %scan3A_98 = arith.addi %scan3A_96, %scan3A_97 : i32
      %scan3A_99 = arith.constant 1 : i32
      %scan3A_100 = scf.for %scan3A_107 = %scan3A_96 to %scan3A_98 step %scan3A_99 iter_args(%scan3A_108 = %scan3A_95) -> (i32)  : i32 {
        %mul3A_109 = arith.constant 16 : i32
        %mul3A_110 = arith.muli %mul3A_109, %scan3A_107 : i32
        %get3A = arith.index_cast %mul3A_110 : i32 to index
        %get3A_111 = tpu.vector_load %arg6[%get3A] {strides = array<i32>} : memref<80xi32, #tpu.memory_space<vmem>>, vector<16xi32>,
        %get3A_112 = vector.shape_cast %get3A_111 : vector<16xi32> to vector<16xi32>
        %broadcast_in_dim3A = vector.broadcast %mul3A_2 : i32 to vector<16xi32>
        %add3A_113 = arith.addi %get3A_112, %broadcast_in_dim3A : vector<16xi32>
        %swap3A = arith.index_cast %mul3A_110 : i32 to index
        %swap3A_114 = tpu.vector_load %arg6[%swap3A] {strides = array<i32>} : memref<80xi32, #tpu.memory_space<vmem>>, vector<16xi32>,
        %swap3A_115 = vector.shape_cast %swap3A_114 : vector<16xi32> to vector<16xi32>
        %swap3A_116 = vector.shape_cast %add3A_113 : vector<16xi32> to vector<16xi32>
        tpu.vector_store %arg6[%swap3A], %swap3A_116 {strides = array<i32>} : memref<80xi32, #tpu.memory_space<vmem>>, vector<16xi32>,
        %scan3A_117 = arith.constant 0 : i32
        scf.yield %scan3A_117 : i32
      }
      %scan3A_101 = arith.constant 5 : i32
      %dma_start3A = arith.constant 0 : i32
      %dma_start3A_102 = arith.constant 0 : i32
      %dma_start3A_103 = tpu.memref_slice %arg2[%dma_start3A, %dma_start3A_102] : memref<20000x128xf32, #tpu.memory_space<hbm>> -> memref<20000x128xf32, #tpu.memory_space<hbm>>
      tpu.enqueue_indirect_dma source(%dma_start3A_103 : memref<20000x128xf32, #tpu.memory_space<hbm>>) target(%arg8 : memref<80x128xf32, #tpu.memory_space<vmem>>) offsets(%arg6 : memref<80xi32, #tpu.memory_space<vmem>>) semaphore(%arg10 : memref<!tpu.dma_semaphore, #tpu.memory_space<semaphore_mem>>)
      %dma_wait3A = arith.constant 0 : i32
      %dma_wait3A_104 = arith.constant 0 : i32
      %dma_wait3A_105 = tpu.memref_slice %arg2[%dma_wait3A, %dma_wait3A_104] : memref<20000x128xf32, #tpu.memory_space<hbm>> -> memref<20000x128xf32, #tpu.memory_space<hbm>>
      tpu.wait_indirect_dma semaphore(%arg10 : memref<!tpu.dma_semaphore, #tpu.memory_space<semaphore_mem>>) src(%dma_wait3A_105 : memref<20000x128xf32, #tpu.memory_space<hbm>>) dst(%arg8 : memref<80x128xf32, #tpu.memory_space<vmem>>)
      "tpu.region"() ({
        %run_scoped3A = tpu.sem_alloc : memref<!tpu.dma_semaphore, #tpu.memory_space<semaphore_mem>>
        %dma_start3A_107 = arith.constant 0 : i32
        %dma_start3A_108 = arith.constant 0 : i32
        %dma_start3A_109 = tpu.memref_slice %arg9[%dma_start3A_107, %dma_start3A_108] : memref<10240x128xf32, #tpu.memory_space<vmem_shared>> -> memref<10240x128xf32, #tpu.memory_space<vmem_shared>>
        tpu.enqueue_indirect_dma source(%arg8 : memref<80x128xf32, #tpu.memory_space<vmem>>) target(%dma_start3A_109 : memref<10240x128xf32, #tpu.memory_space<vmem_shared>>) offsets(%arg7 : memref<80xi32, #tpu.memory_space<vmem>>) semaphore(%run_scoped3A : memref<!tpu.dma_semaphore, #tpu.memory_space<semaphore_mem>>) {add = true}
        %dma_wait3A_110 = arith.constant 0 : i32
        %dma_wait3A_111 = arith.constant 0 : i32
        %dma_wait3A_112 = tpu.memref_slice %arg9[%dma_wait3A_110, %dma_wait3A_111] : memref<10240x128xf32, #tpu.memory_space<vmem_shared>> -> memref<10240x128xf32, #tpu.memory_space<vmem_shared>>
        tpu.wait_indirect_dma semaphore(%run_scoped3A : memref<!tpu.dma_semaphore, #tpu.memory_space<semaphore_mem>>) src(%arg8 : memref<80x128xf32, #tpu.memory_space<vmem>>) dst(%dma_wait3A_112 : memref<10240x128xf32, #tpu.memory_space<vmem_shared>>)
        tpu.yield
      }) : () -> ()
      %scan3A_106 = arith.constant 0 : i32
      scf.yield %scan3A_106 : i32
    }
    %scan3A_48 = arith.constant 125 : i32
    %barrier3A_49 = arith.constant 0 : index
    tpu.barrier barrier_id(%barrier3A_49)
    %mul3A_50 = arith.constant 640 : i32
    %mul3A_51 = arith.muli %arg1, %mul3A_50 : i32
    %add3A_52 = arith.constant 0 : i32
    %add3A_53 = arith.addi %mul3A_51, %add3A_52 : i32
    "tpu.region"() ({
      %run_scoped3A = tpu.sem_alloc : memref<!tpu.dma_semaphore, #tpu.memory_space<semaphore_mem>>
      %dma_start3A = arith.constant 0 : i32
      %dma_start3A_90 = tpu.memref_slice %arg9[%add3A_53, %dma_start3A] : memref<10240x128xf32, #tpu.memory_space<vmem_shared>> -> memref<80x128xf32, #tpu.memory_space<vmem_shared>>
      %dma_start3A_91 = arith.constant 0 : i32
      %dma_start3A_92 = tpu.memref_slice %arg9[%add3A_53, %dma_start3A_91] : memref<10240x128xf32, #tpu.memory_space<vmem_shared>> -> memref<80x128xf32, #tpu.memory_space<vmem_shared>>
      tpu.enqueue_dma source(%dma_start3A_92 : memref<80x128xf32, #tpu.memory_space<vmem_shared>>) target(%arg8 : memref<80x128xf32, #tpu.memory_space<vmem>>) target_semaphore(%run_scoped3A : memref<!tpu.dma_semaphore, #tpu.memory_space<semaphore_mem>>)
      %dma_wait3A = arith.constant 0 : i32
      %dma_wait3A_93 = tpu.memref_slice %arg9[%add3A_53, %dma_wait3A] : memref<10240x128xf32, #tpu.memory_space<vmem_shared>> -> memref<80x128xf32, #tpu.memory_space<vmem_shared>>
      %dma_wait3A_94 = arith.constant 0 : i32
      %dma_wait3A_95 = tpu.memref_slice %arg9[%add3A_53, %dma_wait3A_94] : memref<10240x128xf32, #tpu.memory_space<vmem_shared>> -> memref<80x128xf32, #tpu.memory_space<vmem_shared>>
      tpu.wait_dma2 semaphore(%run_scoped3A : memref<!tpu.dma_semaphore, #tpu.memory_space<semaphore_mem>>) src(%dma_wait3A_95 : memref<80x128xf32, #tpu.memory_space<vmem_shared>>) dst(%arg8 : memref<80x128xf32, #tpu.memory_space<vmem>>)
      tpu.yield
    }) : () -> ()
    %add3A_54 = arith.addi %mul3A_4, %add3A_53 : i32
    "tpu.region"() ({
      %run_scoped3A = tpu.sem_alloc : memref<!tpu.dma_semaphore, #tpu.memory_space<semaphore_mem>>
      %dma_start3A = arith.constant 0 : i32
      %dma_start3A_90 = tpu.memref_slice %arg5[%add3A_54, %dma_start3A] : memref<20480x128xf32, #tpu.memory_space<hbm>> -> memref<80x128xf32, #tpu.memory_space<hbm>>
      %dma_start3A_91 = arith.constant 0 : i32
      %dma_start3A_92 = tpu.memref_slice %arg5[%add3A_54, %dma_start3A_91] : memref<20480x128xf32, #tpu.memory_space<hbm>> -> memref<80x128xf32, #tpu.memory_space<hbm>>
      tpu.enqueue_dma source(%arg8 : memref<80x128xf32, #tpu.memory_space<vmem>>) target(%dma_start3A_92 : memref<80x128xf32, #tpu.memory_space<hbm>>) target_semaphore(%run_scoped3A : memref<!tpu.dma_semaphore, #tpu.memory_space<semaphore_mem>>)
      %dma_wait3A = arith.constant 0 : i32
      %dma_wait3A_93 = tpu.memref_slice %arg5[%add3A_54, %dma_wait3A] : memref<20480x128xf32, #tpu.memory_space<hbm>> -> memref<80x128xf32, #tpu.memory_space<hbm>>
      %dma_wait3A_94 = arith.constant 0 : i32
      %dma_wait3A_95 = tpu.memref_slice %arg5[%add3A_54, %dma_wait3A_94] : memref<20480x128xf32, #tpu.memory_space<hbm>> -> memref<80x128xf32, #tpu.memory_space<hbm>>
      tpu.wait_dma2 semaphore(%run_scoped3A : memref<!tpu.dma_semaphore, #tpu.memory_space<semaphore_mem>>) src(%arg8 : memref<80x128xf32, #tpu.memory_space<vmem>>) dst(%dma_wait3A_95 : memref<80x128xf32, #tpu.memory_space<hbm>>)
      tpu.yield
    }) : () -> ()
    %mul3A_55 = arith.constant 640 : i32
    %mul3A_56 = arith.muli %arg1, %mul3A_55 : i32
    %add3A_57 = arith.constant 80 : i32
    %add3A_58 = arith.addi %mul3A_56, %add3A_57 : i32
    "tpu.region"() ({
      %run_scoped3A = tpu.sem_alloc : memref<!tpu.dma_semaphore, #tpu.memory_space<semaphore_mem>>
      %dma_start3A = arith.constant 0 : i32
      %dma_start3A_90 = tpu.memref_slice %arg9[%add3A_58, %dma_start3A] : memref<10240x128xf32, #tpu.memory_space<vmem_shared>> -> memref<80x128xf32, #tpu.memory_space<vmem_shared>>
      %dma_start3A_91 = arith.constant 0 : i32
      %dma_start3A_92 = tpu.memref_slice %arg9[%add3A_58, %dma_start3A_91] : memref<10240x128xf32, #tpu.memory_space<vmem_shared>> -> memref<80x128xf32, #tpu.memory_space<vmem_shared>>
      tpu.enqueue_dma source(%dma_start3A_92 : memref<80x128xf32, #tpu.memory_space<vmem_shared>>) target(%arg8 : memref<80x128xf32, #tpu.memory_space<vmem>>) target_semaphore(%run_scoped3A : memref<!tpu.dma_semaphore, #tpu.memory_space<semaphore_mem>>)
      %dma_wait3A = arith.constant 0 : i32
      %dma_wait3A_93 = tpu.memref_slice %arg9[%add3A_58, %dma_wait3A] : memref<10240x128xf32, #tpu.memory_space<vmem_shared>> -> memref<80x128xf32, #tpu.memory_space<vmem_shared>>
      %dma_wait3A_94 = arith.constant 0 : i32
      %dma_wait3A_95 = tpu.memref_slice %arg9[%add3A_58, %dma_wait3A_94] : memref<10240x128xf32, #tpu.memory_space<vmem_shared>> -> memref<80x128xf32, #tpu.memory_space<vmem_shared>>
      tpu.wait_dma2 semaphore(%run_scoped3A : memref<!tpu.dma_semaphore, #tpu.memory_space<semaphore_mem>>) src(%dma_wait3A_95 : memref<80x128xf32, #tpu.memory_space<vmem_shared>>) dst(%arg8 : memref<80x128xf32, #tpu.memory_space<vmem>>)
      tpu.yield
    }) : () -> ()
    %add3A_59 = arith.addi %mul3A_4, %add3A_58 : i32
    "tpu.region"() ({
      %run_scoped3A = tpu.sem_alloc : memref<!tpu.dma_semaphore, #tpu.memory_space<semaphore_mem>>
      %dma_start3A = arith.constant 0 : i32
      %dma_start3A_90 = tpu.memref_slice %arg5[%add3A_59, %dma_start3A] : memref<20480x128xf32, #tpu.memory_space<hbm>> -> memref<80x128xf32, #tpu.memory_space<hbm>>
      %dma_start3A_91 = arith.constant 0 : i32
      %dma_start3A_92 = tpu.memref_slice %arg5[%add3A_59, %dma_start3A_91] : memref<20480x128xf32, #tpu.memory_space<hbm>> -> memref<80x128xf32, #tpu.memory_space<hbm>>
      tpu.enqueue_dma source(%arg8 : memref<80x128xf32, #tpu.memory_space<vmem>>) target(%dma_start3A_92 : memref<80x128xf32, #tpu.memory_space<hbm>>) target_semaphore(%run_scoped3A : memref<!tpu.dma_semaphore, #tpu.memory_space<semaphore_mem>>)
      %dma_wait3A = arith.constant 0 : i32
      %dma_wait3A_93 = tpu.memref_slice %arg5[%add3A_59, %dma_wait3A] : memref<20480x128xf32, #tpu.memory_space<hbm>> -> memref<80x128xf32, #tpu.memory_space<hbm>>
      %dma_wait3A_94 = arith.constant 0 : i32
      %dma_wait3A_95 = tpu.memref_slice %arg5[%add3A_59, %dma_wait3A_94] : memref<20480x128xf32, #tpu.memory_space<hbm>> -> memref<80x128xf32, #tpu.memory_space<hbm>>
      tpu.wait_dma2 semaphore(%run_scoped3A : memref<!tpu.dma_semaphore, #tpu.memory_space<semaphore_mem>>) src(%arg8 : memref<80x128xf32, #tpu.memory_space<vmem>>) dst(%dma_wait3A_95 : memref<80x128xf32, #tpu.memory_space<hbm>>)
      tpu.yield
    }) : () -> ()
    %mul3A_60 = arith.constant 640 : i32
    %mul3A_61 = arith.muli %arg1, %mul3A_60 : i32
    %add3A_62 = arith.constant 160 : i32
    %add3A_63 = arith.addi %mul3A_61, %add3A_62 : i32
    "tpu.region"() ({
      %run_scoped3A = tpu.sem_alloc : memref<!tpu.dma_semaphore, #tpu.memory_space<semaphore_mem>>
      %dma_start3A = arith.constant 0 : i32
      %dma_start3A_90 = tpu.memref_slice %arg9[%add3A_63, %dma_start3A] : memref<10240x128xf32, #tpu.memory_space<vmem_shared>> -> memref<80x128xf32, #tpu.memory_space<vmem_shared>>
      %dma_start3A_91 = arith.constant 0 : i32
      %dma_start3A_92 = tpu.memref_slice %arg9[%add3A_63, %dma_start3A_91] : memref<10240x128xf32, #tpu.memory_space<vmem_shared>> -> memref<80x128xf32, #tpu.memory_space<vmem_shared>>
      tpu.enqueue_dma source(%dma_start3A_92 : memref<80x128xf32, #tpu.memory_space<vmem_shared>>) target(%arg8 : memref<80x128xf32, #tpu.memory_space<vmem>>) target_semaphore(%run_scoped3A : memref<!tpu.dma_semaphore, #tpu.memory_space<semaphore_mem>>)
      %dma_wait3A = arith.constant 0 : i32
      %dma_wait3A_93 = tpu.memref_slice %arg9[%add3A_63, %dma_wait3A] : memref<10240x128xf32, #tpu.memory_space<vmem_shared>> -> memref<80x128xf32, #tpu.memory_space<vmem_shared>>
      %dma_wait3A_94 = arith.constant 0 : i32
      %dma_wait3A_95 = tpu.memref_slice %arg9[%add3A_63, %dma_wait3A_94] : memref<10240x128xf32, #tpu.memory_space<vmem_shared>> -> memref<80x128xf32, #tpu.memory_space<vmem_shared>>
      tpu.wait_dma2 semaphore(%run_scoped3A : memref<!tpu.dma_semaphore, #tpu.memory_space<semaphore_mem>>) src(%dma_wait3A_95 : memref<80x128xf32, #tpu.memory_space<vmem_shared>>) dst(%arg8 : memref<80x128xf32, #tpu.memory_space<vmem>>)
      tpu.yield
    }) : () -> ()
    %add3A_64 = arith.addi %mul3A_4, %add3A_63 : i32
    "tpu.region"() ({
      %run_scoped3A = tpu.sem_alloc : memref<!tpu.dma_semaphore, #tpu.memory_space<semaphore_mem>>
      %dma_start3A = arith.constant 0 : i32
      %dma_start3A_90 = tpu.memref_slice %arg5[%add3A_64, %dma_start3A] : memref<20480x128xf32, #tpu.memory_space<hbm>> -> memref<80x128xf32, #tpu.memory_space<hbm>>
      %dma_start3A_91 = arith.constant 0 : i32
      %dma_start3A_92 = tpu.memref_slice %arg5[%add3A_64, %dma_start3A_91] : memref<20480x128xf32, #tpu.memory_space<hbm>> -> memref<80x128xf32, #tpu.memory_space<hbm>>
      tpu.enqueue_dma source(%arg8 : memref<80x128xf32, #tpu.memory_space<vmem>>) target(%dma_start3A_92 : memref<80x128xf32, #tpu.memory_space<hbm>>) target_semaphore(%run_scoped3A : memref<!tpu.dma_semaphore, #tpu.memory_space<semaphore_mem>>)
      %dma_wait3A = arith.constant 0 : i32
      %dma_wait3A_93 = tpu.memref_slice %arg5[%add3A_64, %dma_wait3A] : memref<20480x128xf32, #tpu.memory_space<hbm>> -> memref<80x128xf32, #tpu.memory_space<hbm>>
      %dma_wait3A_94 = arith.constant 0 : i32
      %dma_wait3A_95 = tpu.memref_slice %arg5[%add3A_64, %dma_wait3A_94] : memref<20480x128xf32, #tpu.memory_space<hbm>> -> memref<80x128xf32, #tpu.memory_space<hbm>>
      tpu.wait_dma2 semaphore(%run_scoped3A : memref<!tpu.dma_semaphore, #tpu.memory_space<semaphore_mem>>) src(%arg8 : memref<80x128xf32, #tpu.memory_space<vmem>>) dst(%dma_wait3A_95 : memref<80x128xf32, #tpu.memory_space<hbm>>)
      tpu.yield
    }) : () -> ()
    %mul3A_65 = arith.constant 640 : i32
    %mul3A_66 = arith.muli %arg1, %mul3A_65 : i32
    %add3A_67 = arith.constant 240 : i32
    %add3A_68 = arith.addi %mul3A_66, %add3A_67 : i32
    "tpu.region"() ({
      %run_scoped3A = tpu.sem_alloc : memref<!tpu.dma_semaphore, #tpu.memory_space<semaphore_mem>>
      %dma_start3A = arith.constant 0 : i32
      %dma_start3A_90 = tpu.memref_slice %arg9[%add3A_68, %dma_start3A] : memref<10240x128xf32, #tpu.memory_space<vmem_shared>> -> memref<80x128xf32, #tpu.memory_space<vmem_shared>>
      %dma_start3A_91 = arith.constant 0 : i32
      %dma_start3A_92 = tpu.memref_slice %arg9[%add3A_68, %dma_start3A_91] : memref<10240x128xf32, #tpu.memory_space<vmem_shared>> -> memref<80x128xf32, #tpu.memory_space<vmem_shared>>
      tpu.enqueue_dma source(%dma_start3A_92 : memref<80x128xf32, #tpu.memory_space<vmem_shared>>) target(%arg8 : memref<80x128xf32, #tpu.memory_space<vmem>>) target_semaphore(%run_scoped3A : memref<!tpu.dma_semaphore, #tpu.memory_space<semaphore_mem>>)
      %dma_wait3A = arith.constant 0 : i32
      %dma_wait3A_93 = tpu.memref_slice %arg9[%add3A_68, %dma_wait3A] : memref<10240x128xf32, #tpu.memory_space<vmem_shared>> -> memref<80x128xf32, #tpu.memory_space<vmem_shared>>
      %dma_wait3A_94 = arith.constant 0 : i32
      %dma_wait3A_95 = tpu.memref_slice %arg9[%add3A_68, %dma_wait3A_94] : memref<10240x128xf32, #tpu.memory_space<vmem_shared>> -> memref<80x128xf32, #tpu.memory_space<vmem_shared>>
      tpu.wait_dma2 semaphore(%run_scoped3A : memref<!tpu.dma_semaphore, #tpu.memory_space<semaphore_mem>>) src(%dma_wait3A_95 : memref<80x128xf32, #tpu.memory_space<vmem_shared>>) dst(%arg8 : memref<80x128xf32, #tpu.memory_space<vmem>>)
      tpu.yield
    }) : () -> ()
    %add3A_69 = arith.addi %mul3A_4, %add3A_68 : i32
    "tpu.region"() ({
      %run_scoped3A = tpu.sem_alloc : memref<!tpu.dma_semaphore, #tpu.memory_space<semaphore_mem>>
      %dma_start3A = arith.constant 0 : i32
      %dma_start3A_90 = tpu.memref_slice %arg5[%add3A_69, %dma_start3A] : memref<20480x128xf32, #tpu.memory_space<hbm>> -> memref<80x128xf32, #tpu.memory_space<hbm>>
      %dma_start3A_91 = arith.constant 0 : i32
      %dma_start3A_92 = tpu.memref_slice %arg5[%add3A_69, %dma_start3A_91] : memref<20480x128xf32, #tpu.memory_space<hbm>> -> memref<80x128xf32, #tpu.memory_space<hbm>>
      tpu.enqueue_dma source(%arg8 : memref<80x128xf32, #tpu.memory_space<vmem>>) target(%dma_start3A_92 : memref<80x128xf32, #tpu.memory_space<hbm>>) target_semaphore(%run_scoped3A : memref<!tpu.dma_semaphore, #tpu.memory_space<semaphore_mem>>)
      %dma_wait3A = arith.constant 0 : i32
      %dma_wait3A_93 = tpu.memref_slice %arg5[%add3A_69, %dma_wait3A] : memref<20480x128xf32, #tpu.memory_space<hbm>> -> memref<80x128xf32, #tpu.memory_space<hbm>>
      %dma_wait3A_94 = arith.constant 0 : i32
      %dma_wait3A_95 = tpu.memref_slice %arg5[%add3A_69, %dma_wait3A_94] : memref<20480x128xf32, #tpu.memory_space<hbm>> -> memref<80x128xf32, #tpu.memory_space<hbm>>
      tpu.wait_dma2 semaphore(%run_scoped3A : memref<!tpu.dma_semaphore, #tpu.memory_space<semaphore_mem>>) src(%arg8 : memref<80x128xf32, #tpu.memory_space<vmem>>) dst(%dma_wait3A_95 : memref<80x128xf32, #tpu.memory_space<hbm>>)
      tpu.yield
    }) : () -> ()
    %mul3A_70 = arith.constant 640 : i32
    %mul3A_71 = arith.muli %arg1, %mul3A_70 : i32
    %add3A_72 = arith.constant 320 : i32
    %add3A_73 = arith.addi %mul3A_71, %add3A_72 : i32
    "tpu.region"() ({
      %run_scoped3A = tpu.sem_alloc : memref<!tpu.dma_semaphore, #tpu.memory_space<semaphore_mem>>
      %dma_start3A = arith.constant 0 : i32
      %dma_start3A_90 = tpu.memref_slice %arg9[%add3A_73, %dma_start3A] : memref<10240x128xf32, #tpu.memory_space<vmem_shared>> -> memref<80x128xf32, #tpu.memory_space<vmem_shared>>
      %dma_start3A_91 = arith.constant 0 : i32
      %dma_start3A_92 = tpu.memref_slice %arg9[%add3A_73, %dma_start3A_91] : memref<10240x128xf32, #tpu.memory_space<vmem_shared>> -> memref<80x128xf32, #tpu.memory_space<vmem_shared>>
      tpu.enqueue_dma source(%dma_start3A_92 : memref<80x128xf32, #tpu.memory_space<vmem_shared>>) target(%arg8 : memref<80x128xf32, #tpu.memory_space<vmem>>) target_semaphore(%run_scoped3A : memref<!tpu.dma_semaphore, #tpu.memory_space<semaphore_mem>>)
      %dma_wait3A = arith.constant 0 : i32
      %dma_wait3A_93 = tpu.memref_slice %arg9[%add3A_73, %dma_wait3A] : memref<10240x128xf32, #tpu.memory_space<vmem_shared>> -> memref<80x128xf32, #tpu.memory_space<vmem_shared>>
      %dma_wait3A_94 = arith.constant 0 : i32
      %dma_wait3A_95 = tpu.memref_slice %arg9[%add3A_73, %dma_wait3A_94] : memref<10240x128xf32, #tpu.memory_space<vmem_shared>> -> memref<80x128xf32, #tpu.memory_space<vmem_shared>>
      tpu.wait_dma2 semaphore(%run_scoped3A : memref<!tpu.dma_semaphore, #tpu.memory_space<semaphore_mem>>) src(%dma_wait3A_95 : memref<80x128xf32, #tpu.memory_space<vmem_shared>>) dst(%arg8 : memref<80x128xf32, #tpu.memory_space<vmem>>)
      tpu.yield
    }) : () -> ()
    %add3A_74 = arith.addi %mul3A_4, %add3A_73 : i32
    "tpu.region"() ({
      %run_scoped3A = tpu.sem_alloc : memref<!tpu.dma_semaphore, #tpu.memory_space<semaphore_mem>>
      %dma_start3A = arith.constant 0 : i32
      %dma_start3A_90 = tpu.memref_slice %arg5[%add3A_74, %dma_start3A] : memref<20480x128xf32, #tpu.memory_space<hbm>> -> memref<80x128xf32, #tpu.memory_space<hbm>>
      %dma_start3A_91 = arith.constant 0 : i32
      %dma_start3A_92 = tpu.memref_slice %arg5[%add3A_74, %dma_start3A_91] : memref<20480x128xf32, #tpu.memory_space<hbm>> -> memref<80x128xf32, #tpu.memory_space<hbm>>
      tpu.enqueue_dma source(%arg8 : memref<80x128xf32, #tpu.memory_space<vmem>>) target(%dma_start3A_92 : memref<80x128xf32, #tpu.memory_space<hbm>>) target_semaphore(%run_scoped3A : memref<!tpu.dma_semaphore, #tpu.memory_space<semaphore_mem>>)
      %dma_wait3A = arith.constant 0 : i32
      %dma_wait3A_93 = tpu.memref_slice %arg5[%add3A_74, %dma_wait3A] : memref<20480x128xf32, #tpu.memory_space<hbm>> -> memref<80x128xf32, #tpu.memory_space<hbm>>
      %dma_wait3A_94 = arith.constant 0 : i32
      %dma_wait3A_95 = tpu.memref_slice %arg5[%add3A_74, %dma_wait3A_94] : memref<20480x128xf32, #tpu.memory_space<hbm>> -> memref<80x128xf32, #tpu.memory_space<hbm>>
      tpu.wait_dma2 semaphore(%run_scoped3A : memref<!tpu.dma_semaphore, #tpu.memory_space<semaphore_mem>>) src(%arg8 : memref<80x128xf32, #tpu.memory_space<vmem>>) dst(%dma_wait3A_95 : memref<80x128xf32, #tpu.memory_space<hbm>>)
      tpu.yield
    }) : () -> ()
    %mul3A_75 = arith.constant 640 : i32
    %mul3A_76 = arith.muli %arg1, %mul3A_75 : i32
    %add3A_77 = arith.constant 400 : i32
    %add3A_78 = arith.addi %mul3A_76, %add3A_77 : i32
    "tpu.region"() ({
      %run_scoped3A = tpu.sem_alloc : memref<!tpu.dma_semaphore, #tpu.memory_space<semaphore_mem>>
      %dma_start3A = arith.constant 0 : i32
      %dma_start3A_90 = tpu.memref_slice %arg9[%add3A_78, %dma_start3A] : memref<10240x128xf32, #tpu.memory_space<vmem_shared>> -> memref<80x128xf32, #tpu.memory_space<vmem_shared>>
      %dma_start3A_91 = arith.constant 0 : i32
      %dma_start3A_92 = tpu.memref_slice %arg9[%add3A_78, %dma_start3A_91] : memref<10240x128xf32, #tpu.memory_space<vmem_shared>> -> memref<80x128xf32, #tpu.memory_space<vmem_shared>>
      tpu.enqueue_dma source(%dma_start3A_92 : memref<80x128xf32, #tpu.memory_space<vmem_shared>>) target(%arg8 : memref<80x128xf32, #tpu.memory_space<vmem>>) target_semaphore(%run_scoped3A : memref<!tpu.dma_semaphore, #tpu.memory_space<semaphore_mem>>)
      %dma_wait3A = arith.constant 0 : i32
      %dma_wait3A_93 = tpu.memref_slice %arg9[%add3A_78, %dma_wait3A] : memref<10240x128xf32, #tpu.memory_space<vmem_shared>> -> memref<80x128xf32, #tpu.memory_space<vmem_shared>>
      %dma_wait3A_94 = arith.constant 0 : i32
      %dma_wait3A_95 = tpu.memref_slice %arg9[%add3A_78, %dma_wait3A_94] : memref<10240x128xf32, #tpu.memory_space<vmem_shared>> -> memref<80x128xf32, #tpu.memory_space<vmem_shared>>
      tpu.wait_dma2 semaphore(%run_scoped3A : memref<!tpu.dma_semaphore, #tpu.memory_space<semaphore_mem>>) src(%dma_wait3A_95 : memref<80x128xf32, #tpu.memory_space<vmem_shared>>) dst(%arg8 : memref<80x128xf32, #tpu.memory_space<vmem>>)
      tpu.yield
    }) : () -> ()
    %add3A_79 = arith.addi %mul3A_4, %add3A_78 : i32
    "tpu.region"() ({
      %run_scoped3A = tpu.sem_alloc : memref<!tpu.dma_semaphore, #tpu.memory_space<semaphore_mem>>
      %dma_start3A = arith.constant 0 : i32
      %dma_start3A_90 = tpu.memref_slice %arg5[%add3A_79, %dma_start3A] : memref<20480x128xf32, #tpu.memory_space<hbm>> -> memref<80x128xf32, #tpu.memory_space<hbm>>
      %dma_start3A_91 = arith.constant 0 : i32
      %dma_start3A_92 = tpu.memref_slice %arg5[%add3A_79, %dma_start3A_91] : memref<20480x128xf32, #tpu.memory_space<hbm>> -> memref<80x128xf32, #tpu.memory_space<hbm>>
      tpu.enqueue_dma source(%arg8 : memref<80x128xf32, #tpu.memory_space<vmem>>) target(%dma_start3A_92 : memref<80x128xf32, #tpu.memory_space<hbm>>) target_semaphore(%run_scoped3A : memref<!tpu.dma_semaphore, #tpu.memory_space<semaphore_mem>>)
      %dma_wait3A = arith.constant 0 : i32
      %dma_wait3A_93 = tpu.memref_slice %arg5[%add3A_79, %dma_wait3A] : memref<20480x128xf32, #tpu.memory_space<hbm>> -> memref<80x128xf32, #tpu.memory_space<hbm>>
      %dma_wait3A_94 = arith.constant 0 : i32
      %dma_wait3A_95 = tpu.memref_slice %arg5[%add3A_79, %dma_wait3A_94] : memref<20480x128xf32, #tpu.memory_space<hbm>> -> memref<80x128xf32, #tpu.memory_space<hbm>>
      tpu.wait_dma2 semaphore(%run_scoped3A : memref<!tpu.dma_semaphore, #tpu.memory_space<semaphore_mem>>) src(%arg8 : memref<80x128xf32, #tpu.memory_space<vmem>>) dst(%dma_wait3A_95 : memref<80x128xf32, #tpu.memory_space<hbm>>)
      tpu.yield
    }) : () -> ()
    %mul3A_80 = arith.constant 640 : i32
    %mul3A_81 = arith.muli %arg1, %mul3A_80 : i32
    %add3A_82 = arith.constant 480 : i32
    %add3A_83 = arith.addi %mul3A_81, %add3A_82 : i32
    "tpu.region"() ({
      %run_scoped3A = tpu.sem_alloc : memref<!tpu.dma_semaphore, #tpu.memory_space<semaphore_mem>>
      %dma_start3A = arith.constant 0 : i32
      %dma_start3A_90 = tpu.memref_slice %arg9[%add3A_83, %dma_start3A] : memref<10240x128xf32, #tpu.memory_space<vmem_shared>> -> memref<80x128xf32, #tpu.memory_space<vmem_shared>>
      %dma_start3A_91 = arith.constant 0 : i32
      %dma_start3A_92 = tpu.memref_slice %arg9[%add3A_83, %dma_start3A_91] : memref<10240x128xf32, #tpu.memory_space<vmem_shared>> -> memref<80x128xf32, #tpu.memory_space<vmem_shared>>
      tpu.enqueue_dma source(%dma_start3A_92 : memref<80x128xf32, #tpu.memory_space<vmem_shared>>) target(%arg8 : memref<80x128xf32, #tpu.memory_space<vmem>>) target_semaphore(%run_scoped3A : memref<!tpu.dma_semaphore, #tpu.memory_space<semaphore_mem>>)
      %dma_wait3A = arith.constant 0 : i32
      %dma_wait3A_93 = tpu.memref_slice %arg9[%add3A_83, %dma_wait3A] : memref<10240x128xf32, #tpu.memory_space<vmem_shared>> -> memref<80x128xf32, #tpu.memory_space<vmem_shared>>
      %dma_wait3A_94 = arith.constant 0 : i32
      %dma_wait3A_95 = tpu.memref_slice %arg9[%add3A_83, %dma_wait3A_94] : memref<10240x128xf32, #tpu.memory_space<vmem_shared>> -> memref<80x128xf32, #tpu.memory_space<vmem_shared>>
      tpu.wait_dma2 semaphore(%run_scoped3A : memref<!tpu.dma_semaphore, #tpu.memory_space<semaphore_mem>>) src(%dma_wait3A_95 : memref<80x128xf32, #tpu.memory_space<vmem_shared>>) dst(%arg8 : memref<80x128xf32, #tpu.memory_space<vmem>>)
      tpu.yield
    }) : () -> ()
    %add3A_84 = arith.addi %mul3A_4, %add3A_83 : i32
    "tpu.region"() ({
      %run_scoped3A = tpu.sem_alloc : memref<!tpu.dma_semaphore, #tpu.memory_space<semaphore_mem>>
      %dma_start3A = arith.constant 0 : i32
      %dma_start3A_90 = tpu.memref_slice %arg5[%add3A_84, %dma_start3A] : memref<20480x128xf32, #tpu.memory_space<hbm>> -> memref<80x128xf32, #tpu.memory_space<hbm>>
      %dma_start3A_91 = arith.constant 0 : i32
      %dma_start3A_92 = tpu.memref_slice %arg5[%add3A_84, %dma_start3A_91] : memref<20480x128xf32, #tpu.memory_space<hbm>> -> memref<80x128xf32, #tpu.memory_space<hbm>>
      tpu.enqueue_dma source(%arg8 : memref<80x128xf32, #tpu.memory_space<vmem>>) target(%dma_start3A_92 : memref<80x128xf32, #tpu.memory_space<hbm>>) target_semaphore(%run_scoped3A : memref<!tpu.dma_semaphore, #tpu.memory_space<semaphore_mem>>)
      %dma_wait3A = arith.constant 0 : i32
      %dma_wait3A_93 = tpu.memref_slice %arg5[%add3A_84, %dma_wait3A] : memref<20480x128xf32, #tpu.memory_space<hbm>> -> memref<80x128xf32, #tpu.memory_space<hbm>>
      %dma_wait3A_94 = arith.constant 0 : i32
      %dma_wait3A_95 = tpu.memref_slice %arg5[%add3A_84, %dma_wait3A_94] : memref<20480x128xf32, #tpu.memory_space<hbm>> -> memref<80x128xf32, #tpu.memory_space<hbm>>
      tpu.wait_dma2 semaphore(%run_scoped3A : memref<!tpu.dma_semaphore, #tpu.memory_space<semaphore_mem>>) src(%arg8 : memref<80x128xf32, #tpu.memory_space<vmem>>) dst(%dma_wait3A_95 : memref<80x128xf32, #tpu.memory_space<hbm>>)
      tpu.yield
    }) : () -> ()
    %mul3A_85 = arith.constant 640 : i32
    %mul3A_86 = arith.muli %arg1, %mul3A_85 : i32
    %add3A_87 = arith.constant 560 : i32
    %add3A_88 = arith.addi %mul3A_86, %add3A_87 : i32
    "tpu.region"() ({
      %run_scoped3A = tpu.sem_alloc : memref<!tpu.dma_semaphore, #tpu.memory_space<semaphore_mem>>
      %dma_start3A = arith.constant 0 : i32
      %dma_start3A_90 = tpu.memref_slice %arg9[%add3A_88, %dma_start3A] : memref<10240x128xf32, #tpu.memory_space<vmem_shared>> -> memref<80x128xf32, #tpu.memory_space<vmem_shared>>
      %dma_start3A_91 = arith.constant 0 : i32
      %dma_start3A_92 = tpu.memref_slice %arg9[%add3A_88, %dma_start3A_91] : memref<10240x128xf32, #tpu.memory_space<vmem_shared>> -> memref<80x128xf32, #tpu.memory_space<vmem_shared>>
      tpu.enqueue_dma source(%dma_start3A_92 : memref<80x128xf32, #tpu.memory_space<vmem_shared>>) target(%arg8 : memref<80x128xf32, #tpu.memory_space<vmem>>) target_semaphore(%run_scoped3A : memref<!tpu.dma_semaphore, #tpu.memory_space<semaphore_mem>>)
      %dma_wait3A = arith.constant 0 : i32
      %dma_wait3A_93 = tpu.memref_slice %arg9[%add3A_88, %dma_wait3A] : memref<10240x128xf32, #tpu.memory_space<vmem_shared>> -> memref<80x128xf32, #tpu.memory_space<vmem_shared>>
      %dma_wait3A_94 = arith.constant 0 : i32
      %dma_wait3A_95 = tpu.memref_slice %arg9[%add3A_88, %dma_wait3A_94] : memref<10240x128xf32, #tpu.memory_space<vmem_shared>> -> memref<80x128xf32, #tpu.memory_space<vmem_shared>>
      tpu.wait_dma2 semaphore(%run_scoped3A : memref<!tpu.dma_semaphore, #tpu.memory_space<semaphore_mem>>) src(%dma_wait3A_95 : memref<80x128xf32, #tpu.memory_space<vmem_shared>>) dst(%arg8 : memref<80x128xf32, #tpu.memory_space<vmem>>)
      tpu.yield
    }) : () -> ()
    %add3A_89 = arith.addi %mul3A_4, %add3A_88 : i32
    "tpu.region"() ({
      %run_scoped3A = tpu.sem_alloc : memref<!tpu.dma_semaphore, #tpu.memory_space<semaphore_mem>>
      %dma_start3A = arith.constant 0 : i32
      %dma_start3A_90 = tpu.memref_slice %arg5[%add3A_89, %dma_start3A] : memref<20480x128xf32, #tpu.memory_space<hbm>> -> memref<80x128xf32, #tpu.memory_space<hbm>>
      %dma_start3A_91 = arith.constant 0 : i32
      %dma_start3A_92 = tpu.memref_slice %arg5[%add3A_89, %dma_start3A_91] : memref<20480x128xf32, #tpu.memory_space<hbm>> -> memref<80x128xf32, #tpu.memory_space<hbm>>
      tpu.enqueue_dma source(%arg8 : memref<80x128xf32, #tpu.memory_space<vmem>>) target(%dma_start3A_92 : memref<80x128xf32, #tpu.memory_space<hbm>>) target_semaphore(%run_scoped3A : memref<!tpu.dma_semaphore, #tpu.memory_space<semaphore_mem>>)
      %dma_wait3A = arith.constant 0 : i32
      %dma_wait3A_93 = tpu.memref_slice %arg5[%add3A_89, %dma_wait3A] : memref<20480x128xf32, #tpu.memory_space<hbm>> -> memref<80x128xf32, #tpu.memory_space<hbm>>
      %dma_wait3A_94 = arith.constant 0 : i32
      %dma_wait3A_95 = tpu.memref_slice %arg5[%add3A_89, %dma_wait3A_94] : memref<20480x128xf32, #tpu.memory_space<hbm>> -> memref<80x128xf32, #tpu.memory_space<hbm>>
      tpu.wait_dma2 semaphore(%run_scoped3A : memref<!tpu.dma_semaphore, #tpu.memory_space<semaphore_mem>>) src(%arg8 : memref<80x128xf32, #tpu.memory_space<vmem>>) dst(%dma_wait3A_95 : memref<80x128xf32, #tpu.memory_space<hbm>>)
      tpu.yield
    }) : () -> ()
    return
  }
}

#map = affine_map<(d0, d1) -> (0, 0)>
#map1 = affine_map<(d0, d1) -> (0)>
module attributes {stable_mosaic.version = 14 : i64} {
  func.func @k(%arg0: i32, %arg1: i32, %arg2: memref<20000x128xf32, #tpu.memory_space<hbm>>, %arg3: memref<160000xi32, #tpu.memory_space<hbm>>, %arg4: memref<160000xi32, #tpu.memory_space<hbm>>, %arg5: memref<20480x128xf32, #tpu.memory_space<hbm>>, %arg6: memref<80xi32, #tpu.memory_space<vmem>>, %arg7: memref<80xi32, #tpu.memory_space<vmem>>, %arg8: memref<80x128xf32, #tpu.memory_space<vmem>>, %arg9: memref<10240x128xf32, #tpu.memory_space<vmem_shared>>, %arg10: memref<!tpu.dma_semaphore, #tpu.memory_space<semaphore_mem>>) attributes {dimension_semantics = [#tpu.dimension_semantics<core_parallel>, #tpu.dimension_semantics<subcore_parallel>], iteration_bounds = array<i64: 2, 16>, scalar_prefetch = 0 : i64, scratch_operands = 5 : i64, tpu.core_type = #tpu.core_type<sc_vector_subcore>, window_params = [{transform_indices = #map}, {transform_indices = #map1}, {transform_indices = #map1}, {transform_indices = #map}]} {
    %mul3A = arith.constant 10000 : i32
    %mul3A_0 = arith.muli %arg1, %mul3A : i32
    %mul3A_1 = arith.constant 10000 : i32
    %mul3A_2 = arith.muli %arg0, %mul3A_1 : i32
    %mul3A_3 = arith.constant 10240 : i32
    %mul3A_4 = arith.muli %arg0, %mul3A_3 : i32
    %scan3A = arith.constant 0 : i32
    %scan3A_5 = arith.constant 0 : i32
    %scan3A_6 = arith.constant 80 : i32
    %scan3A_7 = arith.addi %scan3A_5, %scan3A_6 : i32
    %scan3A_8 = arith.constant 1 : i32
    %scan3A_9 = scf.for %scan3A_90 = %scan3A_5 to %scan3A_7 step %scan3A_8 iter_args(%scan3A_91 = %scan3A) -> (i32)  : i32 {
      %broadcast_in_dim3A = arith.constant 0.000000e+00 : f32
      %broadcast_in_dim3A_92 = vector.broadcast %broadcast_in_dim3A : f32 to vector<16xf32>
      %swap3A = arith.index_cast %scan3A_90 : i32 to index
      %swap3A_93 = arith.constant 0 : index
      %swap3A_94 = tpu.vector_load %arg8[%swap3A, %swap3A_93] {strides = array<i32>} : memref<80x128xf32, #tpu.memory_space<vmem>>, vector<1x16xf32>,
      %swap3A_95 = vector.shape_cast %swap3A_94 : vector<1x16xf32> to vector<16xf32>
      %swap3A_96 = vector.shape_cast %broadcast_in_dim3A_92 : vector<16xf32> to vector<1x16xf32>
      tpu.vector_store %arg8[%swap3A, %swap3A_93], %swap3A_96 {strides = array<i32>} : memref<80x128xf32, #tpu.memory_space<vmem>>, vector<1x16xf32>,
      %broadcast_in_dim3A_97 = arith.constant 0.000000e+00 : f32
      %broadcast_in_dim3A_98 = vector.broadcast %broadcast_in_dim3A_97 : f32 to vector<16xf32>
      %swap3A_99 = arith.index_cast %scan3A_90 : i32 to index
      %swap3A_100 = arith.constant 16 : index
      %swap3A_101 = tpu.vector_load %arg8[%swap3A_99, %swap3A_100] {strides = array<i32>} : memref<80x128xf32, #tpu.memory_space<vmem>>, vector<1x16xf32>,
      %swap3A_102 = vector.shape_cast %swap3A_101 : vector<1x16xf32> to vector<16xf32>
      %swap3A_103 = vector.shape_cast %broadcast_in_dim3A_98 : vector<16xf32> to vector<1x16xf32>
      tpu.vector_store %arg8[%swap3A_99, %swap3A_100], %swap3A_103 {strides = array<i32>} : memref<80x128xf32, #tpu.memory_space<vmem>>, vector<1x16xf32>,
      %broadcast_in_dim3A_104 = arith.constant 0.000000e+00 : f32
      %broadcast_in_dim3A_105 = vector.broadcast %broadcast_in_dim3A_104 : f32 to vector<16xf32>
      %swap3A_106 = arith.index_cast %scan3A_90 : i32 to index
      %swap3A_107 = arith.constant 32 : index
      %swap3A_108 = tpu.vector_load %arg8[%swap3A_106, %swap3A_107] {strides = array<i32>} : memref<80x128xf32, #tpu.memory_space<vmem>>, vector<1x16xf32>,
      %swap3A_109 = vector.shape_cast %swap3A_108 : vector<1x16xf32> to vector<16xf32>
      %swap3A_110 = vector.shape_cast %broadcast_in_dim3A_105 : vector<16xf32> to vector<1x16xf32>
      tpu.vector_store %arg8[%swap3A_106, %swap3A_107], %swap3A_110 {strides = array<i32>} : memref<80x128xf32, #tpu.memory_space<vmem>>, vector<1x16xf32>,
      %broadcast_in_dim3A_111 = arith.constant 0.000000e+00 : f32
      %broadcast_in_dim3A_112 = vector.broadcast %broadcast_in_dim3A_111 : f32 to vector<16xf32>
      %swap3A_113 = arith.index_cast %scan3A_90 : i32 to index
      %swap3A_114 = arith.constant 48 : index
      %swap3A_115 = tpu.vector_load %arg8[%swap3A_113, %swap3A_114] {strides = array<i32>} : memref<80x128xf32, #tpu.memory_space<vmem>>, vector<1x16xf32>,
      %swap3A_116 = vector.shape_cast %swap3A_115 : vector<1x16xf32> to vector<16xf32>
      %swap3A_117 = vector.shape_cast %broadcast_in_dim3A_112 : vector<16xf32> to vector<1x16xf32>
      tpu.vector_store %arg8[%swap3A_113, %swap3A_114], %swap3A_117 {strides = array<i32>} : memref<80x128xf32, #tpu.memory_space<vmem>>, vector<1x16xf32>,
      %broadcast_in_dim3A_118 = arith.constant 0.000000e+00 : f32
      %broadcast_in_dim3A_119 = vector.broadcast %broadcast_in_dim3A_118 : f32 to vector<16xf32>
      %swap3A_120 = arith.index_cast %scan3A_90 : i32 to index
      %swap3A_121 = arith.constant 64 : index
      %swap3A_122 = tpu.vector_load %arg8[%swap3A_120, %swap3A_121] {strides = array<i32>} : memref<80x128xf32, #tpu.memory_space<vmem>>, vector<1x16xf32>,
      %swap3A_123 = vector.shape_cast %swap3A_122 : vector<1x16xf32> to vector<16xf32>
      %swap3A_124 = vector.shape_cast %broadcast_in_dim3A_119 : vector<16xf32> to vector<1x16xf32>
      tpu.vector_store %arg8[%swap3A_120, %swap3A_121], %swap3A_124 {strides = array<i32>} : memref<80x128xf32, #tpu.memory_space<vmem>>, vector<1x16xf32>,
      %broadcast_in_dim3A_125 = arith.constant 0.000000e+00 : f32
      %broadcast_in_dim3A_126 = vector.broadcast %broadcast_in_dim3A_125 : f32 to vector<16xf32>
      %swap3A_127 = arith.index_cast %scan3A_90 : i32 to index
      %swap3A_128 = arith.constant 80 : index
      %swap3A_129 = tpu.vector_load %arg8[%swap3A_127, %swap3A_128] {strides = array<i32>} : memref<80x128xf32, #tpu.memory_space<vmem>>, vector<1x16xf32>,
      %swap3A_130 = vector.shape_cast %swap3A_129 : vector<1x16xf32> to vector<16xf32>
      %swap3A_131 = vector.shape_cast %broadcast_in_dim3A_126 : vector<16xf32> to vector<1x16xf32>
      tpu.vector_store %arg8[%swap3A_127, %swap3A_128], %swap3A_131 {strides = array<i32>} : memref<80x128xf32, #tpu.memory_space<vmem>>, vector<1x16xf32>,
      %broadcast_in_dim3A_132 = arith.constant 0.000000e+00 : f32
      %broadcast_in_dim3A_133 = vector.broadcast %broadcast_in_dim3A_132 : f32 to vector<16xf32>
      %swap3A_134 = arith.index_cast %scan3A_90 : i32 to index
      %swap3A_135 = arith.constant 96 : index
      %swap3A_136 = tpu.vector_load %arg8[%swap3A_134, %swap3A_135] {strides = array<i32>} : memref<80x128xf32, #tpu.memory_space<vmem>>, vector<1x16xf32>,
      %swap3A_137 = vector.shape_cast %swap3A_136 : vector<1x16xf32> to vector<16xf32>
      %swap3A_138 = vector.shape_cast %broadcast_in_dim3A_133 : vector<16xf32> to vector<1x16xf32>
      tpu.vector_store %arg8[%swap3A_134, %swap3A_135], %swap3A_138 {strides = array<i32>} : memref<80x128xf32, #tpu.memory_space<vmem>>, vector<1x16xf32>,
      %broadcast_in_dim3A_139 = arith.constant 0.000000e+00 : f32
      %broadcast_in_dim3A_140 = vector.broadcast %broadcast_in_dim3A_139 : f32 to vector<16xf32>
      %swap3A_141 = arith.index_cast %scan3A_90 : i32 to index
      %swap3A_142 = arith.constant 112 : index
      %swap3A_143 = tpu.vector_load %arg8[%swap3A_141, %swap3A_142] {strides = array<i32>} : memref<80x128xf32, #tpu.memory_space<vmem>>, vector<1x16xf32>,
      %swap3A_144 = vector.shape_cast %swap3A_143 : vector<1x16xf32> to vector<16xf32>
      %swap3A_145 = vector.shape_cast %broadcast_in_dim3A_140 : vector<16xf32> to vector<1x16xf32>
      tpu.vector_store %arg8[%swap3A_141, %swap3A_142], %swap3A_145 {strides = array<i32>} : memref<80x128xf32, #tpu.memory_space<vmem>>, vector<1x16xf32>,
      %scan3A_146 = arith.constant 0 : i32
      scf.yield %scan3A_146 : i32
    }
    %scan3A_10 = arith.constant 80 : i32
    %mul3A_11 = arith.constant 640 : i32
    %mul3A_12 = arith.muli %arg1, %mul3A_11 : i32
    %add3A = arith.constant 0 : i32
    %add3A_13 = arith.addi %mul3A_12, %add3A : i32
    "tpu.region"() ({
      %run_scoped3A = tpu.sem_alloc : memref<!tpu.dma_semaphore, #tpu.memory_space<semaphore_mem>>
      %dma_start3A = arith.constant 0 : i32
      %dma_start3A_90 = tpu.memref_slice %arg9[%add3A_13, %dma_start3A] : memref<10240x128xf32, #tpu.memory_space<vmem_shared>> -> memref<80x128xf32, #tpu.memory_space<vmem_shared>>
      %dma_start3A_91 = arith.constant 0 : i32
      %dma_start3A_92 = tpu.memref_slice %arg9[%add3A_13, %dma_start3A_91] : memref<10240x128xf32, #tpu.memory_space<vmem_shared>> -> memref<80x128xf32, #tpu.memory_space<vmem_shared>>
      tpu.enqueue_dma source(%arg8 : memref<80x128xf32, #tpu.memory_space<vmem>>) target(%dma_start3A_92 : memref<80x128xf32, #tpu.memory_space<vmem_shared>>) target_semaphore(%run_scoped3A : memref<!tpu.dma_semaphore, #tpu.memory_space<semaphore_mem>>)
      %dma_wait3A = arith.constant 0 : i32
      %dma_wait3A_93 = tpu.memref_slice %arg9[%add3A_13, %dma_wait3A] : memref<10240x128xf32, #tpu.memory_space<vmem_shared>> -> memref<80x128xf32, #tpu.memory_space<vmem_shared>>
      %dma_wait3A_94 = arith.constant 0 : i32
      %dma_wait3A_95 = tpu.memref_slice %arg9[%add3A_13, %dma_wait3A_94] : memref<10240x128xf32, #tpu.memory_space<vmem_shared>> -> memref<80x128xf32, #tpu.memory_space<vmem_shared>>
      tpu.wait_dma2 semaphore(%run_scoped3A : memref<!tpu.dma_semaphore, #tpu.memory_space<semaphore_mem>>) src(%arg8 : memref<80x128xf32, #tpu.memory_space<vmem>>) dst(%dma_wait3A_95 : memref<80x128xf32, #tpu.memory_space<vmem_shared>>)
      tpu.yield
    }) : () -> ()
    %mul3A_14 = arith.constant 640 : i32
    %mul3A_15 = arith.muli %arg1, %mul3A_14 : i32
    %add3A_16 = arith.constant 80 : i32
    %add3A_17 = arith.addi %mul3A_15, %add3A_16 : i32
    "tpu.region"() ({
      %run_scoped3A = tpu.sem_alloc : memref<!tpu.dma_semaphore, #tpu.memory_space<semaphore_mem>>
      %dma_start3A = arith.constant 0 : i32
      %dma_start3A_90 = tpu.memref_slice %arg9[%add3A_17, %dma_start3A] : memref<10240x128xf32, #tpu.memory_space<vmem_shared>> -> memref<80x128xf32, #tpu.memory_space<vmem_shared>>
      %dma_start3A_91 = arith.constant 0 : i32
      %dma_start3A_92 = tpu.memref_slice %arg9[%add3A_17, %dma_start3A_91] : memref<10240x128xf32, #tpu.memory_space<vmem_shared>> -> memref<80x128xf32, #tpu.memory_space<vmem_shared>>
      tpu.enqueue_dma source(%arg8 : memref<80x128xf32, #tpu.memory_space<vmem>>) target(%dma_start3A_92 : memref<80x128xf32, #tpu.memory_space<vmem_shared>>) target_semaphore(%run_scoped3A : memref<!tpu.dma_semaphore, #tpu.memory_space<semaphore_mem>>)
      %dma_wait3A = arith.constant 0 : i32
      %dma_wait3A_93 = tpu.memref_slice %arg9[%add3A_17, %dma_wait3A] : memref<10240x128xf32, #tpu.memory_space<vmem_shared>> -> memref<80x128xf32, #tpu.memory_space<vmem_shared>>
      %dma_wait3A_94 = arith.constant 0 : i32
      %dma_wait3A_95 = tpu.memref_slice %arg9[%add3A_17, %dma_wait3A_94] : memref<10240x128xf32, #tpu.memory_space<vmem_shared>> -> memref<80x128xf32, #tpu.memory_space<vmem_shared>>
      tpu.wait_dma2 semaphore(%run_scoped3A : memref<!tpu.dma_semaphore, #tpu.memory_space<semaphore_mem>>) src(%arg8 : memref<80x128xf32, #tpu.memory_space<vmem>>) dst(%dma_wait3A_95 : memref<80x128xf32, #tpu.memory_space<vmem_shared>>)
      tpu.yield
    }) : () -> ()
    %mul3A_18 = arith.constant 640 : i32
    %mul3A_19 = arith.muli %arg1, %mul3A_18 : i32
    %add3A_20 = arith.constant 160 : i32
    %add3A_21 = arith.addi %mul3A_19, %add3A_20 : i32
    "tpu.region"() ({
      %run_scoped3A = tpu.sem_alloc : memref<!tpu.dma_semaphore, #tpu.memory_space<semaphore_mem>>
      %dma_start3A = arith.constant 0 : i32
      %dma_start3A_90 = tpu.memref_slice %arg9[%add3A_21, %dma_start3A] : memref<10240x128xf32, #tpu.memory_space<vmem_shared>> -> memref<80x128xf32, #tpu.memory_space<vmem_shared>>
      %dma_start3A_91 = arith.constant 0 : i32
      %dma_start3A_92 = tpu.memref_slice %arg9[%add3A_21, %dma_start3A_91] : memref<10240x128xf32, #tpu.memory_space<vmem_shared>> -> memref<80x128xf32, #tpu.memory_space<vmem_shared>>
      tpu.enqueue_dma source(%arg8 : memref<80x128xf32, #tpu.memory_space<vmem>>) target(%dma_start3A_92 : memref<80x128xf32, #tpu.memory_space<vmem_shared>>) target_semaphore(%run_scoped3A : memref<!tpu.dma_semaphore, #tpu.memory_space<semaphore_mem>>)
      %dma_wait3A = arith.constant 0 : i32
      %dma_wait3A_93 = tpu.memref_slice %arg9[%add3A_21, %dma_wait3A] : memref<10240x128xf32, #tpu.memory_space<vmem_shared>> -> memref<80x128xf32, #tpu.memory_space<vmem_shared>>
      %dma_wait3A_94 = arith.constant 0 : i32
      %dma_wait3A_95 = tpu.memref_slice %arg9[%add3A_21, %dma_wait3A_94] : memref<10240x128xf32, #tpu.memory_space<vmem_shared>> -> memref<80x128xf32, #tpu.memory_space<vmem_shared>>
      tpu.wait_dma2 semaphore(%run_scoped3A : memref<!tpu.dma_semaphore, #tpu.memory_space<semaphore_mem>>) src(%arg8 : memref<80x128xf32, #tpu.memory_space<vmem>>) dst(%dma_wait3A_95 : memref<80x128xf32, #tpu.memory_space<vmem_shared>>)
      tpu.yield
    }) : () -> ()
    %mul3A_22 = arith.constant 640 : i32
    %mul3A_23 = arith.muli %arg1, %mul3A_22 : i32
    %add3A_24 = arith.constant 240 : i32
    %add3A_25 = arith.addi %mul3A_23, %add3A_24 : i32
    "tpu.region"() ({
      %run_scoped3A = tpu.sem_alloc : memref<!tpu.dma_semaphore, #tpu.memory_space<semaphore_mem>>
      %dma_start3A = arith.constant 0 : i32
      %dma_start3A_90 = tpu.memref_slice %arg9[%add3A_25, %dma_start3A] : memref<10240x128xf32, #tpu.memory_space<vmem_shared>> -> memref<80x128xf32, #tpu.memory_space<vmem_shared>>
      %dma_start3A_91 = arith.constant 0 : i32
      %dma_start3A_92 = tpu.memref_slice %arg9[%add3A_25, %dma_start3A_91] : memref<10240x128xf32, #tpu.memory_space<vmem_shared>> -> memref<80x128xf32, #tpu.memory_space<vmem_shared>>
      tpu.enqueue_dma source(%arg8 : memref<80x128xf32, #tpu.memory_space<vmem>>) target(%dma_start3A_92 : memref<80x128xf32, #tpu.memory_space<vmem_shared>>) target_semaphore(%run_scoped3A : memref<!tpu.dma_semaphore, #tpu.memory_space<semaphore_mem>>)
      %dma_wait3A = arith.constant 0 : i32
      %dma_wait3A_93 = tpu.memref_slice %arg9[%add3A_25, %dma_wait3A] : memref<10240x128xf32, #tpu.memory_space<vmem_shared>> -> memref<80x128xf32, #tpu.memory_space<vmem_shared>>
      %dma_wait3A_94 = arith.constant 0 : i32
      %dma_wait3A_95 = tpu.memref_slice %arg9[%add3A_25, %dma_wait3A_94] : memref<10240x128xf32, #tpu.memory_space<vmem_shared>> -> memref<80x128xf32, #tpu.memory_space<vmem_shared>>
      tpu.wait_dma2 semaphore(%run_scoped3A : memref<!tpu.dma_semaphore, #tpu.memory_space<semaphore_mem>>) src(%arg8 : memref<80x128xf32, #tpu.memory_space<vmem>>) dst(%dma_wait3A_95 : memref<80x128xf32, #tpu.memory_space<vmem_shared>>)
      tpu.yield
    }) : () -> ()
    %mul3A_26 = arith.constant 640 : i32
    %mul3A_27 = arith.muli %arg1, %mul3A_26 : i32
    %add3A_28 = arith.constant 320 : i32
    %add3A_29 = arith.addi %mul3A_27, %add3A_28 : i32
    "tpu.region"() ({
      %run_scoped3A = tpu.sem_alloc : memref<!tpu.dma_semaphore, #tpu.memory_space<semaphore_mem>>
      %dma_start3A = arith.constant 0 : i32
      %dma_start3A_90 = tpu.memref_slice %arg9[%add3A_29, %dma_start3A] : memref<10240x128xf32, #tpu.memory_space<vmem_shared>> -> memref<80x128xf32, #tpu.memory_space<vmem_shared>>
      %dma_start3A_91 = arith.constant 0 : i32
      %dma_start3A_92 = tpu.memref_slice %arg9[%add3A_29, %dma_start3A_91] : memref<10240x128xf32, #tpu.memory_space<vmem_shared>> -> memref<80x128xf32, #tpu.memory_space<vmem_shared>>
      tpu.enqueue_dma source(%arg8 : memref<80x128xf32, #tpu.memory_space<vmem>>) target(%dma_start3A_92 : memref<80x128xf32, #tpu.memory_space<vmem_shared>>) target_semaphore(%run_scoped3A : memref<!tpu.dma_semaphore, #tpu.memory_space<semaphore_mem>>)
      %dma_wait3A = arith.constant 0 : i32
      %dma_wait3A_93 = tpu.memref_slice %arg9[%add3A_29, %dma_wait3A] : memref<10240x128xf32, #tpu.memory_space<vmem_shared>> -> memref<80x128xf32, #tpu.memory_space<vmem_shared>>
      %dma_wait3A_94 = arith.constant 0 : i32
      %dma_wait3A_95 = tpu.memref_slice %arg9[%add3A_29, %dma_wait3A_94] : memref<10240x128xf32, #tpu.memory_space<vmem_shared>> -> memref<80x128xf32, #tpu.memory_space<vmem_shared>>
      tpu.wait_dma2 semaphore(%run_scoped3A : memref<!tpu.dma_semaphore, #tpu.memory_space<semaphore_mem>>) src(%arg8 : memref<80x128xf32, #tpu.memory_space<vmem>>) dst(%dma_wait3A_95 : memref<80x128xf32, #tpu.memory_space<vmem_shared>>)
      tpu.yield
    }) : () -> ()
    %mul3A_30 = arith.constant 640 : i32
    %mul3A_31 = arith.muli %arg1, %mul3A_30 : i32
    %add3A_32 = arith.constant 400 : i32
    %add3A_33 = arith.addi %mul3A_31, %add3A_32 : i32
    "tpu.region"() ({
      %run_scoped3A = tpu.sem_alloc : memref<!tpu.dma_semaphore, #tpu.memory_space<semaphore_mem>>
      %dma_start3A = arith.constant 0 : i32
      %dma_start3A_90 = tpu.memref_slice %arg9[%add3A_33, %dma_start3A] : memref<10240x128xf32, #tpu.memory_space<vmem_shared>> -> memref<80x128xf32, #tpu.memory_space<vmem_shared>>
      %dma_start3A_91 = arith.constant 0 : i32
      %dma_start3A_92 = tpu.memref_slice %arg9[%add3A_33, %dma_start3A_91] : memref<10240x128xf32, #tpu.memory_space<vmem_shared>> -> memref<80x128xf32, #tpu.memory_space<vmem_shared>>
      tpu.enqueue_dma source(%arg8 : memref<80x128xf32, #tpu.memory_space<vmem>>) target(%dma_start3A_92 : memref<80x128xf32, #tpu.memory_space<vmem_shared>>) target_semaphore(%run_scoped3A : memref<!tpu.dma_semaphore, #tpu.memory_space<semaphore_mem>>)
      %dma_wait3A = arith.constant 0 : i32
      %dma_wait3A_93 = tpu.memref_slice %arg9[%add3A_33, %dma_wait3A] : memref<10240x128xf32, #tpu.memory_space<vmem_shared>> -> memref<80x128xf32, #tpu.memory_space<vmem_shared>>
      %dma_wait3A_94 = arith.constant 0 : i32
      %dma_wait3A_95 = tpu.memref_slice %arg9[%add3A_33, %dma_wait3A_94] : memref<10240x128xf32, #tpu.memory_space<vmem_shared>> -> memref<80x128xf32, #tpu.memory_space<vmem_shared>>
      tpu.wait_dma2 semaphore(%run_scoped3A : memref<!tpu.dma_semaphore, #tpu.memory_space<semaphore_mem>>) src(%arg8 : memref<80x128xf32, #tpu.memory_space<vmem>>) dst(%dma_wait3A_95 : memref<80x128xf32, #tpu.memory_space<vmem_shared>>)
      tpu.yield
    }) : () -> ()
    %mul3A_34 = arith.constant 640 : i32
    %mul3A_35 = arith.muli %arg1, %mul3A_34 : i32
    %add3A_36 = arith.constant 480 : i32
    %add3A_37 = arith.addi %mul3A_35, %add3A_36 : i32
    "tpu.region"() ({
      %run_scoped3A = tpu.sem_alloc : memref<!tpu.dma_semaphore, #tpu.memory_space<semaphore_mem>>
      %dma_start3A = arith.constant 0 : i32
      %dma_start3A_90 = tpu.memref_slice %arg9[%add3A_37, %dma_start3A] : memref<10240x128xf32, #tpu.memory_space<vmem_shared>> -> memref<80x128xf32, #tpu.memory_space<vmem_shared>>
      %dma_start3A_91 = arith.constant 0 : i32
      %dma_start3A_92 = tpu.memref_slice %arg9[%add3A_37, %dma_start3A_91] : memref<10240x128xf32, #tpu.memory_space<vmem_shared>> -> memref<80x128xf32, #tpu.memory_space<vmem_shared>>
      tpu.enqueue_dma source(%arg8 : memref<80x128xf32, #tpu.memory_space<vmem>>) target(%dma_start3A_92 : memref<80x128xf32, #tpu.memory_space<vmem_shared>>) target_semaphore(%run_scoped3A : memref<!tpu.dma_semaphore, #tpu.memory_space<semaphore_mem>>)
      %dma_wait3A = arith.constant 0 : i32
      %dma_wait3A_93 = tpu.memref_slice %arg9[%add3A_37, %dma_wait3A] : memref<10240x128xf32, #tpu.memory_space<vmem_shared>> -> memref<80x128xf32, #tpu.memory_space<vmem_shared>>
      %dma_wait3A_94 = arith.constant 0 : i32
      %dma_wait3A_95 = tpu.memref_slice %arg9[%add3A_37, %dma_wait3A_94] : memref<10240x128xf32, #tpu.memory_space<vmem_shared>> -> memref<80x128xf32, #tpu.memory_space<vmem_shared>>
      tpu.wait_dma2 semaphore(%run_scoped3A : memref<!tpu.dma_semaphore, #tpu.memory_space<semaphore_mem>>) src(%arg8 : memref<80x128xf32, #tpu.memory_space<vmem>>) dst(%dma_wait3A_95 : memref<80x128xf32, #tpu.memory_space<vmem_shared>>)
      tpu.yield
    }) : () -> ()
    %mul3A_38 = arith.constant 640 : i32
    %mul3A_39 = arith.muli %arg1, %mul3A_38 : i32
    %add3A_40 = arith.constant 560 : i32
    %add3A_41 = arith.addi %mul3A_39, %add3A_40 : i32
    "tpu.region"() ({
      %run_scoped3A = tpu.sem_alloc : memref<!tpu.dma_semaphore, #tpu.memory_space<semaphore_mem>>
      %dma_start3A = arith.constant 0 : i32
      %dma_start3A_90 = tpu.memref_slice %arg9[%add3A_41, %dma_start3A] : memref<10240x128xf32, #tpu.memory_space<vmem_shared>> -> memref<80x128xf32, #tpu.memory_space<vmem_shared>>
      %dma_start3A_91 = arith.constant 0 : i32
      %dma_start3A_92 = tpu.memref_slice %arg9[%add3A_41, %dma_start3A_91] : memref<10240x128xf32, #tpu.memory_space<vmem_shared>> -> memref<80x128xf32, #tpu.memory_space<vmem_shared>>
      tpu.enqueue_dma source(%arg8 : memref<80x128xf32, #tpu.memory_space<vmem>>) target(%dma_start3A_92 : memref<80x128xf32, #tpu.memory_space<vmem_shared>>) target_semaphore(%run_scoped3A : memref<!tpu.dma_semaphore, #tpu.memory_space<semaphore_mem>>)
      %dma_wait3A = arith.constant 0 : i32
      %dma_wait3A_93 = tpu.memref_slice %arg9[%add3A_41, %dma_wait3A] : memref<10240x128xf32, #tpu.memory_space<vmem_shared>> -> memref<80x128xf32, #tpu.memory_space<vmem_shared>>
      %dma_wait3A_94 = arith.constant 0 : i32
      %dma_wait3A_95 = tpu.memref_slice %arg9[%add3A_41, %dma_wait3A_94] : memref<10240x128xf32, #tpu.memory_space<vmem_shared>> -> memref<80x128xf32, #tpu.memory_space<vmem_shared>>
      tpu.wait_dma2 semaphore(%run_scoped3A : memref<!tpu.dma_semaphore, #tpu.memory_space<semaphore_mem>>) src(%arg8 : memref<80x128xf32, #tpu.memory_space<vmem>>) dst(%dma_wait3A_95 : memref<80x128xf32, #tpu.memory_space<vmem_shared>>)
      tpu.yield
    }) : () -> ()
    %barrier3A = arith.constant 0 : index
    tpu.barrier barrier_id(%barrier3A)
    %scan3A_42 = arith.constant 0 : i32
    %scan3A_43 = arith.constant 0 : i32
    %scan3A_44 = arith.constant 125 : i32
    %scan3A_45 = arith.addi %scan3A_43, %scan3A_44 : i32
    %scan3A_46 = arith.constant 1 : i32
    %scan3A_47 = scf.for %scan3A_90 = %scan3A_43 to %scan3A_45 step %scan3A_46 iter_args(%scan3A_91 = %scan3A_42) -> (i32)  : i32 {
      %mul3A_92 = arith.constant 80 : i32
      %mul3A_93 = arith.muli %scan3A_90, %mul3A_92 : i32
      %add3A_94 = arith.addi %mul3A_0, %mul3A_93 : i32
      "tpu.region"() ({
        %run_scoped3A = tpu.sem_alloc : memref<!tpu.dma_semaphore, #tpu.memory_space<semaphore_mem>>
        %dma_start3A_107 = tpu.memref_slice %arg3[%add3A_94] : memref<160000xi32, #tpu.memory_space<hbm>> -> memref<80xi32, #tpu.memory_space<hbm>>
        %dma_start3A_108 = tpu.memref_slice %arg3[%add3A_94] : memref<160000xi32, #tpu.memory_space<hbm>> -> memref<80xi32, #tpu.memory_space<hbm>>
        tpu.enqueue_dma source(%dma_start3A_108 : memref<80xi32, #tpu.memory_space<hbm>>) target(%arg6 : memref<80xi32, #tpu.memory_space<vmem>>) target_semaphore(%run_scoped3A : memref<!tpu.dma_semaphore, #tpu.memory_space<semaphore_mem>>)
        %dma_wait3A_109 = tpu.memref_slice %arg3[%add3A_94] : memref<160000xi32, #tpu.memory_space<hbm>> -> memref<80xi32, #tpu.memory_space<hbm>>
        %dma_wait3A_110 = tpu.memref_slice %arg3[%add3A_94] : memref<160000xi32, #tpu.memory_space<hbm>> -> memref<80xi32, #tpu.memory_space<hbm>>
        tpu.wait_dma2 semaphore(%run_scoped3A : memref<!tpu.dma_semaphore, #tpu.memory_space<semaphore_mem>>) src(%dma_wait3A_110 : memref<80xi32, #tpu.memory_space<hbm>>) dst(%arg6 : memref<80xi32, #tpu.memory_space<vmem>>)
        tpu.yield
      }) : () -> ()
      "tpu.region"() ({
        %run_scoped3A = tpu.sem_alloc : memref<!tpu.dma_semaphore, #tpu.memory_space<semaphore_mem>>
        %dma_start3A_107 = tpu.memref_slice %arg4[%add3A_94] : memref<160000xi32, #tpu.memory_space<hbm>> -> memref<80xi32, #tpu.memory_space<hbm>>
        %dma_start3A_108 = tpu.memref_slice %arg4[%add3A_94] : memref<160000xi32, #tpu.memory_space<hbm>> -> memref<80xi32, #tpu.memory_space<hbm>>
        tpu.enqueue_dma source(%dma_start3A_108 : memref<80xi32, #tpu.memory_space<hbm>>) target(%arg7 : memref<80xi32, #tpu.memory_space<vmem>>) target_semaphore(%run_scoped3A : memref<!tpu.dma_semaphore, #tpu.memory_space<semaphore_mem>>)
        %dma_wait3A_109 = tpu.memref_slice %arg4[%add3A_94] : memref<160000xi32, #tpu.memory_space<hbm>> -> memref<80xi32, #tpu.memory_space<hbm>>
        %dma_wait3A_110 = tpu.memref_slice %arg4[%add3A_94] : memref<160000xi32, #tpu.memory_space<hbm>> -> memref<80xi32, #tpu.memory_space<hbm>>
        tpu.wait_dma2 semaphore(%run_scoped3A : memref<!tpu.dma_semaphore, #tpu.memory_space<semaphore_mem>>) src(%dma_wait3A_110 : memref<80xi32, #tpu.memory_space<hbm>>) dst(%arg7 : memref<80xi32, #tpu.memory_space<vmem>>)
        tpu.yield
      }) : () -> ()
      %scan3A_95 = arith.constant 0 : i32
      %scan3A_96 = arith.constant 0 : i32
      %scan3A_97 = arith.constant 5 : i32
      %scan3A_98 = arith.addi %scan3A_96, %scan3A_97 : i32
      %scan3A_99 = arith.constant 1 : i32
      %scan3A_100 = scf.for %scan3A_107 = %scan3A_96 to %scan3A_98 step %scan3A_99 iter_args(%scan3A_108 = %scan3A_95) -> (i32)  : i32 {
        %mul3A_109 = arith.constant 16 : i32
        %mul3A_110 = arith.muli %mul3A_109, %scan3A_107 : i32
        %get3A = arith.index_cast %mul3A_110 : i32 to index
        %get3A_111 = tpu.vector_load %arg6[%get3A] {strides = array<i32>} : memref<80xi32, #tpu.memory_space<vmem>>, vector<16xi32>,
        %get3A_112 = vector.shape_cast %get3A_111 : vector<16xi32> to vector<16xi32>
        %broadcast_in_dim3A = vector.broadcast %mul3A_2 : i32 to vector<16xi32>
        %add3A_113 = arith.addi %get3A_112, %broadcast_in_dim3A : vector<16xi32>
        %swap3A = arith.index_cast %mul3A_110 : i32 to index
        %swap3A_114 = tpu.vector_load %arg6[%swap3A] {strides = array<i32>} : memref<80xi32, #tpu.memory_space<vmem>>, vector<16xi32>,
        %swap3A_115 = vector.shape_cast %swap3A_114 : vector<16xi32> to vector<16xi32>
        %swap3A_116 = vector.shape_cast %add3A_113 : vector<16xi32> to vector<16xi32>
        tpu.vector_store %arg6[%swap3A], %swap3A_116 {strides = array<i32>} : memref<80xi32, #tpu.memory_space<vmem>>, vector<16xi32>,
        %scan3A_117 = arith.constant 0 : i32
        scf.yield %scan3A_117 : i32
      }
      %scan3A_101 = arith.constant 5 : i32
      %dma_start3A = arith.constant 0 : i32
      %dma_start3A_102 = arith.constant 0 : i32
      %dma_start3A_103 = tpu.memref_slice %arg2[%dma_start3A, %dma_start3A_102] : memref<20000x128xf32, #tpu.memory_space<hbm>> -> memref<20000x128xf32, #tpu.memory_space<hbm>>
      tpu.enqueue_indirect_dma source(%dma_start3A_103 : memref<20000x128xf32, #tpu.memory_space<hbm>>) target(%arg8 : memref<80x128xf32, #tpu.memory_space<vmem>>) offsets(%arg6 : memref<80xi32, #tpu.memory_space<vmem>>) semaphore(%arg10 : memref<!tpu.dma_semaphore, #tpu.memory_space<semaphore_mem>>)
      %dma_wait3A = arith.constant 0 : i32
      %dma_wait3A_104 = arith.constant 0 : i32
      %dma_wait3A_105 = tpu.memref_slice %arg2[%dma_wait3A, %dma_wait3A_104] : memref<20000x128xf32, #tpu.memory_space<hbm>> -> memref<20000x128xf32, #tpu.memory_space<hbm>>
      tpu.wait_indirect_dma semaphore(%arg10 : memref<!tpu.dma_semaphore, #tpu.memory_space<semaphore_mem>>) src(%dma_wait3A_105 : memref<20000x128xf32, #tpu.memory_space<hbm>>) dst(%arg8 : memref<80x128xf32, #tpu.memory_space<vmem>>)
      "tpu.region"() ({
        %run_scoped3A = tpu.sem_alloc : memref<!tpu.dma_semaphore, #tpu.memory_space<semaphore_mem>>
        %dma_start3A_107 = arith.constant 0 : i32
        %dma_start3A_108 = arith.constant 0 : i32
        %dma_start3A_109 = tpu.memref_slice %arg9[%dma_start3A_107, %dma_start3A_108] : memref<10240x128xf32, #tpu.memory_space<vmem_shared>> -> memref<10240x128xf32, #tpu.memory_space<vmem_shared>>
        tpu.enqueue_indirect_dma source(%arg8 : memref<80x128xf32, #tpu.memory_space<vmem>>) target(%dma_start3A_109 : memref<10240x128xf32, #tpu.memory_space<vmem_shared>>) offsets(%arg7 : memref<80xi32, #tpu.memory_space<vmem>>) semaphore(%run_scoped3A : memref<!tpu.dma_semaphore, #tpu.memory_space<semaphore_mem>>) {add = true}
        %dma_wait3A_110 = arith.constant 0 : i32
        %dma_wait3A_111 = arith.constant 0 : i32
        %dma_wait3A_112 = tpu.memref_slice %arg9[%dma_wait3A_110, %dma_wait3A_111] : memref<10240x128xf32, #tpu.memory_space<vmem_shared>> -> memref<10240x128xf32, #tpu.memory_space<vmem_shared>>
        tpu.wait_indirect_dma semaphore(%run_scoped3A : memref<!tpu.dma_semaphore, #tpu.memory_space<semaphore_mem>>) src(%arg8 : memref<80x128xf32, #tpu.memory_space<vmem>>) dst(%dma_wait3A_112 : memref<10240x128xf32, #tpu.memory_space<vmem_shared>>)
        tpu.yield
      }) : () -> ()
      %scan3A_106 = arith.constant 0 : i32
      scf.yield %scan3A_106 : i32
    }
    %scan3A_48 = arith.constant 125 : i32
    %barrier3A_49 = arith.constant 0 : index
    tpu.barrier barrier_id(%barrier3A_49)
    %mul3A_50 = arith.constant 640 : i32
    %mul3A_51 = arith.muli %arg1, %mul3A_50 : i32
    %add3A_52 = arith.constant 0 : i32
    %add3A_53 = arith.addi %mul3A_51, %add3A_52 : i32
    "tpu.region"() ({
      %run_scoped3A = tpu.sem_alloc : memref<!tpu.dma_semaphore, #tpu.memory_space<semaphore_mem>>
      %dma_start3A = arith.constant 0 : i32
      %dma_start3A_90 = tpu.memref_slice %arg9[%add3A_53, %dma_start3A] : memref<10240x128xf32, #tpu.memory_space<vmem_shared>> -> memref<80x128xf32, #tpu.memory_space<vmem_shared>>
      %dma_start3A_91 = arith.constant 0 : i32
      %dma_start3A_92 = tpu.memref_slice %arg9[%add3A_53, %dma_start3A_91] : memref<10240x128xf32, #tpu.memory_space<vmem_shared>> -> memref<80x128xf32, #tpu.memory_space<vmem_shared>>
      tpu.enqueue_dma source(%dma_start3A_92 : memref<80x128xf32, #tpu.memory_space<vmem_shared>>) target(%arg8 : memref<80x128xf32, #tpu.memory_space<vmem>>) target_semaphore(%run_scoped3A : memref<!tpu.dma_semaphore, #tpu.memory_space<semaphore_mem>>)
      %dma_wait3A = arith.constant 0 : i32
      %dma_wait3A_93 = tpu.memref_slice %arg9[%add3A_53, %dma_wait3A] : memref<10240x128xf32, #tpu.memory_space<vmem_shared>> -> memref<80x128xf32, #tpu.memory_space<vmem_shared>>
      %dma_wait3A_94 = arith.constant 0 : i32
      %dma_wait3A_95 = tpu.memref_slice %arg9[%add3A_53, %dma_wait3A_94] : memref<10240x128xf32, #tpu.memory_space<vmem_shared>> -> memref<80x128xf32, #tpu.memory_space<vmem_shared>>
      tpu.wait_dma2 semaphore(%run_scoped3A : memref<!tpu.dma_semaphore, #tpu.memory_space<semaphore_mem>>) src(%dma_wait3A_95 : memref<80x128xf32, #tpu.memory_space<vmem_shared>>) dst(%arg8 : memref<80x128xf32, #tpu.memory_space<vmem>>)
      tpu.yield
    }) : () -> ()
    %add3A_54 = arith.addi %mul3A_4, %add3A_53 : i32
    "tpu.region"() ({
      %run_scoped3A = tpu.sem_alloc : memref<!tpu.dma_semaphore, #tpu.memory_space<semaphore_mem>>
      %dma_start3A = arith.constant 0 : i32
      %dma_start3A_90 = tpu.memref_slice %arg5[%add3A_54, %dma_start3A] : memref<20480x128xf32, #tpu.memory_space<hbm>> -> memref<80x128xf32, #tpu.memory_space<hbm>>
      %dma_start3A_91 = arith.constant 0 : i32
      %dma_start3A_92 = tpu.memref_slice %arg5[%add3A_54, %dma_start3A_91] : memref<20480x128xf32, #tpu.memory_space<hbm>> -> memref<80x128xf32, #tpu.memory_space<hbm>>
      tpu.enqueue_dma source(%arg8 : memref<80x128xf32, #tpu.memory_space<vmem>>) target(%dma_start3A_92 : memref<80x128xf32, #tpu.memory_space<hbm>>) target_semaphore(%run_scoped3A : memref<!tpu.dma_semaphore, #tpu.memory_space<semaphore_mem>>)
      %dma_wait3A = arith.constant 0 : i32
      %dma_wait3A_93 = tpu.memref_slice %arg5[%add3A_54, %dma_wait3A] : memref<20480x128xf32, #tpu.memory_space<hbm>> -> memref<80x128xf32, #tpu.memory_space<hbm>>
      %dma_wait3A_94 = arith.constant 0 : i32
      %dma_wait3A_95 = tpu.memref_slice %arg5[%add3A_54, %dma_wait3A_94] : memref<20480x128xf32, #tpu.memory_space<hbm>> -> memref<80x128xf32, #tpu.memory_space<hbm>>
      tpu.wait_dma2 semaphore(%run_scoped3A : memref<!tpu.dma_semaphore, #tpu.memory_space<semaphore_mem>>) src(%arg8 : memref<80x128xf32, #tpu.memory_space<vmem>>) dst(%dma_wait3A_95 : memref<80x128xf32, #tpu.memory_space<hbm>>)
      tpu.yield
    }) : () -> ()
    %mul3A_55 = arith.constant 640 : i32
    %mul3A_56 = arith.muli %arg1, %mul3A_55 : i32
    %add3A_57 = arith.constant 80 : i32
    %add3A_58 = arith.addi %mul3A_56, %add3A_57 : i32
    "tpu.region"() ({
      %run_scoped3A = tpu.sem_alloc : memref<!tpu.dma_semaphore, #tpu.memory_space<semaphore_mem>>
      %dma_start3A = arith.constant 0 : i32
      %dma_start3A_90 = tpu.memref_slice %arg9[%add3A_58, %dma_start3A] : memref<10240x128xf32, #tpu.memory_space<vmem_shared>> -> memref<80x128xf32, #tpu.memory_space<vmem_shared>>
      %dma_start3A_91 = arith.constant 0 : i32
      %dma_start3A_92 = tpu.memref_slice %arg9[%add3A_58, %dma_start3A_91] : memref<10240x128xf32, #tpu.memory_space<vmem_shared>> -> memref<80x128xf32, #tpu.memory_space<vmem_shared>>
      tpu.enqueue_dma source(%dma_start3A_92 : memref<80x128xf32, #tpu.memory_space<vmem_shared>>) target(%arg8 : memref<80x128xf32, #tpu.memory_space<vmem>>) target_semaphore(%run_scoped3A : memref<!tpu.dma_semaphore, #tpu.memory_space<semaphore_mem>>)
      %dma_wait3A = arith.constant 0 : i32
      %dma_wait3A_93 = tpu.memref_slice %arg9[%add3A_58, %dma_wait3A] : memref<10240x128xf32, #tpu.memory_space<vmem_shared>> -> memref<80x128xf32, #tpu.memory_space<vmem_shared>>
      %dma_wait3A_94 = arith.constant 0 : i32
      %dma_wait3A_95 = tpu.memref_slice %arg9[%add3A_58, %dma_wait3A_94] : memref<10240x128xf32, #tpu.memory_space<vmem_shared>> -> memref<80x128xf32, #tpu.memory_space<vmem_shared>>
      tpu.wait_dma2 semaphore(%run_scoped3A : memref<!tpu.dma_semaphore, #tpu.memory_space<semaphore_mem>>) src(%dma_wait3A_95 : memref<80x128xf32, #tpu.memory_space<vmem_shared>>) dst(%arg8 : memref<80x128xf32, #tpu.memory_space<vmem>>)
      tpu.yield
    }) : () -> ()
    %add3A_59 = arith.addi %mul3A_4, %add3A_58 : i32
    "tpu.region"() ({
      %run_scoped3A = tpu.sem_alloc : memref<!tpu.dma_semaphore, #tpu.memory_space<semaphore_mem>>
      %dma_start3A = arith.constant 0 : i32
      %dma_start3A_90 = tpu.memref_slice %arg5[%add3A_59, %dma_start3A] : memref<20480x128xf32, #tpu.memory_space<hbm>> -> memref<80x128xf32, #tpu.memory_space<hbm>>
      %dma_start3A_91 = arith.constant 0 : i32
      %dma_start3A_92 = tpu.memref_slice %arg5[%add3A_59, %dma_start3A_91] : memref<20480x128xf32, #tpu.memory_space<hbm>> -> memref<80x128xf32, #tpu.memory_space<hbm>>
      tpu.enqueue_dma source(%arg8 : memref<80x128xf32, #tpu.memory_space<vmem>>) target(%dma_start3A_92 : memref<80x128xf32, #tpu.memory_space<hbm>>) target_semaphore(%run_scoped3A : memref<!tpu.dma_semaphore, #tpu.memory_space<semaphore_mem>>)
      %dma_wait3A = arith.constant 0 : i32
      %dma_wait3A_93 = tpu.memref_slice %arg5[%add3A_59, %dma_wait3A] : memref<20480x128xf32, #tpu.memory_space<hbm>> -> memref<80x128xf32, #tpu.memory_space<hbm>>
      %dma_wait3A_94 = arith.constant 0 : i32
      %dma_wait3A_95 = tpu.memref_slice %arg5[%add3A_59, %dma_wait3A_94] : memref<20480x128xf32, #tpu.memory_space<hbm>> -> memref<80x128xf32, #tpu.memory_space<hbm>>
      tpu.wait_dma2 semaphore(%run_scoped3A : memref<!tpu.dma_semaphore, #tpu.memory_space<semaphore_mem>>) src(%arg8 : memref<80x128xf32, #tpu.memory_space<vmem>>) dst(%dma_wait3A_95 : memref<80x128xf32, #tpu.memory_space<hbm>>)
      tpu.yield
    }) : () -> ()
    %mul3A_60 = arith.constant 640 : i32
    %mul3A_61 = arith.muli %arg1, %mul3A_60 : i32
    %add3A_62 = arith.constant 160 : i32
    %add3A_63 = arith.addi %mul3A_61, %add3A_62 : i32
    "tpu.region"() ({
      %run_scoped3A = tpu.sem_alloc : memref<!tpu.dma_semaphore, #tpu.memory_space<semaphore_mem>>
      %dma_start3A = arith.constant 0 : i32
      %dma_start3A_90 = tpu.memref_slice %arg9[%add3A_63, %dma_start3A] : memref<10240x128xf32, #tpu.memory_space<vmem_shared>> -> memref<80x128xf32, #tpu.memory_space<vmem_shared>>
      %dma_start3A_91 = arith.constant 0 : i32
      %dma_start3A_92 = tpu.memref_slice %arg9[%add3A_63, %dma_start3A_91] : memref<10240x128xf32, #tpu.memory_space<vmem_shared>> -> memref<80x128xf32, #tpu.memory_space<vmem_shared>>
      tpu.enqueue_dma source(%dma_start3A_92 : memref<80x128xf32, #tpu.memory_space<vmem_shared>>) target(%arg8 : memref<80x128xf32, #tpu.memory_space<vmem>>) target_semaphore(%run_scoped3A : memref<!tpu.dma_semaphore, #tpu.memory_space<semaphore_mem>>)
      %dma_wait3A = arith.constant 0 : i32
      %dma_wait3A_93 = tpu.memref_slice %arg9[%add3A_63, %dma_wait3A] : memref<10240x128xf32, #tpu.memory_space<vmem_shared>> -> memref<80x128xf32, #tpu.memory_space<vmem_shared>>
      %dma_wait3A_94 = arith.constant 0 : i32
      %dma_wait3A_95 = tpu.memref_slice %arg9[%add3A_63, %dma_wait3A_94] : memref<10240x128xf32, #tpu.memory_space<vmem_shared>> -> memref<80x128xf32, #tpu.memory_space<vmem_shared>>
      tpu.wait_dma2 semaphore(%run_scoped3A : memref<!tpu.dma_semaphore, #tpu.memory_space<semaphore_mem>>) src(%dma_wait3A_95 : memref<80x128xf32, #tpu.memory_space<vmem_shared>>) dst(%arg8 : memref<80x128xf32, #tpu.memory_space<vmem>>)
      tpu.yield
    }) : () -> ()
    %add3A_64 = arith.addi %mul3A_4, %add3A_63 : i32
    "tpu.region"() ({
      %run_scoped3A = tpu.sem_alloc : memref<!tpu.dma_semaphore, #tpu.memory_space<semaphore_mem>>
      %dma_start3A = arith.constant 0 : i32
      %dma_start3A_90 = tpu.memref_slice %arg5[%add3A_64, %dma_start3A] : memref<20480x128xf32, #tpu.memory_space<hbm>> -> memref<80x128xf32, #tpu.memory_space<hbm>>
      %dma_start3A_91 = arith.constant 0 : i32
      %dma_start3A_92 = tpu.memref_slice %arg5[%add3A_64, %dma_start3A_91] : memref<20480x128xf32, #tpu.memory_space<hbm>> -> memref<80x128xf32, #tpu.memory_space<hbm>>
      tpu.enqueue_dma source(%arg8 : memref<80x128xf32, #tpu.memory_space<vmem>>) target(%dma_start3A_92 : memref<80x128xf32, #tpu.memory_space<hbm>>) target_semaphore(%run_scoped3A : memref<!tpu.dma_semaphore, #tpu.memory_space<semaphore_mem>>)
      %dma_wait3A = arith.constant 0 : i32
      %dma_wait3A_93 = tpu.memref_slice %arg5[%add3A_64, %dma_wait3A] : memref<20480x128xf32, #tpu.memory_space<hbm>> -> memref<80x128xf32, #tpu.memory_space<hbm>>
      %dma_wait3A_94 = arith.constant 0 : i32
      %dma_wait3A_95 = tpu.memref_slice %arg5[%add3A_64, %dma_wait3A_94] : memref<20480x128xf32, #tpu.memory_space<hbm>> -> memref<80x128xf32, #tpu.memory_space<hbm>>
      tpu.wait_dma2 semaphore(%run_scoped3A : memref<!tpu.dma_semaphore, #tpu.memory_space<semaphore_mem>>) src(%arg8 : memref<80x128xf32, #tpu.memory_space<vmem>>) dst(%dma_wait3A_95 : memref<80x128xf32, #tpu.memory_space<hbm>>)
      tpu.yield
    }) : () -> ()
    %mul3A_65 = arith.constant 640 : i32
    %mul3A_66 = arith.muli %arg1, %mul3A_65 : i32
    %add3A_67 = arith.constant 240 : i32
    %add3A_68 = arith.addi %mul3A_66, %add3A_67 : i32
    "tpu.region"() ({
      %run_scoped3A = tpu.sem_alloc : memref<!tpu.dma_semaphore, #tpu.memory_space<semaphore_mem>>
      %dma_start3A = arith.constant 0 : i32
      %dma_start3A_90 = tpu.memref_slice %arg9[%add3A_68, %dma_start3A] : memref<10240x128xf32, #tpu.memory_space<vmem_shared>> -> memref<80x128xf32, #tpu.memory_space<vmem_shared>>
      %dma_start3A_91 = arith.constant 0 : i32
      %dma_start3A_92 = tpu.memref_slice %arg9[%add3A_68, %dma_start3A_91] : memref<10240x128xf32, #tpu.memory_space<vmem_shared>> -> memref<80x128xf32, #tpu.memory_space<vmem_shared>>
      tpu.enqueue_dma source(%dma_start3A_92 : memref<80x128xf32, #tpu.memory_space<vmem_shared>>) target(%arg8 : memref<80x128xf32, #tpu.memory_space<vmem>>) target_semaphore(%run_scoped3A : memref<!tpu.dma_semaphore, #tpu.memory_space<semaphore_mem>>)
      %dma_wait3A = arith.constant 0 : i32
      %dma_wait3A_93 = tpu.memref_slice %arg9[%add3A_68, %dma_wait3A] : memref<10240x128xf32, #tpu.memory_space<vmem_shared>> -> memref<80x128xf32, #tpu.memory_space<vmem_shared>>
      %dma_wait3A_94 = arith.constant 0 : i32
      %dma_wait3A_95 = tpu.memref_slice %arg9[%add3A_68, %dma_wait3A_94] : memref<10240x128xf32, #tpu.memory_space<vmem_shared>> -> memref<80x128xf32, #tpu.memory_space<vmem_shared>>
      tpu.wait_dma2 semaphore(%run_scoped3A : memref<!tpu.dma_semaphore, #tpu.memory_space<semaphore_mem>>) src(%dma_wait3A_95 : memref<80x128xf32, #tpu.memory_space<vmem_shared>>) dst(%arg8 : memref<80x128xf32, #tpu.memory_space<vmem>>)
      tpu.yield
    }) : () -> ()
    %add3A_69 = arith.addi %mul3A_4, %add3A_68 : i32
    "tpu.region"() ({
      %run_scoped3A = tpu.sem_alloc : memref<!tpu.dma_semaphore, #tpu.memory_space<semaphore_mem>>
      %dma_start3A = arith.constant 0 : i32
      %dma_start3A_90 = tpu.memref_slice %arg5[%add3A_69, %dma_start3A] : memref<20480x128xf32, #tpu.memory_space<hbm>> -> memref<80x128xf32, #tpu.memory_space<hbm>>
      %dma_start3A_91 = arith.constant 0 : i32
      %dma_start3A_92 = tpu.memref_slice %arg5[%add3A_69, %dma_start3A_91] : memref<20480x128xf32, #tpu.memory_space<hbm>> -> memref<80x128xf32, #tpu.memory_space<hbm>>
      tpu.enqueue_dma source(%arg8 : memref<80x128xf32, #tpu.memory_space<vmem>>) target(%dma_start3A_92 : memref<80x128xf32, #tpu.memory_space<hbm>>) target_semaphore(%run_scoped3A : memref<!tpu.dma_semaphore, #tpu.memory_space<semaphore_mem>>)
      %dma_wait3A = arith.constant 0 : i32
      %dma_wait3A_93 = tpu.memref_slice %arg5[%add3A_69, %dma_wait3A] : memref<20480x128xf32, #tpu.memory_space<hbm>> -> memref<80x128xf32, #tpu.memory_space<hbm>>
      %dma_wait3A_94 = arith.constant 0 : i32
      %dma_wait3A_95 = tpu.memref_slice %arg5[%add3A_69, %dma_wait3A_94] : memref<20480x128xf32, #tpu.memory_space<hbm>> -> memref<80x128xf32, #tpu.memory_space<hbm>>
      tpu.wait_dma2 semaphore(%run_scoped3A : memref<!tpu.dma_semaphore, #tpu.memory_space<semaphore_mem>>) src(%arg8 : memref<80x128xf32, #tpu.memory_space<vmem>>) dst(%dma_wait3A_95 : memref<80x128xf32, #tpu.memory_space<hbm>>)
      tpu.yield
    }) : () -> ()
    %mul3A_70 = arith.constant 640 : i32
    %mul3A_71 = arith.muli %arg1, %mul3A_70 : i32
    %add3A_72 = arith.constant 320 : i32
    %add3A_73 = arith.addi %mul3A_71, %add3A_72 : i32
    "tpu.region"() ({
      %run_scoped3A = tpu.sem_alloc : memref<!tpu.dma_semaphore, #tpu.memory_space<semaphore_mem>>
      %dma_start3A = arith.constant 0 : i32
      %dma_start3A_90 = tpu.memref_slice %arg9[%add3A_73, %dma_start3A] : memref<10240x128xf32, #tpu.memory_space<vmem_shared>> -> memref<80x128xf32, #tpu.memory_space<vmem_shared>>
      %dma_start3A_91 = arith.constant 0 : i32
      %dma_start3A_92 = tpu.memref_slice %arg9[%add3A_73, %dma_start3A_91] : memref<10240x128xf32, #tpu.memory_space<vmem_shared>> -> memref<80x128xf32, #tpu.memory_space<vmem_shared>>
      tpu.enqueue_dma source(%dma_start3A_92 : memref<80x128xf32, #tpu.memory_space<vmem_shared>>) target(%arg8 : memref<80x128xf32, #tpu.memory_space<vmem>>) target_semaphore(%run_scoped3A : memref<!tpu.dma_semaphore, #tpu.memory_space<semaphore_mem>>)
      %dma_wait3A = arith.constant 0 : i32
      %dma_wait3A_93 = tpu.memref_slice %arg9[%add3A_73, %dma_wait3A] : memref<10240x128xf32, #tpu.memory_space<vmem_shared>> -> memref<80x128xf32, #tpu.memory_space<vmem_shared>>
      %dma_wait3A_94 = arith.constant 0 : i32
      %dma_wait3A_95 = tpu.memref_slice %arg9[%add3A_73, %dma_wait3A_94] : memref<10240x128xf32, #tpu.memory_space<vmem_shared>> -> memref<80x128xf32, #tpu.memory_space<vmem_shared>>
      tpu.wait_dma2 semaphore(%run_scoped3A : memref<!tpu.dma_semaphore, #tpu.memory_space<semaphore_mem>>) src(%dma_wait3A_95 : memref<80x128xf32, #tpu.memory_space<vmem_shared>>) dst(%arg8 : memref<80x128xf32, #tpu.memory_space<vmem>>)
      tpu.yield
    }) : () -> ()
    %add3A_74 = arith.addi %mul3A_4, %add3A_73 : i32
    "tpu.region"() ({
      %run_scoped3A = tpu.sem_alloc : memref<!tpu.dma_semaphore, #tpu.memory_space<semaphore_mem>>
      %dma_start3A = arith.constant 0 : i32
      %dma_start3A_90 = tpu.memref_slice %arg5[%add3A_74, %dma_start3A] : memref<20480x128xf32, #tpu.memory_space<hbm>> -> memref<80x128xf32, #tpu.memory_space<hbm>>
      %dma_start3A_91 = arith.constant 0 : i32
      %dma_start3A_92 = tpu.memref_slice %arg5[%add3A_74, %dma_start3A_91] : memref<20480x128xf32, #tpu.memory_space<hbm>> -> memref<80x128xf32, #tpu.memory_space<hbm>>
      tpu.enqueue_dma source(%arg8 : memref<80x128xf32, #tpu.memory_space<vmem>>) target(%dma_start3A_92 : memref<80x128xf32, #tpu.memory_space<hbm>>) target_semaphore(%run_scoped3A : memref<!tpu.dma_semaphore, #tpu.memory_space<semaphore_mem>>)
      %dma_wait3A = arith.constant 0 : i32
      %dma_wait3A_93 = tpu.memref_slice %arg5[%add3A_74, %dma_wait3A] : memref<20480x128xf32, #tpu.memory_space<hbm>> -> memref<80x128xf32, #tpu.memory_space<hbm>>
      %dma_wait3A_94 = arith.constant 0 : i32
      %dma_wait3A_95 = tpu.memref_slice %arg5[%add3A_74, %dma_wait3A_94] : memref<20480x128xf32, #tpu.memory_space<hbm>> -> memref<80x128xf32, #tpu.memory_space<hbm>>
      tpu.wait_dma2 semaphore(%run_scoped3A : memref<!tpu.dma_semaphore, #tpu.memory_space<semaphore_mem>>) src(%arg8 : memref<80x128xf32, #tpu.memory_space<vmem>>) dst(%dma_wait3A_95 : memref<80x128xf32, #tpu.memory_space<hbm>>)
      tpu.yield
    }) : () -> ()
    %mul3A_75 = arith.constant 640 : i32
    %mul3A_76 = arith.muli %arg1, %mul3A_75 : i32
    %add3A_77 = arith.constant 400 : i32
    %add3A_78 = arith.addi %mul3A_76, %add3A_77 : i32
    "tpu.region"() ({
      %run_scoped3A = tpu.sem_alloc : memref<!tpu.dma_semaphore, #tpu.memory_space<semaphore_mem>>
      %dma_start3A = arith.constant 0 : i32
      %dma_start3A_90 = tpu.memref_slice %arg9[%add3A_78, %dma_start3A] : memref<10240x128xf32, #tpu.memory_space<vmem_shared>> -> memref<80x128xf32, #tpu.memory_space<vmem_shared>>
      %dma_start3A_91 = arith.constant 0 : i32
      %dma_start3A_92 = tpu.memref_slice %arg9[%add3A_78, %dma_start3A_91] : memref<10240x128xf32, #tpu.memory_space<vmem_shared>> -> memref<80x128xf32, #tpu.memory_space<vmem_shared>>
      tpu.enqueue_dma source(%dma_start3A_92 : memref<80x128xf32, #tpu.memory_space<vmem_shared>>) target(%arg8 : memref<80x128xf32, #tpu.memory_space<vmem>>) target_semaphore(%run_scoped3A : memref<!tpu.dma_semaphore, #tpu.memory_space<semaphore_mem>>)
      %dma_wait3A = arith.constant 0 : i32
      %dma_wait3A_93 = tpu.memref_slice %arg9[%add3A_78, %dma_wait3A] : memref<10240x128xf32, #tpu.memory_space<vmem_shared>> -> memref<80x128xf32, #tpu.memory_space<vmem_shared>>
      %dma_wait3A_94 = arith.constant 0 : i32
      %dma_wait3A_95 = tpu.memref_slice %arg9[%add3A_78, %dma_wait3A_94] : memref<10240x128xf32, #tpu.memory_space<vmem_shared>> -> memref<80x128xf32, #tpu.memory_space<vmem_shared>>
      tpu.wait_dma2 semaphore(%run_scoped3A : memref<!tpu.dma_semaphore, #tpu.memory_space<semaphore_mem>>) src(%dma_wait3A_95 : memref<80x128xf32, #tpu.memory_space<vmem_shared>>) dst(%arg8 : memref<80x128xf32, #tpu.memory_space<vmem>>)
      tpu.yield
    }) : () -> ()
    %add3A_79 = arith.addi %mul3A_4, %add3A_78 : i32
    "tpu.region"() ({
      %run_scoped3A = tpu.sem_alloc : memref<!tpu.dma_semaphore, #tpu.memory_space<semaphore_mem>>
      %dma_start3A = arith.constant 0 : i32
      %dma_start3A_90 = tpu.memref_slice %arg5[%add3A_79, %dma_start3A] : memref<20480x128xf32, #tpu.memory_space<hbm>> -> memref<80x128xf32, #tpu.memory_space<hbm>>
      %dma_start3A_91 = arith.constant 0 : i32
      %dma_start3A_92 = tpu.memref_slice %arg5[%add3A_79, %dma_start3A_91] : memref<20480x128xf32, #tpu.memory_space<hbm>> -> memref<80x128xf32, #tpu.memory_space<hbm>>
      tpu.enqueue_dma source(%arg8 : memref<80x128xf32, #tpu.memory_space<vmem>>) target(%dma_start3A_92 : memref<80x128xf32, #tpu.memory_space<hbm>>) target_semaphore(%run_scoped3A : memref<!tpu.dma_semaphore, #tpu.memory_space<semaphore_mem>>)
      %dma_wait3A = arith.constant 0 : i32
      %dma_wait3A_93 = tpu.memref_slice %arg5[%add3A_79, %dma_wait3A] : memref<20480x128xf32, #tpu.memory_space<hbm>> -> memref<80x128xf32, #tpu.memory_space<hbm>>
      %dma_wait3A_94 = arith.constant 0 : i32
      %dma_wait3A_95 = tpu.memref_slice %arg5[%add3A_79, %dma_wait3A_94] : memref<20480x128xf32, #tpu.memory_space<hbm>> -> memref<80x128xf32, #tpu.memory_space<hbm>>
      tpu.wait_dma2 semaphore(%run_scoped3A : memref<!tpu.dma_semaphore, #tpu.memory_space<semaphore_mem>>) src(%arg8 : memref<80x128xf32, #tpu.memory_space<vmem>>) dst(%dma_wait3A_95 : memref<80x128xf32, #tpu.memory_space<hbm>>)
      tpu.yield
    }) : () -> ()
    %mul3A_80 = arith.constant 640 : i32
    %mul3A_81 = arith.muli %arg1, %mul3A_80 : i32
    %add3A_82 = arith.constant 480 : i32
    %add3A_83 = arith.addi %mul3A_81, %add3A_82 : i32
    "tpu.region"() ({
      %run_scoped3A = tpu.sem_alloc : memref<!tpu.dma_semaphore, #tpu.memory_space<semaphore_mem>>
      %dma_start3A = arith.constant 0 : i32
      %dma_start3A_90 = tpu.memref_slice %arg9[%add3A_83, %dma_start3A] : memref<10240x128xf32, #tpu.memory_space<vmem_shared>> -> memref<80x128xf32, #tpu.memory_space<vmem_shared>>
      %dma_start3A_91 = arith.constant 0 : i32
      %dma_start3A_92 = tpu.memref_slice %arg9[%add3A_83, %dma_start3A_91] : memref<10240x128xf32, #tpu.memory_space<vmem_shared>> -> memref<80x128xf32, #tpu.memory_space<vmem_shared>>
      tpu.enqueue_dma source(%dma_start3A_92 : memref<80x128xf32, #tpu.memory_space<vmem_shared>>) target(%arg8 : memref<80x128xf32, #tpu.memory_space<vmem>>) target_semaphore(%run_scoped3A : memref<!tpu.dma_semaphore, #tpu.memory_space<semaphore_mem>>)
      %dma_wait3A = arith.constant 0 : i32
      %dma_wait3A_93 = tpu.memref_slice %arg9[%add3A_83, %dma_wait3A] : memref<10240x128xf32, #tpu.memory_space<vmem_shared>> -> memref<80x128xf32, #tpu.memory_space<vmem_shared>>
      %dma_wait3A_94 = arith.constant 0 : i32
      %dma_wait3A_95 = tpu.memref_slice %arg9[%add3A_83, %dma_wait3A_94] : memref<10240x128xf32, #tpu.memory_space<vmem_shared>> -> memref<80x128xf32, #tpu.memory_space<vmem_shared>>
      tpu.wait_dma2 semaphore(%run_scoped3A : memref<!tpu.dma_semaphore, #tpu.memory_space<semaphore_mem>>) src(%dma_wait3A_95 : memref<80x128xf32, #tpu.memory_space<vmem_shared>>) dst(%arg8 : memref<80x128xf32, #tpu.memory_space<vmem>>)
      tpu.yield
    }) : () -> ()
    %add3A_84 = arith.addi %mul3A_4, %add3A_83 : i32
    "tpu.region"() ({
      %run_scoped3A = tpu.sem_alloc : memref<!tpu.dma_semaphore, #tpu.memory_space<semaphore_mem>>
      %dma_start3A = arith.constant 0 : i32
      %dma_start3A_90 = tpu.memref_slice %arg5[%add3A_84, %dma_start3A] : memref<20480x128xf32, #tpu.memory_space<hbm>> -> memref<80x128xf32, #tpu.memory_space<hbm>>
      %dma_start3A_91 = arith.constant 0 : i32
      %dma_start3A_92 = tpu.memref_slice %arg5[%add3A_84, %dma_start3A_91] : memref<20480x128xf32, #tpu.memory_space<hbm>> -> memref<80x128xf32, #tpu.memory_space<hbm>>
      tpu.enqueue_dma source(%arg8 : memref<80x128xf32, #tpu.memory_space<vmem>>) target(%dma_start3A_92 : memref<80x128xf32, #tpu.memory_space<hbm>>) target_semaphore(%run_scoped3A : memref<!tpu.dma_semaphore, #tpu.memory_space<semaphore_mem>>)
      %dma_wait3A = arith.constant 0 : i32
      %dma_wait3A_93 = tpu.memref_slice %arg5[%add3A_84, %dma_wait3A] : memref<20480x128xf32, #tpu.memory_space<hbm>> -> memref<80x128xf32, #tpu.memory_space<hbm>>
      %dma_wait3A_94 = arith.constant 0 : i32
      %dma_wait3A_95 = tpu.memref_slice %arg5[%add3A_84, %dma_wait3A_94] : memref<20480x128xf32, #tpu.memory_space<hbm>> -> memref<80x128xf32, #tpu.memory_space<hbm>>
      tpu.wait_dma2 semaphore(%run_scoped3A : memref<!tpu.dma_semaphore, #tpu.memory_space<semaphore_mem>>) src(%arg8 : memref<80x128xf32, #tpu.memory_space<vmem>>) dst(%dma_wait3A_95 : memref<80x128xf32, #tpu.memory_space<hbm>>)
      tpu.yield
    }) : () -> ()
    %mul3A_85 = arith.constant 640 : i32
    %mul3A_86 = arith.muli %arg1, %mul3A_85 : i32
    %add3A_87 = arith.constant 560 : i32
    %add3A_88 = arith.addi %mul3A_86, %add3A_87 : i32
    "tpu.region"() ({
      %run_scoped3A = tpu.sem_alloc : memref<!tpu.dma_semaphore, #tpu.memory_space<semaphore_mem>>
      %dma_start3A = arith.constant 0 : i32
      %dma_start3A_90 = tpu.memref_slice %arg9[%add3A_88, %dma_start3A] : memref<10240x128xf32, #tpu.memory_space<vmem_shared>> -> memref<80x128xf32, #tpu.memory_space<vmem_shared>>
      %dma_start3A_91 = arith.constant 0 : i32
      %dma_start3A_92 = tpu.memref_slice %arg9[%add3A_88, %dma_start3A_91] : memref<10240x128xf32, #tpu.memory_space<vmem_shared>> -> memref<80x128xf32, #tpu.memory_space<vmem_shared>>
      tpu.enqueue_dma source(%dma_start3A_92 : memref<80x128xf32, #tpu.memory_space<vmem_shared>>) target(%arg8 : memref<80x128xf32, #tpu.memory_space<vmem>>) target_semaphore(%run_scoped3A : memref<!tpu.dma_semaphore, #tpu.memory_space<semaphore_mem>>)
      %dma_wait3A = arith.constant 0 : i32
      %dma_wait3A_93 = tpu.memref_slice %arg9[%add3A_88, %dma_wait3A] : memref<10240x128xf32, #tpu.memory_space<vmem_shared>> -> memref<80x128xf32, #tpu.memory_space<vmem_shared>>
      %dma_wait3A_94 = arith.constant 0 : i32
      %dma_wait3A_95 = tpu.memref_slice %arg9[%add3A_88, %dma_wait3A_94] : memref<10240x128xf32, #tpu.memory_space<vmem_shared>> -> memref<80x128xf32, #tpu.memory_space<vmem_shared>>
      tpu.wait_dma2 semaphore(%run_scoped3A : memref<!tpu.dma_semaphore, #tpu.memory_space<semaphore_mem>>) src(%dma_wait3A_95 : memref<80x128xf32, #tpu.memory_space<vmem_shared>>) dst(%arg8 : memref<80x128xf32, #tpu.memory_space<vmem>>)
      tpu.yield
    }) : () -> ()
    %add3A_89 = arith.addi %mul3A_4, %add3A_88 : i32
    "tpu.region"() ({
      %run_scoped3A = tpu.sem_alloc : memref<!tpu.dma_semaphore, #tpu.memory_space<semaphore_mem>>
      %dma_start3A = arith.constant 0 : i32
      %dma_start3A_90 = tpu.memref_slice %arg5[%add3A_89, %dma_start3A] : memref<20480x128xf32, #tpu.memory_space<hbm>> -> memref<80x128xf32, #tpu.memory_space<hbm>>
      %dma_start3A_91 = arith.constant 0 : i32
      %dma_start3A_92 = tpu.memref_slice %arg5[%add3A_89, %dma_start3A_91] : memref<20480x128xf32, #tpu.memory_space<hbm>> -> memref<80x128xf32, #tpu.memory_space<hbm>>
      tpu.enqueue_dma source(%arg8 : memref<80x128xf32, #tpu.memory_space<vmem>>) target(%dma_start3A_92 : memref<80x128xf32, #tpu.memory_space<hbm>>) target_semaphore(%run_scoped3A : memref<!tpu.dma_semaphore, #tpu.memory_space<semaphore_mem>>)
      %dma_wait3A = arith.constant 0 : i32
      %dma_wait3A_93 = tpu.memref_slice %arg5[%add3A_89, %dma_wait3A] : memref<20480x128xf32, #tpu.memory_space<hbm>> -> memref<80x128xf32, #tpu.memory_space<hbm>>
      %dma_wait3A_94 = arith.constant 0 : i32
      %dma_wait3A_95 = tpu.memref_slice %arg5[%add3A_89, %dma_wait3A_94] : memref<20480x128xf32, #tpu.memory_space<hbm>> -> memref<80x128xf32, #tpu.memory_space<hbm>>
      tpu.wait_dma2 semaphore(%run_scoped3A : memref<!tpu.dma_semaphore, #tpu.memory_space<semaphore_mem>>) src(%arg8 : memref<80x128xf32, #tpu.memory_space<vmem>>) dst(%dma_wait3A_95 : memref<80x128xf32, #tpu.memory_space<hbm>>)
      tpu.yield
    }) : () -> ()
    return
  }
}

module attributes {stable_mosaic.version = 14 : i64} {
  func.func @_tc_layer_body(%arg0: i32, %arg1: memref<2x1000x128xf32, #tpu.memory_space<vmem>>, %arg2: memref<2x1000x128xf32, #tpu.memory_space<vmem>>, %arg3: memref<1000x128xf32, #tpu.memory_space<vmem>>, %arg4: memref<256x256xf32, #tpu.memory_space<vmem>>, %arg5: memref<1x256xf32, #tpu.memory_space<vmem>>, %arg6: memref<256x256xf32, #tpu.memory_space<vmem>>, %arg7: memref<2x1000x128xf32, #tpu.memory_space<vmem>>) attributes {dimension_semantics = [#tpu.dimension_semantics<arbitrary>], iteration_bounds = array<i64: 10>, scalar_prefetch = 0 : i64, scratch_operands = 0 : i64, tpu.core_type = #tpu.core_type<tc>, window_params = [{transform_indices = @transform_0, window_bounds = array<i64: 2, 1000, 128>}, {transform_indices = @transform_1, window_bounds = array<i64: 2, 1000, 128>}, {transform_indices = @transform_2, window_bounds = array<i64: 1000, 128>}, {pipeline_mode = #tpu.pipeline_mode<synchronous>, transform_indices = @transform_3, window_bounds = array<i64: 256, 256>}, {pipeline_mode = #tpu.pipeline_mode<synchronous>, transform_indices = @transform_4, window_bounds = array<i64: 1, 256>}, {pipeline_mode = #tpu.pipeline_mode<synchronous>, transform_indices = @transform_5, window_bounds = array<i64: 256, 256>}, {transform_indices = @transform_6, window_bounds = array<i64: 2, 1000, 128>}]} {
    %get3A = arith.constant 0 : index
    %get3A_0 = arith.constant 0 : index
    %get3A_1 = vector.load %arg3[%get3A, %get3A_0] : memref<1000x128xf32, #tpu.memory_space<vmem>>, vector<1000x1xf32>
    %max3A = arith.constant 1.000000e+00 : f32
    %max3A_2 = vector.broadcast %max3A : f32 to vector<1000x1xf32>
    %max3A_3 = arith.maximumf %get3A_1, %max3A_2 : vector<1000x1xf32>
    %div3A = arith.constant 1.000000e+00 : f32
    %div3A_4 = vector.broadcast %div3A : f32 to vector<1000x1xf32>
    %div3A_5 = arith.divf %div3A_4, %max3A_3 : vector<1000x1xf32>
    %get3A_6 = arith.constant 0 : index
    %get3A_7 = arith.constant 0 : index
    %get3A_8 = arith.constant 0 : index
    %get3A_9 = vector.load %arg1[%get3A_6, %get3A_7, %get3A_8] : memref<2x1000x128xf32, #tpu.memory_space<vmem>>, vector<1x1000x128xf32>
    %get3A_10 = vector.shape_cast %get3A_9 : vector<1x1000x128xf32> to vector<1000x128xf32>
    %mul3A = vector.broadcast %div3A_5 : vector<1000x1xf32> to vector<1000x128xf32>
    %mul3A_11 = arith.mulf %get3A_10, %mul3A : vector<1000x128xf32>
    %get3A_12 = arith.constant 0 : index
    %get3A_13 = arith.constant 0 : index
    %get3A_14 = vector.load %arg4[%get3A_12, %get3A_13] : memref<256x256xf32, #tpu.memory_space<vmem>>, vector<128x256xf32>
    %dot_general3A = arith.constant dense<0.000000e+00> : vector<1000x256xf32>
    %dot_general3A_15 = tpu.matmul %mul3A_11, %get3A_14, %dot_general3A {dimension_numbers = #tpu.dot_dimension_numbers<[1], [0], [0], [1], [0, 0, 1, 1], [], []>, transpose_lhs_hint = false} : vector<1000x128xf32>, vector<128x256xf32>, vector<1000x256xf32> -> vector<1000x256xf32>
    %get3A_16 = arith.constant 1 : index
    %get3A_17 = arith.constant 0 : index
    %get3A_18 = arith.constant 0 : index
    %get3A_19 = vector.load %arg1[%get3A_16, %get3A_17, %get3A_18] : memref<2x1000x128xf32, #tpu.memory_space<vmem>>, vector<1x1000x128xf32>
    %get3A_20 = vector.shape_cast %get3A_19 : vector<1x1000x128xf32> to vector<1000x128xf32>
    %mul3A_21 = vector.broadcast %div3A_5 : vector<1000x1xf32> to vector<1000x128xf32>
    %mul3A_22 = arith.mulf %get3A_20, %mul3A_21 : vector<1000x128xf32>
    %get3A_23 = arith.constant 128 : index
    %get3A_24 = arith.constant 0 : index
    %get3A_25 = vector.load %arg4[%get3A_23, %get3A_24] : memref<256x256xf32, #tpu.memory_space<vmem>>, vector<128x256xf32>
    %dot_general3A_26 = arith.constant dense<0.000000e+00> : vector<1000x256xf32>
    %dot_general3A_27 = tpu.matmul %mul3A_22, %get3A_25, %dot_general3A_26 {dimension_numbers = #tpu.dot_dimension_numbers<[1], [0], [0], [1], [0, 0, 1, 1], [], []>, transpose_lhs_hint = false} : vector<1000x128xf32>, vector<128x256xf32>, vector<1000x256xf32> -> vector<1000x256xf32>
    %add3A = arith.addf %dot_general3A_15, %dot_general3A_27 : vector<1000x256xf32>
    %get3A_28 = arith.constant 0 : index
    %get3A_29 = arith.constant 0 : index
    %get3A_30 = arith.constant 0 : index
    %get3A_31 = vector.load %arg2[%get3A_28, %get3A_29, %get3A_30] : memref<2x1000x128xf32, #tpu.memory_space<vmem>>, vector<1x1000x128xf32>
    %get3A_32 = vector.shape_cast %get3A_31 : vector<1x1000x128xf32> to vector<1000x128xf32>
    %get3A_33 = arith.constant 0 : index
    %get3A_34 = arith.constant 0 : index
    %get3A_35 = vector.load %arg6[%get3A_33, %get3A_34] : memref<256x256xf32, #tpu.memory_space<vmem>>, vector<128x256xf32>
    %dot_general3A_36 = arith.constant dense<0.000000e+00> : vector<1000x256xf32>
    %dot_general3A_37 = tpu.matmul %get3A_32, %get3A_35, %dot_general3A_36 {dimension_numbers = #tpu.dot_dimension_numbers<[1], [0], [0], [1], [0, 0, 1, 1], [], []>, transpose_lhs_hint = false} : vector<1000x128xf32>, vector<128x256xf32>, vector<1000x256xf32> -> vector<1000x256xf32>
    %add3A_38 = arith.addf %add3A, %dot_general3A_37 : vector<1000x256xf32>
    %get3A_39 = arith.constant 1 : index
    %get3A_40 = arith.constant 0 : index
    %get3A_41 = arith.constant 0 : index
    %get3A_42 = vector.load %arg2[%get3A_39, %get3A_40, %get3A_41] : memref<2x1000x128xf32, #tpu.memory_space<vmem>>, vector<1x1000x128xf32>
    %get3A_43 = vector.shape_cast %get3A_42 : vector<1x1000x128xf32> to vector<1000x128xf32>
    %get3A_44 = arith.constant 128 : index
    %get3A_45 = arith.constant 0 : index
    %get3A_46 = vector.load %arg6[%get3A_44, %get3A_45] : memref<256x256xf32, #tpu.memory_space<vmem>>, vector<128x256xf32>
    %dot_general3A_47 = arith.constant dense<0.000000e+00> : vector<1000x256xf32>
    %dot_general3A_48 = tpu.matmul %get3A_43, %get3A_46, %dot_general3A_47 {dimension_numbers = #tpu.dot_dimension_numbers<[1], [0], [0], [1], [0, 0, 1, 1], [], []>, transpose_lhs_hint = false} : vector<1000x128xf32>, vector<128x256xf32>, vector<1000x256xf32> -> vector<1000x256xf32>
    %add3A_49 = arith.addf %add3A_38, %dot_general3A_48 : vector<1000x256xf32>
    %get3A_50 = arith.constant 0 : index
    %get3A_51 = arith.constant 0 : index
    %get3A_52 = vector.load %arg5[%get3A_50, %get3A_51] : memref<1x256xf32, #tpu.memory_space<vmem>>, vector<1x256xf32>
    %get3A_53 = vector.shape_cast %get3A_52 : vector<1x256xf32> to vector<256xf32>
    %broadcast_in_dim3A = vector.shape_cast %get3A_53 : vector<256xf32> to vector<1x256xf32>
    %add3A_54 = vector.broadcast %broadcast_in_dim3A : vector<1x256xf32> to vector<1000x256xf32>
    %add3A_55 = arith.addf %add3A_49, %add3A_54 : vector<1000x256xf32>
    %max3A_56 = arith.constant 0.000000e+00 : f32
    %max3A_57 = vector.broadcast %max3A_56 : f32 to vector<1000x256xf32>
    %max3A_58 = arith.maximumf %add3A_55, %max3A_57 : vector<1000x256xf32>
    %slice3A = vector.extract_strided_slice %max3A_58 {offsets = [0, 0], sizes = [1000, 128], strides = [1, 1]} : vector<1000x256xf32> to vector<1000x128xf32>
    %swap3A = arith.constant 0 : index
    %swap3A_59 = arith.constant 0 : index
    %swap3A_60 = arith.constant 0 : index
    %swap3A_61 = vector.load %arg7[%swap3A, %swap3A_59, %swap3A_60] : memref<2x1000x128xf32, #tpu.memory_space<vmem>>, vector<1x1000x128xf32>
    %swap3A_62 = vector.shape_cast %swap3A_61 : vector<1x1000x128xf32> to vector<1000x128xf32>
    %swap3A_63 = vector.shape_cast %slice3A : vector<1000x128xf32> to vector<1x1000x128xf32>
    tpu.vector_store %arg7[%swap3A, %swap3A_59, %swap3A_60], %swap3A_63 {strides = array<i32>} : memref<2x1000x128xf32, #tpu.memory_space<vmem>>, vector<1x1000x128xf32>,
    %slice3A_64 = vector.extract_strided_slice %max3A_58 {offsets = [0, 128], sizes = [1000, 128], strides = [1, 1]} : vector<1000x256xf32> to vector<1000x128xf32>
    %swap3A_65 = arith.constant 1 : index
    %swap3A_66 = arith.constant 0 : index
    %swap3A_67 = arith.constant 0 : index
    %swap3A_68 = vector.load %arg7[%swap3A_65, %swap3A_66, %swap3A_67] : memref<2x1000x128xf32, #tpu.memory_space<vmem>>, vector<1x1000x128xf32>
    %swap3A_69 = vector.shape_cast %swap3A_68 : vector<1x1000x128xf32> to vector<1000x128xf32>
    %swap3A_70 = vector.shape_cast %slice3A_64 : vector<1000x128xf32> to vector<1x1000x128xf32>
    tpu.vector_store %arg7[%swap3A_65, %swap3A_66, %swap3A_67], %swap3A_70 {strides = array<i32>} : memref<2x1000x128xf32, #tpu.memory_space<vmem>>, vector<1x1000x128xf32>,
    return
  }
  func.func @transform_0(%arg0: i32) -> (i32, i32, i32) {
    %c0_i32 = arith.constant 0 : i32
    %c0_i32_0 = arith.constant 0 : i32
    %c0_i32_1 = arith.constant 0 : i32
    return %c0_i32, %arg0, %c0_i32_0 : i32, i32, i32
  }
  func.func @transform_1(%arg0: i32) -> (i32, i32, i32) {
    %c0_i32 = arith.constant 0 : i32
    %c0_i32_0 = arith.constant 0 : i32
    %c0_i32_1 = arith.constant 0 : i32
    return %c0_i32, %arg0, %c0_i32_0 : i32, i32, i32
  }
  func.func @transform_2(%arg0: i32) -> (i32, i32) {
    %c0_i32 = arith.constant 0 : i32
    %c0_i32_0 = arith.constant 0 : i32
    return %arg0, %c0_i32 : i32, i32
  }
  func.func @transform_3(%arg0: i32) -> (i32, i32) {
    %c0_i32 = arith.constant 0 : i32
    %c0_i32_0 = arith.constant 0 : i32
    %c0_i32_1 = arith.constant 0 : i32
    return %c0_i32, %c0_i32_0 : i32, i32
  }
  func.func @transform_4(%arg0: i32) -> (i32, i32) {
    %c0_i32 = arith.constant 0 : i32
    %c0_i32_0 = arith.constant 0 : i32
    %c0_i32_1 = arith.constant 0 : i32
    return %c0_i32, %c0_i32_0 : i32, i32
  }
  func.func @transform_5(%arg0: i32) -> (i32, i32) {
    %c0_i32 = arith.constant 0 : i32
    %c0_i32_0 = arith.constant 0 : i32
    %c0_i32_1 = arith.constant 0 : i32
    return %c0_i32, %c0_i32_0 : i32, i32
  }
  func.func @transform_6(%arg0: i32) -> (i32, i32, i32) {
    %c0_i32 = arith.constant 0 : i32
    %c0_i32_0 = arith.constant 0 : i32
    %c0_i32_1 = arith.constant 0 : i32
    return %c0_i32, %arg0, %c0_i32_0 : i32, i32, i32
  }
}

module attributes {stable_mosaic.version = 14 : i64} {
  func.func @_tc_final_body(%arg0: i32, %arg1: memref<2x1000x128xf32, #tpu.memory_space<vmem>>, %arg2: memref<256x256xf32, #tpu.memory_space<vmem>>, %arg3: memref<1x256xf32, #tpu.memory_space<vmem>>, %arg4: memref<1000x256xf32, #tpu.memory_space<vmem>>) attributes {dimension_semantics = [#tpu.dimension_semantics<arbitrary>], iteration_bounds = array<i64: 10>, scalar_prefetch = 0 : i64, scratch_operands = 0 : i64, tpu.core_type = #tpu.core_type<tc>, window_params = [{transform_indices = @transform_0, window_bounds = array<i64: 2, 1000, 128>}, {pipeline_mode = #tpu.pipeline_mode<synchronous>, transform_indices = @transform_1, window_bounds = array<i64: 256, 256>}, {pipeline_mode = #tpu.pipeline_mode<synchronous>, transform_indices = @transform_2, window_bounds = array<i64: 1, 256>}, {transform_indices = @transform_3, window_bounds = array<i64: 1000, 256>}]} {
    %get3A = arith.constant 0 : index
    %get3A_0 = arith.constant 0 : index
    %get3A_1 = arith.constant 0 : index
    %get3A_2 = vector.load %arg1[%get3A, %get3A_0, %get3A_1] : memref<2x1000x128xf32, #tpu.memory_space<vmem>>, vector<1x1000x128xf32>
    %get3A_3 = vector.shape_cast %get3A_2 : vector<1x1000x128xf32> to vector<1000x128xf32>
    %get3A_4 = arith.constant 0 : index
    %get3A_5 = arith.constant 0 : index
    %get3A_6 = vector.load %arg2[%get3A_4, %get3A_5] : memref<256x256xf32, #tpu.memory_space<vmem>>, vector<128x256xf32>
    %dot_general3A = arith.constant dense<0.000000e+00> : vector<1000x256xf32>
    %dot_general3A_7 = tpu.matmul %get3A_3, %get3A_6, %dot_general3A {dimension_numbers = #tpu.dot_dimension_numbers<[1], [0], [0], [1], [0, 0, 1, 1], [], []>, transpose_lhs_hint = false} : vector<1000x128xf32>, vector<128x256xf32>, vector<1000x256xf32> -> vector<1000x256xf32>
    %get3A_8 = arith.constant 1 : index
    %get3A_9 = arith.constant 0 : index
    %get3A_10 = arith.constant 0 : index
    %get3A_11 = vector.load %arg1[%get3A_8, %get3A_9, %get3A_10] : memref<2x1000x128xf32, #tpu.memory_space<vmem>>, vector<1x1000x128xf32>
    %get3A_12 = vector.shape_cast %get3A_11 : vector<1x1000x128xf32> to vector<1000x128xf32>
    %get3A_13 = arith.constant 128 : index
    %get3A_14 = arith.constant 0 : index
    %get3A_15 = vector.load %arg2[%get3A_13, %get3A_14] : memref<256x256xf32, #tpu.memory_space<vmem>>, vector<128x256xf32>
    %dot_general3A_16 = arith.constant dense<0.000000e+00> : vector<1000x256xf32>
    %dot_general3A_17 = tpu.matmul %get3A_12, %get3A_15, %dot_general3A_16 {dimension_numbers = #tpu.dot_dimension_numbers<[1], [0], [0], [1], [0, 0, 1, 1], [], []>, transpose_lhs_hint = false} : vector<1000x128xf32>, vector<128x256xf32>, vector<1000x256xf32> -> vector<1000x256xf32>
    %add3A = arith.addf %dot_general3A_7, %dot_general3A_17 : vector<1000x256xf32>
    %get3A_18 = arith.constant 0 : index
    %get3A_19 = arith.constant 0 : index
    %get3A_20 = vector.load %arg3[%get3A_18, %get3A_19] : memref<1x256xf32, #tpu.memory_space<vmem>>, vector<1x256xf32>
    %get3A_21 = vector.shape_cast %get3A_20 : vector<1x256xf32> to vector<256xf32>
    %broadcast_in_dim3A = vector.shape_cast %get3A_21 : vector<256xf32> to vector<1x256xf32>
    %add3A_22 = vector.broadcast %broadcast_in_dim3A : vector<1x256xf32> to vector<1000x256xf32>
    %add3A_23 = arith.addf %add3A, %add3A_22 : vector<1000x256xf32>
    %swap3A = arith.constant 0 : index
    %swap3A_24 = arith.constant 0 : index
    %swap3A_25 = vector.load %arg4[%swap3A, %swap3A_24] : memref<1000x256xf32, #tpu.memory_space<vmem>>, vector<1000x256xf32>
    tpu.vector_store %arg4[%swap3A, %swap3A_24], %add3A_23 {strides = array<i32>} : memref<1000x256xf32, #tpu.memory_space<vmem>>, vector<1000x256xf32>,
    return
  }
  func.func @transform_0(%arg0: i32) -> (i32, i32, i32) {
    %c0_i32 = arith.constant 0 : i32
    %c0_i32_0 = arith.constant 0 : i32
    %c0_i32_1 = arith.constant 0 : i32
    return %c0_i32, %arg0, %c0_i32_0 : i32, i32, i32
  }
  func.func @transform_1(%arg0: i32) -> (i32, i32) {
    %c0_i32 = arith.constant 0 : i32
    %c0_i32_0 = arith.constant 0 : i32
    %c0_i32_1 = arith.constant 0 : i32
    return %c0_i32, %c0_i32_0 : i32, i32
  }
  func.func @transform_2(%arg0: i32) -> (i32, i32) {
    %c0_i32 = arith.constant 0 : i32
    %c0_i32_0 = arith.constant 0 : i32
    %c0_i32_1 = arith.constant 0 : i32
    return %c0_i32, %c0_i32_0 : i32, i32
  }
  func.func @transform_3(%arg0: i32) -> (i32, i32) {
    %c0_i32 = arith.constant 0 : i32
    %c0_i32_0 = arith.constant 0 : i32
    return %arg0, %c0_i32 : i32, i32
  }
}

</mosaic_0001>

<sc_bundles>
// kernel: kernel.10.cloned.1.call-start
scs
__scs_entry_jumppad:
0x0: {  	(pc) =	sbr.rel $0x88, $3  }
0x1: {  	(tag) =	ssettag $0x0;
	lr =	simm.s32 $0x1  }
0x2: {  	[smem:$0x3F94] =	sst lr;
	_ =	strace $0xD0000000  }
0x3: {  	_ = 	snop  }
0x4: {  	_ = 	snop  }
0x5: {  	_ = 	snop  }
0x6: {  	_ = 	snop  }
0x7: {  	_ = 	snop  }
__scs_overlays_trampoline_lowered:
0x8: {  	[smem:$0x3FA3] =	sst s0  }
0x9: {  	[smem:$0x3FA4] =	sst s1  }
0xa: {  	[smem:$0x3FA5] =	sst s2  }
0xb: {  	[smem:$0x3FA6] =	sst s3  }
0xc: {  	[smem:$0x3FA7] =	sst s4  }
0xd: {  	[smem:$0x3FA8] =	sst s5  }
0xe: {  	[smem:$0x3FA9] =	sst s6  }
0xf: {  	[smem:$0x3FAA] =	sst s7  }
0x10: {  	[smem:$0x3FAB] =	sst s8  }
0x11: {  	[smem:$0x3FAC] =	sst s9;
	s0 =	simm.s32 @!p0 $0x0  }
0x12: {  	s1 =	sld [smem:$0x3F92];
	s0 =	simm.s32 @p0 $0x1  }
0x13: {  	[smem:$0x3FAD] =	sst s0;
	s0 =	simm.s32 @!p1 $0x0  }
0x14: {  	s2 =	sld [smem:$0x3F91];
	s0 =	simm.s32 @p1 $0x1  }
0x15: {  	[smem:$0x3FAE] =	sst s0;
	s0 =	simm.s32 @!p2 $0x0  }
0x16: {  	s3 =	sld [smem:$0x3FDB];
	s0 =	simm.s32 @p2 $0x1  }
0x17: {  	s4 =	simm.s32 $0x1BF5;
	[smem:$0x3FB0] =	sst s0  }
0x18: {  	s0 =	sld [smem:$0x3F93];
	_ =	swait.ge [sflag:s4], $0x0  }
0x19: {  	s7 =	sld [smem:$0x3F94]  }
0x1a: {  	s8 =	sadd.s32 $0xFFFFE003, lr  }
0x1b: {  	s9 =	sadd.s32 $0xFFFFFEF7, lr;
	s5 =	simm.s32 $0xFFFFFFFF;
	p2 =	slt.u32 s8, $0xFFFFF086  }
0x1c: {  	p1 =	slt.u32 s9, $0xF7A;
	s5 =	simm.s32 @!p2 $0x0  }
0x1d: {  	s5 =	simm.s32 @p1 $0x1;
	p0 =	seq.s32 s7, s2  }
0x1e: {  	s7 =	smul.u32 @!p0 $0xF7A, s2;
	p2 =	seq.s32 @!p0 s5, $0x0  }
0x1f: {  	s9 =	smul.u32 $0xF7A, s1;
	s8 =	simm.s32 @!p0 $0x1BF5;
	p2 =	por !p2, p0  }
0x20: {  	[sflag:s8] =	ssyncset.s32 @!p0 $0xFFFFF086;
	s6 =	sadd.s32 @!p0 s3, s7;
	s7 =	simm.s32 @!p0 $0x108  }
0x21: {  	s3 =	sadd.s32 s3, s9;
	s6 =	sadd.s32 @!p0 $0x88, s6;
	s7 =	simm.s32 @p2 $0x1082  }
0x22: {  	[simem:s7], [sflag:s8] =	dma.local @!p0 [hbm:s6], $0xF7A  }
0x23: {  	s9 =	sor.u32 $0xD0000000, s2;
	s6 =	simm.s32 $0x108;
	_ =	swait.ge @!p0 [sflag:s8], $0x0  }
0x24: {  	s3 =	sadd.s32 $0x88, s3;
	s6 =	simm.s32 @!p1 $0x1082;
	[sflag:s4] =	ssyncset.s32 $0xFFFFF086  }
0x25: {  	[simem:s6], [sflag:s4] =	dma.local [hbm:s3], $0xF7A  }
0x26: {  	[smem:$0x3F94] =	sst s1;
	(tag) =	ssettag s2;
	_ =	strace s9  }
0x27: {  	s1 =	sld [smem:$0x3FA4]  }
0x28: {  	s2 =	sld [smem:$0x3FA5]  }
0x29: {  	s4 =	sld [smem:$0x3FA7]  }
0x2a: {  	p0 =	seq.s32 s5, $0x0;
	s5 =	sld [smem:$0x3FA8]  }
0x2b: {  	s6 =	sld [smem:$0x3FA9]  }
0x2c: {  	s7 =	sld [smem:$0x3FAA]  }
0x2d: {  	s3 =	simm.s32 $0x108;
	s8 =	sld [smem:$0x3FAB]  }
0x2e: {  	s3 =	simm.s32 @!p0 $0x1082;
	s9 =	sld [smem:$0x3FAC]  }
0x2f: {  	lr =	sadd.s32 s0, s3;
	s0 =	sld [smem:$0x3FA3]  }
0x30: {  	s3 =	sld [smem:$0x3FA6]  }
0x31: {  	[smem:$0x3FAF] =	sst s10  }
0x32: {  	s10 =	sld [smem:$0x3FAD];
	_ =	sdelay $0x3  }
0x33: {  	p0 =	seq.s32 s10, $0x1;
	s10 =	sld [smem:$0x3FAF];
	_ =	sdelay $0x3  }
0x34: {  	[smem:$0x3FAF] =	sst s10  }
0x35: {  	s10 =	sld [smem:$0x3FAE];
	_ =	sdelay $0x3  }
0x36: {  	p1 =	seq.s32 s10, $0x1;
	s10 =	sld [smem:$0x3FAF];
	_ =	sdelay $0x3  }
0x37: {  	[smem:$0x3FAF] =	sst s10  }
0x38: {  	s10 =	sld [smem:$0x3FB0]  }
0x39: {  	_ = 	snop;
	(pc) =	sbr.ind lr, $3  }
0x3a: {  	_ = 	snop  }
0x3b: {  	_ = 	snop  }
0x3c: {  	p2 =	seq.s32 s10, $0x1;
	s10 =	sld [smem:$0x3FAF]  }
0x3d: {  	_ =	shalt  }
0x3e: {  	_ =	shalt  }
0x3f: {  	_ =	shalt  }
0x40: {  	_ =	shalt  }
0x41: {  	_ =	shalt  }
0x42: {  	_ =	shalt  }
0x43: {  	_ =	shalt  }
0x44: {  	_ =	shalt  }
0x45: {  	_ =	shalt  }
0x46: {  	_ =	shalt  }
0x47: {  	_ =	shalt  }
0x48: {  	_ =	shalt  }
0x49: {  	_ =	shalt  }
0x4a: {  	_ =	shalt  }
0x4b: {  	_ =	shalt  }
0x4c: {  	_ =	shalt  }
0x4d: {  	_ =	shalt  }
0x4e: {  	_ =	shalt  }
0x4f: {  	_ =	shalt  }
0x50: {  	_ =	shalt  }
0x51: {  	_ =	shalt  }
0x52: {  	_ =	shalt  }
0x53: {  	_ =	shalt  }
0x54: {  	_ =	shalt  }
0x55: {  	_ =	shalt  }
0x56: {  	_ =	shalt  }
0x57: {  	_ =	shalt  }
0x58: {  	_ =	shalt  }
0x59: {  	_ =	shalt  }
0x5a: {  	_ =	shalt  }
0x5b: {  	_ =	shalt  }
0x5c: {  	_ =	shalt  }
0x5d: {  	_ =	shalt  }
0x5e: {  	_ =	shalt  }
0x5f: {  	_ =	shalt  }
0x60: {  	_ =	shalt  }
0x61: {  	_ =	shalt  }
0x62: {  	_ =	shalt  }
0x63: {  	_ =	shalt  }
0x64: {  	_ =	shalt  }
0x65: {  	_ =	shalt  }
0x66: {  	_ =	shalt  }
0x67: {  	_ =	shalt  }
0x68: {  	_ =	shalt  }
0x69: {  	_ =	shalt  }
0x6a: {  	_ =	shalt  }
0x6b: {  	_ =	shalt  }
0x6c: {  	_ =	shalt  }
0x6d: {  	_ =	shalt  }
0x6e: {  	_ =	shalt  }
0x6f: {  	_ =	shalt  }
0x70: {  	_ =	shalt  }
0x71: {  	_ =	shalt  }
0x72: {  	_ =	shalt  }
0x73: {  	_ =	shalt  }
0x74: {  	_ =	shalt  }
0x75: {  	_ =	shalt  }
0x76: {  	_ =	shalt  }
0x77: {  	_ =	shalt  }
0x78: {  	_ =	shalt  }
0x79: {  	_ =	shalt  }
0x7a: {  	_ =	shalt  }
0x7b: {  	_ =	shalt  }
0x7c: {  	_ =	shalt  }
0x7d: {  	_ =	shalt  }
0x7e: {  	_ =	shalt  }
0x7f: {  	_ =	shalt  }
0x80: {  	_ =	shalt  }
0x81: {  	_ =	shalt  }
0x82: {  	_ =	shalt  }
0x83: {  	_ =	shalt  }
0x84: {  	_ =	shalt  }
0x85: {  	_ =	shalt  }
0x86: {  	_ =	shalt  }
0x87: {  	_ =	shalt  }
.Lfunc_end0:
.L_simem_size_0:
called_computation_lowered:
.L_overlay_start_0:
0x88: {  	s2 =	sld [smem:$0x3FD9]  }
0x89: {  	s3 =	sld [smem:$0x3FFE];
	_ =	sdelay $0x1  }
0x8a: {  	s1 =	srdreg.scid  }
0x8b: {  	s0 =	sand.u32 $0x1, s1  }
0x8c: {  	s16 =	sshll.u32 s0, $0xA;
	s2 =	sadd.s32 s3, s2  }
0x8d: {  	s2 =	sadd.s32 s2, s16  }
0x8e: {  	[smem:$0x3FBB] =	sst s2  }
0x8f: {  	_ = 	snop  }
0x90: {  	(tm) =	ssettm $0x1  }
0x91: {  	s17 =	sld [smem:$0x3FFB];
	_ =	sdelay $0x3  }
0x92: {  	_ =	strace s17  }
0x93: {  	s2 =	sld [smem:$0x3FFC];
	_ =	sdelay $0x3  }
0x94: {  	_ =	strace s2  }
0x95: {  	s2 =	sld [smem:$0x3FFD];
	_ =	sdelay $0x3  }
0x96: {  	_ =	strace s2  }
0x97: {  	_ =	strace $0x8FFFFFFF  }
0x98: {  	s18 =	sld [smem:$0x3FDB];
	_ =	sdelay $0x1  }
0x99: {  	s19 =	simm.s32 $_scs_section_size  }
0x9a: {  	s4 =	simm.s32 $_size__tile_overlayer_lowered;
	s5 =	simm.s32 $_tile_overlayer_lowered  }
0x9b: {  	s22 =	simm.s32 $0x1BFF;
	s21 =	sshll.u32 s5, $0x1;
	s2 =	sadd.s32 s19, s18  }
0x9c: {  	s6 =	simm.s32 $0x0;
	s20 =	sshll.u32 s4, $0x1;
	s4 =	sadd.s32 s21, s2  }
0x9d: {  	[timem:s6], [sflag:s22] =	dma.local [hbm:s4], s20  }
0x9e: {  	_ =	swait.ge [sflag:s22], s20  }
0x9f: {  	s3 =	ssub.s32 $0x0, s20;
	[sflag:s22] =	ssyncset.done $0x0  }
0xa0: {  	[sflag:s22] =	ssyncadd.s32 s3;
	_ =	sdelay $0x1  }
0xa1: {  	s23 =	simm.s32 $0x1B8B  }
0xa2: {  	_ =	swait.ge [sflag:s23], $0x1  }
0xa3: {  	[sflag:s23] =	ssyncset.done $0x0  }
0xa4: {  	s25 =	simm.s32 $0x1B8E;
	s24 =	sld [smem:$0x3FFE];
	[sflag:s23] =	ssyncadd.s32 $0xFFFFFFFF  }
0xa5: {  	s26 =	simm.s32 $execute0_lowered;
	[smem:$0x3FD2] =	sst s25  }
0xa6: {  	s4 =	sshll.u32 s26, $0x1;
	_ =	strace $0x80000046;
	[dreg:$0x1] =	wrdreg $0xFFFFFFFF  }
0xa7: {  	s28 =	simm.s32 $_size_execute0_lowered;
	s2 =	sadd.s32 s2, s4;
	[dreg:$0x0] =	wrdreg $0x0  }
0xa8: {  	s4 =	sshll.u32 s28, $0x1;
	[dreg:$0x2] =	wrdreg s2  }
0xa9: {  	[dreg:$0x3] =	wrdreg s4  }
0xaa: {  	[dreg:$0x4] =	wrdreg $0xC0  }
0xab: {  	_ =	task [dreg:s6], $0x5FFFF  }
0xac: {  	[dreg:$0x1] =	wrdreg $0xFFFFFFFF  }
0xad: {  	[dreg:$0x0] =	wrdreg $0x60  }
0xae: {  	[dreg:$0x2] =	wrdreg s24  }
0xaf: {  	[dreg:$0x3] =	wrdreg $0x28800  }
0xb0: {  	[dreg:$0x4] =	wrdreg $0x9  }
0xb1: {  	_ =	task.clear_ibuf [dreg:s6], $0x5FFFF;
	_ =	strace $0x90000046  }
0xb2: {  	s29 =	simm.s32 $0x9;
	_ =	strace $0x80000048  }
0xb3: {  	_ =	swait.ge [sflag:s29], $0x1  }
0xb4: {  	[sflag:s29] =	ssyncadd.s32 $0xFFFFFFFF  }
0xb5: {  	_ =	strace $0x90000048  }
0xb6: {  	_ =	sfence  }
0xb7: {  	s30 =	sld [smem:$0x0];
	_ =	sdelay $0x2  }
0xb8: {  	s31 =	sshll.u32 s1, $0xD;
	s1 =	sshrl.u32 s1, $0x2  }
0xb9: {  	s3 =	sand.u32 $0x4000, s31;
	s1 =	sadd.s32 s1, s30  }
0xba: {  	s0 =	sor.u32 s3, s0;
	s1 =	sshll.u32 s1, $0x11  }
0xbb: {  	s0 =	sor.u32 s1, s0  }
0xbc: {  	s0 =	sadd.s32 $0x8F2B, s0  }
0xbd: {  	[sflag:s0] =	ssyncadd.remote.s32 $0x1  }
0xbe: {  	_ =	sfence.sel $0xFFFF  }
0xbf: {  	[dreg:$0x0] =	wrdreg $0xFFFFFFFF;
	(pc) =	sbr.abs _section_cstart, $3  }
0xc0: {  	[dreg:$0x1] =	wrdreg $0xFFFFFFFF  }
0xc1: {  	_ =	task.clear_ibuf [dreg:s6], $0x2FFFF;
	_ =	strace $0x9FFFFFFF  }
0xc2: {  	(tm) =	ssettm $0x7FFFFFFF  }
0xc3: {  	_ =	shalt  }
tec
execute0_lowered:
.L_overlay_start_1:
0x0: {  	(tag) =	ssettag $0x1  }
0x1: {  	s4 =	rddreg [dreg:$0x0]  }
0x2: {  	s2 =	rddreg [dreg:$0x1];
	s1 =	stileid.u32  }
0x3: {  	s0 =	rddreg [dreg:$0x2];
	s6 =	smul.u32 $0x4E2, s1  }
0x4: {  	s3 =	simm.s32 $0x0;
	s5 =	srdreg.scid;
	s10 =	smul.u32 $0x280, s1  }
0x5: {  	[smem:$0x7FF] =	sst s3;
	s7 =	smul.u32 $0x50000, s1  }
0x6: {  	s24 =	sand.u32 $0x1, s5;
	s19 =	sadd.s32 $0xD000, s4;
	s13 =	smul.u32 $0x2800, s1  }
0x7: {  	_ =	strace $0x80000047;
	s5 =	ssub.s32 $0x2, s24;
	p0 =	sne.s32 s24, $0x0  }
0x8: {  	s24 =	simm.s32 $0x50;
	s21 =	sadd.s32 s6, s4;
	s25 =	sshrl.u32 s5, $0x1  }
0x9: {  	s12 =	sor.u32 $0x50, s10;
	s26 =	sshrl.u32 s7, $0x2;
	s14 =	sadd.s32 $0xA0, s10  }
0xa: {  	s15 =	sadd.s32 $0xF0, s10;
	s16 =	sadd.s32 $0x140, s10;
	s17 =	sadd.s32 $0x190, s10  }
0xb: {  	s18 =	sadd.s32 $0x1E0, s10;
	s22 =	sadd.s32 $0x230, s10;
	s20 =	ssub.s32 s5, s25  }
0xc: {  	s28 =	sshll.u32 s12, $0x7;
	s4 =	sadd.s32 s26, s2;
	s29 =	sshll.u32 s14, $0x7  }
0xd: {  	s30 =	sshll.u32 s15, $0x7;
	s8 =	sshll.u32 s16, $0x7;
	s9 =	sshll.u32 s17, $0x7  }
0xe: {  	s31 =	sshll.u32 s18, $0x7;
	s11 =	sshll.u32 s22, $0x7;
	s23 =	sshll.u32 s12, $0x4  }
0xf: {  	s12 =	sadd.s32 s19, s13;
	s14 =	sshll.u32 s14, $0x4;
	s15 =	sshll.u32 s15, $0x4  }
0x10: {  	s16 =	sshll.u32 s16, $0x4;
	s17 =	sshll.u32 s17, $0x4;
	s18 =	sshll.u32 s18, $0x4  }
0x11: {  	s22 =	sshll.u32 s22, $0x4;
	s21 =	sadd.s32 $0x3000, s21;
	s25 =	simm.s32 $0x0  }
0x12: {  	s5 =	sadd.s32 s28, s2;
	s6 =	sadd.s32 s29, s2;
	s7 =	sadd.s32 s30, s2  }
.Ltmp0:
0x13: {  	s8 =	sadd.s32 s8, s2;
	s9 =	sadd.s32 s9, s2;
	(pc) =	sbr.rel .LBB2_1-.Ltmp0, $4  }
0x14: {  	s10 =	sadd.s32 s31, s2;
	s11 =	sadd.s32 s11, s2;
	s13 =	sadd.s32 s19, s23  }
0x15: {  	s14 =	sadd.s32 s19, s14;
	s15 =	sadd.s32 s19, s15;
	s16 =	sadd.s32 s19, s16  }
0x16: {  	s17 =	sadd.s32 s19, s17;
	s18 =	sadd.s32 s19, s18;
	s19 =	sadd.s32 s19, s22  }
0x17: {  	v0 =	vimm.f32 $0.0e+00;
	v1 =	vimm.f32 $1.000000000e+00;
	s20 =	smax.u32 s20, $0x1;
	s22 =	simm.s32 $0x80;
	s23 =	simm.s32 $0x1  }
.LBB2_9:
0x18: {  	[bflag:$0x0] =	sbarrier.arrive $0xFFFF  }
.LBB2_10:
0x19: {  	s25 =	sadd.s32 $0x1, s25  }
0x1a: {  	p1 =	sne.s32 s25, s20  }
.Ltmp1:
0x1b: {  	_ = 	snop;
	(pc) =	sbr.rel @!p1 .LBB2_11-.Ltmp1, $1  }
0x1c: {  	_ =	sdelay $0x3  }
.LBB2_1:
0x1d: {  	s26 =	simm.s32 $0x0;
	s28 =	simm.s32 $0x200  }
.LBB2_2:
0x1e: {  	p1 =	sne.s32 s28, $0x9E00;
	[tilespmem:s26+$0xF0] =	vst v0  }
0x1f: {  	[tilespmem:s26+$0x80] =	vst v0  }
0x20: {  	[tilespmem:s26+$0x90] =	vst v0  }
.Ltmp2:
0x21: {  	[tilespmem:s26+$0xA0] =	vst v0;
	(pc) =	sbr.rel @p1 .LBB2_2-.Ltmp2, $4  }
0x22: {  	[tilespmem:s26+$0xB0] =	vst v0  }
0x23: {  	[tilespmem:s26+$0xC0] =	vst v0  }
0x24: {  	[tilespmem:s26+$0xD0] =	vst v0  }
0x25: {  	[tilespmem:s26+$0xE0] =	vst v0;
	s26 =	sshra.s32 s28, $0x2;
	s28 =	sadd.s32 $0x200, s28  }
0x26: {  	[tilespmem:s26+$0xF0] =	vst v0  }
0x27: {  	[tilespmem:s26+$0x80] =	vst v0  }
0x28: {  	[tilespmem:s26+$0x90] =	vst v0  }
0x29: {  	[tilespmem:s26+$0xA0] =	vst v0  }
0x2a: {  	[tilespmem:s26+$0xB0] =	vst v0  }
0x2b: {  	[tilespmem:s26+$0xC0] =	vst v0  }
0x2c: {  	[tilespmem:s26+$0xD0] =	vst v0  }
0x2d: {  	[tilespmem:s26+$0xE0] =	vst v0  }
0x2e: {  	[spmem:s4] =	stream.linear.scatter [tilespmem:s22], [sflag:$0x1], $0x2800, $0x38;
	[tilespmem:$0x16880] =	vst v63  }
0x2f: {  	_ =	swait.ge [sflag:s23], $0x2800  }
0x30: {  	[sflag:s23] =	ssyncset.done $0x0  }
0x31: {  	[sflag:s23] =	ssyncadd.s32 $0xFFFFD800  }
0x32: {  	[spmem:s5] =	stream.linear.scatter [tilespmem:s22], [sflag:$0x1], $0x2800, $0x38;
	[tilespmem:$0x16880] =	vst v63  }
0x33: {  	_ =	swait.ge [sflag:s23], $0x2800  }
0x34: {  	[sflag:s23] =	ssyncset.done $0x0  }
0x35: {  	[sflag:s23] =	ssyncadd.s32 $0xFFFFD800  }
0x36: {  	[spmem:s6] =	stream.linear.scatter [tilespmem:s22], [sflag:$0x1], $0x2800, $0x38;
	[tilespmem:$0x16880] =	vst v63  }
0x37: {  	_ =	swait.ge [sflag:s23], $0x2800  }
0x38: {  	[sflag:s23] =	ssyncset.done $0x0  }
0x39: {  	[sflag:s23] =	ssyncadd.s32 $0xFFFFD800  }
0x3a: {  	[spmem:s7] =	stream.linear.scatter [tilespmem:s22], [sflag:$0x1], $0x2800, $0x38;
	[tilespmem:$0x16880] =	vst v63  }
0x3b: {  	_ =	swait.ge [sflag:s23], $0x2800  }
0x3c: {  	[sflag:s23] =	ssyncset.done $0x0  }
0x3d: {  	[sflag:s23] =	ssyncadd.s32 $0xFFFFD800  }
0x3e: {  	[spmem:s8] =	stream.linear.scatter [tilespmem:s22], [sflag:$0x1], $0x2800, $0x38;
	[tilespmem:$0x16880] =	vst v63  }
0x3f: {  	_ =	swait.ge [sflag:s23], $0x2800  }
0x40: {  	[sflag:s23] =	ssyncset.done $0x0  }
0x41: {  	[sflag:s23] =	ssyncadd.s32 $0xFFFFD800  }
0x42: {  	[spmem:s9] =	stream.linear.scatter [tilespmem:s22], [sflag:$0x1], $0x2800, $0x38;
	[tilespmem:$0x16880] =	vst v63  }
0x43: {  	_ =	swait.ge [sflag:s23], $0x2800  }
0x44: {  	[sflag:s23] =	ssyncset.done $0x0  }
0x45: {  	[sflag:s23] =	ssyncadd.s32 $0xFFFFD800  }
0x46: {  	[spmem:s10] =	stream.linear.scatter [tilespmem:s22], [sflag:$0x1], $0x2800, $0x38;
	[tilespmem:$0x16880] =	vst v63  }
0x47: {  	_ =	swait.ge [sflag:s23], $0x2800  }
0x48: {  	[sflag:s23] =	ssyncset.done $0x0  }
0x49: {  	[sflag:s23] =	ssyncadd.s32 $0xFFFFD800  }
0x4a: {  	[spmem:s11] =	stream.linear.scatter [tilespmem:s22], [sflag:$0x1], $0x2800, $0x38;
	[tilespmem:$0x16880] =	vst v63  }
0x4b: {  	_ =	swait.ge [sflag:s23], $0x2800  }
0x4c: {  	[sflag:s23] =	ssyncset.done $0x0  }
0x4d: {  	s26 =	simm.s32 $0x0;
	s28 =	simm.s32 $0x200;
	[sflag:s23] =	ssyncadd.s32 $0xFFFFD800  }
.LBB2_4:
0x4e: {  	p1 =	sne.s32 s28, $0x9E00;
	[tilespmem:s26+$0xF0] =	vst v1  }
0x4f: {  	[tilespmem:s26+$0x80] =	vst v1  }
0x50: {  	[tilespmem:s26+$0x90] =	vst v1  }
.Ltmp3:
0x51: {  	[tilespmem:s26+$0xA0] =	vst v1;
	(pc) =	sbr.rel @p1 .LBB2_4-.Ltmp3, $4  }
0x52: {  	[tilespmem:s26+$0xB0] =	vst v1  }
0x53: {  	[tilespmem:s26+$0xC0] =	vst v1  }
0x54: {  	[tilespmem:s26+$0xD0] =	vst v1  }
0x55: {  	[tilespmem:s26+$0xE0] =	vst v1;
	s26 =	sshra.s32 s28, $0x2;
	s28 =	sadd.s32 $0x200, s28  }
0x56: {  	[tilespmem:s26+$0xF0] =	vst v1  }
0x57: {  	[tilespmem:s26+$0x80] =	vst v1  }
0x58: {  	[tilespmem:s26+$0x90] =	vst v1  }
0x59: {  	[tilespmem:s26+$0xA0] =	vst v1  }
0x5a: {  	[tilespmem:s26+$0xB0] =	vst v1  }
.Ltmp4:
0x5b: {  	[tilespmem:s26+$0xC0] =	vst v1;
	(pc) =	sbr.rel @p0 .LBB2_9-.Ltmp4, $3  }
0x5c: {  	[tilespmem:s26+$0xD0] =	vst v1  }
0x5d: {  	[tilespmem:s26+$0xE0] =	vst v1  }
0x5e: {  	[bflag:$0x0] =	sbarrier.arrive $0xFFFF;
	_ =	sdelay $0x1  }
0x5f: {  	s26 =	sadd.s32 $0x0, s21  }
0x60: {  	[tilespmem:s3], [sflag:$0x1] =	stream.linear.gather [hbm4b:s26+s3], $0x50, $0x38;
	[tilespmem:$0x16880] =	vst v63  }
0x61: {  	_ =	swait.ge [sflag:s23], $0x50  }
0x62: {  	[sflag:s23] =	ssyncset.done $0x0  }
0x63: {  	[sflag:s23] =	ssyncadd.s32 $0xFFFFFFB0  }
0x64: {  	[spmem:s2] =	stream.indirect.scatter.add.f32 [tilespmem:s22], [sflag:$0x1], $0x80, s3, s24, $0xb8;
	[tilespmem:$0x16880] =	vst v63  }
0x65: {  	_ =	swait.ge [sflag:s23], $0x2800  }
0x66: {  	s28 =	simm.s32 $0x14;
	s26 =	simm.s32 $0xA;
	[sflag:s23] =	ssyncset.done $0x0  }
.LBB2_7:
0x67: {  	s29 =	sadd.s32 s26, s21  }
0x68: {  	[sflag:s23] =	ssyncadd.s32 $0xFFFFD800;
	s26 =	smov.u32 s28;
	s30 =	sadd.s32 $0xA, s28  }
0x69: {  	[tilespmem:s3], [sflag:$0x1] =	stream.linear.gather [hbm4b:s29+s3], $0x50, $0x38;
	[tilespmem:$0x16880] =	vst v63  }
0x6a: {  	p1 =	sne.s32 s28, $0x4D8;
	_ =	swait.ge [sflag:s23], $0x50  }
.Ltmp5:
0x6b: {  	[sflag:s23] =	ssyncset.done $0x0;
	(pc) =	sbr.rel @p1 .LBB2_7-.Ltmp5, $4  }
0x6c: {  	[sflag:s23] =	ssyncadd.s32 $0xFFFFFFB0  }
0x6d: {  	[spmem:s2] =	stream.indirect.scatter.add.f32 [tilespmem:s22], [sflag:$0x1], $0x80, s3, s24, $0xb8;
	[tilespmem:$0x16880] =	vst v63  }
0x6e: {  	_ =	swait.ge [sflag:s23], $0x2800  }
0x6f: {  	s28 =	smov.u32 s30;
	[sflag:s23] =	ssyncset.done $0x0  }
0x70: {  	s26 =	sadd.s32 s26, s21;
	[sflag:s23] =	ssyncadd.s32 $0xFFFFD800  }
0x71: {  	[tilespmem:s3], [sflag:$0x1] =	stream.linear.gather [hbm4b:s26+s3], $0x50, $0x38;
	[tilespmem:$0x16880] =	vst v63  }
0x72: {  	_ =	swait.ge [sflag:s23], $0x50  }
0x73: {  	[sflag:s23] =	ssyncset.done $0x0  }
0x74: {  	[sflag:s23] =	ssyncadd.s32 $0xFFFFFFB0  }
0x75: {  	[spmem:s2] =	stream.indirect.scatter.add.f32 [tilespmem:s22], [sflag:$0x1], $0x80, s3, s24, $0xb8;
	[tilespmem:$0x16880] =	vst v63  }
0x76: {  	_ =	swait.ge [sflag:s23], $0x2800  }
0x77: {  	[sflag:s23] =	ssyncset.done $0x0  }
0x78: {  	[sflag:s23] =	ssyncadd.s32 $0xFFFFD800  }
0x79: {  	[bflag:$0x0] =	sbarrier.arrive $0xFFFF  }
0x7a: {  	[tilespmem:s22], [sflag:$0x1] =	stream.linear.gather [spmem:s4], $0x2800, $0x38;
	[tilespmem:$0x16880] =	vst v63  }
0x7b: {  	_ =	swait.ge [sflag:s23], $0x2800  }
0x7c: {  	[sflag:s23] =	ssyncset.done $0x0  }
0x7d: {  	[sflag:s23] =	ssyncadd.s32 $0xFFFFD800  }
0x7e: {  	[hbm4b:s12+s3] =	stream.linear.scatter [tilespmem:s22], [sflag:$0x1], $0x2800, $0x38;
	[tilespmem:$0x16880] =	vst v63  }
0x7f: {  	_ =	swait.ge [sflag:s23], $0x2800  }
0x80: {  	[sflag:s23] =	ssyncset.done $0x0  }
0x81: {  	[sflag:s23] =	ssyncadd.s32 $0xFFFFD800  }
0x82: {  	[tilespmem:s22], [sflag:$0x1] =	stream.linear.gather [spmem:s5], $0x2800, $0x38;
	[tilespmem:$0x16880] =	vst v63  }
0x83: {  	_ =	swait.ge [sflag:s23], $0x2800  }
0x84: {  	[sflag:s23] =	ssyncset.done $0x0  }
0x85: {  	[sflag:s23] =	ssyncadd.s32 $0xFFFFD800  }
0x86: {  	[hbm4b:s13+s3] =	stream.linear.scatter [tilespmem:s22], [sflag:$0x1], $0x2800, $0x38;
	[tilespmem:$0x16880] =	vst v63  }
0x87: {  	_ =	swait.ge [sflag:s23], $0x2800  }
0x88: {  	[sflag:s23] =	ssyncset.done $0x0  }
0x89: {  	[sflag:s23] =	ssyncadd.s32 $0xFFFFD800  }
0x8a: {  	[tilespmem:s22], [sflag:$0x1] =	stream.linear.gather [spmem:s6], $0x2800, $0x38;
	[tilespmem:$0x16880] =	vst v63  }
0x8b: {  	_ =	swait.ge [sflag:s23], $0x2800  }
0x8c: {  	[sflag:s23] =	ssyncset.done $0x0  }
0x8d: {  	[sflag:s23] =	ssyncadd.s32 $0xFFFFD800  }
0x8e: {  	[hbm4b:s14+s3] =	stream.linear.scatter [tilespmem:s22], [sflag:$0x1], $0x2800, $0x38;
	[tilespmem:$0x16880] =	vst v63  }
0x8f: {  	_ =	swait.ge [sflag:s23], $0x2800  }
0x90: {  	[sflag:s23] =	ssyncset.done $0x0  }
0x91: {  	[sflag:s23] =	ssyncadd.s32 $0xFFFFD800  }
0x92: {  	[tilespmem:s22], [sflag:$0x1] =	stream.linear.gather [spmem:s7], $0x2800, $0x38;
	[tilespmem:$0x16880] =	vst v63  }
0x93: {  	_ =	swait.ge [sflag:s23], $0x2800  }
0x94: {  	[sflag:s23] =	ssyncset.done $0x0  }
0x95: {  	[sflag:s23] =	ssyncadd.s32 $0xFFFFD800  }
0x96: {  	[hbm4b:s15+s3] =	stream.linear.scatter [tilespmem:s22], [sflag:$0x1], $0x2800, $0x38;
	[tilespmem:$0x16880] =	vst v63  }
0x97: {  	_ =	swait.ge [sflag:s23], $0x2800  }
0x98: {  	[sflag:s23] =	ssyncset.done $0x0  }
0x99: {  	[sflag:s23] =	ssyncadd.s32 $0xFFFFD800  }
0x9a: {  	[tilespmem:s22], [sflag:$0x1] =	stream.linear.gather [spmem:s8], $0x2800, $0x38;
	[tilespmem:$0x16880] =	vst v63  }
0x9b: {  	_ =	swait.ge [sflag:s23], $0x2800  }
0x9c: {  	[sflag:s23] =	ssyncset.done $0x0  }
0x9d: {  	[sflag:s23] =	ssyncadd.s32 $0xFFFFD800  }
0x9e: {  	[hbm4b:s16+s3] =	stream.linear.scatter [tilespmem:s22], [sflag:$0x1], $0x2800, $0x38;
	[tilespmem:$0x16880] =	vst v63  }
0x9f: {  	_ =	swait.ge [sflag:s23], $0x2800  }
0xa0: {  	[sflag:s23] =	ssyncset.done $0x0  }
0xa1: {  	[sflag:s23] =	ssyncadd.s32 $0xFFFFD800  }
0xa2: {  	[tilespmem:s22], [sflag:$0x1] =	stream.linear.gather [spmem:s9], $0x2800, $0x38;
	[tilespmem:$0x16880] =	vst v63  }
0xa3: {  	_ =	swait.ge [sflag:s23], $0x2800  }
0xa4: {  	[sflag:s23] =	ssyncset.done $0x0  }
0xa5: {  	[sflag:s23] =	ssyncadd.s32 $0xFFFFD800  }
0xa6: {  	[hbm4b:s17+s3] =	stream.linear.scatter [tilespmem:s22], [sflag:$0x1], $0x2800, $0x38;
	[tilespmem:$0x16880] =	vst v63  }
0xa7: {  	_ =	swait.ge [sflag:s23], $0x2800  }
0xa8: {  	[sflag:s23] =	ssyncset.done $0x0  }
0xa9: {  	[sflag:s23] =	ssyncadd.s32 $0xFFFFD800  }
0xaa: {  	[tilespmem:s22], [sflag:$0x1] =	stream.linear.gather [spmem:s10], $0x2800, $0x38;
	[tilespmem:$0x16880] =	vst v63  }
0xab: {  	_ =	swait.ge [sflag:s23], $0x2800  }
0xac: {  	[sflag:s23] =	ssyncset.done $0x0  }
0xad: {  	[sflag:s23] =	ssyncadd.s32 $0xFFFFD800  }
0xae: {  	[hbm4b:s18+s3] =	stream.linear.scatter [tilespmem:s22], [sflag:$0x1], $0x2800, $0x38;
	[tilespmem:$0x16880] =	vst v63  }
0xaf: {  	_ =	swait.ge [sflag:s23], $0x2800  }
0xb0: {  	[sflag:s23] =	ssyncset.done $0x0  }
0xb1: {  	[sflag:s23] =	ssyncadd.s32 $0xFFFFD800  }
0xb2: {  	[tilespmem:s22], [sflag:$0x1] =	stream.linear.gather [spmem:s11], $0x2800, $0x38;
	[tilespmem:$0x16880] =	vst v63  }
0xb3: {  	_ =	swait.ge [sflag:s23], $0x2800  }
0xb4: {  	[sflag:s23] =	ssyncset.done $0x0  }
.Ltmp6:
0xb5: {  	[sflag:s23] =	ssyncadd.s32 $0xFFFFD800;
	(pc) =	sbr.rel .LBB2_10-.Ltmp6, $4  }
0xb6: {  	[hbm4b:s19+s3] =	stream.linear.scatter [tilespmem:s22], [sflag:$0x1], $0x2800, $0x38;
	[tilespmem:$0x16880] =	vst v63  }
0xb7: {  	_ =	swait.ge [sflag:s23], $0x2800  }
0xb8: {  	[sflag:s23] =	ssyncset.done $0x0  }
0xb9: {  	[sflag:s23] =	ssyncadd.s32 $0xFFFFD800  }
.LBB2_11:
0xba: {  	_ =	sfence.sel $0x180000  }
0xbb: {  	[bflag:$0x0] =	sbarrier.arrive $0xFFFF  }
0xbc: {  	p0 =	sne.s32 s1, $0x0;
	_ =	strace $0x90000047  }
0xbd: {  	s0 =	sadd.s32 @!p0 $0x100000, s0;
	[bflag:$0x2] =	sbarrier.arrive $0xFFFF  }
0xbe: {  	[sflag:s0] =	ssyncadd.tile.s32 @!p0 $0x1;
	_ =	shalt  }
.Lfunc_end2:
_tile_overlayer_lowered:
.L_overlay_start_2:
0xbf: {  	(tag) =	ssettag $0x2  }
0xc0: {  	s0 =	rddreg [dreg:$0x0];
	s2 =	stileid.u32  }
0xc1: {  	s1 =	rddreg [dreg:$0x1];
	p0 =	sne.s32 s2, $0x0  }
0xc2: {  	s3 =	rddreg [dreg:$0x2];
	[bflag:$0x3] =	sbarrier.arrive $0xFFFF;
	s2 =	simm.s32 @!p0 $0x1C01  }
0xc3: {  	[timem:s3], [sflag:s2] =	dma.local @!p0 [hbm:s0], s1  }
0xc4: {  	s0 =	simm.s32 @!p0 $0x1  }
0xc5: {  	_ =	swait.ge @!p0 [sflag:s0], s1  }
0xc6: {  	s1 =	ssub.s32 @!p0 $0x0, s1;
	[sflag:s0] =	ssyncset.done @!p0 $0x0  }
0xc7: {  	[sflag:s0] =	ssyncadd.s32 @!p0 s1  }
0xc8: {  	[bflag:$0x3] =	sbarrier.arrive $0xFFFF  }
0xc9: {  	_ =	shalt  }

// kernel: kernel.13.cloned.1.call-start
scs
__scs_entry_jumppad:
0x0: {  	(pc) =	sbr.rel $0x88, $3  }
0x1: {  	(tag) =	ssettag $0x0;
	lr =	simm.s32 $0x1  }
0x2: {  	[smem:$0x3F94] =	sst lr;
	_ =	strace $0xD0000000  }
0x3: {  	_ = 	snop  }
0x4: {  	_ = 	snop  }
0x5: {  	_ = 	snop  }
0x6: {  	_ = 	snop  }
0x7: {  	_ = 	snop  }
__scs_overlays_trampoline_lowered:
0x8: {  	[smem:$0x3FA3] =	sst s0  }
0x9: {  	[smem:$0x3FA4] =	sst s1  }
0xa: {  	[smem:$0x3FA5] =	sst s2  }
0xb: {  	[smem:$0x3FA6] =	sst s3  }
0xc: {  	[smem:$0x3FA7] =	sst s4  }
0xd: {  	[smem:$0x3FA8] =	sst s5  }
0xe: {  	[smem:$0x3FA9] =	sst s6  }
0xf: {  	[smem:$0x3FAA] =	sst s7  }
0x10: {  	[smem:$0x3FAB] =	sst s8  }
0x11: {  	[smem:$0x3FAC] =	sst s9;
	s0 =	simm.s32 @!p0 $0x0  }
0x12: {  	s1 =	sld [smem:$0x3F92];
	s0 =	simm.s32 @p0 $0x1  }
0x13: {  	[smem:$0x3FAD] =	sst s0;
	s0 =	simm.s32 @!p1 $0x0  }
0x14: {  	s2 =	sld [smem:$0x3F91];
	s0 =	simm.s32 @p1 $0x1  }
0x15: {  	[smem:$0x3FAE] =	sst s0;
	s0 =	simm.s32 @!p2 $0x0  }
0x16: {  	s3 =	sld [smem:$0x3FDB];
	s0 =	simm.s32 @p2 $0x1  }
0x17: {  	s4 =	simm.s32 $0x1BF5;
	[smem:$0x3FB0] =	sst s0  }
0x18: {  	s0 =	sld [smem:$0x3F93];
	_ =	swait.ge [sflag:s4], $0x0  }
0x19: {  	s7 =	sld [smem:$0x3F94]  }
0x1a: {  	s8 =	sadd.s32 $0xFFFFE003, lr  }
0x1b: {  	s9 =	sadd.s32 $0xFFFFFEF7, lr;
	s5 =	simm.s32 $0xFFFFFFFF;
	p2 =	slt.u32 s8, $0xFFFFF086  }
0x1c: {  	p1 =	slt.u32 s9, $0xF7A;
	s5 =	simm.s32 @!p2 $0x0  }
0x1d: {  	s5 =	simm.s32 @p1 $0x1;
	p0 =	seq.s32 s7, s2  }
0x1e: {  	s7 =	smul.u32 @!p0 $0xF7A, s2;
	p2 =	seq.s32 @!p0 s5, $0x0  }
0x1f: {  	s9 =	smul.u32 $0xF7A, s1;
	s8 =	simm.s32 @!p0 $0x1BF5;
	p2 =	por !p2, p0  }
0x20: {  	[sflag:s8] =	ssyncset.s32 @!p0 $0xFFFFF086;
	s6 =	sadd.s32 @!p0 s3, s7;
	s7 =	simm.s32 @!p0 $0x108  }
0x21: {  	s3 =	sadd.s32 s3, s9;
	s6 =	sadd.s32 @!p0 $0x88, s6;
	s7 =	simm.s32 @p2 $0x1082  }
0x22: {  	[simem:s7], [sflag:s8] =	dma.local @!p0 [hbm:s6], $0xF7A  }
0x23: {  	s9 =	sor.u32 $0xD0000000, s2;
	s6 =	simm.s32 $0x108;
	_ =	swait.ge @!p0 [sflag:s8], $0x0  }
0x24: {  	s3 =	sadd.s32 $0x88, s3;
	s6 =	simm.s32 @!p1 $0x1082;
	[sflag:s4] =	ssyncset.s32 $0xFFFFF086  }
0x25: {  	[simem:s6], [sflag:s4] =	dma.local [hbm:s3], $0xF7A  }
0x26: {  	[smem:$0x3F94] =	sst s1;
	(tag) =	ssettag s2;
	_ =	strace s9  }
0x27: {  	s1 =	sld [smem:$0x3FA4]  }
0x28: {  	s2 =	sld [smem:$0x3FA5]  }
0x29: {  	s4 =	sld [smem:$0x3FA7]  }
0x2a: {  	p0 =	seq.s32 s5, $0x0;
	s5 =	sld [smem:$0x3FA8]  }
0x2b: {  	s6 =	sld [smem:$0x3FA9]  }
0x2c: {  	s7 =	sld [smem:$0x3FAA]  }
0x2d: {  	s3 =	simm.s32 $0x108;
	s8 =	sld [smem:$0x3FAB]  }
0x2e: {  	s3 =	simm.s32 @!p0 $0x1082;
	s9 =	sld [smem:$0x3FAC]  }
0x2f: {  	lr =	sadd.s32 s0, s3;
	s0 =	sld [smem:$0x3FA3]  }
0x30: {  	s3 =	sld [smem:$0x3FA6]  }
0x31: {  	[smem:$0x3FAF] =	sst s10  }
0x32: {  	s10 =	sld [smem:$0x3FAD];
	_ =	sdelay $0x3  }
0x33: {  	p0 =	seq.s32 s10, $0x1;
	s10 =	sld [smem:$0x3FAF];
	_ =	sdelay $0x3  }
0x34: {  	[smem:$0x3FAF] =	sst s10  }
0x35: {  	s10 =	sld [smem:$0x3FAE];
	_ =	sdelay $0x3  }
0x36: {  	p1 =	seq.s32 s10, $0x1;
	s10 =	sld [smem:$0x3FAF];
	_ =	sdelay $0x3  }
0x37: {  	[smem:$0x3FAF] =	sst s10  }
0x38: {  	s10 =	sld [smem:$0x3FB0]  }
0x39: {  	_ = 	snop;
	(pc) =	sbr.ind lr, $3  }
0x3a: {  	_ = 	snop  }
0x3b: {  	_ = 	snop  }
0x3c: {  	p2 =	seq.s32 s10, $0x1;
	s10 =	sld [smem:$0x3FAF]  }
0x3d: {  	_ =	shalt  }
0x3e: {  	_ =	shalt  }
0x3f: {  	_ =	shalt  }
0x40: {  	_ =	shalt  }
0x41: {  	_ =	shalt  }
0x42: {  	_ =	shalt  }
0x43: {  	_ =	shalt  }
0x44: {  	_ =	shalt  }
0x45: {  	_ =	shalt  }
0x46: {  	_ =	shalt  }
0x47: {  	_ =	shalt  }
0x48: {  	_ =	shalt  }
0x49: {  	_ =	shalt  }
0x4a: {  	_ =	shalt  }
0x4b: {  	_ =	shalt  }
0x4c: {  	_ =	shalt  }
0x4d: {  	_ =	shalt  }
0x4e: {  	_ =	shalt  }
0x4f: {  	_ =	shalt  }
0x50: {  	_ =	shalt  }
0x51: {  	_ =	shalt  }
0x52: {  	_ =	shalt  }
0x53: {  	_ =	shalt  }
0x54: {  	_ =	shalt  }
0x55: {  	_ =	shalt  }
0x56: {  	_ =	shalt  }
0x57: {  	_ =	shalt  }
0x58: {  	_ =	shalt  }
0x59: {  	_ =	shalt  }
0x5a: {  	_ =	shalt  }
0x5b: {  	_ =	shalt  }
0x5c: {  	_ =	shalt  }
0x5d: {  	_ =	shalt  }
0x5e: {  	_ =	shalt  }
0x5f: {  	_ =	shalt  }
0x60: {  	_ =	shalt  }
0x61: {  	_ =	shalt  }
0x62: {  	_ =	shalt  }
0x63: {  	_ =	shalt  }
0x64: {  	_ =	shalt  }
0x65: {  	_ =	shalt  }
0x66: {  	_ =	shalt  }
0x67: {  	_ =	shalt  }
0x68: {  	_ =	shalt  }
0x69: {  	_ =	shalt  }
0x6a: {  	_ =	shalt  }
0x6b: {  	_ =	shalt  }
0x6c: {  	_ =	shalt  }
0x6d: {  	_ =	shalt  }
0x6e: {  	_ =	shalt  }
0x6f: {  	_ =	shalt  }
0x70: {  	_ =	shalt  }
0x71: {  	_ =	shalt  }
0x72: {  	_ =	shalt  }
0x73: {  	_ =	shalt  }
0x74: {  	_ =	shalt  }
0x75: {  	_ =	shalt  }
0x76: {  	_ =	shalt  }
0x77: {  	_ =	shalt  }
0x78: {  	_ =	shalt  }
0x79: {  	_ =	shalt  }
0x7a: {  	_ =	shalt  }
0x7b: {  	_ =	shalt  }
0x7c: {  	_ =	shalt  }
0x7d: {  	_ =	shalt  }
0x7e: {  	_ =	shalt  }
0x7f: {  	_ =	shalt  }
0x80: {  	_ =	shalt  }
0x81: {  	_ =	shalt  }
0x82: {  	_ =	shalt  }
0x83: {  	_ =	shalt  }
0x84: {  	_ =	shalt  }
0x85: {  	_ =	shalt  }
0x86: {  	_ =	shalt  }
0x87: {  	_ =	shalt  }
.Lfunc_end0:
.L_simem_size_0:
called_computation.1_lowered:
.L_overlay_start_0:
0x88: {  	s2 =	sld [smem:$0x3FD9]  }
0x89: {  	s3 =	sld [smem:$0x3FFE];
	_ =	sdelay $0x1  }
0x8a: {  	s1 =	srdreg.scid  }
0x8b: {  	s0 =	sand.u32 $0x1, s1  }
0x8c: {  	s17 =	sshll.u32 s0, $0xA;
	s2 =	sadd.s32 s3, s2  }
0x8d: {  	s2 =	sadd.s32 s2, s17  }
0x8e: {  	[smem:$0x3FBB] =	sst s2  }
0x8f: {  	_ = 	snop  }
0x90: {  	s18 =	sld [smem:$0x3FD0];
	(tm) =	ssettm $0x1  }
0x91: {  	s19 =	sld [smem:$0x3FFB];
	_ =	sdelay $0x3  }
0x92: {  	_ =	strace s19  }
0x93: {  	s2 =	sld [smem:$0x3FFC];
	_ =	sdelay $0x3  }
0x94: {  	_ =	strace s2  }
0x95: {  	s2 =	sld [smem:$0x3FFD];
	_ =	sdelay $0x3  }
0x96: {  	_ =	strace s2  }
0x97: {  	_ =	strace $0x8FFFFFFF  }
0x98: {  	s20 =	sld [smem:$0x3FDB];
	_ =	sdelay $0x1  }
0x99: {  	s4 =	simm.s32 $_scs_section_size  }
0x9a: {  	s5 =	simm.s32 $_size__tile_overlayer_lowered;
	s6 =	simm.s32 $_tile_overlayer_lowered  }
0x9b: {  	s7 =	simm.s32 $0x1BFF;
	s21 =	sshll.u32 s6, $0x1;
	s4 =	sadd.s32 s4, s20  }
0x9c: {  	s22 =	simm.s32 $0x0;
	s5 =	sshll.u32 s5, $0x1;
	s6 =	sadd.s32 s21, s4  }
0x9d: {  	[timem:s22], [sflag:s7] =	dma.local [hbm:s6], s5  }
0x9e: {  	_ =	swait.ge [sflag:s7], s5  }
0x9f: {  	s5 =	ssub.s32 $0x0, s5;
	[sflag:s7] =	ssyncset.done $0x0  }
0xa0: {  	[sflag:s7] =	ssyncadd.s32 s5;
	_ =	sdelay $0x1  }
0xa1: {  	s23 =	simm.s32 $0x1B8B  }
0xa2: {  	_ =	swait.ge [sflag:s23], $0x1  }
0xa3: {  	[sflag:s23] =	ssyncset.done $0x0  }
0xa4: {  	[sflag:s23] =	ssyncadd.s32 $0xFFFFFFFF  }
0xa5: {  	s5 =	sld [smem:$0x0]  }
0xa6: {  	s6 =	sand.u32 $0xFFFFFFFE, s1  }
0xa7: {  	p0 =	sne.s32 s1, s6  }
0xa8: {  	s6 =	sshll.u32 @p0 s6, $0xE  }
0xa9: {  	s6 =	sadd.s32 @p0 $0x11B8D, s6;
	s7 =	sshll.u32 @p0 s5, $0x11  }
0xaa: {  	s6 =	sor.u32 @p0 s7, s6  }
0xab: {  	[sflag:s6] =	ssyncadd.remote.s32 @p0 $0x1;
	_ =	sdelay $0x1  }
0xac: {  	s6 =	simm.s32 @p0 $0x1B8D  }
0xad: {  	_ =	swait.eq @p0 [sflag:s6], $0x1  }
0xae: {  	[sflag:s6] =	ssyncadd.s32 @p0 $0xFFFFFFFF  }
0xaf: {  	s7 =	sshll.u32 @!p0 s1, $0xE  }
0xb0: {  	s7 =	sor.u32 @!p0 $0x4000, s7;
	s6 =	simm.s32 @!p0 $0x1B8D  }
0xb1: {  	s5 =	sshll.u32 @!p0 s5, $0x11;
	s7 =	sadd.s32 @!p0 $0x11B8D, s7;
	_ =	swait.eq @!p0 [sflag:s6], $0x1  }
0xb2: {  	s5 =	sor.u32 @!p0 s5, s7;
	[sflag:s6] =	ssyncadd.s32 @!p0 $0xFFFFFFFF  }
0xb3: {  	s25 =	simm.s32 $0x1B8E;
	s24 =	sld [smem:$0x3FFE];
	[sflag:s5] =	ssyncadd.remote.s32 @!p0 $0x1  }
0xb4: {  	s26 =	simm.s32 $execute0_lowered;
	[smem:$0x3FD2] =	sst s25  }
0xb5: {  	s6 =	sshll.u32 s26, $0x1;
	_ =	strace $0x80000049;
	[dreg:$0x1] =	wrdreg $0xFFFFFFFF  }
0xb6: {  	s28 =	simm.s32 $_size_execute0_lowered;
	s4 =	sadd.s32 s4, s6;
	[dreg:$0x0] =	wrdreg $0x0  }
0xb7: {  	s6 =	sshll.u32 s28, $0x1;
	[dreg:$0x2] =	wrdreg s4  }
0xb8: {  	[dreg:$0x3] =	wrdreg s6  }
0xb9: {  	[dreg:$0x4] =	wrdreg $0xC0  }
0xba: {  	_ =	task [dreg:s22], $0x5FFFF  }
0xbb: {  	[dreg:$0x1] =	wrdreg $0xFFFFFFFF  }
0xbc: {  	[dreg:$0x0] =	wrdreg $0x60  }
0xbd: {  	[dreg:$0x2] =	wrdreg s18  }
0xbe: {  	[dreg:$0x3] =	wrdreg s24  }
0xbf: {  	[dreg:$0x4] =	wrdreg $0x29000  }
0xc0: {  	[dreg:$0x5] =	wrdreg $0xA  }
0xc1: {  	_ =	task.clear_ibuf [dreg:s22], $0x6FFFF;
	_ =	strace $0x90000049  }
0xc2: {  	s29 =	simm.s32 $0xA;
	_ =	strace $0x8000004B  }
0xc3: {  	_ =	swait.ge [sflag:s29], $0x1  }
0xc4: {  	[sflag:s29] =	ssyncadd.s32 $0xFFFFFFFF  }
0xc5: {  	_ =	strace $0x9000004B  }
0xc6: {  	_ =	sfence  }
0xc7: {  	s30 =	sld [smem:$0x0];
	_ =	sdelay $0x2  }
0xc8: {  	s31 =	sshll.u32 s1, $0xD;
	s1 =	sshrl.u32 s1, $0x2  }
0xc9: {  	s4 =	sand.u32 $0x4000, s31;
	s1 =	sadd.s32 s1, s30  }
0xca: {  	s0 =	sor.u32 s4, s0;
	s1 =	sshll.u32 s1, $0x11  }
0xcb: {  	s0 =	sor.u32 s1, s0  }
0xcc: {  	s0 =	sadd.s32 $0x8F2B, s0  }
0xcd: {  	[sflag:s0] =	ssyncadd.remote.s32 $0x1  }
0xce: {  	_ =	sfence.sel $0xFFFF  }
0xcf: {  	[dreg:$0x0] =	wrdreg $0xFFFFFFFF;
	(pc) =	sbr.abs _section_cstart, $3  }
0xd0: {  	[dreg:$0x1] =	wrdreg $0xFFFFFFFF  }
0xd1: {  	_ =	task.clear_ibuf [dreg:s22], $0x2FFFF;
	_ =	strace $0x9FFFFFFF  }
0xd2: {  	(tm) =	ssettm $0x7FFFFFFF  }
0xd3: {  	_ =	shalt  }
tec
execute0_lowered:
.L_overlay_start_1:
0x0: {  	(tag) =	ssettag $0x1  }
0x1: {  	s1 =	rddreg [dreg:$0x0]  }
0x2: {  	s0 =	rddreg [dreg:$0x1];
	s2 =	stileid.u32  }
0x3: {  	s3 =	rddreg [dreg:$0x2];
	s4 =	simm.s32 $0x0;
	s5 =	smul.u32 $0x4E2, s2  }
0x4: {  	s6 =	srdreg.scid;
	s29 =	simm.s32 $0x1;
	s24 =	smul.u32 $0x50000, s2  }
0x5: {  	[smem:$0x7FF] =	sst s4;
	s22 =	sand.u32 $0x1, s6;
	s12 =	smul.u32 $0x280, s2  }
0x6: {  	s30 =	simm.s32 $0x0;
	_ =	strace $0x8000004A;
	s28 =	smul.u32 $0x2710, s22  }
0x7: {  	s7 =	ssub.s32 $0x2, s22;
	s18 =	smul.u32 $0x2800, s22;
	s23 =	sadd.s32 s5, s0  }
0x8: {  	s0 =	sadd.s32 $0x35000, s0;
	s8 =	sshrl.u32 s7, $0x1;
	s6 =	sshrl.u32 s24, $0x2  }
0x9: {  	s13 =	sor.u32 $0x50, s12;
	s15 =	sadd.s32 $0xA0, s12;
	s16 =	sadd.s32 $0xF0, s12  }
0xa: {  	s17 =	sadd.s32 $0x140, s12;
	s19 =	sadd.s32 $0x190, s12;
	s20 =	sadd.s32 $0x1E0, s12  }
0xb: {  	s22 =	sadd.s32 $0x230, s12;
	s21 =	ssub.s32 s7, s8;
	s5 =	sadd.s32 s6, s3  }
0xc: {  	s25 =	sshll.u32 s13, $0x7;
	s26 =	sshll.u32 s15, $0x7;
	s31 =	sshll.u32 s16, $0x7  }
0xd: {  	s9 =	sshll.u32 s17, $0x7;
	s10 =	sshll.u32 s19, $0x7;
	s11 =	sshll.u32 s20, $0x7  }
0xe: {  	s12 =	sadd.s32 s12, s18;
	s13 =	sadd.s32 s18, s13;
	s14 =	sshll.u32 s22, $0x7  }
0xf: {  	s15 =	sadd.s32 s18, s15;
	s16 =	sadd.s32 s18, s16;
	s17 =	sadd.s32 s18, s17  }
0x10: {  	s19 =	sadd.s32 s18, s19;
	s20 =	sadd.s32 s18, s20;
	s18 =	sadd.s32 s18, s22  }
0x11: {  	v0 =	vmov s28;
	s28 =	simm.s32 $0x50;
	s6 =	sadd.s32 s25, s3;
	s7 =	sadd.s32 s26, s3  }
0x12: {  	s8 =	sadd.s32 s31, s3;
	s9 =	sadd.s32 s9, s3;
	s10 =	sadd.s32 s10, s3  }
0x13: {  	s11 =	sadd.s32 s11, s3;
	s24 =	sshll.u32 s12, $0x4;
	s25 =	sshll.u32 s13, $0x4  }
0x14: {  	s12 =	sadd.s32 s14, s3;
	s15 =	sshll.u32 s15, $0x4;
	s16 =	sshll.u32 s16, $0x4  }
0x15: {  	s17 =	sshll.u32 s17, $0x4;
	s19 =	sshll.u32 s19, $0x4;
	s20 =	sshll.u32 s20, $0x4  }
0x16: {  	s22 =	sshll.u32 s18, $0x4;
	s21 =	smax.u32 s21, $0x1;
	s26 =	simm.s32 $0x80  }
0x17: {  	s13 =	sadd.s32 s0, s24;
	s14 =	sadd.s32 s0, s25;
	s15 =	sadd.s32 s0, s15  }
0x18: {  	s16 =	sadd.s32 s0, s16;
	s17 =	sadd.s32 s0, s17;
	s18 =	sadd.s32 s0, s19  }
0x19: {  	s19 =	sadd.s32 s0, s20;
	s20 =	sadd.s32 s0, s22;
	s22 =	sadd.s32 $0x3000, s23  }
0x1a: {  	v1 =	vimm.f32 $0.0e+00;
	s23 =	sadd.s32 $0x8000, s23;
	s24 =	simm.s32 $0x100;
	s25 =	simm.s32 $0x2  }
.LBB2_1:
0x1b: {  	s31 =	simm.s32 $0x0;
	s0 =	simm.s32 $0x200  }
.LBB2_2:
0x1c: {  	p0 =	sne.s32 s0, $0x9E00;
	[tilespmem:s31+$0x170] =	vst v1  }
0x1d: {  	[tilespmem:s31+$0x100] =	vst v1  }
0x1e: {  	[tilespmem:s31+$0x110] =	vst v1  }
.Ltmp0:
0x1f: {  	[tilespmem:s31+$0x120] =	vst v1;
	(pc) =	sbr.rel @p0 .LBB2_2-.Ltmp0, $4  }
0x20: {  	[tilespmem:s31+$0x130] =	vst v1  }
0x21: {  	[tilespmem:s31+$0x140] =	vst v1  }
0x22: {  	[tilespmem:s31+$0x150] =	vst v1  }
0x23: {  	[tilespmem:s31+$0x160] =	vst v1;
	s31 =	sshra.s32 s0, $0x2;
	s0 =	sadd.s32 $0x200, s0  }
0x24: {  	[tilespmem:s31+$0x170] =	vst v1  }
0x25: {  	[tilespmem:s31+$0x100] =	vst v1  }
0x26: {  	[tilespmem:s31+$0x110] =	vst v1  }
0x27: {  	[tilespmem:s31+$0x120] =	vst v1  }
0x28: {  	[tilespmem:s31+$0x130] =	vst v1  }
0x29: {  	[tilespmem:s31+$0x140] =	vst v1  }
0x2a: {  	[tilespmem:s31+$0x150] =	vst v1  }
0x2b: {  	[tilespmem:s31+$0x160] =	vst v1  }
0x2c: {  	[spmem:s5] =	stream.linear.scatter [tilespmem:s24], [sflag:$0x2], $0x2800, $0x38;
	[tilespmem:$0x16900] =	vst v63  }
0x2d: {  	_ =	swait.ge [sflag:s25], $0x2800  }
0x2e: {  	[sflag:s25] =	ssyncset.done $0x0  }
0x2f: {  	[sflag:s25] =	ssyncadd.s32 $0xFFFFD800  }
0x30: {  	[spmem:s6] =	stream.linear.scatter [tilespmem:s24], [sflag:$0x2], $0x2800, $0x38;
	[tilespmem:$0x16900] =	vst v63  }
0x31: {  	_ =	swait.ge [sflag:s25], $0x2800  }
0x32: {  	[sflag:s25] =	ssyncset.done $0x0  }
0x33: {  	[sflag:s25] =	ssyncadd.s32 $0xFFFFD800  }
0x34: {  	[spmem:s7] =	stream.linear.scatter [tilespmem:s24], [sflag:$0x2], $0x2800, $0x38;
	[tilespmem:$0x16900] =	vst v63  }
0x35: {  	_ =	swait.ge [sflag:s25], $0x2800  }
0x36: {  	[sflag:s25] =	ssyncset.done $0x0  }
0x37: {  	[sflag:s25] =	ssyncadd.s32 $0xFFFFD800  }
0x38: {  	[spmem:s8] =	stream.linear.scatter [tilespmem:s24], [sflag:$0x2], $0x2800, $0x38;
	[tilespmem:$0x16900] =	vst v63  }
0x39: {  	_ =	swait.ge [sflag:s25], $0x2800  }
0x3a: {  	[sflag:s25] =	ssyncset.done $0x0  }
0x3b: {  	[sflag:s25] =	ssyncadd.s32 $0xFFFFD800  }
0x3c: {  	[spmem:s9] =	stream.linear.scatter [tilespmem:s24], [sflag:$0x2], $0x2800, $0x38;
	[tilespmem:$0x16900] =	vst v63  }
0x3d: {  	_ =	swait.ge [sflag:s25], $0x2800  }
0x3e: {  	[sflag:s25] =	ssyncset.done $0x0  }
0x3f: {  	[sflag:s25] =	ssyncadd.s32 $0xFFFFD800  }
0x40: {  	[spmem:s10] =	stream.linear.scatter [tilespmem:s24], [sflag:$0x2], $0x2800, $0x38;
	[tilespmem:$0x16900] =	vst v63  }
0x41: {  	_ =	swait.ge [sflag:s25], $0x2800  }
0x42: {  	[sflag:s25] =	ssyncset.done $0x0  }
0x43: {  	[sflag:s25] =	ssyncadd.s32 $0xFFFFD800  }
0x44: {  	[spmem:s11] =	stream.linear.scatter [tilespmem:s24], [sflag:$0x2], $0x2800, $0x38;
	[tilespmem:$0x16900] =	vst v63  }
0x45: {  	_ =	swait.ge [sflag:s25], $0x2800  }
0x46: {  	[sflag:s25] =	ssyncset.done $0x0  }
0x47: {  	[sflag:s25] =	ssyncadd.s32 $0xFFFFD800  }
0x48: {  	[spmem:s12] =	stream.linear.scatter [tilespmem:s24], [sflag:$0x2], $0x2800, $0x38;
	[tilespmem:$0x16900] =	vst v63  }
0x49: {  	_ =	swait.ge [sflag:s25], $0x2800  }
0x4a: {  	[sflag:s25] =	ssyncset.done $0x0  }
0x4b: {  	[sflag:s25] =	ssyncadd.s32 $0xFFFFD800  }
0x4c: {  	s0 =	sadd.s32 $0x0, s23;
	[bflag:$0x0] =	sbarrier.arrive $0xFFFF  }
0x4d: {  	[tilespmem:s4], [sflag:$0x2] =	stream.linear.gather [hbm4b:s0+s4], $0x50, $0x38;
	[tilespmem:$0x16900] =	vst v63  }
0x4e: {  	_ =	swait.ge [sflag:s25], $0x50  }
0x4f: {  	[sflag:s25] =	ssyncset.done $0x0  }
0x50: {  	s2 =	sadd.s32 $0x0, s22;
	[sflag:s25] =	ssyncadd.s32 $0xFFFFFFB0  }
0x51: {  	[tilespmem:s26], [sflag:$0x2] =	stream.linear.gather [hbm4b:s2+s4], $0x50, $0x38;
	[tilespmem:$0x16900] =	vst v63  }
0x52: {  	_ =	swait.ge [sflag:s25], $0x50  }
0x53: {  	[sflag:s25] =	ssyncset.done $0x0  }
0x54: {  	[sflag:s25] =	ssyncadd.s32 $0xFFFFFFB0  }
0x55: {  	v2 =	vld [tilespmem:$0x40]  }
0x56: {  	v3 =	vld [tilespmem:$0x20]  }
0x57: {  	v4 =	vld [tilespmem:$0x30]  }
0x58: {  	v5 =	vld [tilespmem:$0x10]  }
0x59: {  	v6 =	vld [tilespmem:$0x0]  }
0x5a: {  	v2 =	vadd.s32 v0, v2  }
0x5b: {  	v3 =	vadd.s32 v0, v3;
	[tilespmem:$0x40] =	vst v2  }
0x5c: {  	[tilespmem:$0x20] =	vst v3;
	v2 =	vadd.s32 v0, v4  }
0x5d: {  	v3 =	vadd.s32 v0, v5;
	[tilespmem:$0x30] =	vst v2  }
0x5e: {  	v2 =	vadd.s32 v0, v6;
	[tilespmem:$0x10] =	vst v3  }
0x5f: {  	[tilespmem:$0x0] =	vst v2  }
0x60: {  	[tilespmem:s24], [sflag:$0x1] =	stream.indirect.gather [hbm4b:s1+s28], $0x80, s4, s28, $0xb8;
	[tilespmem:$0x16900] =	vst v63  }
0x61: {  	_ =	swait.ge [sflag:s29], $0x2800  }
0x62: {  	s31 =	simm.s32 $0xA;
	[sflag:s29] =	ssyncset.done $0x0  }
.LBB2_4:
0x63: {  	p0 =	sne.s32 s31, $0x4D8  }
0x64: {  	[sflag:s29] =	ssyncadd.s32 $0xFFFFD800;
	s0 =	smov.u32 s31;
	s31 =	sadd.s32 $0xA, s31  }
0x65: {  	[spmem:s3] =	stream.indirect.scatter.add.f32 [tilespmem:s24], [sflag:$0x2], $0x80, s26, s28, $0xb8;
	[tilespmem:$0x16900] =	vst v63  }
0x66: {  	_ =	swait.ge [sflag:s25], $0x2800  }
0x67: {  	[sflag:s25] =	ssyncset.done $0x0  }
0x68: {  	s2 =	sadd.s32 s0, s23;
	[sflag:s25] =	ssyncadd.s32 $0xFFFFD800  }
0x69: {  	[tilespmem:s4], [sflag:$0x2] =	stream.linear.gather [hbm4b:s2+s4], $0x50, $0x38;
	[tilespmem:$0x16900] =	vst v63  }
0x6a: {  	_ =	swait.ge [sflag:s25], $0x50  }
0x6b: {  	[sflag:s25] =	ssyncset.done $0x0  }
0x6c: {  	s0 =	sadd.s32 s0, s22;
	[sflag:s25] =	ssyncadd.s32 $0xFFFFFFB0  }
0x6d: {  	[tilespmem:s26], [sflag:$0x2] =	stream.linear.gather [hbm4b:s0+s4], $0x50, $0x38;
	[tilespmem:$0x16900] =	vst v63  }
0x6e: {  	_ =	swait.ge [sflag:s25], $0x50  }
0x6f: {  	[sflag:s25] =	ssyncset.done $0x0  }
0x70: {  	[sflag:s25] =	ssyncadd.s32 $0xFFFFFFB0  }
0x71: {  	v2 =	vld [tilespmem:$0x40]  }
0x72: {  	v3 =	vld [tilespmem:$0x20]  }
0x73: {  	v4 =	vld [tilespmem:$0x30]  }
0x74: {  	v5 =	vld [tilespmem:$0x10]  }
0x75: {  	v6 =	vld [tilespmem:$0x0]  }
0x76: {  	v2 =	vadd.s32 v0, v2  }
0x77: {  	v3 =	vadd.s32 v0, v3;
	[tilespmem:$0x40] =	vst v2  }
0x78: {  	[tilespmem:$0x20] =	vst v3;
	v2 =	vadd.s32 v0, v4  }
0x79: {  	v3 =	vadd.s32 v0, v5;
	[tilespmem:$0x30] =	vst v2  }
.Ltmp1:
0x7a: {  	v2 =	vadd.s32 v0, v6;
	[tilespmem:$0x10] =	vst v3;
	(pc) =	sbr.rel @p0 .LBB2_4-.Ltmp1, $4  }
0x7b: {  	[tilespmem:$0x0] =	vst v2  }
0x7c: {  	[tilespmem:s24], [sflag:$0x1] =	stream.indirect.gather [hbm4b:s1+s28], $0x80, s4, s28, $0xb8;
	[tilespmem:$0x16900] =	vst v63  }
0x7d: {  	_ =	swait.ge [sflag:s29], $0x2800  }
0x7e: {  	[sflag:s29] =	ssyncset.done $0x0  }
0x7f: {  	[sflag:s29] =	ssyncadd.s32 $0xFFFFD800  }
0x80: {  	[spmem:s3] =	stream.indirect.scatter.add.f32 [tilespmem:s24], [sflag:$0x2], $0x80, s26, s28, $0xb8;
	[tilespmem:$0x16900] =	vst v63  }
0x81: {  	_ =	swait.ge [sflag:s25], $0x2800  }
0x82: {  	[sflag:s25] =	ssyncset.done $0x0  }
0x83: {  	[sflag:s25] =	ssyncadd.s32 $0xFFFFD800  }
0x84: {  	[bflag:$0x0] =	sbarrier.arrive $0xFFFF  }
0x85: {  	[tilespmem:s24], [sflag:$0x2] =	stream.linear.gather [spmem:s5], $0x2800, $0x38;
	[tilespmem:$0x16900] =	vst v63  }
0x86: {  	_ =	swait.ge [sflag:s25], $0x2800  }
0x87: {  	[sflag:s25] =	ssyncset.done $0x0  }
0x88: {  	[sflag:s25] =	ssyncadd.s32 $0xFFFFD800  }
0x89: {  	[hbm4b:s13+s4] =	stream.linear.scatter [tilespmem:s24], [sflag:$0x2], $0x2800, $0x38;
	[tilespmem:$0x16900] =	vst v63  }
0x8a: {  	_ =	swait.ge [sflag:s25], $0x2800  }
0x8b: {  	[sflag:s25] =	ssyncset.done $0x0  }
0x8c: {  	[sflag:s25] =	ssyncadd.s32 $0xFFFFD800  }
0x8d: {  	[tilespmem:s24], [sflag:$0x2] =	stream.linear.gather [spmem:s6], $0x2800, $0x38;
	[tilespmem:$0x16900] =	vst v63  }
0x8e: {  	_ =	swait.ge [sflag:s25], $0x2800  }
0x8f: {  	[sflag:s25] =	ssyncset.done $0x0  }
0x90: {  	[sflag:s25] =	ssyncadd.s32 $0xFFFFD800  }
0x91: {  	[hbm4b:s14+s4] =	stream.linear.scatter [tilespmem:s24], [sflag:$0x2], $0x2800, $0x38;
	[tilespmem:$0x16900] =	vst v63  }
0x92: {  	_ =	swait.ge [sflag:s25], $0x2800  }
0x93: {  	[sflag:s25] =	ssyncset.done $0x0  }
0x94: {  	[sflag:s25] =	ssyncadd.s32 $0xFFFFD800  }
0x95: {  	[tilespmem:s24], [sflag:$0x2] =	stream.linear.gather [spmem:s7], $0x2800, $0x38;
	[tilespmem:$0x16900] =	vst v63  }
0x96: {  	_ =	swait.ge [sflag:s25], $0x2800  }
0x97: {  	[sflag:s25] =	ssyncset.done $0x0  }
0x98: {  	[sflag:s25] =	ssyncadd.s32 $0xFFFFD800  }
0x99: {  	[hbm4b:s15+s4] =	stream.linear.scatter [tilespmem:s24], [sflag:$0x2], $0x2800, $0x38;
	[tilespmem:$0x16900] =	vst v63  }
0x9a: {  	_ =	swait.ge [sflag:s25], $0x2800  }
0x9b: {  	[sflag:s25] =	ssyncset.done $0x0  }
0x9c: {  	[sflag:s25] =	ssyncadd.s32 $0xFFFFD800  }
0x9d: {  	[tilespmem:s24], [sflag:$0x2] =	stream.linear.gather [spmem:s8], $0x2800, $0x38;
	[tilespmem:$0x16900] =	vst v63  }
0x9e: {  	_ =	swait.ge [sflag:s25], $0x2800  }
0x9f: {  	[sflag:s25] =	ssyncset.done $0x0  }
0xa0: {  	[sflag:s25] =	ssyncadd.s32 $0xFFFFD800  }
0xa1: {  	[hbm4b:s16+s4] =	stream.linear.scatter [tilespmem:s24], [sflag:$0x2], $0x2800, $0x38;
	[tilespmem:$0x16900] =	vst v63  }
0xa2: {  	_ =	swait.ge [sflag:s25], $0x2800  }
0xa3: {  	[sflag:s25] =	ssyncset.done $0x0  }
0xa4: {  	[sflag:s25] =	ssyncadd.s32 $0xFFFFD800  }
0xa5: {  	[tilespmem:s24], [sflag:$0x2] =	stream.linear.gather [spmem:s9], $0x2800, $0x38;
	[tilespmem:$0x16900] =	vst v63  }
0xa6: {  	_ =	swait.ge [sflag:s25], $0x2800  }
0xa7: {  	[sflag:s25] =	ssyncset.done $0x0  }
0xa8: {  	[sflag:s25] =	ssyncadd.s32 $0xFFFFD800  }
0xa9: {  	[hbm4b:s17+s4] =	stream.linear.scatter [tilespmem:s24], [sflag:$0x2], $0x2800, $0x38;
	[tilespmem:$0x16900] =	vst v63  }
0xaa: {  	_ =	swait.ge [sflag:s25], $0x2800  }
0xab: {  	[sflag:s25] =	ssyncset.done $0x0  }
0xac: {  	[sflag:s25] =	ssyncadd.s32 $0xFFFFD800  }
0xad: {  	[tilespmem:s24], [sflag:$0x2] =	stream.linear.gather [spmem:s10], $0x2800, $0x38;
	[tilespmem:$0x16900] =	vst v63  }
0xae: {  	_ =	swait.ge [sflag:s25], $0x2800  }
0xaf: {  	[sflag:s25] =	ssyncset.done $0x0  }
0xb0: {  	[sflag:s25] =	ssyncadd.s32 $0xFFFFD800  }
0xb1: {  	[hbm4b:s18+s4] =	stream.linear.scatter [tilespmem:s24], [sflag:$0x2], $0x2800, $0x38;
	[tilespmem:$0x16900] =	vst v63  }
0xb2: {  	_ =	swait.ge [sflag:s25], $0x2800  }
0xb3: {  	[sflag:s25] =	ssyncset.done $0x0  }
0xb4: {  	[sflag:s25] =	ssyncadd.s32 $0xFFFFD800  }
0xb5: {  	[tilespmem:s24], [sflag:$0x2] =	stream.linear.gather [spmem:s11], $0x2800, $0x38;
	[tilespmem:$0x16900] =	vst v63  }
0xb6: {  	_ =	swait.ge [sflag:s25], $0x2800  }
0xb7: {  	[sflag:s25] =	ssyncset.done $0x0  }
0xb8: {  	[sflag:s25] =	ssyncadd.s32 $0xFFFFD800  }
0xb9: {  	[hbm4b:s19+s4] =	stream.linear.scatter [tilespmem:s24], [sflag:$0x2], $0x2800, $0x38;
	[tilespmem:$0x16900] =	vst v63  }
0xba: {  	_ =	swait.ge [sflag:s25], $0x2800  }
0xbb: {  	[sflag:s25] =	ssyncset.done $0x0  }
0xbc: {  	[sflag:s25] =	ssyncadd.s32 $0xFFFFD800  }
0xbd: {  	[tilespmem:s24], [sflag:$0x2] =	stream.linear.gather [spmem:s12], $0x2800, $0x38;
	[tilespmem:$0x16900] =	vst v63  }
0xbe: {  	s30 =	sadd.s32 $0x1, s30;
	_ =	swait.ge [sflag:s25], $0x2800  }
0xbf: {  	p0 =	sne.s32 s30, s21;
	[sflag:s25] =	ssyncset.done $0x0  }
.Ltmp2:
0xc0: {  	[sflag:s25] =	ssyncadd.s32 $0xFFFFD800;
	(pc) =	sbr.rel @p0 .LBB2_1-.Ltmp2, $4  }
0xc1: {  	[hbm4b:s20+s4] =	stream.linear.scatter [tilespmem:s24], [sflag:$0x2], $0x2800, $0x38;
	[tilespmem:$0x16900] =	vst v63  }
0xc2: {  	_ =	swait.ge [sflag:s25], $0x2800  }
0xc3: {  	[sflag:s25] =	ssyncset.done $0x0  }
0xc4: {  	[sflag:s25] =	ssyncadd.s32 $0xFFFFD800  }
0xc5: {  	_ =	sfence.sel $0x180000  }
0xc6: {  	[bflag:$0x0] =	sbarrier.arrive $0xFFFF  }
0xc7: {  	_ =	strace $0x9000004A  }
0xc8: {  	s0 =	stileid.u32;
	[bflag:$0x2] =	sbarrier.arrive $0xFFFF  }
0xc9: {  	p0 =	sne.s32 s0, $0x0;
	s0 =	rddreg [dreg:$0x3]  }
0xca: {  	s0 =	sadd.s32 @!p0 $0x100000, s0  }
0xcb: {  	[sflag:s0] =	ssyncadd.tile.s32 @!p0 $0x1;
	_ =	shalt  }
.Lfunc_end2:
_tile_overlayer_lowered:
.L_overlay_start_2:
0xcc: {  	(tag) =	ssettag $0x2  }
0xcd: {  	s0 =	rddreg [dreg:$0x0];
	s2 =	stileid.u32  }
0xce: {  	s1 =	rddreg [dreg:$0x1];
	p0 =	sne.s32 s2, $0x0  }
0xcf: {  	s3 =	rddreg [dreg:$0x2];
	[bflag:$0x3] =	sbarrier.arrive $0xFFFF;
	s2 =	simm.s32 @!p0 $0x1C02  }
0xd0: {  	[timem:s3], [sflag:s2] =	dma.local @!p0 [hbm:s0], s1  }
0xd1: {  	s0 =	simm.s32 @!p0 $0x2  }
0xd2: {  	_ =	swait.ge @!p0 [sflag:s0], s1  }
0xd3: {  	s1 =	ssub.s32 @!p0 $0x0, s1;
	[sflag:s0] =	ssyncset.done @!p0 $0x0  }
0xd4: {  	[sflag:s0] =	ssyncadd.s32 @!p0 s1  }
0xd5: {  	[bflag:$0x3] =	sbarrier.arrive $0xFFFF  }
0xd6: {  	_ =	shalt  }

// kernel: kernel.16.cloned.1.call-start
scs
__scs_entry_jumppad:
0x0: {  	(pc) =	sbr.rel $0x88, $3  }
0x1: {  	(tag) =	ssettag $0x0;
	lr =	simm.s32 $0x1  }
0x2: {  	[smem:$0x3F94] =	sst lr;
	_ =	strace $0xD0000000  }
0x3: {  	_ = 	snop  }
0x4: {  	_ = 	snop  }
0x5: {  	_ = 	snop  }
0x6: {  	_ = 	snop  }
0x7: {  	_ = 	snop  }
__scs_overlays_trampoline_lowered:
0x8: {  	[smem:$0x3FA3] =	sst s0  }
0x9: {  	[smem:$0x3FA4] =	sst s1  }
0xa: {  	[smem:$0x3FA5] =	sst s2  }
0xb: {  	[smem:$0x3FA6] =	sst s3  }
0xc: {  	[smem:$0x3FA7] =	sst s4  }
0xd: {  	[smem:$0x3FA8] =	sst s5  }
0xe: {  	[smem:$0x3FA9] =	sst s6  }
0xf: {  	[smem:$0x3FAA] =	sst s7  }
0x10: {  	[smem:$0x3FAB] =	sst s8  }
0x11: {  	[smem:$0x3FAC] =	sst s9;
	s0 =	simm.s32 @!p0 $0x0  }
0x12: {  	s1 =	sld [smem:$0x3F92];
	s0 =	simm.s32 @p0 $0x1  }
0x13: {  	[smem:$0x3FAD] =	sst s0;
	s0 =	simm.s32 @!p1 $0x0  }
0x14: {  	s2 =	sld [smem:$0x3F91];
	s0 =	simm.s32 @p1 $0x1  }
0x15: {  	[smem:$0x3FAE] =	sst s0;
	s0 =	simm.s32 @!p2 $0x0  }
0x16: {  	s3 =	sld [smem:$0x3FDB];
	s0 =	simm.s32 @p2 $0x1  }
0x17: {  	s4 =	simm.s32 $0x1BF5;
	[smem:$0x3FB0] =	sst s0  }
0x18: {  	s0 =	sld [smem:$0x3F93];
	_ =	swait.ge [sflag:s4], $0x0  }
0x19: {  	s7 =	sld [smem:$0x3F94]  }
0x1a: {  	s8 =	sadd.s32 $0xFFFFE003, lr  }
0x1b: {  	s9 =	sadd.s32 $0xFFFFFEF7, lr;
	s5 =	simm.s32 $0xFFFFFFFF;
	p2 =	slt.u32 s8, $0xFFFFF086  }
0x1c: {  	p1 =	slt.u32 s9, $0xF7A;
	s5 =	simm.s32 @!p2 $0x0  }
0x1d: {  	s5 =	simm.s32 @p1 $0x1;
	p0 =	seq.s32 s7, s2  }
0x1e: {  	s7 =	smul.u32 @!p0 $0xF7A, s2;
	p2 =	seq.s32 @!p0 s5, $0x0  }
0x1f: {  	s9 =	smul.u32 $0xF7A, s1;
	s8 =	simm.s32 @!p0 $0x1BF5;
	p2 =	por !p2, p0  }
0x20: {  	[sflag:s8] =	ssyncset.s32 @!p0 $0xFFFFF086;
	s6 =	sadd.s32 @!p0 s3, s7;
	s7 =	simm.s32 @!p0 $0x108  }
0x21: {  	s3 =	sadd.s32 s3, s9;
	s6 =	sadd.s32 @!p0 $0x88, s6;
	s7 =	simm.s32 @p2 $0x1082  }
0x22: {  	[simem:s7], [sflag:s8] =	dma.local @!p0 [hbm:s6], $0xF7A  }
0x23: {  	s9 =	sor.u32 $0xD0000000, s2;
	s6 =	simm.s32 $0x108;
	_ =	swait.ge @!p0 [sflag:s8], $0x0  }
0x24: {  	s3 =	sadd.s32 $0x88, s3;
	s6 =	simm.s32 @!p1 $0x1082;
	[sflag:s4] =	ssyncset.s32 $0xFFFFF086  }
0x25: {  	[simem:s6], [sflag:s4] =	dma.local [hbm:s3], $0xF7A  }
0x26: {  	[smem:$0x3F94] =	sst s1;
	(tag) =	ssettag s2;
	_ =	strace s9  }
0x27: {  	s1 =	sld [smem:$0x3FA4]  }
0x28: {  	s2 =	sld [smem:$0x3FA5]  }
0x29: {  	s4 =	sld [smem:$0x3FA7]  }
0x2a: {  	p0 =	seq.s32 s5, $0x0;
	s5 =	sld [smem:$0x3FA8]  }
0x2b: {  	s6 =	sld [smem:$0x3FA9]  }
0x2c: {  	s7 =	sld [smem:$0x3FAA]  }
0x2d: {  	s3 =	simm.s32 $0x108;
	s8 =	sld [smem:$0x3FAB]  }
0x2e: {  	s3 =	simm.s32 @!p0 $0x1082;
	s9 =	sld [smem:$0x3FAC]  }
0x2f: {  	lr =	sadd.s32 s0, s3;
	s0 =	sld [smem:$0x3FA3]  }
0x30: {  	s3 =	sld [smem:$0x3FA6]  }
0x31: {  	[smem:$0x3FAF] =	sst s10  }
0x32: {  	s10 =	sld [smem:$0x3FAD];
	_ =	sdelay $0x3  }
0x33: {  	p0 =	seq.s32 s10, $0x1;
	s10 =	sld [smem:$0x3FAF];
	_ =	sdelay $0x3  }
0x34: {  	[smem:$0x3FAF] =	sst s10  }
0x35: {  	s10 =	sld [smem:$0x3FAE];
	_ =	sdelay $0x3  }
0x36: {  	p1 =	seq.s32 s10, $0x1;
	s10 =	sld [smem:$0x3FAF];
	_ =	sdelay $0x3  }
0x37: {  	[smem:$0x3FAF] =	sst s10  }
0x38: {  	s10 =	sld [smem:$0x3FB0]  }
0x39: {  	_ = 	snop;
	(pc) =	sbr.ind lr, $3  }
0x3a: {  	_ = 	snop  }
0x3b: {  	_ = 	snop  }
0x3c: {  	p2 =	seq.s32 s10, $0x1;
	s10 =	sld [smem:$0x3FAF]  }
0x3d: {  	_ =	shalt  }
0x3e: {  	_ =	shalt  }
0x3f: {  	_ =	shalt  }
0x40: {  	_ =	shalt  }
0x41: {  	_ =	shalt  }
0x42: {  	_ =	shalt  }
0x43: {  	_ =	shalt  }
0x44: {  	_ =	shalt  }
0x45: {  	_ =	shalt  }
0x46: {  	_ =	shalt  }
0x47: {  	_ =	shalt  }
0x48: {  	_ =	shalt  }
0x49: {  	_ =	shalt  }
0x4a: {  	_ =	shalt  }
0x4b: {  	_ =	shalt  }
0x4c: {  	_ =	shalt  }
0x4d: {  	_ =	shalt  }
0x4e: {  	_ =	shalt  }
0x4f: {  	_ =	shalt  }
0x50: {  	_ =	shalt  }
0x51: {  	_ =	shalt  }
0x52: {  	_ =	shalt  }
0x53: {  	_ =	shalt  }
0x54: {  	_ =	shalt  }
0x55: {  	_ =	shalt  }
0x56: {  	_ =	shalt  }
0x57: {  	_ =	shalt  }
0x58: {  	_ =	shalt  }
0x59: {  	_ =	shalt  }
0x5a: {  	_ =	shalt  }
0x5b: {  	_ =	shalt  }
0x5c: {  	_ =	shalt  }
0x5d: {  	_ =	shalt  }
0x5e: {  	_ =	shalt  }
0x5f: {  	_ =	shalt  }
0x60: {  	_ =	shalt  }
0x61: {  	_ =	shalt  }
0x62: {  	_ =	shalt  }
0x63: {  	_ =	shalt  }
0x64: {  	_ =	shalt  }
0x65: {  	_ =	shalt  }
0x66: {  	_ =	shalt  }
0x67: {  	_ =	shalt  }
0x68: {  	_ =	shalt  }
0x69: {  	_ =	shalt  }
0x6a: {  	_ =	shalt  }
0x6b: {  	_ =	shalt  }
0x6c: {  	_ =	shalt  }
0x6d: {  	_ =	shalt  }
0x6e: {  	_ =	shalt  }
0x6f: {  	_ =	shalt  }
0x70: {  	_ =	shalt  }
0x71: {  	_ =	shalt  }
0x72: {  	_ =	shalt  }
0x73: {  	_ =	shalt  }
0x74: {  	_ =	shalt  }
0x75: {  	_ =	shalt  }
0x76: {  	_ =	shalt  }
0x77: {  	_ =	shalt  }
0x78: {  	_ =	shalt  }
0x79: {  	_ =	shalt  }
0x7a: {  	_ =	shalt  }
0x7b: {  	_ =	shalt  }
0x7c: {  	_ =	shalt  }
0x7d: {  	_ =	shalt  }
0x7e: {  	_ =	shalt  }
0x7f: {  	_ =	shalt  }
0x80: {  	_ =	shalt  }
0x81: {  	_ =	shalt  }
0x82: {  	_ =	shalt  }
0x83: {  	_ =	shalt  }
0x84: {  	_ =	shalt  }
0x85: {  	_ =	shalt  }
0x86: {  	_ =	shalt  }
0x87: {  	_ =	shalt  }
.Lfunc_end0:
.L_simem_size_0:
called_computation.2_lowered:
.L_overlay_start_0:
0x88: {  	s2 =	sld [smem:$0x3FD9]  }
0x89: {  	s3 =	sld [smem:$0x3FFE];
	_ =	sdelay $0x1  }
0x8a: {  	s1 =	srdreg.scid  }
0x8b: {  	s0 =	sand.u32 $0x1, s1  }
0x8c: {  	s17 =	sshll.u32 s0, $0xA;
	s2 =	sadd.s32 s3, s2  }
0x8d: {  	s2 =	sadd.s32 s2, s17  }
0x8e: {  	[smem:$0x3FBB] =	sst s2  }
0x8f: {  	_ = 	snop  }
0x90: {  	s2 =	sld [smem:$0x3FD0];
	(tm) =	ssettm $0x1  }
0x91: {  	s18 =	sld [smem:$0x3FFB];
	_ =	sdelay $0x3  }
0x92: {  	_ =	strace s18  }
0x93: {  	s3 =	sld [smem:$0x3FFC];
	_ =	sdelay $0x3  }
0x94: {  	_ =	strace s3  }
0x95: {  	s3 =	sld [smem:$0x3FFD];
	_ =	sdelay $0x3  }
0x96: {  	_ =	strace s3  }
0x97: {  	_ =	strace $0x8FFFFFFF  }
0x98: {  	s19 =	sld [smem:$0x3FDB];
	_ =	sdelay $0x1  }
0x99: {  	s4 =	simm.s32 $_scs_section_size  }
0x9a: {  	s5 =	simm.s32 $_size__tile_overlayer_lowered;
	s6 =	simm.s32 $_tile_overlayer_lowered  }
0x9b: {  	s22 =	simm.s32 $0x1BFF;
	s21 =	sshll.u32 s6, $0x1;
	s3 =	sadd.s32 s4, s19  }
0x9c: {  	s7 =	simm.s32 $0x0;
	s20 =	sshll.u32 s5, $0x1;
	s5 =	sadd.s32 s21, s3  }
0x9d: {  	[timem:s7], [sflag:s22] =	dma.local [hbm:s5], s20  }
0x9e: {  	_ =	swait.ge [sflag:s22], s20  }
0x9f: {  	s4 =	ssub.s32 $0x0, s20;
	[sflag:s22] =	ssyncset.done $0x0  }
0xa0: {  	[sflag:s22] =	ssyncadd.s32 s4;
	_ =	sdelay $0x1  }
0xa1: {  	s23 =	simm.s32 $0x1B8B  }
0xa2: {  	_ =	swait.ge [sflag:s23], $0x1  }
0xa3: {  	[sflag:s23] =	ssyncset.done $0x0  }
0xa4: {  	s25 =	simm.s32 $0x1B8E;
	s24 =	sld [smem:$0x3FFE];
	[sflag:s23] =	ssyncadd.s32 $0xFFFFFFFF  }
0xa5: {  	s26 =	simm.s32 $execute0_lowered;
	[smem:$0x3FD2] =	sst s25  }
0xa6: {  	s5 =	sshll.u32 s26, $0x1;
	_ =	strace $0x8000004C;
	[dreg:$0x1] =	wrdreg $0xFFFFFFFF  }
0xa7: {  	s28 =	simm.s32 $_size_execute0_lowered;
	s3 =	sadd.s32 s3, s5;
	[dreg:$0x0] =	wrdreg $0x0  }
0xa8: {  	s5 =	sshll.u32 s28, $0x1;
	[dreg:$0x2] =	wrdreg s3  }
0xa9: {  	[dreg:$0x3] =	wrdreg s5  }
0xaa: {  	[dreg:$0x4] =	wrdreg $0xC0  }
0xab: {  	_ =	task [dreg:s7], $0x5FFFF  }
0xac: {  	[dreg:$0x1] =	wrdreg $0xFFFFFFFF  }
0xad: {  	[dreg:$0x0] =	wrdreg $0x60  }
0xae: {  	[dreg:$0x2] =	wrdreg s2  }
0xaf: {  	[dreg:$0x3] =	wrdreg s24  }
0xb0: {  	[dreg:$0x4] =	wrdreg $0x29000  }
0xb1: {  	[dreg:$0x5] =	wrdreg $0x9  }
0xb2: {  	_ =	task.clear_ibuf [dreg:s7], $0x6FFFF;
	_ =	strace $0x9000004C  }
0xb3: {  	s29 =	simm.s32 $0x9;
	_ =	strace $0x8000004E  }
0xb4: {  	_ =	swait.ge [sflag:s29], $0x1  }
0xb5: {  	[sflag:s29] =	ssyncadd.s32 $0xFFFFFFFF  }
0xb6: {  	_ =	strace $0x9000004E  }
0xb7: {  	_ =	sfence  }
0xb8: {  	s30 =	sld [smem:$0x0];
	_ =	sdelay $0x2  }
0xb9: {  	s31 =	sshll.u32 s1, $0xD;
	s1 =	sshrl.u32 s1, $0x2  }
0xba: {  	s3 =	sand.u32 $0x4000, s31;
	s1 =	sadd.s32 s1, s30  }
0xbb: {  	s0 =	sor.u32 s3, s0;
	s1 =	sshll.u32 s1, $0x11  }
0xbc: {  	s0 =	sor.u32 s1, s0  }
0xbd: {  	s0 =	sadd.s32 $0x8F2B, s0  }
0xbe: {  	[sflag:s0] =	ssyncadd.remote.s32 $0x1  }
0xbf: {  	_ =	sfence.sel $0xFFFF  }
0xc0: {  	[dreg:$0x0] =	wrdreg $0xFFFFFFFF;
	(pc) =	sbr.abs _section_cstart, $3  }
0xc1: {  	[dreg:$0x1] =	wrdreg $0xFFFFFFFF  }
0xc2: {  	_ =	task.clear_ibuf [dreg:s7], $0x2FFFF;
	_ =	strace $0x9FFFFFFF  }
0xc3: {  	(tm) =	ssettm $0x7FFFFFFF  }
tec
execute0_lowered:
.L_overlay_start_1:
0x0: {  	(tag) =	ssettag $0x1  }
0x1: {  	s1 =	rddreg [dreg:$0x0]  }
0x2: {  	s0 =	rddreg [dreg:$0x1];
	s2 =	stileid.u32  }
0x3: {  	s3 =	rddreg [dreg:$0x2];
	s4 =	simm.s32 $0x0;
	s5 =	smul.u32 $0x4E2, s2  }
0x4: {  	s6 =	srdreg.scid;
	s29 =	simm.s32 $0x1;
	s24 =	smul.u32 $0x50000, s2  }
0x5: {  	[smem:$0x7FF] =	sst s4;
	s22 =	sand.u32 $0x1, s6;
	s12 =	smul.u32 $0x280, s2  }
0x6: {  	s30 =	simm.s32 $0x0;
	_ =	strace $0x8000004D;
	s28 =	smul.u32 $0x2710, s22  }
0x7: {  	s7 =	ssub.s32 $0x2, s22;
	s18 =	smul.u32 $0x2800, s22;
	s23 =	sadd.s32 s5, s0  }
0x8: {  	s0 =	sadd.s32 $0xD000, s0;
	s8 =	sshrl.u32 s7, $0x1;
	s6 =	sshrl.u32 s24, $0x2  }
0x9: {  	s13 =	sor.u32 $0x50, s12;
	s15 =	sadd.s32 $0xA0, s12;
	s16 =	sadd.s32 $0xF0, s12  }
0xa: {  	s17 =	sadd.s32 $0x140, s12;
	s19 =	sadd.s32 $0x190, s12;
	s20 =	sadd.s32 $0x1E0, s12  }
0xb: {  	s22 =	sadd.s32 $0x230, s12;
	s21 =	ssub.s32 s7, s8;
	s5 =	sadd.s32 s6, s3  }
0xc: {  	s25 =	sshll.u32 s13, $0x7;
	s26 =	sshll.u32 s15, $0x7;
	s31 =	sshll.u32 s16, $0x7  }
0xd: {  	s9 =	sshll.u32 s17, $0x7;
	s10 =	sshll.u32 s19, $0x7;
	s11 =	sshll.u32 s20, $0x7  }
0xe: {  	s12 =	sadd.s32 s12, s18;
	s13 =	sadd.s32 s18, s13;
	s14 =	sshll.u32 s22, $0x7  }
0xf: {  	s15 =	sadd.s32 s18, s15;
	s16 =	sadd.s32 s18, s16;
	s17 =	sadd.s32 s18, s17  }
0x10: {  	s19 =	sadd.s32 s18, s19;
	s20 =	sadd.s32 s18, s20;
	s18 =	sadd.s32 s18, s22  }
0x11: {  	v0 =	vmov s28;
	s28 =	simm.s32 $0x50;
	s6 =	sadd.s32 s25, s3;
	s7 =	sadd.s32 s26, s3  }
0x12: {  	s8 =	sadd.s32 s31, s3;
	s9 =	sadd.s32 s9, s3;
	s10 =	sadd.s32 s10, s3  }
0x13: {  	s11 =	sadd.s32 s11, s3;
	s24 =	sshll.u32 s12, $0x4;
	s25 =	sshll.u32 s13, $0x4  }
0x14: {  	s12 =	sadd.s32 s14, s3;
	s15 =	sshll.u32 s15, $0x4;
	s16 =	sshll.u32 s16, $0x4  }
0x15: {  	s17 =	sshll.u32 s17, $0x4;
	s19 =	sshll.u32 s19, $0x4;
	s20 =	sshll.u32 s20, $0x4  }
0x16: {  	s22 =	sshll.u32 s18, $0x4;
	s21 =	smax.u32 s21, $0x1;
	s26 =	simm.s32 $0x80  }
0x17: {  	s13 =	sadd.s32 s0, s24;
	s14 =	sadd.s32 s0, s25;
	s15 =	sadd.s32 s0, s15  }
0x18: {  	s16 =	sadd.s32 s0, s16;
	s17 =	sadd.s32 s0, s17;
	s18 =	sadd.s32 s0, s19  }
0x19: {  	s19 =	sadd.s32 s0, s20;
	s20 =	sadd.s32 s0, s22;
	s22 =	sadd.s32 $0x3000, s23  }
0x1a: {  	v1 =	vimm.f32 $0.0e+00;
	s23 =	sadd.s32 $0x8000, s23;
	s24 =	simm.s32 $0x100;
	s25 =	simm.s32 $0x2  }
.LBB2_1:
0x1b: {  	s31 =	simm.s32 $0x0;
	s0 =	simm.s32 $0x200  }
.LBB2_2:
0x1c: {  	p0 =	sne.s32 s0, $0x9E00;
	[tilespmem:s31+$0x170] =	vst v1  }
0x1d: {  	[tilespmem:s31+$0x100] =	vst v1  }
0x1e: {  	[tilespmem:s31+$0x110] =	vst v1  }
.Ltmp0:
0x1f: {  	[tilespmem:s31+$0x120] =	vst v1;
	(pc) =	sbr.rel @p0 .LBB2_2-.Ltmp0, $4  }
0x20: {  	[tilespmem:s31+$0x130] =	vst v1  }
0x21: {  	[tilespmem:s31+$0x140] =	vst v1  }
0x22: {  	[tilespmem:s31+$0x150] =	vst v1  }
0x23: {  	[tilespmem:s31+$0x160] =	vst v1;
	s31 =	sshra.s32 s0, $0x2;
	s0 =	sadd.s32 $0x200, s0  }
0x24: {  	[tilespmem:s31+$0x170] =	vst v1  }
0x25: {  	[tilespmem:s31+$0x100] =	vst v1  }
0x26: {  	[tilespmem:s31+$0x110] =	vst v1  }
0x27: {  	[tilespmem:s31+$0x120] =	vst v1  }
0x28: {  	[tilespmem:s31+$0x130] =	vst v1  }
0x29: {  	[tilespmem:s31+$0x140] =	vst v1  }
0x2a: {  	[tilespmem:s31+$0x150] =	vst v1  }
0x2b: {  	[tilespmem:s31+$0x160] =	vst v1  }
0x2c: {  	[spmem:s5] =	stream.linear.scatter [tilespmem:s24], [sflag:$0x2], $0x2800, $0x38;
	[tilespmem:$0x16900] =	vst v63  }
0x2d: {  	_ =	swait.ge [sflag:s25], $0x2800  }
0x2e: {  	[sflag:s25] =	ssyncset.done $0x0  }
0x2f: {  	[sflag:s25] =	ssyncadd.s32 $0xFFFFD800  }
0x30: {  	[spmem:s6] =	stream.linear.scatter [tilespmem:s24], [sflag:$0x2], $0x2800, $0x38;
	[tilespmem:$0x16900] =	vst v63  }
0x31: {  	_ =	swait.ge [sflag:s25], $0x2800  }
0x32: {  	[sflag:s25] =	ssyncset.done $0x0  }
0x33: {  	[sflag:s25] =	ssyncadd.s32 $0xFFFFD800  }
0x34: {  	[spmem:s7] =	stream.linear.scatter [tilespmem:s24], [sflag:$0x2], $0x2800, $0x38;
	[tilespmem:$0x16900] =	vst v63  }
0x35: {  	_ =	swait.ge [sflag:s25], $0x2800  }
0x36: {  	[sflag:s25] =	ssyncset.done $0x0  }
0x37: {  	[sflag:s25] =	ssyncadd.s32 $0xFFFFD800  }
0x38: {  	[spmem:s8] =	stream.linear.scatter [tilespmem:s24], [sflag:$0x2], $0x2800, $0x38;
	[tilespmem:$0x16900] =	vst v63  }
0x39: {  	_ =	swait.ge [sflag:s25], $0x2800  }
0x3a: {  	[sflag:s25] =	ssyncset.done $0x0  }
0x3b: {  	[sflag:s25] =	ssyncadd.s32 $0xFFFFD800  }
0x3c: {  	[spmem:s9] =	stream.linear.scatter [tilespmem:s24], [sflag:$0x2], $0x2800, $0x38;
	[tilespmem:$0x16900] =	vst v63  }
0x3d: {  	_ =	swait.ge [sflag:s25], $0x2800  }
0x3e: {  	[sflag:s25] =	ssyncset.done $0x0  }
0x3f: {  	[sflag:s25] =	ssyncadd.s32 $0xFFFFD800  }
0x40: {  	[spmem:s10] =	stream.linear.scatter [tilespmem:s24], [sflag:$0x2], $0x2800, $0x38;
	[tilespmem:$0x16900] =	vst v63  }
0x41: {  	_ =	swait.ge [sflag:s25], $0x2800  }
0x42: {  	[sflag:s25] =	ssyncset.done $0x0  }
0x43: {  	[sflag:s25] =	ssyncadd.s32 $0xFFFFD800  }
0x44: {  	[spmem:s11] =	stream.linear.scatter [tilespmem:s24], [sflag:$0x2], $0x2800, $0x38;
	[tilespmem:$0x16900] =	vst v63  }
0x45: {  	_ =	swait.ge [sflag:s25], $0x2800  }
0x46: {  	[sflag:s25] =	ssyncset.done $0x0  }
0x47: {  	[sflag:s25] =	ssyncadd.s32 $0xFFFFD800  }
0x48: {  	[spmem:s12] =	stream.linear.scatter [tilespmem:s24], [sflag:$0x2], $0x2800, $0x38;
	[tilespmem:$0x16900] =	vst v63  }
0x49: {  	_ =	swait.ge [sflag:s25], $0x2800  }
0x4a: {  	[sflag:s25] =	ssyncset.done $0x0  }
0x4b: {  	[sflag:s25] =	ssyncadd.s32 $0xFFFFD800  }
0x4c: {  	s0 =	sadd.s32 $0x0, s23;
	[bflag:$0x0] =	sbarrier.arrive $0xFFFF  }
0x4d: {  	[tilespmem:s4], [sflag:$0x2] =	stream.linear.gather [hbm4b:s0+s4], $0x50, $0x38;
	[tilespmem:$0x16900] =	vst v63  }
0x4e: {  	_ =	swait.ge [sflag:s25], $0x50  }
0x4f: {  	[sflag:s25] =	ssyncset.done $0x0  }
0x50: {  	s2 =	sadd.s32 $0x0, s22;
	[sflag:s25] =	ssyncadd.s32 $0xFFFFFFB0  }
0x51: {  	[tilespmem:s26], [sflag:$0x2] =	stream.linear.gather [hbm4b:s2+s4], $0x50, $0x38;
	[tilespmem:$0x16900] =	vst v63  }
0x52: {  	_ =	swait.ge [sflag:s25], $0x50  }
0x53: {  	[sflag:s25] =	ssyncset.done $0x0  }
0x54: {  	[sflag:s25] =	ssyncadd.s32 $0xFFFFFFB0  }
0x55: {  	v2 =	vld [tilespmem:$0x40]  }
0x56: {  	v3 =	vld [tilespmem:$0x20]  }
0x57: {  	v4 =	vld [tilespmem:$0x30]  }
0x58: {  	v5 =	vld [tilespmem:$0x10]  }
0x59: {  	v6 =	vld [tilespmem:$0x0]  }
0x5a: {  	v2 =	vadd.s32 v0, v2  }
0x5b: {  	v3 =	vadd.s32 v0, v3;
	[tilespmem:$0x40] =	vst v2  }
0x5c: {  	[tilespmem:$0x20] =	vst v3;
	v2 =	vadd.s32 v0, v4  }
0x5d: {  	v3 =	vadd.s32 v0, v5;
	[tilespmem:$0x30] =	vst v2  }
0x5e: {  	v2 =	vadd.s32 v0, v6;
	[tilespmem:$0x10] =	vst v3  }
0x5f: {  	[tilespmem:$0x0] =	vst v2  }
0x60: {  	[tilespmem:s24], [sflag:$0x1] =	stream.indirect.gather [hbm4b:s1+s28], $0x80, s4, s28, $0xb8;
	[tilespmem:$0x16900] =	vst v63  }
0x61: {  	_ =	swait.ge [sflag:s29], $0x2800  }
0x62: {  	s31 =	simm.s32 $0xA;
	[sflag:s29] =	ssyncset.done $0x0  }
.LBB2_4:
0x63: {  	p0 =	sne.s32 s31, $0x4D8  }
0x64: {  	[sflag:s29] =	ssyncadd.s32 $0xFFFFD800;
	s0 =	smov.u32 s31;
	s31 =	sadd.s32 $0xA, s31  }
0x65: {  	[spmem:s3] =	stream.indirect.scatter.add.f32 [tilespmem:s24], [sflag:$0x2], $0x80, s26, s28, $0xb8;
	[tilespmem:$0x16900] =	vst v63  }
0x66: {  	_ =	swait.ge [sflag:s25], $0x2800  }
0x67: {  	[sflag:s25] =	ssyncset.done $0x0  }
0x68: {  	s2 =	sadd.s32 s0, s23;
	[sflag:s25] =	ssyncadd.s32 $0xFFFFD800  }
0x69: {  	[tilespmem:s4], [sflag:$0x2] =	stream.linear.gather [hbm4b:s2+s4], $0x50, $0x38;
	[tilespmem:$0x16900] =	vst v63  }
0x6a: {  	_ =	swait.ge [sflag:s25], $0x50  }
0x6b: {  	[sflag:s25] =	ssyncset.done $0x0  }
0x6c: {  	s0 =	sadd.s32 s0, s22;
	[sflag:s25] =	ssyncadd.s32 $0xFFFFFFB0  }
0x6d: {  	[tilespmem:s26], [sflag:$0x2] =	stream.linear.gather [hbm4b:s0+s4], $0x50, $0x38;
	[tilespmem:$0x16900] =	vst v63  }
0x6e: {  	_ =	swait.ge [sflag:s25], $0x50  }
0x6f: {  	[sflag:s25] =	ssyncset.done $0x0  }
0x70: {  	[sflag:s25] =	ssyncadd.s32 $0xFFFFFFB0  }
0x71: {  	v2 =	vld [tilespmem:$0x40]  }
0x72: {  	v3 =	vld [tilespmem:$0x20]  }
0x73: {  	v4 =	vld [tilespmem:$0x30]  }
0x74: {  	v5 =	vld [tilespmem:$0x10]  }
0x75: {  	v6 =	vld [tilespmem:$0x0]  }
0x76: {  	v2 =	vadd.s32 v0, v2  }
0x77: {  	v3 =	vadd.s32 v0, v3;
	[tilespmem:$0x40] =	vst v2  }
0x78: {  	[tilespmem:$0x20] =	vst v3;
	v2 =	vadd.s32 v0, v4  }
0x79: {  	v3 =	vadd.s32 v0, v5;
	[tilespmem:$0x30] =	vst v2  }
.Ltmp1:
0x7a: {  	v2 =	vadd.s32 v0, v6;
	[tilespmem:$0x10] =	vst v3;
	(pc) =	sbr.rel @p0 .LBB2_4-.Ltmp1, $4  }
0x7b: {  	[tilespmem:$0x0] =	vst v2  }
0x7c: {  	[tilespmem:s24], [sflag:$0x1] =	stream.indirect.gather [hbm4b:s1+s28], $0x80, s4, s28, $0xb8;
	[tilespmem:$0x16900] =	vst v63  }
0x7d: {  	_ =	swait.ge [sflag:s29], $0x2800  }
0x7e: {  	[sflag:s29] =	ssyncset.done $0x0  }
0x7f: {  	[sflag:s29] =	ssyncadd.s32 $0xFFFFD800  }
0x80: {  	[spmem:s3] =	stream.indirect.scatter.add.f32 [tilespmem:s24], [sflag:$0x2], $0x80, s26, s28, $0xb8;
	[tilespmem:$0x16900] =	vst v63  }
0x81: {  	_ =	swait.ge [sflag:s25], $0x2800  }
0x82: {  	[sflag:s25] =	ssyncset.done $0x0  }
0x83: {  	[sflag:s25] =	ssyncadd.s32 $0xFFFFD800  }
0x84: {  	[bflag:$0x0] =	sbarrier.arrive $0xFFFF  }
0x85: {  	[tilespmem:s24], [sflag:$0x2] =	stream.linear.gather [spmem:s5], $0x2800, $0x38;
	[tilespmem:$0x16900] =	vst v63  }
0x86: {  	_ =	swait.ge [sflag:s25], $0x2800  }
0x87: {  	[sflag:s25] =	ssyncset.done $0x0  }
0x88: {  	[sflag:s25] =	ssyncadd.s32 $0xFFFFD800  }
0x89: {  	[hbm4b:s13+s4] =	stream.linear.scatter [tilespmem:s24], [sflag:$0x2], $0x2800, $0x38;
	[tilespmem:$0x16900] =	vst v63  }
0x8a: {  	_ =	swait.ge [sflag:s25], $0x2800  }
0x8b: {  	[sflag:s25] =	ssyncset.done $0x0  }
0x8c: {  	[sflag:s25] =	ssyncadd.s32 $0xFFFFD800  }
0x8d: {  	[tilespmem:s24], [sflag:$0x2] =	stream.linear.gather [spmem:s6], $0x2800, $0x38;
	[tilespmem:$0x16900] =	vst v63  }
0x8e: {  	_ =	swait.ge [sflag:s25], $0x2800  }
0x8f: {  	[sflag:s25] =	ssyncset.done $0x0  }
0x90: {  	[sflag:s25] =	ssyncadd.s32 $0xFFFFD800  }
0x91: {  	[hbm4b:s14+s4] =	stream.linear.scatter [tilespmem:s24], [sflag:$0x2], $0x2800, $0x38;
	[tilespmem:$0x16900] =	vst v63  }
0x92: {  	_ =	swait.ge [sflag:s25], $0x2800  }
0x93: {  	[sflag:s25] =	ssyncset.done $0x0  }
0x94: {  	[sflag:s25] =	ssyncadd.s32 $0xFFFFD800  }
0x95: {  	[tilespmem:s24], [sflag:$0x2] =	stream.linear.gather [spmem:s7], $0x2800, $0x38;
	[tilespmem:$0x16900] =	vst v63  }
0x96: {  	_ =	swait.ge [sflag:s25], $0x2800  }
0x97: {  	[sflag:s25] =	ssyncset.done $0x0  }
0x98: {  	[sflag:s25] =	ssyncadd.s32 $0xFFFFD800  }
0x99: {  	[hbm4b:s15+s4] =	stream.linear.scatter [tilespmem:s24], [sflag:$0x2], $0x2800, $0x38;
	[tilespmem:$0x16900] =	vst v63  }
0x9a: {  	_ =	swait.ge [sflag:s25], $0x2800  }
0x9b: {  	[sflag:s25] =	ssyncset.done $0x0  }
0x9c: {  	[sflag:s25] =	ssyncadd.s32 $0xFFFFD800  }
0x9d: {  	[tilespmem:s24], [sflag:$0x2] =	stream.linear.gather [spmem:s8], $0x2800, $0x38;
	[tilespmem:$0x16900] =	vst v63  }
0x9e: {  	_ =	swait.ge [sflag:s25], $0x2800  }
0x9f: {  	[sflag:s25] =	ssyncset.done $0x0  }
0xa0: {  	[sflag:s25] =	ssyncadd.s32 $0xFFFFD800  }
0xa1: {  	[hbm4b:s16+s4] =	stream.linear.scatter [tilespmem:s24], [sflag:$0x2], $0x2800, $0x38;
	[tilespmem:$0x16900] =	vst v63  }
0xa2: {  	_ =	swait.ge [sflag:s25], $0x2800  }
0xa3: {  	[sflag:s25] =	ssyncset.done $0x0  }
0xa4: {  	[sflag:s25] =	ssyncadd.s32 $0xFFFFD800  }
0xa5: {  	[tilespmem:s24], [sflag:$0x2] =	stream.linear.gather [spmem:s9], $0x2800, $0x38;
	[tilespmem:$0x16900] =	vst v63  }
0xa6: {  	_ =	swait.ge [sflag:s25], $0x2800  }
0xa7: {  	[sflag:s25] =	ssyncset.done $0x0  }
0xa8: {  	[sflag:s25] =	ssyncadd.s32 $0xFFFFD800  }
0xa9: {  	[hbm4b:s17+s4] =	stream.linear.scatter [tilespmem:s24], [sflag:$0x2], $0x2800, $0x38;
	[tilespmem:$0x16900] =	vst v63  }
0xaa: {  	_ =	swait.ge [sflag:s25], $0x2800  }
0xab: {  	[sflag:s25] =	ssyncset.done $0x0  }
0xac: {  	[sflag:s25] =	ssyncadd.s32 $0xFFFFD800  }
0xad: {  	[tilespmem:s24], [sflag:$0x2] =	stream.linear.gather [spmem:s10], $0x2800, $0x38;
	[tilespmem:$0x16900] =	vst v63  }
0xae: {  	_ =	swait.ge [sflag:s25], $0x2800  }
0xaf: {  	[sflag:s25] =	ssyncset.done $0x0  }
0xb0: {  	[sflag:s25] =	ssyncadd.s32 $0xFFFFD800  }
0xb1: {  	[hbm4b:s18+s4] =	stream.linear.scatter [tilespmem:s24], [sflag:$0x2], $0x2800, $0x38;
	[tilespmem:$0x16900] =	vst v63  }
0xb2: {  	_ =	swait.ge [sflag:s25], $0x2800  }
0xb3: {  	[sflag:s25] =	ssyncset.done $0x0  }
0xb4: {  	[sflag:s25] =	ssyncadd.s32 $0xFFFFD800  }
0xb5: {  	[tilespmem:s24], [sflag:$0x2] =	stream.linear.gather [spmem:s11], $0x2800, $0x38;
	[tilespmem:$0x16900] =	vst v63  }
0xb6: {  	_ =	swait.ge [sflag:s25], $0x2800  }
0xb7: {  	[sflag:s25] =	ssyncset.done $0x0  }
0xb8: {  	[sflag:s25] =	ssyncadd.s32 $0xFFFFD800  }
0xb9: {  	[hbm4b:s19+s4] =	stream.linear.scatter [tilespmem:s24], [sflag:$0x2], $0x2800, $0x38;
	[tilespmem:$0x16900] =	vst v63  }
0xba: {  	_ =	swait.ge [sflag:s25], $0x2800  }
0xbb: {  	[sflag:s25] =	ssyncset.done $0x0  }
0xbc: {  	[sflag:s25] =	ssyncadd.s32 $0xFFFFD800  }
0xbd: {  	[tilespmem:s24], [sflag:$0x2] =	stream.linear.gather [spmem:s12], $0x2800, $0x38;
	[tilespmem:$0x16900] =	vst v63  }
0xbe: {  	s30 =	sadd.s32 $0x1, s30;
	_ =	swait.ge [sflag:s25], $0x2800  }
0xbf: {  	p0 =	sne.s32 s30, s21;
	[sflag:s25] =	ssyncset.done $0x0  }
.Ltmp2:
0xc0: {  	[sflag:s25] =	ssyncadd.s32 $0xFFFFD800;
	(pc) =	sbr.rel @p0 .LBB2_1-.Ltmp2, $4  }
0xc1: {  	[hbm4b:s20+s4] =	stream.linear.scatter [tilespmem:s24], [sflag:$0x2], $0x2800, $0x38;
	[tilespmem:$0x16900] =	vst v63  }
0xc2: {  	_ =	swait.ge [sflag:s25], $0x2800  }
0xc3: {  	[sflag:s25] =	ssyncset.done $0x0  }
0xc4: {  	[sflag:s25] =	ssyncadd.s32 $0xFFFFD800  }
0xc5: {  	_ =	sfence.sel $0x180000  }
0xc6: {  	[bflag:$0x0] =	sbarrier.arrive $0xFFFF  }
0xc7: {  	_ =	strace $0x9000004D  }
0xc8: {  	s0 =	stileid.u32;
	[bflag:$0x2] =	sbarrier.arrive $0xFFFF  }
0xc9: {  	p0 =	sne.s32 s0, $0x0;
	s0 =	rddreg [dreg:$0x3]  }
0xca: {  	s0 =	sadd.s32 @!p0 $0x100000, s0  }
0xcb: {  	[sflag:s0] =	ssyncadd.tile.s32 @!p0 $0x1;
	_ =	shalt  }
.Lfunc_end2:
_tile_overlayer_lowered:
.L_overlay_start_2:
0xcc: {  	(tag) =	ssettag $0x2  }
0xcd: {  	s0 =	rddreg [dreg:$0x0];
	s2 =	stileid.u32  }
0xce: {  	s1 =	rddreg [dreg:$0x1];
	p0 =	sne.s32 s2, $0x0  }
0xcf: {  	s3 =	rddreg [dreg:$0x2];
	[bflag:$0x3] =	sbarrier.arrive $0xFFFF;
	s2 =	simm.s32 @!p0 $0x1C02  }
0xd0: {  	[timem:s3], [sflag:s2] =	dma.local @!p0 [hbm:s0], s1  }
0xd1: {  	s0 =	simm.s32 @!p0 $0x2  }
0xd2: {  	_ =	swait.ge @!p0 [sflag:s0], s1  }
0xd3: {  	s1 =	ssub.s32 @!p0 $0x0, s1;
	[sflag:s0] =	ssyncset.done @!p0 $0x0  }
0xd4: {  	[sflag:s0] =	ssyncadd.s32 @!p0 s1  }
0xd5: {  	[bflag:$0x3] =	sbarrier.arrive $0xFFFF  }
0xd6: {  	_ =	shalt  }

// kernel: kernel.19.cloned.1.call-start
scs
__scs_entry_jumppad:
0x0: {  	(pc) =	sbr.rel $0x88, $3  }
0x1: {  	(tag) =	ssettag $0x0;
	lr =	simm.s32 $0x1  }
0x2: {  	[smem:$0x3F94] =	sst lr;
	_ =	strace $0xD0000000  }
0x3: {  	_ = 	snop  }
0x4: {  	_ = 	snop  }
0x5: {  	_ = 	snop  }
0x6: {  	_ = 	snop  }
0x7: {  	_ = 	snop  }
__scs_overlays_trampoline_lowered:
0x8: {  	[smem:$0x3FA3] =	sst s0  }
0x9: {  	[smem:$0x3FA4] =	sst s1  }
0xa: {  	[smem:$0x3FA5] =	sst s2  }
0xb: {  	[smem:$0x3FA6] =	sst s3  }
0xc: {  	[smem:$0x3FA7] =	sst s4  }
0xd: {  	[smem:$0x3FA8] =	sst s5  }
0xe: {  	[smem:$0x3FA9] =	sst s6  }
0xf: {  	[smem:$0x3FAA] =	sst s7  }
0x10: {  	[smem:$0x3FAB] =	sst s8  }
0x11: {  	[smem:$0x3FAC] =	sst s9;
	s0 =	simm.s32 @!p0 $0x0  }
0x12: {  	s1 =	sld [smem:$0x3F92];
	s0 =	simm.s32 @p0 $0x1  }
0x13: {  	[smem:$0x3FAD] =	sst s0;
	s0 =	simm.s32 @!p1 $0x0  }
0x14: {  	s2 =	sld [smem:$0x3F91];
	s0 =	simm.s32 @p1 $0x1  }
0x15: {  	[smem:$0x3FAE] =	sst s0;
	s0 =	simm.s32 @!p2 $0x0  }
0x16: {  	s3 =	sld [smem:$0x3FDB];
	s0 =	simm.s32 @p2 $0x1  }
0x17: {  	s4 =	simm.s32 $0x1BF5;
	[smem:$0x3FB0] =	sst s0  }
0x18: {  	s0 =	sld [smem:$0x3F93];
	_ =	swait.ge [sflag:s4], $0x0  }
0x19: {  	s7 =	sld [smem:$0x3F94]  }
0x1a: {  	s8 =	sadd.s32 $0xFFFFE003, lr  }
0x1b: {  	s9 =	sadd.s32 $0xFFFFFEF7, lr;
	s5 =	simm.s32 $0xFFFFFFFF;
	p2 =	slt.u32 s8, $0xFFFFF086  }
0x1c: {  	p1 =	slt.u32 s9, $0xF7A;
	s5 =	simm.s32 @!p2 $0x0  }
0x1d: {  	s5 =	simm.s32 @p1 $0x1;
	p0 =	seq.s32 s7, s2  }
0x1e: {  	s7 =	smul.u32 @!p0 $0xF7A, s2;
	p2 =	seq.s32 @!p0 s5, $0x0  }
0x1f: {  	s9 =	smul.u32 $0xF7A, s1;
	s8 =	simm.s32 @!p0 $0x1BF5;
	p2 =	por !p2, p0  }
0x20: {  	[sflag:s8] =	ssyncset.s32 @!p0 $0xFFFFF086;
	s6 =	sadd.s32 @!p0 s3, s7;
	s7 =	simm.s32 @!p0 $0x108  }
0x21: {  	s3 =	sadd.s32 s3, s9;
	s6 =	sadd.s32 @!p0 $0x88, s6;
	s7 =	simm.s32 @p2 $0x1082  }
0x22: {  	[simem:s7], [sflag:s8] =	dma.local @!p0 [hbm:s6], $0xF7A  }
0x23: {  	s9 =	sor.u32 $0xD0000000, s2;
	s6 =	simm.s32 $0x108;
	_ =	swait.ge @!p0 [sflag:s8], $0x0  }
0x24: {  	s3 =	sadd.s32 $0x88, s3;
	s6 =	simm.s32 @!p1 $0x1082;
	[sflag:s4] =	ssyncset.s32 $0xFFFFF086  }
0x25: {  	[simem:s6], [sflag:s4] =	dma.local [hbm:s3], $0xF7A  }
0x26: {  	[smem:$0x3F94] =	sst s1;
	(tag) =	ssettag s2;
	_ =	strace s9  }
0x27: {  	s1 =	sld [smem:$0x3FA4]  }
0x28: {  	s2 =	sld [smem:$0x3FA5]  }
0x29: {  	s4 =	sld [smem:$0x3FA7]  }
0x2a: {  	p0 =	seq.s32 s5, $0x0;
	s5 =	sld [smem:$0x3FA8]  }
0x2b: {  	s6 =	sld [smem:$0x3FA9]  }
0x2c: {  	s7 =	sld [smem:$0x3FAA]  }
0x2d: {  	s3 =	simm.s32 $0x108;
	s8 =	sld [smem:$0x3FAB]  }
0x2e: {  	s3 =	simm.s32 @!p0 $0x1082;
	s9 =	sld [smem:$0x3FAC]  }
0x2f: {  	lr =	sadd.s32 s0, s3;
	s0 =	sld [smem:$0x3FA3]  }
0x30: {  	s3 =	sld [smem:$0x3FA6]  }
0x31: {  	[smem:$0x3FAF] =	sst s10  }
0x32: {  	s10 =	sld [smem:$0x3FAD];
	_ =	sdelay $0x3  }
0x33: {  	p0 =	seq.s32 s10, $0x1;
	s10 =	sld [smem:$0x3FAF];
	_ =	sdelay $0x3  }
0x34: {  	[smem:$0x3FAF] =	sst s10  }
0x35: {  	s10 =	sld [smem:$0x3FAE];
	_ =	sdelay $0x3  }
0x36: {  	p1 =	seq.s32 s10, $0x1;
	s10 =	sld [smem:$0x3FAF];
	_ =	sdelay $0x3  }
0x37: {  	[smem:$0x3FAF] =	sst s10  }
0x38: {  	s10 =	sld [smem:$0x3FB0]  }
0x39: {  	_ = 	snop;
	(pc) =	sbr.ind lr, $3  }
0x3a: {  	_ = 	snop  }
0x3b: {  	_ = 	snop  }
0x3c: {  	p2 =	seq.s32 s10, $0x1;
	s10 =	sld [smem:$0x3FAF]  }
0x3d: {  	_ =	shalt  }
0x3e: {  	_ =	shalt  }
0x3f: {  	_ =	shalt  }
0x40: {  	_ =	shalt  }
0x41: {  	_ =	shalt  }
0x42: {  	_ =	shalt  }
0x43: {  	_ =	shalt  }
0x44: {  	_ =	shalt  }
0x45: {  	_ =	shalt  }
0x46: {  	_ =	shalt  }
0x47: {  	_ =	shalt  }
0x48: {  	_ =	shalt  }
0x49: {  	_ =	shalt  }
0x4a: {  	_ =	shalt  }
0x4b: {  	_ =	shalt  }
0x4c: {  	_ =	shalt  }
0x4d: {  	_ =	shalt  }
0x4e: {  	_ =	shalt  }
0x4f: {  	_ =	shalt  }
0x50: {  	_ =	shalt  }
0x51: {  	_ =	shalt  }
0x52: {  	_ =	shalt  }
0x53: {  	_ =	shalt  }
0x54: {  	_ =	shalt  }
0x55: {  	_ =	shalt  }
0x56: {  	_ =	shalt  }
0x57: {  	_ =	shalt  }
0x58: {  	_ =	shalt  }
0x59: {  	_ =	shalt  }
0x5a: {  	_ =	shalt  }
0x5b: {  	_ =	shalt  }
0x5c: {  	_ =	shalt  }
0x5d: {  	_ =	shalt  }
0x5e: {  	_ =	shalt  }
0x5f: {  	_ =	shalt  }
0x60: {  	_ =	shalt  }
0x61: {  	_ =	shalt  }
0x62: {  	_ =	shalt  }
0x63: {  	_ =	shalt  }
0x64: {  	_ =	shalt  }
0x65: {  	_ =	shalt  }
0x66: {  	_ =	shalt  }
0x67: {  	_ =	shalt  }
0x68: {  	_ =	shalt  }
0x69: {  	_ =	shalt  }
0x6a: {  	_ =	shalt  }
0x6b: {  	_ =	shalt  }
0x6c: {  	_ =	shalt  }
0x6d: {  	_ =	shalt  }
0x6e: {  	_ =	shalt  }
0x6f: {  	_ =	shalt  }
0x70: {  	_ =	shalt  }
0x71: {  	_ =	shalt  }
0x72: {  	_ =	shalt  }
0x73: {  	_ =	shalt  }
0x74: {  	_ =	shalt  }
0x75: {  	_ =	shalt  }
0x76: {  	_ =	shalt  }
0x77: {  	_ =	shalt  }
0x78: {  	_ =	shalt  }
0x79: {  	_ =	shalt  }
0x7a: {  	_ =	shalt  }
0x7b: {  	_ =	shalt  }
0x7c: {  	_ =	shalt  }
0x7d: {  	_ =	shalt  }
0x7e: {  	_ =	shalt  }
0x7f: {  	_ =	shalt  }
0x80: {  	_ =	shalt  }
0x81: {  	_ =	shalt  }
0x82: {  	_ =	shalt  }
0x83: {  	_ =	shalt  }
0x84: {  	_ =	shalt  }
0x85: {  	_ =	shalt  }
0x86: {  	_ =	shalt  }
0x87: {  	_ =	shalt  }
.Lfunc_end0:
.L_simem_size_0:
called_computation.3_lowered:
.L_overlay_start_0:
0x88: {  	s2 =	sld [smem:$0x3FD9]  }
0x89: {  	s3 =	sld [smem:$0x3FFE];
	_ =	sdelay $0x1  }
0x8a: {  	s1 =	srdreg.scid  }
0x8b: {  	s0 =	sand.u32 $0x1, s1  }
0x8c: {  	s17 =	sshll.u32 s0, $0xA;
	s2 =	sadd.s32 s3, s2  }
0x8d: {  	s2 =	sadd.s32 s2, s17  }
0x8e: {  	[smem:$0x3FBB] =	sst s2  }
0x8f: {  	_ = 	snop  }
0x90: {  	s2 =	sld [smem:$0x3FD0];
	(tm) =	ssettm $0x1  }
0x91: {  	s18 =	sld [smem:$0x3FFB];
	_ =	sdelay $0x3  }
0x92: {  	_ =	strace s18  }
0x93: {  	s3 =	sld [smem:$0x3FFC];
	_ =	sdelay $0x3  }
0x94: {  	_ =	strace s3  }
0x95: {  	s3 =	sld [smem:$0x3FFD];
	_ =	sdelay $0x3  }
0x96: {  	_ =	strace s3  }
0x97: {  	_ =	strace $0x8FFFFFFF  }
0x98: {  	s19 =	sld [smem:$0x3FDB];
	_ =	sdelay $0x1  }
0x99: {  	s4 =	simm.s32 $_scs_section_size  }
0x9a: {  	s5 =	simm.s32 $_size__tile_overlayer_lowered;
	s6 =	simm.s32 $_tile_overlayer_lowered  }
0x9b: {  	s22 =	simm.s32 $0x1BFF;
	s21 =	sshll.u32 s6, $0x1;
	s3 =	sadd.s32 s4, s19  }
0x9c: {  	s7 =	simm.s32 $0x0;
	s20 =	sshll.u32 s5, $0x1;
	s5 =	sadd.s32 s21, s3  }
0x9d: {  	[timem:s7], [sflag:s22] =	dma.local [hbm:s5], s20  }
0x9e: {  	_ =	swait.ge [sflag:s22], s20  }
0x9f: {  	s4 =	ssub.s32 $0x0, s20;
	[sflag:s22] =	ssyncset.done $0x0  }
0xa0: {  	[sflag:s22] =	ssyncadd.s32 s4;
	_ =	sdelay $0x1  }
0xa1: {  	s23 =	simm.s32 $0x1B8B  }
0xa2: {  	_ =	swait.ge [sflag:s23], $0x1  }
0xa3: {  	[sflag:s23] =	ssyncset.done $0x0  }
0xa4: {  	s25 =	simm.s32 $0x1B8E;
	s24 =	sld [smem:$0x3FFE];
	[sflag:s23] =	ssyncadd.s32 $0xFFFFFFFF  }
0xa5: {  	s26 =	simm.s32 $execute0_lowered;
	[smem:$0x3FD2] =	sst s25  }
0xa6: {  	s5 =	sshll.u32 s26, $0x1;
	_ =	strace $0x8000004F;
	[dreg:$0x1] =	wrdreg $0xFFFFFFFF  }
0xa7: {  	s28 =	simm.s32 $_size_execute0_lowered;
	s3 =	sadd.s32 s3, s5;
	[dreg:$0x0] =	wrdreg $0x0  }
0xa8: {  	s5 =	sshll.u32 s28, $0x1;
	[dreg:$0x2] =	wrdreg s3  }
0xa9: {  	[dreg:$0x3] =	wrdreg s5  }
0xaa: {  	[dreg:$0x4] =	wrdreg $0xC0  }
0xab: {  	_ =	task [dreg:s7], $0x5FFFF  }
0xac: {  	[dreg:$0x1] =	wrdreg $0xFFFFFFFF  }
0xad: {  	[dreg:$0x0] =	wrdreg $0x60  }
0xae: {  	[dreg:$0x2] =	wrdreg s2  }
0xaf: {  	[dreg:$0x3] =	wrdreg s24  }
0xb0: {  	[dreg:$0x4] =	wrdreg $0x29000  }
0xb1: {  	[dreg:$0x5] =	wrdreg $0x9  }
0xb2: {  	_ =	task.clear_ibuf [dreg:s7], $0x6FFFF;
	_ =	strace $0x9000004F  }
0xb3: {  	s29 =	simm.s32 $0x9;
	_ =	strace $0x80000051  }
0xb4: {  	_ =	swait.ge [sflag:s29], $0x1  }
0xb5: {  	[sflag:s29] =	ssyncadd.s32 $0xFFFFFFFF  }
0xb6: {  	_ =	strace $0x90000051  }
0xb7: {  	_ =	sfence  }
0xb8: {  	s30 =	sld [smem:$0x0];
	_ =	sdelay $0x2  }
0xb9: {  	s31 =	sshll.u32 s1, $0xD;
	s1 =	sshrl.u32 s1, $0x2  }
0xba: {  	s3 =	sand.u32 $0x4000, s31;
	s1 =	sadd.s32 s1, s30  }
0xbb: {  	s0 =	sor.u32 s3, s0;
	s1 =	sshll.u32 s1, $0x11  }
0xbc: {  	s0 =	sor.u32 s1, s0  }
0xbd: {  	s0 =	sadd.s32 $0x8F2B, s0  }
0xbe: {  	[sflag:s0] =	ssyncadd.remote.s32 $0x1  }
0xbf: {  	_ =	sfence.sel $0xFFFF  }
0xc0: {  	[dreg:$0x0] =	wrdreg $0xFFFFFFFF;
	(pc) =	sbr.abs _section_cstart, $3  }
0xc1: {  	[dreg:$0x1] =	wrdreg $0xFFFFFFFF  }
0xc2: {  	_ =	task.clear_ibuf [dreg:s7], $0x2FFFF;
	_ =	strace $0x9FFFFFFF  }
0xc3: {  	(tm) =	ssettm $0x7FFFFFFF  }
tec
execute0_lowered:
.L_overlay_start_1:
0x0: {  	(tag) =	ssettag $0x1  }
0x1: {  	s1 =	rddreg [dreg:$0x0]  }
0x2: {  	s0 =	rddreg [dreg:$0x1];
	s2 =	stileid.u32  }
0x3: {  	s3 =	rddreg [dreg:$0x2];
	s4 =	simm.s32 $0x0;
	s5 =	smul.u32 $0x4E2, s2  }
0x4: {  	s6 =	srdreg.scid;
	s29 =	simm.s32 $0x1;
	s24 =	smul.u32 $0x50000, s2  }
0x5: {  	[smem:$0x7FF] =	sst s4;
	s22 =	sand.u32 $0x1, s6;
	s12 =	smul.u32 $0x280, s2  }
0x6: {  	s30 =	simm.s32 $0x0;
	_ =	strace $0x80000050;
	s28 =	smul.u32 $0x2710, s22  }
0x7: {  	s7 =	ssub.s32 $0x2, s22;
	s18 =	smul.u32 $0x2800, s22;
	s23 =	sadd.s32 s5, s0  }
0x8: {  	s0 =	sadd.s32 $0xD000, s0;
	s8 =	sshrl.u32 s7, $0x1;
	s6 =	sshrl.u32 s24, $0x2  }
0x9: {  	s13 =	sor.u32 $0x50, s12;
	s15 =	sadd.s32 $0xA0, s12;
	s16 =	sadd.s32 $0xF0, s12  }
0xa: {  	s17 =	sadd.s32 $0x140, s12;
	s19 =	sadd.s32 $0x190, s12;
	s20 =	sadd.s32 $0x1E0, s12  }
0xb: {  	s22 =	sadd.s32 $0x230, s12;
	s21 =	ssub.s32 s7, s8;
	s5 =	sadd.s32 s6, s3  }
0xc: {  	s25 =	sshll.u32 s13, $0x7;
	s26 =	sshll.u32 s15, $0x7;
	s31 =	sshll.u32 s16, $0x7  }
0xd: {  	s9 =	sshll.u32 s17, $0x7;
	s10 =	sshll.u32 s19, $0x7;
	s11 =	sshll.u32 s20, $0x7  }
0xe: {  	s12 =	sadd.s32 s12, s18;
	s13 =	sadd.s32 s18, s13;
	s14 =	sshll.u32 s22, $0x7  }
0xf: {  	s15 =	sadd.s32 s18, s15;
	s16 =	sadd.s32 s18, s16;
	s17 =	sadd.s32 s18, s17  }
0x10: {  	s19 =	sadd.s32 s18, s19;
	s20 =	sadd.s32 s18, s20;
	s18 =	sadd.s32 s18, s22  }
0x11: {  	v0 =	vmov s28;
	s28 =	simm.s32 $0x50;
	s6 =	sadd.s32 s25, s3;
	s7 =	sadd.s32 s26, s3  }
0x12: {  	s8 =	sadd.s32 s31, s3;
	s9 =	sadd.s32 s9, s3;
	s10 =	sadd.s32 s10, s3  }
0x13: {  	s11 =	sadd.s32 s11, s3;
	s24 =	sshll.u32 s12, $0x4;
	s25 =	sshll.u32 s13, $0x4  }
0x14: {  	s12 =	sadd.s32 s14, s3;
	s15 =	sshll.u32 s15, $0x4;
	s16 =	sshll.u32 s16, $0x4  }
0x15: {  	s17 =	sshll.u32 s17, $0x4;
	s19 =	sshll.u32 s19, $0x4;
	s20 =	sshll.u32 s20, $0x4  }
0x16: {  	s22 =	sshll.u32 s18, $0x4;
	s21 =	smax.u32 s21, $0x1;
	s26 =	simm.s32 $0x80  }
0x17: {  	s13 =	sadd.s32 s0, s24;
	s14 =	sadd.s32 s0, s25;
	s15 =	sadd.s32 s0, s15  }
0x18: {  	s16 =	sadd.s32 s0, s16;
	s17 =	sadd.s32 s0, s17;
	s18 =	sadd.s32 s0, s19  }
0x19: {  	s19 =	sadd.s32 s0, s20;
	s20 =	sadd.s32 s0, s22;
	s22 =	sadd.s32 $0x3000, s23  }
0x1a: {  	v1 =	vimm.f32 $0.0e+00;
	s23 =	sadd.s32 $0x8000, s23;
	s24 =	simm.s32 $0x100;
	s25 =	simm.s32 $0x2  }
.LBB2_1:
0x1b: {  	s31 =	simm.s32 $0x0;
	s0 =	simm.s32 $0x200  }
.LBB2_2:
0x1c: {  	p0 =	sne.s32 s0, $0x9E00;
	[tilespmem:s31+$0x170] =	vst v1  }
0x1d: {  	[tilespmem:s31+$0x100] =	vst v1  }
0x1e: {  	[tilespmem:s31+$0x110] =	vst v1  }
.Ltmp0:
0x1f: {  	[tilespmem:s31+$0x120] =	vst v1;
	(pc) =	sbr.rel @p0 .LBB2_2-.Ltmp0, $4  }
0x20: {  	[tilespmem:s31+$0x130] =	vst v1  }
0x21: {  	[tilespmem:s31+$0x140] =	vst v1  }
0x22: {  	[tilespmem:s31+$0x150] =	vst v1  }
0x23: {  	[tilespmem:s31+$0x160] =	vst v1;
	s31 =	sshra.s32 s0, $0x2;
	s0 =	sadd.s32 $0x200, s0  }
0x24: {  	[tilespmem:s31+$0x170] =	vst v1  }
0x25: {  	[tilespmem:s31+$0x100] =	vst v1  }
0x26: {  	[tilespmem:s31+$0x110] =	vst v1  }
0x27: {  	[tilespmem:s31+$0x120] =	vst v1  }
0x28: {  	[tilespmem:s31+$0x130] =	vst v1  }
0x29: {  	[tilespmem:s31+$0x140] =	vst v1  }
0x2a: {  	[tilespmem:s31+$0x150] =	vst v1  }
0x2b: {  	[tilespmem:s31+$0x160] =	vst v1  }
0x2c: {  	[spmem:s5] =	stream.linear.scatter [tilespmem:s24], [sflag:$0x2], $0x2800, $0x38;
	[tilespmem:$0x16900] =	vst v63  }
0x2d: {  	_ =	swait.ge [sflag:s25], $0x2800  }
0x2e: {  	[sflag:s25] =	ssyncset.done $0x0  }
0x2f: {  	[sflag:s25] =	ssyncadd.s32 $0xFFFFD800  }
0x30: {  	[spmem:s6] =	stream.linear.scatter [tilespmem:s24], [sflag:$0x2], $0x2800, $0x38;
	[tilespmem:$0x16900] =	vst v63  }
0x31: {  	_ =	swait.ge [sflag:s25], $0x2800  }
0x32: {  	[sflag:s25] =	ssyncset.done $0x0  }
0x33: {  	[sflag:s25] =	ssyncadd.s32 $0xFFFFD800  }
0x34: {  	[spmem:s7] =	stream.linear.scatter [tilespmem:s24], [sflag:$0x2], $0x2800, $0x38;
	[tilespmem:$0x16900] =	vst v63  }
0x35: {  	_ =	swait.ge [sflag:s25], $0x2800  }
0x36: {  	[sflag:s25] =	ssyncset.done $0x0  }
0x37: {  	[sflag:s25] =	ssyncadd.s32 $0xFFFFD800  }
0x38: {  	[spmem:s8] =	stream.linear.scatter [tilespmem:s24], [sflag:$0x2], $0x2800, $0x38;
	[tilespmem:$0x16900] =	vst v63  }
0x39: {  	_ =	swait.ge [sflag:s25], $0x2800  }
0x3a: {  	[sflag:s25] =	ssyncset.done $0x0  }
0x3b: {  	[sflag:s25] =	ssyncadd.s32 $0xFFFFD800  }
0x3c: {  	[spmem:s9] =	stream.linear.scatter [tilespmem:s24], [sflag:$0x2], $0x2800, $0x38;
	[tilespmem:$0x16900] =	vst v63  }
0x3d: {  	_ =	swait.ge [sflag:s25], $0x2800  }
0x3e: {  	[sflag:s25] =	ssyncset.done $0x0  }
0x3f: {  	[sflag:s25] =	ssyncadd.s32 $0xFFFFD800  }
0x40: {  	[spmem:s10] =	stream.linear.scatter [tilespmem:s24], [sflag:$0x2], $0x2800, $0x38;
	[tilespmem:$0x16900] =	vst v63  }
0x41: {  	_ =	swait.ge [sflag:s25], $0x2800  }
0x42: {  	[sflag:s25] =	ssyncset.done $0x0  }
0x43: {  	[sflag:s25] =	ssyncadd.s32 $0xFFFFD800  }
0x44: {  	[spmem:s11] =	stream.linear.scatter [tilespmem:s24], [sflag:$0x2], $0x2800, $0x38;
	[tilespmem:$0x16900] =	vst v63  }
0x45: {  	_ =	swait.ge [sflag:s25], $0x2800  }
0x46: {  	[sflag:s25] =	ssyncset.done $0x0  }
0x47: {  	[sflag:s25] =	ssyncadd.s32 $0xFFFFD800  }
0x48: {  	[spmem:s12] =	stream.linear.scatter [tilespmem:s24], [sflag:$0x2], $0x2800, $0x38;
	[tilespmem:$0x16900] =	vst v63  }
0x49: {  	_ =	swait.ge [sflag:s25], $0x2800  }
0x4a: {  	[sflag:s25] =	ssyncset.done $0x0  }
0x4b: {  	[sflag:s25] =	ssyncadd.s32 $0xFFFFD800  }
0x4c: {  	s0 =	sadd.s32 $0x0, s23;
	[bflag:$0x0] =	sbarrier.arrive $0xFFFF  }
0x4d: {  	[tilespmem:s4], [sflag:$0x2] =	stream.linear.gather [hbm4b:s0+s4], $0x50, $0x38;
	[tilespmem:$0x16900] =	vst v63  }
0x4e: {  	_ =	swait.ge [sflag:s25], $0x50  }
0x4f: {  	[sflag:s25] =	ssyncset.done $0x0  }
0x50: {  	s2 =	sadd.s32 $0x0, s22;
	[sflag:s25] =	ssyncadd.s32 $0xFFFFFFB0  }
0x51: {  	[tilespmem:s26], [sflag:$0x2] =	stream.linear.gather [hbm4b:s2+s4], $0x50, $0x38;
	[tilespmem:$0x16900] =	vst v63  }
0x52: {  	_ =	swait.ge [sflag:s25], $0x50  }
0x53: {  	[sflag:s25] =	ssyncset.done $0x0  }
0x54: {  	[sflag:s25] =	ssyncadd.s32 $0xFFFFFFB0  }
0x55: {  	v2 =	vld [tilespmem:$0x40]  }
0x56: {  	v3 =	vld [tilespmem:$0x20]  }
0x57: {  	v4 =	vld [tilespmem:$0x30]  }
0x58: {  	v5 =	vld [tilespmem:$0x10]  }
0x59: {  	v6 =	vld [tilespmem:$0x0]  }
0x5a: {  	v2 =	vadd.s32 v0, v2  }
0x5b: {  	v3 =	vadd.s32 v0, v3;
	[tilespmem:$0x40] =	vst v2  }
0x5c: {  	[tilespmem:$0x20] =	vst v3;
	v2 =	vadd.s32 v0, v4  }
0x5d: {  	v3 =	vadd.s32 v0, v5;
	[tilespmem:$0x30] =	vst v2  }
0x5e: {  	v2 =	vadd.s32 v0, v6;
	[tilespmem:$0x10] =	vst v3  }
0x5f: {  	[tilespmem:$0x0] =	vst v2  }
0x60: {  	[tilespmem:s24], [sflag:$0x1] =	stream.indirect.gather [hbm4b:s1+s28], $0x80, s4, s28, $0xb8;
	[tilespmem:$0x16900] =	vst v63  }
0x61: {  	_ =	swait.ge [sflag:s29], $0x2800  }
0x62: {  	s31 =	simm.s32 $0xA;
	[sflag:s29] =	ssyncset.done $0x0  }
.LBB2_4:
0x63: {  	p0 =	sne.s32 s31, $0x4D8  }
0x64: {  	[sflag:s29] =	ssyncadd.s32 $0xFFFFD800;
	s0 =	smov.u32 s31;
	s31 =	sadd.s32 $0xA, s31  }
0x65: {  	[spmem:s3] =	stream.indirect.scatter.add.f32 [tilespmem:s24], [sflag:$0x2], $0x80, s26, s28, $0xb8;
	[tilespmem:$0x16900] =	vst v63  }
0x66: {  	_ =	swait.ge [sflag:s25], $0x2800  }
0x67: {  	[sflag:s25] =	ssyncset.done $0x0  }
0x68: {  	s2 =	sadd.s32 s0, s23;
	[sflag:s25] =	ssyncadd.s32 $0xFFFFD800  }
0x69: {  	[tilespmem:s4], [sflag:$0x2] =	stream.linear.gather [hbm4b:s2+s4], $0x50, $0x38;
	[tilespmem:$0x16900] =	vst v63  }
0x6a: {  	_ =	swait.ge [sflag:s25], $0x50  }
0x6b: {  	[sflag:s25] =	ssyncset.done $0x0  }
0x6c: {  	s0 =	sadd.s32 s0, s22;
	[sflag:s25] =	ssyncadd.s32 $0xFFFFFFB0  }
0x6d: {  	[tilespmem:s26], [sflag:$0x2] =	stream.linear.gather [hbm4b:s0+s4], $0x50, $0x38;
	[tilespmem:$0x16900] =	vst v63  }
0x6e: {  	_ =	swait.ge [sflag:s25], $0x50  }
0x6f: {  	[sflag:s25] =	ssyncset.done $0x0  }
0x70: {  	[sflag:s25] =	ssyncadd.s32 $0xFFFFFFB0  }
0x71: {  	v2 =	vld [tilespmem:$0x40]  }
0x72: {  	v3 =	vld [tilespmem:$0x20]  }
0x73: {  	v4 =	vld [tilespmem:$0x30]  }
0x74: {  	v5 =	vld [tilespmem:$0x10]  }
0x75: {  	v6 =	vld [tilespmem:$0x0]  }
0x76: {  	v2 =	vadd.s32 v0, v2  }
0x77: {  	v3 =	vadd.s32 v0, v3;
	[tilespmem:$0x40] =	vst v2  }
0x78: {  	[tilespmem:$0x20] =	vst v3;
	v2 =	vadd.s32 v0, v4  }
0x79: {  	v3 =	vadd.s32 v0, v5;
	[tilespmem:$0x30] =	vst v2  }
.Ltmp1:
0x7a: {  	v2 =	vadd.s32 v0, v6;
	[tilespmem:$0x10] =	vst v3;
	(pc) =	sbr.rel @p0 .LBB2_4-.Ltmp1, $4  }
0x7b: {  	[tilespmem:$0x0] =	vst v2  }
0x7c: {  	[tilespmem:s24], [sflag:$0x1] =	stream.indirect.gather [hbm4b:s1+s28], $0x80, s4, s28, $0xb8;
	[tilespmem:$0x16900] =	vst v63  }
0x7d: {  	_ =	swait.ge [sflag:s29], $0x2800  }
0x7e: {  	[sflag:s29] =	ssyncset.done $0x0  }
0x7f: {  	[sflag:s29] =	ssyncadd.s32 $0xFFFFD800  }
0x80: {  	[spmem:s3] =	stream.indirect.scatter.add.f32 [tilespmem:s24], [sflag:$0x2], $0x80, s26, s28, $0xb8;
	[tilespmem:$0x16900] =	vst v63  }
0x81: {  	_ =	swait.ge [sflag:s25], $0x2800  }
0x82: {  	[sflag:s25] =	ssyncset.done $0x0  }
0x83: {  	[sflag:s25] =	ssyncadd.s32 $0xFFFFD800  }
0x84: {  	[bflag:$0x0] =	sbarrier.arrive $0xFFFF  }
0x85: {  	[tilespmem:s24], [sflag:$0x2] =	stream.linear.gather [spmem:s5], $0x2800, $0x38;
	[tilespmem:$0x16900] =	vst v63  }
0x86: {  	_ =	swait.ge [sflag:s25], $0x2800  }
0x87: {  	[sflag:s25] =	ssyncset.done $0x0  }
0x88: {  	[sflag:s25] =	ssyncadd.s32 $0xFFFFD800  }
0x89: {  	[hbm4b:s13+s4] =	stream.linear.scatter [tilespmem:s24], [sflag:$0x2], $0x2800, $0x38;
	[tilespmem:$0x16900] =	vst v63  }
0x8a: {  	_ =	swait.ge [sflag:s25], $0x2800  }
0x8b: {  	[sflag:s25] =	ssyncset.done $0x0  }
0x8c: {  	[sflag:s25] =	ssyncadd.s32 $0xFFFFD800  }
0x8d: {  	[tilespmem:s24], [sflag:$0x2] =	stream.linear.gather [spmem:s6], $0x2800, $0x38;
	[tilespmem:$0x16900] =	vst v63  }
0x8e: {  	_ =	swait.ge [sflag:s25], $0x2800  }
0x8f: {  	[sflag:s25] =	ssyncset.done $0x0  }
0x90: {  	[sflag:s25] =	ssyncadd.s32 $0xFFFFD800  }
0x91: {  	[hbm4b:s14+s4] =	stream.linear.scatter [tilespmem:s24], [sflag:$0x2], $0x2800, $0x38;
	[tilespmem:$0x16900] =	vst v63  }
0x92: {  	_ =	swait.ge [sflag:s25], $0x2800  }
0x93: {  	[sflag:s25] =	ssyncset.done $0x0  }
0x94: {  	[sflag:s25] =	ssyncadd.s32 $0xFFFFD800  }
0x95: {  	[tilespmem:s24], [sflag:$0x2] =	stream.linear.gather [spmem:s7], $0x2800, $0x38;
	[tilespmem:$0x16900] =	vst v63  }
0x96: {  	_ =	swait.ge [sflag:s25], $0x2800  }
0x97: {  	[sflag:s25] =	ssyncset.done $0x0  }
0x98: {  	[sflag:s25] =	ssyncadd.s32 $0xFFFFD800  }
0x99: {  	[hbm4b:s15+s4] =	stream.linear.scatter [tilespmem:s24], [sflag:$0x2], $0x2800, $0x38;
	[tilespmem:$0x16900] =	vst v63  }
0x9a: {  	_ =	swait.ge [sflag:s25], $0x2800  }
0x9b: {  	[sflag:s25] =	ssyncset.done $0x0  }
0x9c: {  	[sflag:s25] =	ssyncadd.s32 $0xFFFFD800  }
0x9d: {  	[tilespmem:s24], [sflag:$0x2] =	stream.linear.gather [spmem:s8], $0x2800, $0x38;
	[tilespmem:$0x16900] =	vst v63  }
0x9e: {  	_ =	swait.ge [sflag:s25], $0x2800  }
0x9f: {  	[sflag:s25] =	ssyncset.done $0x0  }
0xa0: {  	[sflag:s25] =	ssyncadd.s32 $0xFFFFD800  }
0xa1: {  	[hbm4b:s16+s4] =	stream.linear.scatter [tilespmem:s24], [sflag:$0x2], $0x2800, $0x38;
	[tilespmem:$0x16900] =	vst v63  }
0xa2: {  	_ =	swait.ge [sflag:s25], $0x2800  }
0xa3: {  	[sflag:s25] =	ssyncset.done $0x0  }
0xa4: {  	[sflag:s25] =	ssyncadd.s32 $0xFFFFD800  }
0xa5: {  	[tilespmem:s24], [sflag:$0x2] =	stream.linear.gather [spmem:s9], $0x2800, $0x38;
	[tilespmem:$0x16900] =	vst v63  }
0xa6: {  	_ =	swait.ge [sflag:s25], $0x2800  }
0xa7: {  	[sflag:s25] =	ssyncset.done $0x0  }
0xa8: {  	[sflag:s25] =	ssyncadd.s32 $0xFFFFD800  }
0xa9: {  	[hbm4b:s17+s4] =	stream.linear.scatter [tilespmem:s24], [sflag:$0x2], $0x2800, $0x38;
	[tilespmem:$0x16900] =	vst v63  }
0xaa: {  	_ =	swait.ge [sflag:s25], $0x2800  }
0xab: {  	[sflag:s25] =	ssyncset.done $0x0  }
0xac: {  	[sflag:s25] =	ssyncadd.s32 $0xFFFFD800  }
0xad: {  	[tilespmem:s24], [sflag:$0x2] =	stream.linear.gather [spmem:s10], $0x2800, $0x38;
	[tilespmem:$0x16900] =	vst v63  }
0xae: {  	_ =	swait.ge [sflag:s25], $0x2800  }
0xaf: {  	[sflag:s25] =	ssyncset.done $0x0  }
0xb0: {  	[sflag:s25] =	ssyncadd.s32 $0xFFFFD800  }
0xb1: {  	[hbm4b:s18+s4] =	stream.linear.scatter [tilespmem:s24], [sflag:$0x2], $0x2800, $0x38;
	[tilespmem:$0x16900] =	vst v63  }
0xb2: {  	_ =	swait.ge [sflag:s25], $0x2800  }
0xb3: {  	[sflag:s25] =	ssyncset.done $0x0  }
0xb4: {  	[sflag:s25] =	ssyncadd.s32 $0xFFFFD800  }
0xb5: {  	[tilespmem:s24], [sflag:$0x2] =	stream.linear.gather [spmem:s11], $0x2800, $0x38;
	[tilespmem:$0x16900] =	vst v63  }
0xb6: {  	_ =	swait.ge [sflag:s25], $0x2800  }
0xb7: {  	[sflag:s25] =	ssyncset.done $0x0  }
0xb8: {  	[sflag:s25] =	ssyncadd.s32 $0xFFFFD800  }
0xb9: {  	[hbm4b:s19+s4] =	stream.linear.scatter [tilespmem:s24], [sflag:$0x2], $0x2800, $0x38;
	[tilespmem:$0x16900] =	vst v63  }
0xba: {  	_ =	swait.ge [sflag:s25], $0x2800  }
0xbb: {  	[sflag:s25] =	ssyncset.done $0x0  }
0xbc: {  	[sflag:s25] =	ssyncadd.s32 $0xFFFFD800  }
0xbd: {  	[tilespmem:s24], [sflag:$0x2] =	stream.linear.gather [spmem:s12], $0x2800, $0x38;
	[tilespmem:$0x16900] =	vst v63  }
0xbe: {  	s30 =	sadd.s32 $0x1, s30;
	_ =	swait.ge [sflag:s25], $0x2800  }
0xbf: {  	p0 =	sne.s32 s30, s21;
	[sflag:s25] =	ssyncset.done $0x0  }
.Ltmp2:
0xc0: {  	[sflag:s25] =	ssyncadd.s32 $0xFFFFD800;
	(pc) =	sbr.rel @p0 .LBB2_1-.Ltmp2, $4  }
0xc1: {  	[hbm4b:s20+s4] =	stream.linear.scatter [tilespmem:s24], [sflag:$0x2], $0x2800, $0x38;
	[tilespmem:$0x16900] =	vst v63  }
0xc2: {  	_ =	swait.ge [sflag:s25], $0x2800  }
0xc3: {  	[sflag:s25] =	ssyncset.done $0x0  }
0xc4: {  	[sflag:s25] =	ssyncadd.s32 $0xFFFFD800  }
0xc5: {  	_ =	sfence.sel $0x180000  }
0xc6: {  	[bflag:$0x0] =	sbarrier.arrive $0xFFFF  }
0xc7: {  	_ =	strace $0x90000050  }
0xc8: {  	s0 =	stileid.u32;
	[bflag:$0x2] =	sbarrier.arrive $0xFFFF  }
0xc9: {  	p0 =	sne.s32 s0, $0x0;
	s0 =	rddreg [dreg:$0x3]  }
0xca: {  	s0 =	sadd.s32 @!p0 $0x100000, s0  }
0xcb: {  	[sflag:s0] =	ssyncadd.tile.s32 @!p0 $0x1;
	_ =	shalt  }
.Lfunc_end2:
_tile_overlayer_lowered:
.L_overlay_start_2:
0xcc: {  	(tag) =	ssettag $0x2  }
0xcd: {  	s0 =	rddreg [dreg:$0x0];
	s2 =	stileid.u32  }
0xce: {  	s1 =	rddreg [dreg:$0x1];
	p0 =	sne.s32 s2, $0x0  }
0xcf: {  	s3 =	rddreg [dreg:$0x2];
	[bflag:$0x3] =	sbarrier.arrive $0xFFFF;
	s2 =	simm.s32 @!p0 $0x1C02  }
0xd0: {  	[timem:s3], [sflag:s2] =	dma.local @!p0 [hbm:s0], s1  }
0xd1: {  	s0 =	simm.s32 @!p0 $0x2  }
0xd2: {  	_ =	swait.ge @!p0 [sflag:s0], s1  }
0xd3: {  	s1 =	ssub.s32 @!p0 $0x0, s1;
	[sflag:s0] =	ssyncset.done @!p0 $0x0  }
0xd4: {  	[sflag:s0] =	ssyncadd.s32 @!p0 s1  }
0xd5: {  	[bflag:$0x3] =	sbarrier.arrive $0xFFFF  }
0xd6: {  	_ =	shalt  }

</sc_bundles>
